<compile_context>
chip_gen: v7x
topology: tpu7x:2x2x1
jax: 0.10.2.dev20260603
libtpu: 0.0.44.dev20260713+nightly
codegen_flags: <defaults>
</compile_context>

<pallas_src>
import functools

import jax
import jax.numpy as jnp
from jax import lax
from jax.experimental import pallas as pl
from jax.experimental.pallas import tpu as pltpu
from jax.experimental.pallas import tpu_sc as plsc

_CHUNK = 128
_NB = 3
_NI = 6
_PF = 4


def _sc_segment_sum(edges, x):
    n, d = x.shape
    num_chunks = edges.shape[0]
    info = plsc.get_sparse_core_info()
    nc, ns = info.num_cores, info.num_subcores
    nw = nc * ns
    rows_per_tile = (n // ns) // 8 * 8
    rem_rows = n - rows_per_tile * ns
    zrows = 16
    assert rows_per_tile % zrows == 0 and rem_rows % zrows == 0
    assert _CHUNK >= zrows

    mesh = plsc.VectorSubcoreMesh(core_axis_name="c", subcore_axis_name="s")

    @functools.partial(
        pl.kernel,
        out_type=jax.ShapeDtypeStruct((nc, n, d), jnp.float32),
        mesh=mesh,
        scratch_types=[
            pltpu.VMEM_SHARED((n, d), jnp.float32),
            pltpu.VMEM((_NI, 2, _CHUNK), jnp.int32),
            pltpu.VMEM((_NB, _CHUNK, d), jnp.float32),
            pltpu.SemaphoreType.DMA((_NI,)),
            pltpu.SemaphoreType.DMA((_NB,)),
            pltpu.SemaphoreType.DMA((_NB,)),
            pltpu.SemaphoreType.DMA,
        ],
    )
    def seg_sum(edges_hbm, x_hbm, out_hbm, acc, ij, rows,
                sem_e, sem_g, sem_s, zsem):
        cid = lax.axis_index("c")
        sid = lax.axis_index("s")
        wid = sid * nc + cid
        row0 = sid * rows_per_tile

        my_chunks = (num_chunks - wid + nw - 1) // nw

        def fetch_idx(i, b):
            pltpu.async_copy(edges_hbm.at[wid + i * nw], ij.at[b],
                             sem_e.at[b])

        def issue_gather(ib, rb):
            pltpu.async_copy(x_hbm.at[ij.at[ib, 0]], rows.at[rb],
                             sem_g.at[rb])

        def wait_idx(b):
            pltpu.make_async_copy(edges_hbm.at[0], ij.at[b],
                                  sem_e.at[b]).wait()

        def wait_gather(b):
            pltpu.make_async_copy(x_hbm.at[pl.ds(0, _CHUNK)], rows.at[b],
                                  sem_g.at[b]).wait()

        def wait_scatter(b):
            pltpu.make_async_copy(rows.at[b], acc.at[pl.ds(0, _CHUNK)],
                                  sem_s.at[b]).wait()

        for t in range(_PF):
            @pl.when(t < my_chunks)
            def _(t=t):
                fetch_idx(t, t)

        zv = jnp.zeros((16,), jnp.float32)
        zb = _NB - 1
        zbuf = rows.at[zb, pl.ds(0, zrows)]

        @pl.loop(0, zrows)
        def _(r):
            for j in range(d // 16):
                rows[zb, r, pl.ds(j * 16, 16)] = zv

        nz = rows_per_tile // zrows
        zcopies = [
            pltpu.async_copy(zbuf,
                             acc.at[pl.ds(row0 + j * zrows, zrows)], zsem)
            for j in range(nz)
        ]
        if rem_rows:
            @pl.when(sid == ns - 1)
            def _():
                for j in range(rem_rows // zrows):
                    pltpu.async_copy(
                        zbuf,
                        acc.at[pl.ds(rows_per_tile * ns + j * zrows, zrows)],
                        zsem,
                    ).wait()

        for t in range(2):
            @pl.when(t < my_chunks)
            def _(t=t):
                wait_idx(t)
                issue_gather(t, t)

        for cp in zcopies:
            cp.wait()

        plsc.subcore_barrier()

        num_groups = (my_chunks + _NI - 1) // _NI

        @pl.loop(0, num_groups)
        def _(g):
            t0 = g * _NI
            for k in range(_NI):
                t = t0 + k
                rb = k % _NB
                rb2 = (k + 2) % _NB
                ib = k
                ib2 = (k + 2) % _NI
                ibf = (k + _PF) % _NI

                @pl.when(t + 2 < my_chunks)
                def _(t=t, rb2=rb2, ib2=ib2):
                    if k < _NB - 2:
                        @pl.when(t >= _NB - 2)
                        def _():
                            wait_scatter(rb2)
                    else:
                        wait_scatter(rb2)
                    wait_idx(ib2)
                    issue_gather(ib2, rb2)

                @pl.when(t < my_chunks)
                def _(t=t, rb=rb, ib=ib):
                    wait_gather(rb)
                    pltpu.async_copy(rows.at[rb], acc.at[ij.at[ib, 1]],
                                     sem_s.at[rb], add=True)

                @pl.when(t + _PF < my_chunks)
                def _(t=t, ibf=ibf):
                    fetch_idx(t + _PF, ibf)

        for b in range(_NB):
            @pl.when(b < my_chunks)
            def _(b=b):
                wait_scatter(b)

        plsc.subcore_barrier()

        pltpu.sync_copy(
            acc.at[pl.ds(row0, rows_per_tile)],
            out_hbm.at[cid, pl.ds(row0, rows_per_tile)],
        )
        if rem_rows:
            @pl.when(sid == ns - 1)
            def _():
                pltpu.sync_copy(
                    acc.at[pl.ds(rows_per_tile * ns, rem_rows)],
                    out_hbm.at[cid, pl.ds(rows_per_tile * ns, rem_rows)],
                )

    return seg_sum(edges, x)


def _tc_combine(partials, x, W1, W2, b):
    n, d = x.shape
    bm = 1000
    assert n % bm == 0

    def body(p_ref, x_ref, w1_ref, w2_ref, b_ref, o_ref):
        agg = p_ref[0] + p_ref[1]
        cdims = (((1,), (1,)), ((), ()))
        o_ref[...] = (
            lax.dot_general(agg, w1_ref[...], cdims,
                            preferred_element_type=jnp.float32)
            + lax.dot_general(x_ref[...], w2_ref[...], cdims,
                              preferred_element_type=jnp.float32)
            + b_ref[...]
        )

    return pl.pallas_call(
        body,
        grid=(n // bm,),
        in_specs=[
            pl.BlockSpec((2, bm, d), lambda i: (0, i, 0)),
            pl.BlockSpec((bm, d), lambda i: (i, 0)),
            pl.BlockSpec((d, d), lambda i: (0, 0)),
            pl.BlockSpec((d, d), lambda i: (0, 0)),
            pl.BlockSpec((1, d), lambda i: (0, 0)),
        ],
        out_specs=pl.BlockSpec((bm, d), lambda i: (i, 0)),
        out_shape=jax.ShapeDtypeStruct((n, d), jnp.float32),
    )(partials, x, W1, W2, b)


def kernel(x, edge_index, W1, b1, W2, b2, l):
    e = edge_index.shape[1]
    assert e % _CHUNK == 0
    ep = (edge_index.astype(jnp.int32)
          .reshape(2, e // _CHUNK, _CHUNK)
          .transpose(1, 0, 2))
    partials = _sc_segment_sum(ep, x)
    b = (b1 + b2).reshape(1, -1)
    return _tc_combine(partials, x, W1, W2, b)

# --- scband reference (transcript-rebuilt; emitter-appended) ---
"""Pipeline reference for scband-dist-sage-conv-10230612099179 (READ-ONLY COPY).

The authoritative reference and input builder live on the scoring server;
editing this copy changes nothing except your own understanding.
"""

import jax, jax.numpy as jnp
import numpy as np

N_NODES = 10000
N_EDGES = 320000
D_IN = 128
D_OUT = 128


def setup_inputs(seed: int = 0) -> dict:
    key = jax.random.key(seed)
    k_x, k_e, k_w1, k_b1, k_w2, k_b2 = jax.random.split(key, 6)
    x = jax.random.normal(k_x, (N_NODES, D_IN), dtype=jnp.float32)
    edge_index = jax.random.randint(k_e, (2, N_EDGES), 0, N_NODES, dtype=jnp.int64)
    # xavier_uniform with gain = calculate_gain('relu') = sqrt(2)
    gain = np.sqrt(2.0)
    bound = gain * np.sqrt(6.0 / (D_IN + D_OUT))
    W1 = jax.random.uniform(k_w1, (D_OUT, D_IN), minval=-bound, maxval=bound, dtype=jnp.float32)
    W2 = jax.random.uniform(k_w2, (D_OUT, D_IN), minval=-bound, maxval=bound, dtype=jnp.float32)
    # nn.Linear default bias init: uniform(-1/sqrt(fan_in), 1/sqrt(fan_in))
    bb = 1.0 / np.sqrt(D_IN)
    b1 = jax.random.uniform(k_b1, (D_OUT,), minval=-bb, maxval=bb, dtype=jnp.float32)
    b2 = jax.random.uniform(k_b2, (D_OUT,), minval=-bb, maxval=bb, dtype=jnp.float32)
    return {"x": x, "edge_index": edge_index, "W1": W1, "b1": b1, "W2": W2, "b2": b2, "l": 1}


def reference(x, edge_index, W1, b1, W2, b2, l):
    # Single-device faithful translation of DistSageConv.forward with
    # in_feats == out_feats (so the 'gather first, then fc1' branch runs).
    # bipartite_graph.gather(x): sum-aggregate src features into dst nodes
    # Shuffle: distributed all-to-all -> identity on one device
    # self_gather(x): identity (node's own features)
    # slice_owned_nodes: identity (all nodes owned on one device)
    n = x.shape[0]
    src = edge_index[0]
    dst = edge_index[1]
    out = jax.ops.segment_sum(x[src], dst, num_segments=n)  # gather + sum aggregate
    out2 = out @ W1.T + b1  # fc1 after shuffle
    out3 = x  # self_gather
    out4 = out3  # slice_owned_nodes
    out5 = out4 @ W2.T + b2  # fc2
    out6 = out2  # slice_owned_nodes
    final = out5 + out6
    return final

if __name__ == "__main__":
    import jax
    _d = setup_inputs()
    print(jax.jit(kernel)(*tuple(_d.values())))

</pallas_src>

<mosaic_0001>
#map = affine_map<(d0, d1) -> (0, 0, 0)>
#map1 = affine_map<(d0, d1) -> (0, 0)>
module attributes {stable_mosaic.version = 14 : i64} {
  func.func @seg_sum(%arg0: i32, %arg1: i32, %arg2: memref<2500x2x128xi32, #tpu.memory_space<hbm>>, %arg3: memref<10000x128xf32, #tpu.memory_space<hbm>>, %arg4: memref<2x10000x128xf32, #tpu.memory_space<hbm>>, %arg5: memref<10000x128xf32, #tpu.memory_space<vmem_shared>>, %arg6: memref<6x2x128xi32, #tpu.memory_space<vmem>>, %arg7: memref<3x128x128xf32, #tpu.memory_space<vmem>>, %arg8: memref<6x!tpu.dma_semaphore, #tpu.memory_space<semaphore_mem>>, %arg9: memref<3x!tpu.dma_semaphore, #tpu.memory_space<semaphore_mem>>, %arg10: memref<3x!tpu.dma_semaphore, #tpu.memory_space<semaphore_mem>>, %arg11: memref<!tpu.dma_semaphore, #tpu.memory_space<semaphore_mem>>) attributes {dimension_semantics = [#tpu.dimension_semantics<core_parallel>, #tpu.dimension_semantics<subcore_parallel>], iteration_bounds = array<i64: 2, 16>, scalar_prefetch = 0 : i64, scratch_operands = 7 : i64, tpu.core_type = #tpu.core_type<sc_vector_subcore>, window_params = [{transform_indices = #map}, {transform_indices = #map1}, {transform_indices = #map}]} {
    %mul3A = arith.constant 2 : i32
    %mul3A_0 = arith.muli %arg1, %mul3A : i32
    %add3A = arith.addi %mul3A_0, %arg0 : i32
    %mul3A_1 = arith.constant 624 : i32
    %mul3A_2 = arith.muli %arg1, %mul3A_1 : i32
    %sub3A = arith.constant 2500 : i32
    %sub3A_3 = arith.subi %sub3A, %add3A : i32
    %add3A_4 = arith.constant 32 : i32
    %add3A_5 = arith.addi %sub3A_3, %add3A_4 : i32
    %sub3A_6 = arith.constant 1 : i32
    %sub3A_7 = arith.subi %add3A_5, %sub3A_6 : i32
    %jit3A = arith.constant 32 : i32
    %div3A = arith.divsi %sub3A_7, %jit3A : i32
    %sign3A = arith.constant 0 : i32
    %sign3A_8 = arith.cmpi sgt, %sub3A_7, %sign3A : i32
    %sign3A_9 = arith.extui %sign3A_8 : i1 to i32
    %sign3A_10 = arith.constant 0 : i32
    %sign3A_11 = arith.cmpi slt, %sub3A_7, %sign3A_10 : i32
    %sign3A_12 = arith.extui %sign3A_11 : i1 to i32
    %sign3A_13 = arith.subi %sign3A_9, %sign3A_12 : i32
    %sign3A_14 = arith.constant 0 : i32
    %sign3A_15 = arith.cmpi sgt, %jit3A, %sign3A_14 : i32
    %sign3A_16 = arith.extui %sign3A_15 : i1 to i32
    %sign3A_17 = arith.constant 0 : i32
    %sign3A_18 = arith.cmpi slt, %jit3A, %sign3A_17 : i32
    %sign3A_19 = arith.extui %sign3A_18 : i1 to i32
    %sign3A_20 = arith.subi %sign3A_16, %sign3A_19 : i32
    %ne3A = arith.cmpi ne, %sign3A_13, %sign3A_20 : i32
    %rem3A = arith.remsi %sub3A_7, %jit3A : i32
    %ne3A_21 = arith.constant 0 : i32
    %ne3A_22 = arith.cmpi ne, %rem3A, %ne3A_21 : i32
    %and3A = arith.andi %ne3A, %ne3A_22 : i1
    %sub3A_23 = arith.constant 1 : i32
    %sub3A_24 = arith.subi %div3A, %sub3A_23 : i32
    %select_n3A = arith.select %and3A, %sub3A_24, %div3A : i32
    %gt3A = arith.constant 0 : i32
    %gt3A_25 = arith.cmpi sgt, %select_n3A, %gt3A : i32
    %convert_element_type3A = arith.extui %gt3A_25 : i1 to i32
    %cond3A = arith.constant 0 : i32
    %cond3A_26 = arith.cmpi ne, %convert_element_type3A, %cond3A : i32
    scf.if %cond3A_26 {
      %add3A_1219 = arith.constant 0 : i32
      %add3A_1220 = arith.addi %add3A, %add3A_1219 : i32
      %dma_start3A_1221 = arith.constant 0 : i32
      %dma_start3A_1222 = arith.constant 0 : i32
      %dma_start3A_1223 = arith.constant 0 : i32
      %dma_start3A_1224 = arith.constant 0 : i32
      %dma_start3A_1225 = tpu.memref_slice %arg6[%dma_start3A_1221, %dma_start3A_1223, %dma_start3A_1224] : memref<6x2x128xi32, #tpu.memory_space<vmem>> -> memref<1x2x128xi32, #tpu.memory_space<vmem>>
      %dma_start3A_1226 = tpu.memref_squeeze %dma_start3A_1225 : memref<1x2x128xi32, #tpu.memory_space<vmem>> -> memref<2x128xi32, #tpu.memory_space<vmem>>
      %dma_start3A_1227 = arith.constant 0 : i32
      %dma_start3A_1228 = arith.constant 0 : i32
      %dma_start3A_1229 = tpu.memref_slice %arg2[%add3A_1220, %dma_start3A_1227, %dma_start3A_1228] : memref<2500x2x128xi32, #tpu.memory_space<hbm>> -> memref<1x2x128xi32, #tpu.memory_space<hbm>>
      %dma_start3A_1230 = tpu.memref_squeeze %dma_start3A_1229 : memref<1x2x128xi32, #tpu.memory_space<hbm>> -> memref<2x128xi32, #tpu.memory_space<hbm>>
      %dma_start3A_1231 = tpu.memref_slice %arg8[%dma_start3A_1222] : memref<6x!tpu.dma_semaphore, #tpu.memory_space<semaphore_mem>> -> memref<1x!tpu.dma_semaphore, #tpu.memory_space<semaphore_mem>>
      %dma_start3A_1232 = tpu.memref_squeeze %dma_start3A_1231 : memref<1x!tpu.dma_semaphore, #tpu.memory_space<semaphore_mem>> -> memref<!tpu.dma_semaphore, #tpu.memory_space<semaphore_mem>>
      %dma_start3A_1233 = arith.constant 0 : i32
      %dma_start3A_1234 = arith.constant 0 : i32
      %dma_start3A_1235 = tpu.memref_slice %arg6[%dma_start3A_1221, %dma_start3A_1233, %dma_start3A_1234] : memref<6x2x128xi32, #tpu.memory_space<vmem>> -> memref<1x2x128xi32, #tpu.memory_space<vmem>>
      %dma_start3A_1236 = tpu.memref_squeeze %dma_start3A_1235 : memref<1x2x128xi32, #tpu.memory_space<vmem>> -> memref<2x128xi32, #tpu.memory_space<vmem>>
      %dma_start3A_1237 = arith.constant 0 : i32
      %dma_start3A_1238 = arith.constant 0 : i32
      %dma_start3A_1239 = tpu.memref_slice %arg2[%add3A_1220, %dma_start3A_1237, %dma_start3A_1238] : memref<2500x2x128xi32, #tpu.memory_space<hbm>> -> memref<1x2x128xi32, #tpu.memory_space<hbm>>
      %dma_start3A_1240 = tpu.memref_squeeze %dma_start3A_1239 : memref<1x2x128xi32, #tpu.memory_space<hbm>> -> memref<2x128xi32, #tpu.memory_space<hbm>>
      tpu.enqueue_dma source(%dma_start3A_1240 : memref<2x128xi32, #tpu.memory_space<hbm>>) target(%dma_start3A_1236 : memref<2x128xi32, #tpu.memory_space<vmem>>) target_semaphore(%dma_start3A_1232 : memref<!tpu.dma_semaphore, #tpu.memory_space<semaphore_mem>>)
    } else {
    }
    %gt3A_27 = arith.constant 1 : i32
    %gt3A_28 = arith.cmpi sgt, %select_n3A, %gt3A_27 : i32
    %convert_element_type3A_29 = arith.extui %gt3A_28 : i1 to i32
    %cond3A_30 = arith.constant 0 : i32
    %cond3A_31 = arith.cmpi ne, %convert_element_type3A_29, %cond3A_30 : i32
    scf.if %cond3A_31 {
      %add3A_1219 = arith.constant 32 : i32
      %add3A_1220 = arith.addi %add3A, %add3A_1219 : i32
      %dma_start3A_1221 = arith.constant 1 : i32
      %dma_start3A_1222 = arith.constant 1 : i32
      %dma_start3A_1223 = arith.constant 0 : i32
      %dma_start3A_1224 = arith.constant 0 : i32
      %dma_start3A_1225 = tpu.memref_slice %arg6[%dma_start3A_1221, %dma_start3A_1223, %dma_start3A_1224] : memref<6x2x128xi32, #tpu.memory_space<vmem>> -> memref<1x2x128xi32, #tpu.memory_space<vmem>>
      %dma_start3A_1226 = tpu.memref_squeeze %dma_start3A_1225 : memref<1x2x128xi32, #tpu.memory_space<vmem>> -> memref<2x128xi32, #tpu.memory_space<vmem>>
      %dma_start3A_1227 = arith.constant 0 : i32
      %dma_start3A_1228 = arith.constant 0 : i32
      %dma_start3A_1229 = tpu.memref_slice %arg2[%add3A_1220, %dma_start3A_1227, %dma_start3A_1228] : memref<2500x2x128xi32, #tpu.memory_space<hbm>> -> memref<1x2x128xi32, #tpu.memory_space<hbm>>
      %dma_start3A_1230 = tpu.memref_squeeze %dma_start3A_1229 : memref<1x2x128xi32, #tpu.memory_space<hbm>> -> memref<2x128xi32, #tpu.memory_space<hbm>>
      %dma_start3A_1231 = tpu.memref_slice %arg8[%dma_start3A_1222] : memref<6x!tpu.dma_semaphore, #tpu.memory_space<semaphore_mem>> -> memref<1x!tpu.dma_semaphore, #tpu.memory_space<semaphore_mem>>
      %dma_start3A_1232 = tpu.memref_squeeze %dma_start3A_1231 : memref<1x!tpu.dma_semaphore, #tpu.memory_space<semaphore_mem>> -> memref<!tpu.dma_semaphore, #tpu.memory_space<semaphore_mem>>
      %dma_start3A_1233 = arith.constant 0 : i32
      %dma_start3A_1234 = arith.constant 0 : i32
      %dma_start3A_1235 = tpu.memref_slice %arg6[%dma_start3A_1221, %dma_start3A_1233, %dma_start3A_1234] : memref<6x2x128xi32, #tpu.memory_space<vmem>> -> memref<1x2x128xi32, #tpu.memory_space<vmem>>
      %dma_start3A_1236 = tpu.memref_squeeze %dma_start3A_1235 : memref<1x2x128xi32, #tpu.memory_space<vmem>> -> memref<2x128xi32, #tpu.memory_space<vmem>>
      %dma_start3A_1237 = arith.constant 0 : i32
      %dma_start3A_1238 = arith.constant 0 : i32
      %dma_start3A_1239 = tpu.memref_slice %arg2[%add3A_1220, %dma_start3A_1237, %dma_start3A_1238] : memref<2500x2x128xi32, #tpu.memory_space<hbm>> -> memref<1x2x128xi32, #tpu.memory_space<hbm>>
      %dma_start3A_1240 = tpu.memref_squeeze %dma_start3A_1239 : memref<1x2x128xi32, #tpu.memory_space<hbm>> -> memref<2x128xi32, #tpu.memory_space<hbm>>
      tpu.enqueue_dma source(%dma_start3A_1240 : memref<2x128xi32, #tpu.memory_space<hbm>>) target(%dma_start3A_1236 : memref<2x128xi32, #tpu.memory_space<vmem>>) target_semaphore(%dma_start3A_1232 : memref<!tpu.dma_semaphore, #tpu.memory_space<semaphore_mem>>)
    } else {
    }
    %gt3A_32 = arith.constant 2 : i32
    %gt3A_33 = arith.cmpi sgt, %select_n3A, %gt3A_32 : i32
    %convert_element_type3A_34 = arith.extui %gt3A_33 : i1 to i32
    %cond3A_35 = arith.constant 0 : i32
    %cond3A_36 = arith.cmpi ne, %convert_element_type3A_34, %cond3A_35 : i32
    scf.if %cond3A_36 {
      %add3A_1219 = arith.constant 64 : i32
      %add3A_1220 = arith.addi %add3A, %add3A_1219 : i32
      %dma_start3A_1221 = arith.constant 2 : i32
      %dma_start3A_1222 = arith.constant 2 : i32
      %dma_start3A_1223 = arith.constant 0 : i32
      %dma_start3A_1224 = arith.constant 0 : i32
      %dma_start3A_1225 = tpu.memref_slice %arg6[%dma_start3A_1221, %dma_start3A_1223, %dma_start3A_1224] : memref<6x2x128xi32, #tpu.memory_space<vmem>> -> memref<1x2x128xi32, #tpu.memory_space<vmem>>
      %dma_start3A_1226 = tpu.memref_squeeze %dma_start3A_1225 : memref<1x2x128xi32, #tpu.memory_space<vmem>> -> memref<2x128xi32, #tpu.memory_space<vmem>>
      %dma_start3A_1227 = arith.constant 0 : i32
      %dma_start3A_1228 = arith.constant 0 : i32
      %dma_start3A_1229 = tpu.memref_slice %arg2[%add3A_1220, %dma_start3A_1227, %dma_start3A_1228] : memref<2500x2x128xi32, #tpu.memory_space<hbm>> -> memref<1x2x128xi32, #tpu.memory_space<hbm>>
      %dma_start3A_1230 = tpu.memref_squeeze %dma_start3A_1229 : memref<1x2x128xi32, #tpu.memory_space<hbm>> -> memref<2x128xi32, #tpu.memory_space<hbm>>
      %dma_start3A_1231 = tpu.memref_slice %arg8[%dma_start3A_1222] : memref<6x!tpu.dma_semaphore, #tpu.memory_space<semaphore_mem>> -> memref<1x!tpu.dma_semaphore, #tpu.memory_space<semaphore_mem>>
      %dma_start3A_1232 = tpu.memref_squeeze %dma_start3A_1231 : memref<1x!tpu.dma_semaphore, #tpu.memory_space<semaphore_mem>> -> memref<!tpu.dma_semaphore, #tpu.memory_space<semaphore_mem>>
      %dma_start3A_1233 = arith.constant 0 : i32
      %dma_start3A_1234 = arith.constant 0 : i32
      %dma_start3A_1235 = tpu.memref_slice %arg6[%dma_start3A_1221, %dma_start3A_1233, %dma_start3A_1234] : memref<6x2x128xi32, #tpu.memory_space<vmem>> -> memref<1x2x128xi32, #tpu.memory_space<vmem>>
      %dma_start3A_1236 = tpu.memref_squeeze %dma_start3A_1235 : memref<1x2x128xi32, #tpu.memory_space<vmem>> -> memref<2x128xi32, #tpu.memory_space<vmem>>
      %dma_start3A_1237 = arith.constant 0 : i32
      %dma_start3A_1238 = arith.constant 0 : i32
      %dma_start3A_1239 = tpu.memref_slice %arg2[%add3A_1220, %dma_start3A_1237, %dma_start3A_1238] : memref<2500x2x128xi32, #tpu.memory_space<hbm>> -> memref<1x2x128xi32, #tpu.memory_space<hbm>>
      %dma_start3A_1240 = tpu.memref_squeeze %dma_start3A_1239 : memref<1x2x128xi32, #tpu.memory_space<hbm>> -> memref<2x128xi32, #tpu.memory_space<hbm>>
      tpu.enqueue_dma source(%dma_start3A_1240 : memref<2x128xi32, #tpu.memory_space<hbm>>) target(%dma_start3A_1236 : memref<2x128xi32, #tpu.memory_space<vmem>>) target_semaphore(%dma_start3A_1232 : memref<!tpu.dma_semaphore, #tpu.memory_space<semaphore_mem>>)
    } else {
    }
    %gt3A_37 = arith.constant 3 : i32
    %gt3A_38 = arith.cmpi sgt, %select_n3A, %gt3A_37 : i32
    %convert_element_type3A_39 = arith.extui %gt3A_38 : i1 to i32
    %cond3A_40 = arith.constant 0 : i32
    %cond3A_41 = arith.cmpi ne, %convert_element_type3A_39, %cond3A_40 : i32
    scf.if %cond3A_41 {
      %add3A_1219 = arith.constant 96 : i32
      %add3A_1220 = arith.addi %add3A, %add3A_1219 : i32
      %dma_start3A_1221 = arith.constant 3 : i32
      %dma_start3A_1222 = arith.constant 3 : i32
      %dma_start3A_1223 = arith.constant 0 : i32
      %dma_start3A_1224 = arith.constant 0 : i32
      %dma_start3A_1225 = tpu.memref_slice %arg6[%dma_start3A_1221, %dma_start3A_1223, %dma_start3A_1224] : memref<6x2x128xi32, #tpu.memory_space<vmem>> -> memref<1x2x128xi32, #tpu.memory_space<vmem>>
      %dma_start3A_1226 = tpu.memref_squeeze %dma_start3A_1225 : memref<1x2x128xi32, #tpu.memory_space<vmem>> -> memref<2x128xi32, #tpu.memory_space<vmem>>
      %dma_start3A_1227 = arith.constant 0 : i32
      %dma_start3A_1228 = arith.constant 0 : i32
      %dma_start3A_1229 = tpu.memref_slice %arg2[%add3A_1220, %dma_start3A_1227, %dma_start3A_1228] : memref<2500x2x128xi32, #tpu.memory_space<hbm>> -> memref<1x2x128xi32, #tpu.memory_space<hbm>>
      %dma_start3A_1230 = tpu.memref_squeeze %dma_start3A_1229 : memref<1x2x128xi32, #tpu.memory_space<hbm>> -> memref<2x128xi32, #tpu.memory_space<hbm>>
      %dma_start3A_1231 = tpu.memref_slice %arg8[%dma_start3A_1222] : memref<6x!tpu.dma_semaphore, #tpu.memory_space<semaphore_mem>> -> memref<1x!tpu.dma_semaphore, #tpu.memory_space<semaphore_mem>>
      %dma_start3A_1232 = tpu.memref_squeeze %dma_start3A_1231 : memref<1x!tpu.dma_semaphore, #tpu.memory_space<semaphore_mem>> -> memref<!tpu.dma_semaphore, #tpu.memory_space<semaphore_mem>>
      %dma_start3A_1233 = arith.constant 0 : i32
      %dma_start3A_1234 = arith.constant 0 : i32
      %dma_start3A_1235 = tpu.memref_slice %arg6[%dma_start3A_1221, %dma_start3A_1233, %dma_start3A_1234] : memref<6x2x128xi32, #tpu.memory_space<vmem>> -> memref<1x2x128xi32, #tpu.memory_space<vmem>>
      %dma_start3A_1236 = tpu.memref_squeeze %dma_start3A_1235 : memref<1x2x128xi32, #tpu.memory_space<vmem>> -> memref<2x128xi32, #tpu.memory_space<vmem>>
      %dma_start3A_1237 = arith.constant 0 : i32
      %dma_start3A_1238 = arith.constant 0 : i32
      %dma_start3A_1239 = tpu.memref_slice %arg2[%add3A_1220, %dma_start3A_1237, %dma_start3A_1238] : memref<2500x2x128xi32, #tpu.memory_space<hbm>> -> memref<1x2x128xi32, #tpu.memory_space<hbm>>
      %dma_start3A_1240 = tpu.memref_squeeze %dma_start3A_1239 : memref<1x2x128xi32, #tpu.memory_space<hbm>> -> memref<2x128xi32, #tpu.memory_space<hbm>>
      tpu.enqueue_dma source(%dma_start3A_1240 : memref<2x128xi32, #tpu.memory_space<hbm>>) target(%dma_start3A_1236 : memref<2x128xi32, #tpu.memory_space<vmem>>) target_semaphore(%dma_start3A_1232 : memref<!tpu.dma_semaphore, #tpu.memory_space<semaphore_mem>>)
    } else {
    }
    %broadcast_in_dim3A = arith.constant 0.000000e+00 : f32
    %broadcast_in_dim3A_42 = vector.broadcast %broadcast_in_dim3A : f32 to vector<16xf32>
    %scan3A = arith.constant 0 : i32
    %scan3A_43 = arith.constant 16 : i32
    %scan3A_44 = arith.addi %scan3A, %scan3A_43 : i32
    %scan3A_45 = arith.constant 1 : i32
    scf.for %scan3A_1219 = %scan3A to %scan3A_44 step %scan3A_45  : i32 {
      %mul3A_1220 = arith.constant 1 : i32
      %mul3A_1221 = arith.muli %scan3A_1219, %mul3A_1220 : i32
      %add3A_1222 = arith.constant 0 : i32
      %add3A_1223 = arith.addi %add3A_1222, %mul3A_1221 : i32
      %swap3A = arith.constant 2 : i32
      %swap3A_1224 = arith.index_cast %swap3A : i32 to index
      %swap3A_1225 = arith.index_cast %add3A_1223 : i32 to index
      %swap3A_1226 = arith.constant 0 : index
      %swap3A_1227 = tpu.vector_load %arg7[%swap3A_1224, %swap3A_1225, %swap3A_1226] {strides = array<i32>} : memref<3x128x128xf32, #tpu.memory_space<vmem>>, vector<1x1x16xf32>,
      %swap3A_1228 = vector.shape_cast %swap3A_1227 : vector<1x1x16xf32> to vector<16xf32>
      %swap3A_1229 = vector.shape_cast %broadcast_in_dim3A_42 : vector<16xf32> to vector<1x1x16xf32>
      tpu.vector_store %arg7[%swap3A_1224, %swap3A_1225, %swap3A_1226], %swap3A_1229 {strides = array<i32>} : memref<3x128x128xf32, #tpu.memory_space<vmem>>, vector<1x1x16xf32>,
      %swap3A_1230 = arith.constant 2 : i32
      %swap3A_1231 = arith.index_cast %swap3A_1230 : i32 to index
      %swap3A_1232 = arith.index_cast %add3A_1223 : i32 to index
      %swap3A_1233 = arith.constant 16 : index
      %swap3A_1234 = tpu.vector_load %arg7[%swap3A_1231, %swap3A_1232, %swap3A_1233] {strides = array<i32>} : memref<3x128x128xf32, #tpu.memory_space<vmem>>, vector<1x1x16xf32>,
      %swap3A_1235 = vector.shape_cast %swap3A_1234 : vector<1x1x16xf32> to vector<16xf32>
      %swap3A_1236 = vector.shape_cast %broadcast_in_dim3A_42 : vector<16xf32> to vector<1x1x16xf32>
      tpu.vector_store %arg7[%swap3A_1231, %swap3A_1232, %swap3A_1233], %swap3A_1236 {strides = array<i32>} : memref<3x128x128xf32, #tpu.memory_space<vmem>>, vector<1x1x16xf32>,
      %swap3A_1237 = arith.constant 2 : i32
      %swap3A_1238 = arith.index_cast %swap3A_1237 : i32 to index
      %swap3A_1239 = arith.index_cast %add3A_1223 : i32 to index
      %swap3A_1240 = arith.constant 32 : index
      %swap3A_1241 = tpu.vector_load %arg7[%swap3A_1238, %swap3A_1239, %swap3A_1240] {strides = array<i32>} : memref<3x128x128xf32, #tpu.memory_space<vmem>>, vector<1x1x16xf32>,
      %swap3A_1242 = vector.shape_cast %swap3A_1241 : vector<1x1x16xf32> to vector<16xf32>
      %swap3A_1243 = vector.shape_cast %broadcast_in_dim3A_42 : vector<16xf32> to vector<1x1x16xf32>
      tpu.vector_store %arg7[%swap3A_1238, %swap3A_1239, %swap3A_1240], %swap3A_1243 {strides = array<i32>} : memref<3x128x128xf32, #tpu.memory_space<vmem>>, vector<1x1x16xf32>,
      %swap3A_1244 = arith.constant 2 : i32
      %swap3A_1245 = arith.index_cast %swap3A_1244 : i32 to index
      %swap3A_1246 = arith.index_cast %add3A_1223 : i32 to index
      %swap3A_1247 = arith.constant 48 : index
      %swap3A_1248 = tpu.vector_load %arg7[%swap3A_1245, %swap3A_1246, %swap3A_1247] {strides = array<i32>} : memref<3x128x128xf32, #tpu.memory_space<vmem>>, vector<1x1x16xf32>,
      %swap3A_1249 = vector.shape_cast %swap3A_1248 : vector<1x1x16xf32> to vector<16xf32>
      %swap3A_1250 = vector.shape_cast %broadcast_in_dim3A_42 : vector<16xf32> to vector<1x1x16xf32>
      tpu.vector_store %arg7[%swap3A_1245, %swap3A_1246, %swap3A_1247], %swap3A_1250 {strides = array<i32>} : memref<3x128x128xf32, #tpu.memory_space<vmem>>, vector<1x1x16xf32>,
      %swap3A_1251 = arith.constant 2 : i32
      %swap3A_1252 = arith.index_cast %swap3A_1251 : i32 to index
      %swap3A_1253 = arith.index_cast %add3A_1223 : i32 to index
      %swap3A_1254 = arith.constant 64 : index
      %swap3A_1255 = tpu.vector_load %arg7[%swap3A_1252, %swap3A_1253, %swap3A_1254] {strides = array<i32>} : memref<3x128x128xf32, #tpu.memory_space<vmem>>, vector<1x1x16xf32>,
      %swap3A_1256 = vector.shape_cast %swap3A_1255 : vector<1x1x16xf32> to vector<16xf32>
      %swap3A_1257 = vector.shape_cast %broadcast_in_dim3A_42 : vector<16xf32> to vector<1x1x16xf32>
      tpu.vector_store %arg7[%swap3A_1252, %swap3A_1253, %swap3A_1254], %swap3A_1257 {strides = array<i32>} : memref<3x128x128xf32, #tpu.memory_space<vmem>>, vector<1x1x16xf32>,
      %swap3A_1258 = arith.constant 2 : i32
      %swap3A_1259 = arith.index_cast %swap3A_1258 : i32 to index
      %swap3A_1260 = arith.index_cast %add3A_1223 : i32 to index
      %swap3A_1261 = arith.constant 80 : index
      %swap3A_1262 = tpu.vector_load %arg7[%swap3A_1259, %swap3A_1260, %swap3A_1261] {strides = array<i32>} : memref<3x128x128xf32, #tpu.memory_space<vmem>>, vector<1x1x16xf32>,
      %swap3A_1263 = vector.shape_cast %swap3A_1262 : vector<1x1x16xf32> to vector<16xf32>
      %swap3A_1264 = vector.shape_cast %broadcast_in_dim3A_42 : vector<16xf32> to vector<1x1x16xf32>
      tpu.vector_store %arg7[%swap3A_1259, %swap3A_1260, %swap3A_1261], %swap3A_1264 {strides = array<i32>} : memref<3x128x128xf32, #tpu.memory_space<vmem>>, vector<1x1x16xf32>,
      %swap3A_1265 = arith.constant 2 : i32
      %swap3A_1266 = arith.index_cast %swap3A_1265 : i32 to index
      %swap3A_1267 = arith.index_cast %add3A_1223 : i32 to index
      %swap3A_1268 = arith.constant 96 : index
      %swap3A_1269 = tpu.vector_load %arg7[%swap3A_1266, %swap3A_1267, %swap3A_1268] {strides = array<i32>} : memref<3x128x128xf32, #tpu.memory_space<vmem>>, vector<1x1x16xf32>,
      %swap3A_1270 = vector.shape_cast %swap3A_1269 : vector<1x1x16xf32> to vector<16xf32>
      %swap3A_1271 = vector.shape_cast %broadcast_in_dim3A_42 : vector<16xf32> to vector<1x1x16xf32>
      tpu.vector_store %arg7[%swap3A_1266, %swap3A_1267, %swap3A_1268], %swap3A_1271 {strides = array<i32>} : memref<3x128x128xf32, #tpu.memory_space<vmem>>, vector<1x1x16xf32>,
      %swap3A_1272 = arith.constant 2 : i32
      %swap3A_1273 = arith.index_cast %swap3A_1272 : i32 to index
      %swap3A_1274 = arith.index_cast %add3A_1223 : i32 to index
      %swap3A_1275 = arith.constant 112 : index
      %swap3A_1276 = tpu.vector_load %arg7[%swap3A_1273, %swap3A_1274, %swap3A_1275] {strides = array<i32>} : memref<3x128x128xf32, #tpu.memory_space<vmem>>, vector<1x1x16xf32>,
      %swap3A_1277 = vector.shape_cast %swap3A_1276 : vector<1x1x16xf32> to vector<16xf32>
      %swap3A_1278 = vector.shape_cast %broadcast_in_dim3A_42 : vector<16xf32> to vector<1x1x16xf32>
      tpu.vector_store %arg7[%swap3A_1273, %swap3A_1274, %swap3A_1275], %swap3A_1278 {strides = array<i32>} : memref<3x128x128xf32, #tpu.memory_space<vmem>>, vector<1x1x16xf32>,
    }
    %scan3A_46 = arith.constant 16 : i32
    %add3A_47 = arith.constant 0 : i32
    %add3A_48 = arith.addi %mul3A_2, %add3A_47 : i32
    %dma_start3A = arith.constant 2 : i32
    %dma_start3A_49 = arith.constant 0 : i32
    %dma_start3A_50 = arith.constant 0 : i32
    %dma_start3A_51 = tpu.memref_slice %arg7[%dma_start3A, %dma_start3A_49, %dma_start3A_50] : memref<3x128x128xf32, #tpu.memory_space<vmem>> -> memref<1x16x128xf32, #tpu.memory_space<vmem>>
    %dma_start3A_52 = tpu.memref_squeeze %dma_start3A_51 : memref<1x16x128xf32, #tpu.memory_space<vmem>> -> memref<16x128xf32, #tpu.memory_space<vmem>>
    %dma_start3A_53 = arith.constant 0 : i32
    %dma_start3A_54 = tpu.memref_slice %arg5[%add3A_48, %dma_start3A_53] : memref<10000x128xf32, #tpu.memory_space<vmem_shared>> -> memref<16x128xf32, #tpu.memory_space<vmem_shared>>
    %dma_start3A_55 = arith.constant 0 : i32
    %dma_start3A_56 = tpu.memref_slice %arg5[%add3A_48, %dma_start3A_55] : memref<10000x128xf32, #tpu.memory_space<vmem_shared>> -> memref<16x128xf32, #tpu.memory_space<vmem_shared>>
    %dma_start3A_57 = arith.constant 0 : i32
    %dma_start3A_58 = arith.constant 0 : i32
    %dma_start3A_59 = tpu.memref_slice %arg7[%dma_start3A, %dma_start3A_57, %dma_start3A_58] : memref<3x128x128xf32, #tpu.memory_space<vmem>> -> memref<1x16x128xf32, #tpu.memory_space<vmem>>
    %dma_start3A_60 = tpu.memref_squeeze %dma_start3A_59 : memref<1x16x128xf32, #tpu.memory_space<vmem>> -> memref<16x128xf32, #tpu.memory_space<vmem>>
    tpu.enqueue_dma source(%dma_start3A_60 : memref<16x128xf32, #tpu.memory_space<vmem>>) target(%dma_start3A_56 : memref<16x128xf32, #tpu.memory_space<vmem_shared>>) target_semaphore(%arg11 : memref<!tpu.dma_semaphore, #tpu.memory_space<semaphore_mem>>)
    %add3A_61 = arith.constant 16 : i32
    %add3A_62 = arith.addi %mul3A_2, %add3A_61 : i32
    %dma_start3A_63 = arith.constant 2 : i32
    %dma_start3A_64 = arith.constant 0 : i32
    %dma_start3A_65 = arith.constant 0 : i32
    %dma_start3A_66 = tpu.memref_slice %arg7[%dma_start3A_63, %dma_start3A_64, %dma_start3A_65] : memref<3x128x128xf32, #tpu.memory_space<vmem>> -> memref<1x16x128xf32, #tpu.memory_space<vmem>>
    %dma_start3A_67 = tpu.memref_squeeze %dma_start3A_66 : memref<1x16x128xf32, #tpu.memory_space<vmem>> -> memref<16x128xf32, #tpu.memory_space<vmem>>
    %dma_start3A_68 = arith.constant 0 : i32
    %dma_start3A_69 = tpu.memref_slice %arg5[%add3A_62, %dma_start3A_68] : memref<10000x128xf32, #tpu.memory_space<vmem_shared>> -> memref<16x128xf32, #tpu.memory_space<vmem_shared>>
    %dma_start3A_70 = arith.constant 0 : i32
    %dma_start3A_71 = tpu.memref_slice %arg5[%add3A_62, %dma_start3A_70] : memref<10000x128xf32, #tpu.memory_space<vmem_shared>> -> memref<16x128xf32, #tpu.memory_space<vmem_shared>>
    %dma_start3A_72 = arith.constant 0 : i32
    %dma_start3A_73 = arith.constant 0 : i32
    %dma_start3A_74 = tpu.memref_slice %arg7[%dma_start3A_63, %dma_start3A_72, %dma_start3A_73] : memref<3x128x128xf32, #tpu.memory_space<vmem>> -> memref<1x16x128xf32, #tpu.memory_space<vmem>>
    %dma_start3A_75 = tpu.memref_squeeze %dma_start3A_74 : memref<1x16x128xf32, #tpu.memory_space<vmem>> -> memref<16x128xf32, #tpu.memory_space<vmem>>
    tpu.enqueue_dma source(%dma_start3A_75 : memref<16x128xf32, #tpu.memory_space<vmem>>) target(%dma_start3A_71 : memref<16x128xf32, #tpu.memory_space<vmem_shared>>) target_semaphore(%arg11 : memref<!tpu.dma_semaphore, #tpu.memory_space<semaphore_mem>>)
    %add3A_76 = arith.constant 32 : i32
    %add3A_77 = arith.addi %mul3A_2, %add3A_76 : i32
    %dma_start3A_78 = arith.constant 2 : i32
    %dma_start3A_79 = arith.constant 0 : i32
    %dma_start3A_80 = arith.constant 0 : i32
    %dma_start3A_81 = tpu.memref_slice %arg7[%dma_start3A_78, %dma_start3A_79, %dma_start3A_80] : memref<3x128x128xf32, #tpu.memory_space<vmem>> -> memref<1x16x128xf32, #tpu.memory_space<vmem>>
    %dma_start3A_82 = tpu.memref_squeeze %dma_start3A_81 : memref<1x16x128xf32, #tpu.memory_space<vmem>> -> memref<16x128xf32, #tpu.memory_space<vmem>>
    %dma_start3A_83 = arith.constant 0 : i32
    %dma_start3A_84 = tpu.memref_slice %arg5[%add3A_77, %dma_start3A_83] : memref<10000x128xf32, #tpu.memory_space<vmem_shared>> -> memref<16x128xf32, #tpu.memory_space<vmem_shared>>
    %dma_start3A_85 = arith.constant 0 : i32
    %dma_start3A_86 = tpu.memref_slice %arg5[%add3A_77, %dma_start3A_85] : memref<10000x128xf32, #tpu.memory_space<vmem_shared>> -> memref<16x128xf32, #tpu.memory_space<vmem_shared>>
    %dma_start3A_87 = arith.constant 0 : i32
    %dma_start3A_88 = arith.constant 0 : i32
    %dma_start3A_89 = tpu.memref_slice %arg7[%dma_start3A_78, %dma_start3A_87, %dma_start3A_88] : memref<3x128x128xf32, #tpu.memory_space<vmem>> -> memref<1x16x128xf32, #tpu.memory_space<vmem>>
    %dma_start3A_90 = tpu.memref_squeeze %dma_start3A_89 : memref<1x16x128xf32, #tpu.memory_space<vmem>> -> memref<16x128xf32, #tpu.memory_space<vmem>>
    tpu.enqueue_dma source(%dma_start3A_90 : memref<16x128xf32, #tpu.memory_space<vmem>>) target(%dma_start3A_86 : memref<16x128xf32, #tpu.memory_space<vmem_shared>>) target_semaphore(%arg11 : memref<!tpu.dma_semaphore, #tpu.memory_space<semaphore_mem>>)
    %add3A_91 = arith.constant 48 : i32
    %add3A_92 = arith.addi %mul3A_2, %add3A_91 : i32
    %dma_start3A_93 = arith.constant 2 : i32
    %dma_start3A_94 = arith.constant 0 : i32
    %dma_start3A_95 = arith.constant 0 : i32
    %dma_start3A_96 = tpu.memref_slice %arg7[%dma_start3A_93, %dma_start3A_94, %dma_start3A_95] : memref<3x128x128xf32, #tpu.memory_space<vmem>> -> memref<1x16x128xf32, #tpu.memory_space<vmem>>
    %dma_start3A_97 = tpu.memref_squeeze %dma_start3A_96 : memref<1x16x128xf32, #tpu.memory_space<vmem>> -> memref<16x128xf32, #tpu.memory_space<vmem>>
    %dma_start3A_98 = arith.constant 0 : i32
    %dma_start3A_99 = tpu.memref_slice %arg5[%add3A_92, %dma_start3A_98] : memref<10000x128xf32, #tpu.memory_space<vmem_shared>> -> memref<16x128xf32, #tpu.memory_space<vmem_shared>>
    %dma_start3A_100 = arith.constant 0 : i32
    %dma_start3A_101 = tpu.memref_slice %arg5[%add3A_92, %dma_start3A_100] : memref<10000x128xf32, #tpu.memory_space<vmem_shared>> -> memref<16x128xf32, #tpu.memory_space<vmem_shared>>
    %dma_start3A_102 = arith.constant 0 : i32
    %dma_start3A_103 = arith.constant 0 : i32
    %dma_start3A_104 = tpu.memref_slice %arg7[%dma_start3A_93, %dma_start3A_102, %dma_start3A_103] : memref<3x128x128xf32, #tpu.memory_space<vmem>> -> memref<1x16x128xf32, #tpu.memory_space<vmem>>
    %dma_start3A_105 = tpu.memref_squeeze %dma_start3A_104 : memref<1x16x128xf32, #tpu.memory_space<vmem>> -> memref<16x128xf32, #tpu.memory_space<vmem>>
    tpu.enqueue_dma source(%dma_start3A_105 : memref<16x128xf32, #tpu.memory_space<vmem>>) target(%dma_start3A_101 : memref<16x128xf32, #tpu.memory_space<vmem_shared>>) target_semaphore(%arg11 : memref<!tpu.dma_semaphore, #tpu.memory_space<semaphore_mem>>)
    %add3A_106 = arith.constant 64 : i32
    %add3A_107 = arith.addi %mul3A_2, %add3A_106 : i32
    %dma_start3A_108 = arith.constant 2 : i32
    %dma_start3A_109 = arith.constant 0 : i32
    %dma_start3A_110 = arith.constant 0 : i32
    %dma_start3A_111 = tpu.memref_slice %arg7[%dma_start3A_108, %dma_start3A_109, %dma_start3A_110] : memref<3x128x128xf32, #tpu.memory_space<vmem>> -> memref<1x16x128xf32, #tpu.memory_space<vmem>>
    %dma_start3A_112 = tpu.memref_squeeze %dma_start3A_111 : memref<1x16x128xf32, #tpu.memory_space<vmem>> -> memref<16x128xf32, #tpu.memory_space<vmem>>
    %dma_start3A_113 = arith.constant 0 : i32
    %dma_start3A_114 = tpu.memref_slice %arg5[%add3A_107, %dma_start3A_113] : memref<10000x128xf32, #tpu.memory_space<vmem_shared>> -> memref<16x128xf32, #tpu.memory_space<vmem_shared>>
    %dma_start3A_115 = arith.constant 0 : i32
    %dma_start3A_116 = tpu.memref_slice %arg5[%add3A_107, %dma_start3A_115] : memref<10000x128xf32, #tpu.memory_space<vmem_shared>> -> memref<16x128xf32, #tpu.memory_space<vmem_shared>>
    %dma_start3A_117 = arith.constant 0 : i32
    %dma_start3A_118 = arith.constant 0 : i32
    %dma_start3A_119 = tpu.memref_slice %arg7[%dma_start3A_108, %dma_start3A_117, %dma_start3A_118] : memref<3x128x128xf32, #tpu.memory_space<vmem>> -> memref<1x16x128xf32, #tpu.memory_space<vmem>>
    %dma_start3A_120 = tpu.memref_squeeze %dma_start3A_119 : memref<1x16x128xf32, #tpu.memory_space<vmem>> -> memref<16x128xf32, #tpu.memory_space<vmem>>
    tpu.enqueue_dma source(%dma_start3A_120 : memref<16x128xf32, #tpu.memory_space<vmem>>) target(%dma_start3A_116 : memref<16x128xf32, #tpu.memory_space<vmem_shared>>) target_semaphore(%arg11 : memref<!tpu.dma_semaphore, #tpu.memory_space<semaphore_mem>>)
    %add3A_121 = arith.constant 80 : i32
    %add3A_122 = arith.addi %mul3A_2, %add3A_121 : i32
    %dma_start3A_123 = arith.constant 2 : i32
    %dma_start3A_124 = arith.constant 0 : i32
    %dma_start3A_125 = arith.constant 0 : i32
    %dma_start3A_126 = tpu.memref_slice %arg7[%dma_start3A_123, %dma_start3A_124, %dma_start3A_125] : memref<3x128x128xf32, #tpu.memory_space<vmem>> -> memref<1x16x128xf32, #tpu.memory_space<vmem>>
    %dma_start3A_127 = tpu.memref_squeeze %dma_start3A_126 : memref<1x16x128xf32, #tpu.memory_space<vmem>> -> memref<16x128xf32, #tpu.memory_space<vmem>>
    %dma_start3A_128 = arith.constant 0 : i32
    %dma_start3A_129 = tpu.memref_slice %arg5[%add3A_122, %dma_start3A_128] : memref<10000x128xf32, #tpu.memory_space<vmem_shared>> -> memref<16x128xf32, #tpu.memory_space<vmem_shared>>
    %dma_start3A_130 = arith.constant 0 : i32
    %dma_start3A_131 = tpu.memref_slice %arg5[%add3A_122, %dma_start3A_130] : memref<10000x128xf32, #tpu.memory_space<vmem_shared>> -> memref<16x128xf32, #tpu.memory_space<vmem_shared>>
    %dma_start3A_132 = arith.constant 0 : i32
    %dma_start3A_133 = arith.constant 0 : i32
    %dma_start3A_134 = tpu.memref_slice %arg7[%dma_start3A_123, %dma_start3A_132, %dma_start3A_133] : memref<3x128x128xf32, #tpu.memory_space<vmem>> -> memref<1x16x128xf32, #tpu.memory_space<vmem>>
    %dma_start3A_135 = tpu.memref_squeeze %dma_start3A_134 : memref<1x16x128xf32, #tpu.memory_space<vmem>> -> memref<16x128xf32, #tpu.memory_space<vmem>>
    tpu.enqueue_dma source(%dma_start3A_135 : memref<16x128xf32, #tpu.memory_space<vmem>>) target(%dma_start3A_131 : memref<16x128xf32, #tpu.memory_space<vmem_shared>>) target_semaphore(%arg11 : memref<!tpu.dma_semaphore, #tpu.memory_space<semaphore_mem>>)
    %add3A_136 = arith.constant 96 : i32
    %add3A_137 = arith.addi %mul3A_2, %add3A_136 : i32
    %dma_start3A_138 = arith.constant 2 : i32
    %dma_start3A_139 = arith.constant 0 : i32
    %dma_start3A_140 = arith.constant 0 : i32
    %dma_start3A_141 = tpu.memref_slice %arg7[%dma_start3A_138, %dma_start3A_139, %dma_start3A_140] : memref<3x128x128xf32, #tpu.memory_space<vmem>> -> memref<1x16x128xf32, #tpu.memory_space<vmem>>
    %dma_start3A_142 = tpu.memref_squeeze %dma_start3A_141 : memref<1x16x128xf32, #tpu.memory_space<vmem>> -> memref<16x128xf32, #tpu.memory_space<vmem>>
    %dma_start3A_143 = arith.constant 0 : i32
    %dma_start3A_144 = tpu.memref_slice %arg5[%add3A_137, %dma_start3A_143] : memref<10000x128xf32, #tpu.memory_space<vmem_shared>> -> memref<16x128xf32, #tpu.memory_space<vmem_shared>>
    %dma_start3A_145 = arith.constant 0 : i32
    %dma_start3A_146 = tpu.memref_slice %arg5[%add3A_137, %dma_start3A_145] : memref<10000x128xf32, #tpu.memory_space<vmem_shared>> -> memref<16x128xf32, #tpu.memory_space<vmem_shared>>
    %dma_start3A_147 = arith.constant 0 : i32
    %dma_start3A_148 = arith.constant 0 : i32
    %dma_start3A_149 = tpu.memref_slice %arg7[%dma_start3A_138, %dma_start3A_147, %dma_start3A_148] : memref<3x128x128xf32, #tpu.memory_space<vmem>> -> memref<1x16x128xf32, #tpu.memory_space<vmem>>
    %dma_start3A_150 = tpu.memref_squeeze %dma_start3A_149 : memref<1x16x128xf32, #tpu.memory_space<vmem>> -> memref<16x128xf32, #tpu.memory_space<vmem>>
    tpu.enqueue_dma source(%dma_start3A_150 : memref<16x128xf32, #tpu.memory_space<vmem>>) target(%dma_start3A_146 : memref<16x128xf32, #tpu.memory_space<vmem_shared>>) target_semaphore(%arg11 : memref<!tpu.dma_semaphore, #tpu.memory_space<semaphore_mem>>)
    %add3A_151 = arith.constant 112 : i32
    %add3A_152 = arith.addi %mul3A_2, %add3A_151 : i32
    %dma_start3A_153 = arith.constant 2 : i32
    %dma_start3A_154 = arith.constant 0 : i32
    %dma_start3A_155 = arith.constant 0 : i32
    %dma_start3A_156 = tpu.memref_slice %arg7[%dma_start3A_153, %dma_start3A_154, %dma_start3A_155] : memref<3x128x128xf32, #tpu.memory_space<vmem>> -> memref<1x16x128xf32, #tpu.memory_space<vmem>>
    %dma_start3A_157 = tpu.memref_squeeze %dma_start3A_156 : memref<1x16x128xf32, #tpu.memory_space<vmem>> -> memref<16x128xf32, #tpu.memory_space<vmem>>
    %dma_start3A_158 = arith.constant 0 : i32
    %dma_start3A_159 = tpu.memref_slice %arg5[%add3A_152, %dma_start3A_158] : memref<10000x128xf32, #tpu.memory_space<vmem_shared>> -> memref<16x128xf32, #tpu.memory_space<vmem_shared>>
    %dma_start3A_160 = arith.constant 0 : i32
    %dma_start3A_161 = tpu.memref_slice %arg5[%add3A_152, %dma_start3A_160] : memref<10000x128xf32, #tpu.memory_space<vmem_shared>> -> memref<16x128xf32, #tpu.memory_space<vmem_shared>>
    %dma_start3A_162 = arith.constant 0 : i32
    %dma_start3A_163 = arith.constant 0 : i32
    %dma_start3A_164 = tpu.memref_slice %arg7[%dma_start3A_153, %dma_start3A_162, %dma_start3A_163] : memref<3x128x128xf32, #tpu.memory_space<vmem>> -> memref<1x16x128xf32, #tpu.memory_space<vmem>>
    %dma_start3A_165 = tpu.memref_squeeze %dma_start3A_164 : memref<1x16x128xf32, #tpu.memory_space<vmem>> -> memref<16x128xf32, #tpu.memory_space<vmem>>
    tpu.enqueue_dma source(%dma_start3A_165 : memref<16x128xf32, #tpu.memory_space<vmem>>) target(%dma_start3A_161 : memref<16x128xf32, #tpu.memory_space<vmem_shared>>) target_semaphore(%arg11 : memref<!tpu.dma_semaphore, #tpu.memory_space<semaphore_mem>>)
    %add3A_166 = arith.constant 128 : i32
    %add3A_167 = arith.addi %mul3A_2, %add3A_166 : i32
    %dma_start3A_168 = arith.constant 2 : i32
    %dma_start3A_169 = arith.constant 0 : i32
    %dma_start3A_170 = arith.constant 0 : i32
    %dma_start3A_171 = tpu.memref_slice %arg7[%dma_start3A_168, %dma_start3A_169, %dma_start3A_170] : memref<3x128x128xf32, #tpu.memory_space<vmem>> -> memref<1x16x128xf32, #tpu.memory_space<vmem>>
    %dma_start3A_172 = tpu.memref_squeeze %dma_start3A_171 : memref<1x16x128xf32, #tpu.memory_space<vmem>> -> memref<16x128xf32, #tpu.memory_space<vmem>>
    %dma_start3A_173 = arith.constant 0 : i32
    %dma_start3A_174 = tpu.memref_slice %arg5[%add3A_167, %dma_start3A_173] : memref<10000x128xf32, #tpu.memory_space<vmem_shared>> -> memref<16x128xf32, #tpu.memory_space<vmem_shared>>
    %dma_start3A_175 = arith.constant 0 : i32
    %dma_start3A_176 = tpu.memref_slice %arg5[%add3A_167, %dma_start3A_175] : memref<10000x128xf32, #tpu.memory_space<vmem_shared>> -> memref<16x128xf32, #tpu.memory_space<vmem_shared>>
    %dma_start3A_177 = arith.constant 0 : i32
    %dma_start3A_178 = arith.constant 0 : i32
    %dma_start3A_179 = tpu.memref_slice %arg7[%dma_start3A_168, %dma_start3A_177, %dma_start3A_178] : memref<3x128x128xf32, #tpu.memory_space<vmem>> -> memref<1x16x128xf32, #tpu.memory_space<vmem>>
    %dma_start3A_180 = tpu.memref_squeeze %dma_start3A_179 : memref<1x16x128xf32, #tpu.memory_space<vmem>> -> memref<16x128xf32, #tpu.memory_space<vmem>>
    tpu.enqueue_dma source(%dma_start3A_180 : memref<16x128xf32, #tpu.memory_space<vmem>>) target(%dma_start3A_176 : memref<16x128xf32, #tpu.memory_space<vmem_shared>>) target_semaphore(%arg11 : memref<!tpu.dma_semaphore, #tpu.memory_space<semaphore_mem>>)
    %add3A_181 = arith.constant 144 : i32
    %add3A_182 = arith.addi %mul3A_2, %add3A_181 : i32
    %dma_start3A_183 = arith.constant 2 : i32
    %dma_start3A_184 = arith.constant 0 : i32
    %dma_start3A_185 = arith.constant 0 : i32
    %dma_start3A_186 = tpu.memref_slice %arg7[%dma_start3A_183, %dma_start3A_184, %dma_start3A_185] : memref<3x128x128xf32, #tpu.memory_space<vmem>> -> memref<1x16x128xf32, #tpu.memory_space<vmem>>
    %dma_start3A_187 = tpu.memref_squeeze %dma_start3A_186 : memref<1x16x128xf32, #tpu.memory_space<vmem>> -> memref<16x128xf32, #tpu.memory_space<vmem>>
    %dma_start3A_188 = arith.constant 0 : i32
    %dma_start3A_189 = tpu.memref_slice %arg5[%add3A_182, %dma_start3A_188] : memref<10000x128xf32, #tpu.memory_space<vmem_shared>> -> memref<16x128xf32, #tpu.memory_space<vmem_shared>>
    %dma_start3A_190 = arith.constant 0 : i32
    %dma_start3A_191 = tpu.memref_slice %arg5[%add3A_182, %dma_start3A_190] : memref<10000x128xf32, #tpu.memory_space<vmem_shared>> -> memref<16x128xf32, #tpu.memory_space<vmem_shared>>
    %dma_start3A_192 = arith.constant 0 : i32
    %dma_start3A_193 = arith.constant 0 : i32
    %dma_start3A_194 = tpu.memref_slice %arg7[%dma_start3A_183, %dma_start3A_192, %dma_start3A_193] : memref<3x128x128xf32, #tpu.memory_space<vmem>> -> memref<1x16x128xf32, #tpu.memory_space<vmem>>
    %dma_start3A_195 = tpu.memref_squeeze %dma_start3A_194 : memref<1x16x128xf32, #tpu.memory_space<vmem>> -> memref<16x128xf32, #tpu.memory_space<vmem>>
    tpu.enqueue_dma source(%dma_start3A_195 : memref<16x128xf32, #tpu.memory_space<vmem>>) target(%dma_start3A_191 : memref<16x128xf32, #tpu.memory_space<vmem_shared>>) target_semaphore(%arg11 : memref<!tpu.dma_semaphore, #tpu.memory_space<semaphore_mem>>)
    %add3A_196 = arith.constant 160 : i32
    %add3A_197 = arith.addi %mul3A_2, %add3A_196 : i32
    %dma_start3A_198 = arith.constant 2 : i32
    %dma_start3A_199 = arith.constant 0 : i32
    %dma_start3A_200 = arith.constant 0 : i32
    %dma_start3A_201 = tpu.memref_slice %arg7[%dma_start3A_198, %dma_start3A_199, %dma_start3A_200] : memref<3x128x128xf32, #tpu.memory_space<vmem>> -> memref<1x16x128xf32, #tpu.memory_space<vmem>>
    %dma_start3A_202 = tpu.memref_squeeze %dma_start3A_201 : memref<1x16x128xf32, #tpu.memory_space<vmem>> -> memref<16x128xf32, #tpu.memory_space<vmem>>
    %dma_start3A_203 = arith.constant 0 : i32
    %dma_start3A_204 = tpu.memref_slice %arg5[%add3A_197, %dma_start3A_203] : memref<10000x128xf32, #tpu.memory_space<vmem_shared>> -> memref<16x128xf32, #tpu.memory_space<vmem_shared>>
    %dma_start3A_205 = arith.constant 0 : i32
    %dma_start3A_206 = tpu.memref_slice %arg5[%add3A_197, %dma_start3A_205] : memref<10000x128xf32, #tpu.memory_space<vmem_shared>> -> memref<16x128xf32, #tpu.memory_space<vmem_shared>>
    %dma_start3A_207 = arith.constant 0 : i32
    %dma_start3A_208 = arith.constant 0 : i32
    %dma_start3A_209 = tpu.memref_slice %arg7[%dma_start3A_198, %dma_start3A_207, %dma_start3A_208] : memref<3x128x128xf32, #tpu.memory_space<vmem>> -> memref<1x16x128xf32, #tpu.memory_space<vmem>>
    %dma_start3A_210 = tpu.memref_squeeze %dma_start3A_209 : memref<1x16x128xf32, #tpu.memory_space<vmem>> -> memref<16x128xf32, #tpu.memory_space<vmem>>
    tpu.enqueue_dma source(%dma_start3A_210 : memref<16x128xf32, #tpu.memory_space<vmem>>) target(%dma_start3A_206 : memref<16x128xf32, #tpu.memory_space<vmem_shared>>) target_semaphore(%arg11 : memref<!tpu.dma_semaphore, #tpu.memory_space<semaphore_mem>>)
    %add3A_211 = arith.constant 176 : i32
    %add3A_212 = arith.addi %mul3A_2, %add3A_211 : i32
    %dma_start3A_213 = arith.constant 2 : i32
    %dma_start3A_214 = arith.constant 0 : i32
    %dma_start3A_215 = arith.constant 0 : i32
    %dma_start3A_216 = tpu.memref_slice %arg7[%dma_start3A_213, %dma_start3A_214, %dma_start3A_215] : memref<3x128x128xf32, #tpu.memory_space<vmem>> -> memref<1x16x128xf32, #tpu.memory_space<vmem>>
    %dma_start3A_217 = tpu.memref_squeeze %dma_start3A_216 : memref<1x16x128xf32, #tpu.memory_space<vmem>> -> memref<16x128xf32, #tpu.memory_space<vmem>>
    %dma_start3A_218 = arith.constant 0 : i32
    %dma_start3A_219 = tpu.memref_slice %arg5[%add3A_212, %dma_start3A_218] : memref<10000x128xf32, #tpu.memory_space<vmem_shared>> -> memref<16x128xf32, #tpu.memory_space<vmem_shared>>
    %dma_start3A_220 = arith.constant 0 : i32
    %dma_start3A_221 = tpu.memref_slice %arg5[%add3A_212, %dma_start3A_220] : memref<10000x128xf32, #tpu.memory_space<vmem_shared>> -> memref<16x128xf32, #tpu.memory_space<vmem_shared>>
    %dma_start3A_222 = arith.constant 0 : i32
    %dma_start3A_223 = arith.constant 0 : i32
    %dma_start3A_224 = tpu.memref_slice %arg7[%dma_start3A_213, %dma_start3A_222, %dma_start3A_223] : memref<3x128x128xf32, #tpu.memory_space<vmem>> -> memref<1x16x128xf32, #tpu.memory_space<vmem>>
    %dma_start3A_225 = tpu.memref_squeeze %dma_start3A_224 : memref<1x16x128xf32, #tpu.memory_space<vmem>> -> memref<16x128xf32, #tpu.memory_space<vmem>>
    tpu.enqueue_dma source(%dma_start3A_225 : memref<16x128xf32, #tpu.memory_space<vmem>>) target(%dma_start3A_221 : memref<16x128xf32, #tpu.memory_space<vmem_shared>>) target_semaphore(%arg11 : memref<!tpu.dma_semaphore, #tpu.memory_space<semaphore_mem>>)
    %add3A_226 = arith.constant 192 : i32
    %add3A_227 = arith.addi %mul3A_2, %add3A_226 : i32
    %dma_start3A_228 = arith.constant 2 : i32
    %dma_start3A_229 = arith.constant 0 : i32
    %dma_start3A_230 = arith.constant 0 : i32
    %dma_start3A_231 = tpu.memref_slice %arg7[%dma_start3A_228, %dma_start3A_229, %dma_start3A_230] : memref<3x128x128xf32, #tpu.memory_space<vmem>> -> memref<1x16x128xf32, #tpu.memory_space<vmem>>
    %dma_start3A_232 = tpu.memref_squeeze %dma_start3A_231 : memref<1x16x128xf32, #tpu.memory_space<vmem>> -> memref<16x128xf32, #tpu.memory_space<vmem>>
    %dma_start3A_233 = arith.constant 0 : i32
    %dma_start3A_234 = tpu.memref_slice %arg5[%add3A_227, %dma_start3A_233] : memref<10000x128xf32, #tpu.memory_space<vmem_shared>> -> memref<16x128xf32, #tpu.memory_space<vmem_shared>>
    %dma_start3A_235 = arith.constant 0 : i32
    %dma_start3A_236 = tpu.memref_slice %arg5[%add3A_227, %dma_start3A_235] : memref<10000x128xf32, #tpu.memory_space<vmem_shared>> -> memref<16x128xf32, #tpu.memory_space<vmem_shared>>
    %dma_start3A_237 = arith.constant 0 : i32
    %dma_start3A_238 = arith.constant 0 : i32
    %dma_start3A_239 = tpu.memref_slice %arg7[%dma_start3A_228, %dma_start3A_237, %dma_start3A_238] : memref<3x128x128xf32, #tpu.memory_space<vmem>> -> memref<1x16x128xf32, #tpu.memory_space<vmem>>
    %dma_start3A_240 = tpu.memref_squeeze %dma_start3A_239 : memref<1x16x128xf32, #tpu.memory_space<vmem>> -> memref<16x128xf32, #tpu.memory_space<vmem>>
    tpu.enqueue_dma source(%dma_start3A_240 : memref<16x128xf32, #tpu.memory_space<vmem>>) target(%dma_start3A_236 : memref<16x128xf32, #tpu.memory_space<vmem_shared>>) target_semaphore(%arg11 : memref<!tpu.dma_semaphore, #tpu.memory_space<semaphore_mem>>)
    %add3A_241 = arith.constant 208 : i32
    %add3A_242 = arith.addi %mul3A_2, %add3A_241 : i32
    %dma_start3A_243 = arith.constant 2 : i32
    %dma_start3A_244 = arith.constant 0 : i32
    %dma_start3A_245 = arith.constant 0 : i32
    %dma_start3A_246 = tpu.memref_slice %arg7[%dma_start3A_243, %dma_start3A_244, %dma_start3A_245] : memref<3x128x128xf32, #tpu.memory_space<vmem>> -> memref<1x16x128xf32, #tpu.memory_space<vmem>>
    %dma_start3A_247 = tpu.memref_squeeze %dma_start3A_246 : memref<1x16x128xf32, #tpu.memory_space<vmem>> -> memref<16x128xf32, #tpu.memory_space<vmem>>
    %dma_start3A_248 = arith.constant 0 : i32
    %dma_start3A_249 = tpu.memref_slice %arg5[%add3A_242, %dma_start3A_248] : memref<10000x128xf32, #tpu.memory_space<vmem_shared>> -> memref<16x128xf32, #tpu.memory_space<vmem_shared>>
    %dma_start3A_250 = arith.constant 0 : i32
    %dma_start3A_251 = tpu.memref_slice %arg5[%add3A_242, %dma_start3A_250] : memref<10000x128xf32, #tpu.memory_space<vmem_shared>> -> memref<16x128xf32, #tpu.memory_space<vmem_shared>>
    %dma_start3A_252 = arith.constant 0 : i32
    %dma_start3A_253 = arith.constant 0 : i32
    %dma_start3A_254 = tpu.memref_slice %arg7[%dma_start3A_243, %dma_start3A_252, %dma_start3A_253] : memref<3x128x128xf32, #tpu.memory_space<vmem>> -> memref<1x16x128xf32, #tpu.memory_space<vmem>>
    %dma_start3A_255 = tpu.memref_squeeze %dma_start3A_254 : memref<1x16x128xf32, #tpu.memory_space<vmem>> -> memref<16x128xf32, #tpu.memory_space<vmem>>
    tpu.enqueue_dma source(%dma_start3A_255 : memref<16x128xf32, #tpu.memory_space<vmem>>) target(%dma_start3A_251 : memref<16x128xf32, #tpu.memory_space<vmem_shared>>) target_semaphore(%arg11 : memref<!tpu.dma_semaphore, #tpu.memory_space<semaphore_mem>>)
    %add3A_256 = arith.constant 224 : i32
    %add3A_257 = arith.addi %mul3A_2, %add3A_256 : i32
    %dma_start3A_258 = arith.constant 2 : i32
    %dma_start3A_259 = arith.constant 0 : i32
    %dma_start3A_260 = arith.constant 0 : i32
    %dma_start3A_261 = tpu.memref_slice %arg7[%dma_start3A_258, %dma_start3A_259, %dma_start3A_260] : memref<3x128x128xf32, #tpu.memory_space<vmem>> -> memref<1x16x128xf32, #tpu.memory_space<vmem>>
    %dma_start3A_262 = tpu.memref_squeeze %dma_start3A_261 : memref<1x16x128xf32, #tpu.memory_space<vmem>> -> memref<16x128xf32, #tpu.memory_space<vmem>>
    %dma_start3A_263 = arith.constant 0 : i32
    %dma_start3A_264 = tpu.memref_slice %arg5[%add3A_257, %dma_start3A_263] : memref<10000x128xf32, #tpu.memory_space<vmem_shared>> -> memref<16x128xf32, #tpu.memory_space<vmem_shared>>
    %dma_start3A_265 = arith.constant 0 : i32
    %dma_start3A_266 = tpu.memref_slice %arg5[%add3A_257, %dma_start3A_265] : memref<10000x128xf32, #tpu.memory_space<vmem_shared>> -> memref<16x128xf32, #tpu.memory_space<vmem_shared>>
    %dma_start3A_267 = arith.constant 0 : i32
    %dma_start3A_268 = arith.constant 0 : i32
    %dma_start3A_269 = tpu.memref_slice %arg7[%dma_start3A_258, %dma_start3A_267, %dma_start3A_268] : memref<3x128x128xf32, #tpu.memory_space<vmem>> -> memref<1x16x128xf32, #tpu.memory_space<vmem>>
    %dma_start3A_270 = tpu.memref_squeeze %dma_start3A_269 : memref<1x16x128xf32, #tpu.memory_space<vmem>> -> memref<16x128xf32, #tpu.memory_space<vmem>>
    tpu.enqueue_dma source(%dma_start3A_270 : memref<16x128xf32, #tpu.memory_space<vmem>>) target(%dma_start3A_266 : memref<16x128xf32, #tpu.memory_space<vmem_shared>>) target_semaphore(%arg11 : memref<!tpu.dma_semaphore, #tpu.memory_space<semaphore_mem>>)
    %add3A_271 = arith.constant 240 : i32
    %add3A_272 = arith.addi %mul3A_2, %add3A_271 : i32
    %dma_start3A_273 = arith.constant 2 : i32
    %dma_start3A_274 = arith.constant 0 : i32
    %dma_start3A_275 = arith.constant 0 : i32
    %dma_start3A_276 = tpu.memref_slice %arg7[%dma_start3A_273, %dma_start3A_274, %dma_start3A_275] : memref<3x128x128xf32, #tpu.memory_space<vmem>> -> memref<1x16x128xf32, #tpu.memory_space<vmem>>
    %dma_start3A_277 = tpu.memref_squeeze %dma_start3A_276 : memref<1x16x128xf32, #tpu.memory_space<vmem>> -> memref<16x128xf32, #tpu.memory_space<vmem>>
    %dma_start3A_278 = arith.constant 0 : i32
    %dma_start3A_279 = tpu.memref_slice %arg5[%add3A_272, %dma_start3A_278] : memref<10000x128xf32, #tpu.memory_space<vmem_shared>> -> memref<16x128xf32, #tpu.memory_space<vmem_shared>>
    %dma_start3A_280 = arith.constant 0 : i32
    %dma_start3A_281 = tpu.memref_slice %arg5[%add3A_272, %dma_start3A_280] : memref<10000x128xf32, #tpu.memory_space<vmem_shared>> -> memref<16x128xf32, #tpu.memory_space<vmem_shared>>
    %dma_start3A_282 = arith.constant 0 : i32
    %dma_start3A_283 = arith.constant 0 : i32
    %dma_start3A_284 = tpu.memref_slice %arg7[%dma_start3A_273, %dma_start3A_282, %dma_start3A_283] : memref<3x128x128xf32, #tpu.memory_space<vmem>> -> memref<1x16x128xf32, #tpu.memory_space<vmem>>
    %dma_start3A_285 = tpu.memref_squeeze %dma_start3A_284 : memref<1x16x128xf32, #tpu.memory_space<vmem>> -> memref<16x128xf32, #tpu.memory_space<vmem>>
    tpu.enqueue_dma source(%dma_start3A_285 : memref<16x128xf32, #tpu.memory_space<vmem>>) target(%dma_start3A_281 : memref<16x128xf32, #tpu.memory_space<vmem_shared>>) target_semaphore(%arg11 : memref<!tpu.dma_semaphore, #tpu.memory_space<semaphore_mem>>)
    %add3A_286 = arith.constant 256 : i32
    %add3A_287 = arith.addi %mul3A_2, %add3A_286 : i32
    %dma_start3A_288 = arith.constant 2 : i32
    %dma_start3A_289 = arith.constant 0 : i32
    %dma_start3A_290 = arith.constant 0 : i32
    %dma_start3A_291 = tpu.memref_slice %arg7[%dma_start3A_288, %dma_start3A_289, %dma_start3A_290] : memref<3x128x128xf32, #tpu.memory_space<vmem>> -> memref<1x16x128xf32, #tpu.memory_space<vmem>>
    %dma_start3A_292 = tpu.memref_squeeze %dma_start3A_291 : memref<1x16x128xf32, #tpu.memory_space<vmem>> -> memref<16x128xf32, #tpu.memory_space<vmem>>
    %dma_start3A_293 = arith.constant 0 : i32
    %dma_start3A_294 = tpu.memref_slice %arg5[%add3A_287, %dma_start3A_293] : memref<10000x128xf32, #tpu.memory_space<vmem_shared>> -> memref<16x128xf32, #tpu.memory_space<vmem_shared>>
    %dma_start3A_295 = arith.constant 0 : i32
    %dma_start3A_296 = tpu.memref_slice %arg5[%add3A_287, %dma_start3A_295] : memref<10000x128xf32, #tpu.memory_space<vmem_shared>> -> memref<16x128xf32, #tpu.memory_space<vmem_shared>>
    %dma_start3A_297 = arith.constant 0 : i32
    %dma_start3A_298 = arith.constant 0 : i32
    %dma_start3A_299 = tpu.memref_slice %arg7[%dma_start3A_288, %dma_start3A_297, %dma_start3A_298] : memref<3x128x128xf32, #tpu.memory_space<vmem>> -> memref<1x16x128xf32, #tpu.memory_space<vmem>>
    %dma_start3A_300 = tpu.memref_squeeze %dma_start3A_299 : memref<1x16x128xf32, #tpu.memory_space<vmem>> -> memref<16x128xf32, #tpu.memory_space<vmem>>
    tpu.enqueue_dma source(%dma_start3A_300 : memref<16x128xf32, #tpu.memory_space<vmem>>) target(%dma_start3A_296 : memref<16x128xf32, #tpu.memory_space<vmem_shared>>) target_semaphore(%arg11 : memref<!tpu.dma_semaphore, #tpu.memory_space<semaphore_mem>>)
    %add3A_301 = arith.constant 272 : i32
    %add3A_302 = arith.addi %mul3A_2, %add3A_301 : i32
    %dma_start3A_303 = arith.constant 2 : i32
    %dma_start3A_304 = arith.constant 0 : i32
    %dma_start3A_305 = arith.constant 0 : i32
    %dma_start3A_306 = tpu.memref_slice %arg7[%dma_start3A_303, %dma_start3A_304, %dma_start3A_305] : memref<3x128x128xf32, #tpu.memory_space<vmem>> -> memref<1x16x128xf32, #tpu.memory_space<vmem>>
    %dma_start3A_307 = tpu.memref_squeeze %dma_start3A_306 : memref<1x16x128xf32, #tpu.memory_space<vmem>> -> memref<16x128xf32, #tpu.memory_space<vmem>>
    %dma_start3A_308 = arith.constant 0 : i32
    %dma_start3A_309 = tpu.memref_slice %arg5[%add3A_302, %dma_start3A_308] : memref<10000x128xf32, #tpu.memory_space<vmem_shared>> -> memref<16x128xf32, #tpu.memory_space<vmem_shared>>
    %dma_start3A_310 = arith.constant 0 : i32
    %dma_start3A_311 = tpu.memref_slice %arg5[%add3A_302, %dma_start3A_310] : memref<10000x128xf32, #tpu.memory_space<vmem_shared>> -> memref<16x128xf32, #tpu.memory_space<vmem_shared>>
    %dma_start3A_312 = arith.constant 0 : i32
    %dma_start3A_313 = arith.constant 0 : i32
    %dma_start3A_314 = tpu.memref_slice %arg7[%dma_start3A_303, %dma_start3A_312, %dma_start3A_313] : memref<3x128x128xf32, #tpu.memory_space<vmem>> -> memref<1x16x128xf32, #tpu.memory_space<vmem>>
    %dma_start3A_315 = tpu.memref_squeeze %dma_start3A_314 : memref<1x16x128xf32, #tpu.memory_space<vmem>> -> memref<16x128xf32, #tpu.memory_space<vmem>>
    tpu.enqueue_dma source(%dma_start3A_315 : memref<16x128xf32, #tpu.memory_space<vmem>>) target(%dma_start3A_311 : memref<16x128xf32, #tpu.memory_space<vmem_shared>>) target_semaphore(%arg11 : memref<!tpu.dma_semaphore, #tpu.memory_space<semaphore_mem>>)
    %add3A_316 = arith.constant 288 : i32
    %add3A_317 = arith.addi %mul3A_2, %add3A_316 : i32
    %dma_start3A_318 = arith.constant 2 : i32
    %dma_start3A_319 = arith.constant 0 : i32
    %dma_start3A_320 = arith.constant 0 : i32
    %dma_start3A_321 = tpu.memref_slice %arg7[%dma_start3A_318, %dma_start3A_319, %dma_start3A_320] : memref<3x128x128xf32, #tpu.memory_space<vmem>> -> memref<1x16x128xf32, #tpu.memory_space<vmem>>
    %dma_start3A_322 = tpu.memref_squeeze %dma_start3A_321 : memref<1x16x128xf32, #tpu.memory_space<vmem>> -> memref<16x128xf32, #tpu.memory_space<vmem>>
    %dma_start3A_323 = arith.constant 0 : i32
    %dma_start3A_324 = tpu.memref_slice %arg5[%add3A_317, %dma_start3A_323] : memref<10000x128xf32, #tpu.memory_space<vmem_shared>> -> memref<16x128xf32, #tpu.memory_space<vmem_shared>>
    %dma_start3A_325 = arith.constant 0 : i32
    %dma_start3A_326 = tpu.memref_slice %arg5[%add3A_317, %dma_start3A_325] : memref<10000x128xf32, #tpu.memory_space<vmem_shared>> -> memref<16x128xf32, #tpu.memory_space<vmem_shared>>
    %dma_start3A_327 = arith.constant 0 : i32
    %dma_start3A_328 = arith.constant 0 : i32
    %dma_start3A_329 = tpu.memref_slice %arg7[%dma_start3A_318, %dma_start3A_327, %dma_start3A_328] : memref<3x128x128xf32, #tpu.memory_space<vmem>> -> memref<1x16x128xf32, #tpu.memory_space<vmem>>
    %dma_start3A_330 = tpu.memref_squeeze %dma_start3A_329 : memref<1x16x128xf32, #tpu.memory_space<vmem>> -> memref<16x128xf32, #tpu.memory_space<vmem>>
    tpu.enqueue_dma source(%dma_start3A_330 : memref<16x128xf32, #tpu.memory_space<vmem>>) target(%dma_start3A_326 : memref<16x128xf32, #tpu.memory_space<vmem_shared>>) target_semaphore(%arg11 : memref<!tpu.dma_semaphore, #tpu.memory_space<semaphore_mem>>)
    %add3A_331 = arith.constant 304 : i32
    %add3A_332 = arith.addi %mul3A_2, %add3A_331 : i32
    %dma_start3A_333 = arith.constant 2 : i32
    %dma_start3A_334 = arith.constant 0 : i32
    %dma_start3A_335 = arith.constant 0 : i32
    %dma_start3A_336 = tpu.memref_slice %arg7[%dma_start3A_333, %dma_start3A_334, %dma_start3A_335] : memref<3x128x128xf32, #tpu.memory_space<vmem>> -> memref<1x16x128xf32, #tpu.memory_space<vmem>>
    %dma_start3A_337 = tpu.memref_squeeze %dma_start3A_336 : memref<1x16x128xf32, #tpu.memory_space<vmem>> -> memref<16x128xf32, #tpu.memory_space<vmem>>
    %dma_start3A_338 = arith.constant 0 : i32
    %dma_start3A_339 = tpu.memref_slice %arg5[%add3A_332, %dma_start3A_338] : memref<10000x128xf32, #tpu.memory_space<vmem_shared>> -> memref<16x128xf32, #tpu.memory_space<vmem_shared>>
    %dma_start3A_340 = arith.constant 0 : i32
    %dma_start3A_341 = tpu.memref_slice %arg5[%add3A_332, %dma_start3A_340] : memref<10000x128xf32, #tpu.memory_space<vmem_shared>> -> memref<16x128xf32, #tpu.memory_space<vmem_shared>>
    %dma_start3A_342 = arith.constant 0 : i32
    %dma_start3A_343 = arith.constant 0 : i32
    %dma_start3A_344 = tpu.memref_slice %arg7[%dma_start3A_333, %dma_start3A_342, %dma_start3A_343] : memref<3x128x128xf32, #tpu.memory_space<vmem>> -> memref<1x16x128xf32, #tpu.memory_space<vmem>>
    %dma_start3A_345 = tpu.memref_squeeze %dma_start3A_344 : memref<1x16x128xf32, #tpu.memory_space<vmem>> -> memref<16x128xf32, #tpu.memory_space<vmem>>
    tpu.enqueue_dma source(%dma_start3A_345 : memref<16x128xf32, #tpu.memory_space<vmem>>) target(%dma_start3A_341 : memref<16x128xf32, #tpu.memory_space<vmem_shared>>) target_semaphore(%arg11 : memref<!tpu.dma_semaphore, #tpu.memory_space<semaphore_mem>>)
    %add3A_346 = arith.constant 320 : i32
    %add3A_347 = arith.addi %mul3A_2, %add3A_346 : i32
    %dma_start3A_348 = arith.constant 2 : i32
    %dma_start3A_349 = arith.constant 0 : i32
    %dma_start3A_350 = arith.constant 0 : i32
    %dma_start3A_351 = tpu.memref_slice %arg7[%dma_start3A_348, %dma_start3A_349, %dma_start3A_350] : memref<3x128x128xf32, #tpu.memory_space<vmem>> -> memref<1x16x128xf32, #tpu.memory_space<vmem>>
    %dma_start3A_352 = tpu.memref_squeeze %dma_start3A_351 : memref<1x16x128xf32, #tpu.memory_space<vmem>> -> memref<16x128xf32, #tpu.memory_space<vmem>>
    %dma_start3A_353 = arith.constant 0 : i32
    %dma_start3A_354 = tpu.memref_slice %arg5[%add3A_347, %dma_start3A_353] : memref<10000x128xf32, #tpu.memory_space<vmem_shared>> -> memref<16x128xf32, #tpu.memory_space<vmem_shared>>
    %dma_start3A_355 = arith.constant 0 : i32
    %dma_start3A_356 = tpu.memref_slice %arg5[%add3A_347, %dma_start3A_355] : memref<10000x128xf32, #tpu.memory_space<vmem_shared>> -> memref<16x128xf32, #tpu.memory_space<vmem_shared>>
    %dma_start3A_357 = arith.constant 0 : i32
    %dma_start3A_358 = arith.constant 0 : i32
    %dma_start3A_359 = tpu.memref_slice %arg7[%dma_start3A_348, %dma_start3A_357, %dma_start3A_358] : memref<3x128x128xf32, #tpu.memory_space<vmem>> -> memref<1x16x128xf32, #tpu.memory_space<vmem>>
    %dma_start3A_360 = tpu.memref_squeeze %dma_start3A_359 : memref<1x16x128xf32, #tpu.memory_space<vmem>> -> memref<16x128xf32, #tpu.memory_space<vmem>>
    tpu.enqueue_dma source(%dma_start3A_360 : memref<16x128xf32, #tpu.memory_space<vmem>>) target(%dma_start3A_356 : memref<16x128xf32, #tpu.memory_space<vmem_shared>>) target_semaphore(%arg11 : memref<!tpu.dma_semaphore, #tpu.memory_space<semaphore_mem>>)
    %add3A_361 = arith.constant 336 : i32
    %add3A_362 = arith.addi %mul3A_2, %add3A_361 : i32
    %dma_start3A_363 = arith.constant 2 : i32
    %dma_start3A_364 = arith.constant 0 : i32
    %dma_start3A_365 = arith.constant 0 : i32
    %dma_start3A_366 = tpu.memref_slice %arg7[%dma_start3A_363, %dma_start3A_364, %dma_start3A_365] : memref<3x128x128xf32, #tpu.memory_space<vmem>> -> memref<1x16x128xf32, #tpu.memory_space<vmem>>
    %dma_start3A_367 = tpu.memref_squeeze %dma_start3A_366 : memref<1x16x128xf32, #tpu.memory_space<vmem>> -> memref<16x128xf32, #tpu.memory_space<vmem>>
    %dma_start3A_368 = arith.constant 0 : i32
    %dma_start3A_369 = tpu.memref_slice %arg5[%add3A_362, %dma_start3A_368] : memref<10000x128xf32, #tpu.memory_space<vmem_shared>> -> memref<16x128xf32, #tpu.memory_space<vmem_shared>>
    %dma_start3A_370 = arith.constant 0 : i32
    %dma_start3A_371 = tpu.memref_slice %arg5[%add3A_362, %dma_start3A_370] : memref<10000x128xf32, #tpu.memory_space<vmem_shared>> -> memref<16x128xf32, #tpu.memory_space<vmem_shared>>
    %dma_start3A_372 = arith.constant 0 : i32
    %dma_start3A_373 = arith.constant 0 : i32
    %dma_start3A_374 = tpu.memref_slice %arg7[%dma_start3A_363, %dma_start3A_372, %dma_start3A_373] : memref<3x128x128xf32, #tpu.memory_space<vmem>> -> memref<1x16x128xf32, #tpu.memory_space<vmem>>
    %dma_start3A_375 = tpu.memref_squeeze %dma_start3A_374 : memref<1x16x128xf32, #tpu.memory_space<vmem>> -> memref<16x128xf32, #tpu.memory_space<vmem>>
    tpu.enqueue_dma source(%dma_start3A_375 : memref<16x128xf32, #tpu.memory_space<vmem>>) target(%dma_start3A_371 : memref<16x128xf32, #tpu.memory_space<vmem_shared>>) target_semaphore(%arg11 : memref<!tpu.dma_semaphore, #tpu.memory_space<semaphore_mem>>)
    %add3A_376 = arith.constant 352 : i32
    %add3A_377 = arith.addi %mul3A_2, %add3A_376 : i32
    %dma_start3A_378 = arith.constant 2 : i32
    %dma_start3A_379 = arith.constant 0 : i32
    %dma_start3A_380 = arith.constant 0 : i32
    %dma_start3A_381 = tpu.memref_slice %arg7[%dma_start3A_378, %dma_start3A_379, %dma_start3A_380] : memref<3x128x128xf32, #tpu.memory_space<vmem>> -> memref<1x16x128xf32, #tpu.memory_space<vmem>>
    %dma_start3A_382 = tpu.memref_squeeze %dma_start3A_381 : memref<1x16x128xf32, #tpu.memory_space<vmem>> -> memref<16x128xf32, #tpu.memory_space<vmem>>
    %dma_start3A_383 = arith.constant 0 : i32
    %dma_start3A_384 = tpu.memref_slice %arg5[%add3A_377, %dma_start3A_383] : memref<10000x128xf32, #tpu.memory_space<vmem_shared>> -> memref<16x128xf32, #tpu.memory_space<vmem_shared>>
    %dma_start3A_385 = arith.constant 0 : i32
    %dma_start3A_386 = tpu.memref_slice %arg5[%add3A_377, %dma_start3A_385] : memref<10000x128xf32, #tpu.memory_space<vmem_shared>> -> memref<16x128xf32, #tpu.memory_space<vmem_shared>>
    %dma_start3A_387 = arith.constant 0 : i32
    %dma_start3A_388 = arith.constant 0 : i32
    %dma_start3A_389 = tpu.memref_slice %arg7[%dma_start3A_378, %dma_start3A_387, %dma_start3A_388] : memref<3x128x128xf32, #tpu.memory_space<vmem>> -> memref<1x16x128xf32, #tpu.memory_space<vmem>>
    %dma_start3A_390 = tpu.memref_squeeze %dma_start3A_389 : memref<1x16x128xf32, #tpu.memory_space<vmem>> -> memref<16x128xf32, #tpu.memory_space<vmem>>
    tpu.enqueue_dma source(%dma_start3A_390 : memref<16x128xf32, #tpu.memory_space<vmem>>) target(%dma_start3A_386 : memref<16x128xf32, #tpu.memory_space<vmem_shared>>) target_semaphore(%arg11 : memref<!tpu.dma_semaphore, #tpu.memory_space<semaphore_mem>>)
    %add3A_391 = arith.constant 368 : i32
    %add3A_392 = arith.addi %mul3A_2, %add3A_391 : i32
    %dma_start3A_393 = arith.constant 2 : i32
    %dma_start3A_394 = arith.constant 0 : i32
    %dma_start3A_395 = arith.constant 0 : i32
    %dma_start3A_396 = tpu.memref_slice %arg7[%dma_start3A_393, %dma_start3A_394, %dma_start3A_395] : memref<3x128x128xf32, #tpu.memory_space<vmem>> -> memref<1x16x128xf32, #tpu.memory_space<vmem>>
    %dma_start3A_397 = tpu.memref_squeeze %dma_start3A_396 : memref<1x16x128xf32, #tpu.memory_space<vmem>> -> memref<16x128xf32, #tpu.memory_space<vmem>>
    %dma_start3A_398 = arith.constant 0 : i32
    %dma_start3A_399 = tpu.memref_slice %arg5[%add3A_392, %dma_start3A_398] : memref<10000x128xf32, #tpu.memory_space<vmem_shared>> -> memref<16x128xf32, #tpu.memory_space<vmem_shared>>
    %dma_start3A_400 = arith.constant 0 : i32
    %dma_start3A_401 = tpu.memref_slice %arg5[%add3A_392, %dma_start3A_400] : memref<10000x128xf32, #tpu.memory_space<vmem_shared>> -> memref<16x128xf32, #tpu.memory_space<vmem_shared>>
    %dma_start3A_402 = arith.constant 0 : i32
    %dma_start3A_403 = arith.constant 0 : i32
    %dma_start3A_404 = tpu.memref_slice %arg7[%dma_start3A_393, %dma_start3A_402, %dma_start3A_403] : memref<3x128x128xf32, #tpu.memory_space<vmem>> -> memref<1x16x128xf32, #tpu.memory_space<vmem>>
    %dma_start3A_405 = tpu.memref_squeeze %dma_start3A_404 : memref<1x16x128xf32, #tpu.memory_space<vmem>> -> memref<16x128xf32, #tpu.memory_space<vmem>>
    tpu.enqueue_dma source(%dma_start3A_405 : memref<16x128xf32, #tpu.memory_space<vmem>>) target(%dma_start3A_401 : memref<16x128xf32, #tpu.memory_space<vmem_shared>>) target_semaphore(%arg11 : memref<!tpu.dma_semaphore, #tpu.memory_space<semaphore_mem>>)
    %add3A_406 = arith.constant 384 : i32
    %add3A_407 = arith.addi %mul3A_2, %add3A_406 : i32
    %dma_start3A_408 = arith.constant 2 : i32
    %dma_start3A_409 = arith.constant 0 : i32
    %dma_start3A_410 = arith.constant 0 : i32
    %dma_start3A_411 = tpu.memref_slice %arg7[%dma_start3A_408, %dma_start3A_409, %dma_start3A_410] : memref<3x128x128xf32, #tpu.memory_space<vmem>> -> memref<1x16x128xf32, #tpu.memory_space<vmem>>
    %dma_start3A_412 = tpu.memref_squeeze %dma_start3A_411 : memref<1x16x128xf32, #tpu.memory_space<vmem>> -> memref<16x128xf32, #tpu.memory_space<vmem>>
    %dma_start3A_413 = arith.constant 0 : i32
    %dma_start3A_414 = tpu.memref_slice %arg5[%add3A_407, %dma_start3A_413] : memref<10000x128xf32, #tpu.memory_space<vmem_shared>> -> memref<16x128xf32, #tpu.memory_space<vmem_shared>>
    %dma_start3A_415 = arith.constant 0 : i32
    %dma_start3A_416 = tpu.memref_slice %arg5[%add3A_407, %dma_start3A_415] : memref<10000x128xf32, #tpu.memory_space<vmem_shared>> -> memref<16x128xf32, #tpu.memory_space<vmem_shared>>
    %dma_start3A_417 = arith.constant 0 : i32
    %dma_start3A_418 = arith.constant 0 : i32
    %dma_start3A_419 = tpu.memref_slice %arg7[%dma_start3A_408, %dma_start3A_417, %dma_start3A_418] : memref<3x128x128xf32, #tpu.memory_space<vmem>> -> memref<1x16x128xf32, #tpu.memory_space<vmem>>
    %dma_start3A_420 = tpu.memref_squeeze %dma_start3A_419 : memref<1x16x128xf32, #tpu.memory_space<vmem>> -> memref<16x128xf32, #tpu.memory_space<vmem>>
    tpu.enqueue_dma source(%dma_start3A_420 : memref<16x128xf32, #tpu.memory_space<vmem>>) target(%dma_start3A_416 : memref<16x128xf32, #tpu.memory_space<vmem_shared>>) target_semaphore(%arg11 : memref<!tpu.dma_semaphore, #tpu.memory_space<semaphore_mem>>)
    %add3A_421 = arith.constant 400 : i32
    %add3A_422 = arith.addi %mul3A_2, %add3A_421 : i32
    %dma_start3A_423 = arith.constant 2 : i32
    %dma_start3A_424 = arith.constant 0 : i32
    %dma_start3A_425 = arith.constant 0 : i32
    %dma_start3A_426 = tpu.memref_slice %arg7[%dma_start3A_423, %dma_start3A_424, %dma_start3A_425] : memref<3x128x128xf32, #tpu.memory_space<vmem>> -> memref<1x16x128xf32, #tpu.memory_space<vmem>>
    %dma_start3A_427 = tpu.memref_squeeze %dma_start3A_426 : memref<1x16x128xf32, #tpu.memory_space<vmem>> -> memref<16x128xf32, #tpu.memory_space<vmem>>
    %dma_start3A_428 = arith.constant 0 : i32
    %dma_start3A_429 = tpu.memref_slice %arg5[%add3A_422, %dma_start3A_428] : memref<10000x128xf32, #tpu.memory_space<vmem_shared>> -> memref<16x128xf32, #tpu.memory_space<vmem_shared>>
    %dma_start3A_430 = arith.constant 0 : i32
    %dma_start3A_431 = tpu.memref_slice %arg5[%add3A_422, %dma_start3A_430] : memref<10000x128xf32, #tpu.memory_space<vmem_shared>> -> memref<16x128xf32, #tpu.memory_space<vmem_shared>>
    %dma_start3A_432 = arith.constant 0 : i32
    %dma_start3A_433 = arith.constant 0 : i32
    %dma_start3A_434 = tpu.memref_slice %arg7[%dma_start3A_423, %dma_start3A_432, %dma_start3A_433] : memref<3x128x128xf32, #tpu.memory_space<vmem>> -> memref<1x16x128xf32, #tpu.memory_space<vmem>>
    %dma_start3A_435 = tpu.memref_squeeze %dma_start3A_434 : memref<1x16x128xf32, #tpu.memory_space<vmem>> -> memref<16x128xf32, #tpu.memory_space<vmem>>
    tpu.enqueue_dma source(%dma_start3A_435 : memref<16x128xf32, #tpu.memory_space<vmem>>) target(%dma_start3A_431 : memref<16x128xf32, #tpu.memory_space<vmem_shared>>) target_semaphore(%arg11 : memref<!tpu.dma_semaphore, #tpu.memory_space<semaphore_mem>>)
    %add3A_436 = arith.constant 416 : i32
    %add3A_437 = arith.addi %mul3A_2, %add3A_436 : i32
    %dma_start3A_438 = arith.constant 2 : i32
    %dma_start3A_439 = arith.constant 0 : i32
    %dma_start3A_440 = arith.constant 0 : i32
    %dma_start3A_441 = tpu.memref_slice %arg7[%dma_start3A_438, %dma_start3A_439, %dma_start3A_440] : memref<3x128x128xf32, #tpu.memory_space<vmem>> -> memref<1x16x128xf32, #tpu.memory_space<vmem>>
    %dma_start3A_442 = tpu.memref_squeeze %dma_start3A_441 : memref<1x16x128xf32, #tpu.memory_space<vmem>> -> memref<16x128xf32, #tpu.memory_space<vmem>>
    %dma_start3A_443 = arith.constant 0 : i32
    %dma_start3A_444 = tpu.memref_slice %arg5[%add3A_437, %dma_start3A_443] : memref<10000x128xf32, #tpu.memory_space<vmem_shared>> -> memref<16x128xf32, #tpu.memory_space<vmem_shared>>
    %dma_start3A_445 = arith.constant 0 : i32
    %dma_start3A_446 = tpu.memref_slice %arg5[%add3A_437, %dma_start3A_445] : memref<10000x128xf32, #tpu.memory_space<vmem_shared>> -> memref<16x128xf32, #tpu.memory_space<vmem_shared>>
    %dma_start3A_447 = arith.constant 0 : i32
    %dma_start3A_448 = arith.constant 0 : i32
    %dma_start3A_449 = tpu.memref_slice %arg7[%dma_start3A_438, %dma_start3A_447, %dma_start3A_448] : memref<3x128x128xf32, #tpu.memory_space<vmem>> -> memref<1x16x128xf32, #tpu.memory_space<vmem>>
    %dma_start3A_450 = tpu.memref_squeeze %dma_start3A_449 : memref<1x16x128xf32, #tpu.memory_space<vmem>> -> memref<16x128xf32, #tpu.memory_space<vmem>>
    tpu.enqueue_dma source(%dma_start3A_450 : memref<16x128xf32, #tpu.memory_space<vmem>>) target(%dma_start3A_446 : memref<16x128xf32, #tpu.memory_space<vmem_shared>>) target_semaphore(%arg11 : memref<!tpu.dma_semaphore, #tpu.memory_space<semaphore_mem>>)
    %add3A_451 = arith.constant 432 : i32
    %add3A_452 = arith.addi %mul3A_2, %add3A_451 : i32
    %dma_start3A_453 = arith.constant 2 : i32
    %dma_start3A_454 = arith.constant 0 : i32
    %dma_start3A_455 = arith.constant 0 : i32
    %dma_start3A_456 = tpu.memref_slice %arg7[%dma_start3A_453, %dma_start3A_454, %dma_start3A_455] : memref<3x128x128xf32, #tpu.memory_space<vmem>> -> memref<1x16x128xf32, #tpu.memory_space<vmem>>
    %dma_start3A_457 = tpu.memref_squeeze %dma_start3A_456 : memref<1x16x128xf32, #tpu.memory_space<vmem>> -> memref<16x128xf32, #tpu.memory_space<vmem>>
    %dma_start3A_458 = arith.constant 0 : i32
    %dma_start3A_459 = tpu.memref_slice %arg5[%add3A_452, %dma_start3A_458] : memref<10000x128xf32, #tpu.memory_space<vmem_shared>> -> memref<16x128xf32, #tpu.memory_space<vmem_shared>>
    %dma_start3A_460 = arith.constant 0 : i32
    %dma_start3A_461 = tpu.memref_slice %arg5[%add3A_452, %dma_start3A_460] : memref<10000x128xf32, #tpu.memory_space<vmem_shared>> -> memref<16x128xf32, #tpu.memory_space<vmem_shared>>
    %dma_start3A_462 = arith.constant 0 : i32
    %dma_start3A_463 = arith.constant 0 : i32
    %dma_start3A_464 = tpu.memref_slice %arg7[%dma_start3A_453, %dma_start3A_462, %dma_start3A_463] : memref<3x128x128xf32, #tpu.memory_space<vmem>> -> memref<1x16x128xf32, #tpu.memory_space<vmem>>
    %dma_start3A_465 = tpu.memref_squeeze %dma_start3A_464 : memref<1x16x128xf32, #tpu.memory_space<vmem>> -> memref<16x128xf32, #tpu.memory_space<vmem>>
    tpu.enqueue_dma source(%dma_start3A_465 : memref<16x128xf32, #tpu.memory_space<vmem>>) target(%dma_start3A_461 : memref<16x128xf32, #tpu.memory_space<vmem_shared>>) target_semaphore(%arg11 : memref<!tpu.dma_semaphore, #tpu.memory_space<semaphore_mem>>)
    %add3A_466 = arith.constant 448 : i32
    %add3A_467 = arith.addi %mul3A_2, %add3A_466 : i32
    %dma_start3A_468 = arith.constant 2 : i32
    %dma_start3A_469 = arith.constant 0 : i32
    %dma_start3A_470 = arith.constant 0 : i32
    %dma_start3A_471 = tpu.memref_slice %arg7[%dma_start3A_468, %dma_start3A_469, %dma_start3A_470] : memref<3x128x128xf32, #tpu.memory_space<vmem>> -> memref<1x16x128xf32, #tpu.memory_space<vmem>>
    %dma_start3A_472 = tpu.memref_squeeze %dma_start3A_471 : memref<1x16x128xf32, #tpu.memory_space<vmem>> -> memref<16x128xf32, #tpu.memory_space<vmem>>
    %dma_start3A_473 = arith.constant 0 : i32
    %dma_start3A_474 = tpu.memref_slice %arg5[%add3A_467, %dma_start3A_473] : memref<10000x128xf32, #tpu.memory_space<vmem_shared>> -> memref<16x128xf32, #tpu.memory_space<vmem_shared>>
    %dma_start3A_475 = arith.constant 0 : i32
    %dma_start3A_476 = tpu.memref_slice %arg5[%add3A_467, %dma_start3A_475] : memref<10000x128xf32, #tpu.memory_space<vmem_shared>> -> memref<16x128xf32, #tpu.memory_space<vmem_shared>>
    %dma_start3A_477 = arith.constant 0 : i32
    %dma_start3A_478 = arith.constant 0 : i32
    %dma_start3A_479 = tpu.memref_slice %arg7[%dma_start3A_468, %dma_start3A_477, %dma_start3A_478] : memref<3x128x128xf32, #tpu.memory_space<vmem>> -> memref<1x16x128xf32, #tpu.memory_space<vmem>>
    %dma_start3A_480 = tpu.memref_squeeze %dma_start3A_479 : memref<1x16x128xf32, #tpu.memory_space<vmem>> -> memref<16x128xf32, #tpu.memory_space<vmem>>
    tpu.enqueue_dma source(%dma_start3A_480 : memref<16x128xf32, #tpu.memory_space<vmem>>) target(%dma_start3A_476 : memref<16x128xf32, #tpu.memory_space<vmem_shared>>) target_semaphore(%arg11 : memref<!tpu.dma_semaphore, #tpu.memory_space<semaphore_mem>>)
    %add3A_481 = arith.constant 464 : i32
    %add3A_482 = arith.addi %mul3A_2, %add3A_481 : i32
    %dma_start3A_483 = arith.constant 2 : i32
    %dma_start3A_484 = arith.constant 0 : i32
    %dma_start3A_485 = arith.constant 0 : i32
    %dma_start3A_486 = tpu.memref_slice %arg7[%dma_start3A_483, %dma_start3A_484, %dma_start3A_485] : memref<3x128x128xf32, #tpu.memory_space<vmem>> -> memref<1x16x128xf32, #tpu.memory_space<vmem>>
    %dma_start3A_487 = tpu.memref_squeeze %dma_start3A_486 : memref<1x16x128xf32, #tpu.memory_space<vmem>> -> memref<16x128xf32, #tpu.memory_space<vmem>>
    %dma_start3A_488 = arith.constant 0 : i32
    %dma_start3A_489 = tpu.memref_slice %arg5[%add3A_482, %dma_start3A_488] : memref<10000x128xf32, #tpu.memory_space<vmem_shared>> -> memref<16x128xf32, #tpu.memory_space<vmem_shared>>
    %dma_start3A_490 = arith.constant 0 : i32
    %dma_start3A_491 = tpu.memref_slice %arg5[%add3A_482, %dma_start3A_490] : memref<10000x128xf32, #tpu.memory_space<vmem_shared>> -> memref<16x128xf32, #tpu.memory_space<vmem_shared>>
    %dma_start3A_492 = arith.constant 0 : i32
    %dma_start3A_493 = arith.constant 0 : i32
    %dma_start3A_494 = tpu.memref_slice %arg7[%dma_start3A_483, %dma_start3A_492, %dma_start3A_493] : memref<3x128x128xf32, #tpu.memory_space<vmem>> -> memref<1x16x128xf32, #tpu.memory_space<vmem>>
    %dma_start3A_495 = tpu.memref_squeeze %dma_start3A_494 : memref<1x16x128xf32, #tpu.memory_space<vmem>> -> memref<16x128xf32, #tpu.memory_space<vmem>>
    tpu.enqueue_dma source(%dma_start3A_495 : memref<16x128xf32, #tpu.memory_space<vmem>>) target(%dma_start3A_491 : memref<16x128xf32, #tpu.memory_space<vmem_shared>>) target_semaphore(%arg11 : memref<!tpu.dma_semaphore, #tpu.memory_space<semaphore_mem>>)
    %add3A_496 = arith.constant 480 : i32
    %add3A_497 = arith.addi %mul3A_2, %add3A_496 : i32
    %dma_start3A_498 = arith.constant 2 : i32
    %dma_start3A_499 = arith.constant 0 : i32
    %dma_start3A_500 = arith.constant 0 : i32
    %dma_start3A_501 = tpu.memref_slice %arg7[%dma_start3A_498, %dma_start3A_499, %dma_start3A_500] : memref<3x128x128xf32, #tpu.memory_space<vmem>> -> memref<1x16x128xf32, #tpu.memory_space<vmem>>
    %dma_start3A_502 = tpu.memref_squeeze %dma_start3A_501 : memref<1x16x128xf32, #tpu.memory_space<vmem>> -> memref<16x128xf32, #tpu.memory_space<vmem>>
    %dma_start3A_503 = arith.constant 0 : i32
    %dma_start3A_504 = tpu.memref_slice %arg5[%add3A_497, %dma_start3A_503] : memref<10000x128xf32, #tpu.memory_space<vmem_shared>> -> memref<16x128xf32, #tpu.memory_space<vmem_shared>>
    %dma_start3A_505 = arith.constant 0 : i32
    %dma_start3A_506 = tpu.memref_slice %arg5[%add3A_497, %dma_start3A_505] : memref<10000x128xf32, #tpu.memory_space<vmem_shared>> -> memref<16x128xf32, #tpu.memory_space<vmem_shared>>
    %dma_start3A_507 = arith.constant 0 : i32
    %dma_start3A_508 = arith.constant 0 : i32
    %dma_start3A_509 = tpu.memref_slice %arg7[%dma_start3A_498, %dma_start3A_507, %dma_start3A_508] : memref<3x128x128xf32, #tpu.memory_space<vmem>> -> memref<1x16x128xf32, #tpu.memory_space<vmem>>
    %dma_start3A_510 = tpu.memref_squeeze %dma_start3A_509 : memref<1x16x128xf32, #tpu.memory_space<vmem>> -> memref<16x128xf32, #tpu.memory_space<vmem>>
    tpu.enqueue_dma source(%dma_start3A_510 : memref<16x128xf32, #tpu.memory_space<vmem>>) target(%dma_start3A_506 : memref<16x128xf32, #tpu.memory_space<vmem_shared>>) target_semaphore(%arg11 : memref<!tpu.dma_semaphore, #tpu.memory_space<semaphore_mem>>)
    %add3A_511 = arith.constant 496 : i32
    %add3A_512 = arith.addi %mul3A_2, %add3A_511 : i32
    %dma_start3A_513 = arith.constant 2 : i32
    %dma_start3A_514 = arith.constant 0 : i32
    %dma_start3A_515 = arith.constant 0 : i32
    %dma_start3A_516 = tpu.memref_slice %arg7[%dma_start3A_513, %dma_start3A_514, %dma_start3A_515] : memref<3x128x128xf32, #tpu.memory_space<vmem>> -> memref<1x16x128xf32, #tpu.memory_space<vmem>>
    %dma_start3A_517 = tpu.memref_squeeze %dma_start3A_516 : memref<1x16x128xf32, #tpu.memory_space<vmem>> -> memref<16x128xf32, #tpu.memory_space<vmem>>
    %dma_start3A_518 = arith.constant 0 : i32
    %dma_start3A_519 = tpu.memref_slice %arg5[%add3A_512, %dma_start3A_518] : memref<10000x128xf32, #tpu.memory_space<vmem_shared>> -> memref<16x128xf32, #tpu.memory_space<vmem_shared>>
    %dma_start3A_520 = arith.constant 0 : i32
    %dma_start3A_521 = tpu.memref_slice %arg5[%add3A_512, %dma_start3A_520] : memref<10000x128xf32, #tpu.memory_space<vmem_shared>> -> memref<16x128xf32, #tpu.memory_space<vmem_shared>>
    %dma_start3A_522 = arith.constant 0 : i32
    %dma_start3A_523 = arith.constant 0 : i32
    %dma_start3A_524 = tpu.memref_slice %arg7[%dma_start3A_513, %dma_start3A_522, %dma_start3A_523] : memref<3x128x128xf32, #tpu.memory_space<vmem>> -> memref<1x16x128xf32, #tpu.memory_space<vmem>>
    %dma_start3A_525 = tpu.memref_squeeze %dma_start3A_524 : memref<1x16x128xf32, #tpu.memory_space<vmem>> -> memref<16x128xf32, #tpu.memory_space<vmem>>
    tpu.enqueue_dma source(%dma_start3A_525 : memref<16x128xf32, #tpu.memory_space<vmem>>) target(%dma_start3A_521 : memref<16x128xf32, #tpu.memory_space<vmem_shared>>) target_semaphore(%arg11 : memref<!tpu.dma_semaphore, #tpu.memory_space<semaphore_mem>>)
    %add3A_526 = arith.constant 512 : i32
    %add3A_527 = arith.addi %mul3A_2, %add3A_526 : i32
    %dma_start3A_528 = arith.constant 2 : i32
    %dma_start3A_529 = arith.constant 0 : i32
    %dma_start3A_530 = arith.constant 0 : i32
    %dma_start3A_531 = tpu.memref_slice %arg7[%dma_start3A_528, %dma_start3A_529, %dma_start3A_530] : memref<3x128x128xf32, #tpu.memory_space<vmem>> -> memref<1x16x128xf32, #tpu.memory_space<vmem>>
    %dma_start3A_532 = tpu.memref_squeeze %dma_start3A_531 : memref<1x16x128xf32, #tpu.memory_space<vmem>> -> memref<16x128xf32, #tpu.memory_space<vmem>>
    %dma_start3A_533 = arith.constant 0 : i32
    %dma_start3A_534 = tpu.memref_slice %arg5[%add3A_527, %dma_start3A_533] : memref<10000x128xf32, #tpu.memory_space<vmem_shared>> -> memref<16x128xf32, #tpu.memory_space<vmem_shared>>
    %dma_start3A_535 = arith.constant 0 : i32
    %dma_start3A_536 = tpu.memref_slice %arg5[%add3A_527, %dma_start3A_535] : memref<10000x128xf32, #tpu.memory_space<vmem_shared>> -> memref<16x128xf32, #tpu.memory_space<vmem_shared>>
    %dma_start3A_537 = arith.constant 0 : i32
    %dma_start3A_538 = arith.constant 0 : i32
    %dma_start3A_539 = tpu.memref_slice %arg7[%dma_start3A_528, %dma_start3A_537, %dma_start3A_538] : memref<3x128x128xf32, #tpu.memory_space<vmem>> -> memref<1x16x128xf32, #tpu.memory_space<vmem>>
    %dma_start3A_540 = tpu.memref_squeeze %dma_start3A_539 : memref<1x16x128xf32, #tpu.memory_space<vmem>> -> memref<16x128xf32, #tpu.memory_space<vmem>>
    tpu.enqueue_dma source(%dma_start3A_540 : memref<16x128xf32, #tpu.memory_space<vmem>>) target(%dma_start3A_536 : memref<16x128xf32, #tpu.memory_space<vmem_shared>>) target_semaphore(%arg11 : memref<!tpu.dma_semaphore, #tpu.memory_space<semaphore_mem>>)
    %add3A_541 = arith.constant 528 : i32
    %add3A_542 = arith.addi %mul3A_2, %add3A_541 : i32
    %dma_start3A_543 = arith.constant 2 : i32
    %dma_start3A_544 = arith.constant 0 : i32
    %dma_start3A_545 = arith.constant 0 : i32
    %dma_start3A_546 = tpu.memref_slice %arg7[%dma_start3A_543, %dma_start3A_544, %dma_start3A_545] : memref<3x128x128xf32, #tpu.memory_space<vmem>> -> memref<1x16x128xf32, #tpu.memory_space<vmem>>
    %dma_start3A_547 = tpu.memref_squeeze %dma_start3A_546 : memref<1x16x128xf32, #tpu.memory_space<vmem>> -> memref<16x128xf32, #tpu.memory_space<vmem>>
    %dma_start3A_548 = arith.constant 0 : i32
    %dma_start3A_549 = tpu.memref_slice %arg5[%add3A_542, %dma_start3A_548] : memref<10000x128xf32, #tpu.memory_space<vmem_shared>> -> memref<16x128xf32, #tpu.memory_space<vmem_shared>>
    %dma_start3A_550 = arith.constant 0 : i32
    %dma_start3A_551 = tpu.memref_slice %arg5[%add3A_542, %dma_start3A_550] : memref<10000x128xf32, #tpu.memory_space<vmem_shared>> -> memref<16x128xf32, #tpu.memory_space<vmem_shared>>
    %dma_start3A_552 = arith.constant 0 : i32
    %dma_start3A_553 = arith.constant 0 : i32
    %dma_start3A_554 = tpu.memref_slice %arg7[%dma_start3A_543, %dma_start3A_552, %dma_start3A_553] : memref<3x128x128xf32, #tpu.memory_space<vmem>> -> memref<1x16x128xf32, #tpu.memory_space<vmem>>
    %dma_start3A_555 = tpu.memref_squeeze %dma_start3A_554 : memref<1x16x128xf32, #tpu.memory_space<vmem>> -> memref<16x128xf32, #tpu.memory_space<vmem>>
    tpu.enqueue_dma source(%dma_start3A_555 : memref<16x128xf32, #tpu.memory_space<vmem>>) target(%dma_start3A_551 : memref<16x128xf32, #tpu.memory_space<vmem_shared>>) target_semaphore(%arg11 : memref<!tpu.dma_semaphore, #tpu.memory_space<semaphore_mem>>)
    %add3A_556 = arith.constant 544 : i32
    %add3A_557 = arith.addi %mul3A_2, %add3A_556 : i32
    %dma_start3A_558 = arith.constant 2 : i32
    %dma_start3A_559 = arith.constant 0 : i32
    %dma_start3A_560 = arith.constant 0 : i32
    %dma_start3A_561 = tpu.memref_slice %arg7[%dma_start3A_558, %dma_start3A_559, %dma_start3A_560] : memref<3x128x128xf32, #tpu.memory_space<vmem>> -> memref<1x16x128xf32, #tpu.memory_space<vmem>>
    %dma_start3A_562 = tpu.memref_squeeze %dma_start3A_561 : memref<1x16x128xf32, #tpu.memory_space<vmem>> -> memref<16x128xf32, #tpu.memory_space<vmem>>
    %dma_start3A_563 = arith.constant 0 : i32
    %dma_start3A_564 = tpu.memref_slice %arg5[%add3A_557, %dma_start3A_563] : memref<10000x128xf32, #tpu.memory_space<vmem_shared>> -> memref<16x128xf32, #tpu.memory_space<vmem_shared>>
    %dma_start3A_565 = arith.constant 0 : i32
    %dma_start3A_566 = tpu.memref_slice %arg5[%add3A_557, %dma_start3A_565] : memref<10000x128xf32, #tpu.memory_space<vmem_shared>> -> memref<16x128xf32, #tpu.memory_space<vmem_shared>>
    %dma_start3A_567 = arith.constant 0 : i32
    %dma_start3A_568 = arith.constant 0 : i32
    %dma_start3A_569 = tpu.memref_slice %arg7[%dma_start3A_558, %dma_start3A_567, %dma_start3A_568] : memref<3x128x128xf32, #tpu.memory_space<vmem>> -> memref<1x16x128xf32, #tpu.memory_space<vmem>>
    %dma_start3A_570 = tpu.memref_squeeze %dma_start3A_569 : memref<1x16x128xf32, #tpu.memory_space<vmem>> -> memref<16x128xf32, #tpu.memory_space<vmem>>
    tpu.enqueue_dma source(%dma_start3A_570 : memref<16x128xf32, #tpu.memory_space<vmem>>) target(%dma_start3A_566 : memref<16x128xf32, #tpu.memory_space<vmem_shared>>) target_semaphore(%arg11 : memref<!tpu.dma_semaphore, #tpu.memory_space<semaphore_mem>>)
    %add3A_571 = arith.constant 560 : i32
    %add3A_572 = arith.addi %mul3A_2, %add3A_571 : i32
    %dma_start3A_573 = arith.constant 2 : i32
    %dma_start3A_574 = arith.constant 0 : i32
    %dma_start3A_575 = arith.constant 0 : i32
    %dma_start3A_576 = tpu.memref_slice %arg7[%dma_start3A_573, %dma_start3A_574, %dma_start3A_575] : memref<3x128x128xf32, #tpu.memory_space<vmem>> -> memref<1x16x128xf32, #tpu.memory_space<vmem>>
    %dma_start3A_577 = tpu.memref_squeeze %dma_start3A_576 : memref<1x16x128xf32, #tpu.memory_space<vmem>> -> memref<16x128xf32, #tpu.memory_space<vmem>>
    %dma_start3A_578 = arith.constant 0 : i32
    %dma_start3A_579 = tpu.memref_slice %arg5[%add3A_572, %dma_start3A_578] : memref<10000x128xf32, #tpu.memory_space<vmem_shared>> -> memref<16x128xf32, #tpu.memory_space<vmem_shared>>
    %dma_start3A_580 = arith.constant 0 : i32
    %dma_start3A_581 = tpu.memref_slice %arg5[%add3A_572, %dma_start3A_580] : memref<10000x128xf32, #tpu.memory_space<vmem_shared>> -> memref<16x128xf32, #tpu.memory_space<vmem_shared>>
    %dma_start3A_582 = arith.constant 0 : i32
    %dma_start3A_583 = arith.constant 0 : i32
    %dma_start3A_584 = tpu.memref_slice %arg7[%dma_start3A_573, %dma_start3A_582, %dma_start3A_583] : memref<3x128x128xf32, #tpu.memory_space<vmem>> -> memref<1x16x128xf32, #tpu.memory_space<vmem>>
    %dma_start3A_585 = tpu.memref_squeeze %dma_start3A_584 : memref<1x16x128xf32, #tpu.memory_space<vmem>> -> memref<16x128xf32, #tpu.memory_space<vmem>>
    tpu.enqueue_dma source(%dma_start3A_585 : memref<16x128xf32, #tpu.memory_space<vmem>>) target(%dma_start3A_581 : memref<16x128xf32, #tpu.memory_space<vmem_shared>>) target_semaphore(%arg11 : memref<!tpu.dma_semaphore, #tpu.memory_space<semaphore_mem>>)
    %add3A_586 = arith.constant 576 : i32
    %add3A_587 = arith.addi %mul3A_2, %add3A_586 : i32
    %dma_start3A_588 = arith.constant 2 : i32
    %dma_start3A_589 = arith.constant 0 : i32
    %dma_start3A_590 = arith.constant 0 : i32
    %dma_start3A_591 = tpu.memref_slice %arg7[%dma_start3A_588, %dma_start3A_589, %dma_start3A_590] : memref<3x128x128xf32, #tpu.memory_space<vmem>> -> memref<1x16x128xf32, #tpu.memory_space<vmem>>
    %dma_start3A_592 = tpu.memref_squeeze %dma_start3A_591 : memref<1x16x128xf32, #tpu.memory_space<vmem>> -> memref<16x128xf32, #tpu.memory_space<vmem>>
    %dma_start3A_593 = arith.constant 0 : i32
    %dma_start3A_594 = tpu.memref_slice %arg5[%add3A_587, %dma_start3A_593] : memref<10000x128xf32, #tpu.memory_space<vmem_shared>> -> memref<16x128xf32, #tpu.memory_space<vmem_shared>>
    %dma_start3A_595 = arith.constant 0 : i32
    %dma_start3A_596 = tpu.memref_slice %arg5[%add3A_587, %dma_start3A_595] : memref<10000x128xf32, #tpu.memory_space<vmem_shared>> -> memref<16x128xf32, #tpu.memory_space<vmem_shared>>
    %dma_start3A_597 = arith.constant 0 : i32
    %dma_start3A_598 = arith.constant 0 : i32
    %dma_start3A_599 = tpu.memref_slice %arg7[%dma_start3A_588, %dma_start3A_597, %dma_start3A_598] : memref<3x128x128xf32, #tpu.memory_space<vmem>> -> memref<1x16x128xf32, #tpu.memory_space<vmem>>
    %dma_start3A_600 = tpu.memref_squeeze %dma_start3A_599 : memref<1x16x128xf32, #tpu.memory_space<vmem>> -> memref<16x128xf32, #tpu.memory_space<vmem>>
    tpu.enqueue_dma source(%dma_start3A_600 : memref<16x128xf32, #tpu.memory_space<vmem>>) target(%dma_start3A_596 : memref<16x128xf32, #tpu.memory_space<vmem_shared>>) target_semaphore(%arg11 : memref<!tpu.dma_semaphore, #tpu.memory_space<semaphore_mem>>)
    %add3A_601 = arith.constant 592 : i32
    %add3A_602 = arith.addi %mul3A_2, %add3A_601 : i32
    %dma_start3A_603 = arith.constant 2 : i32
    %dma_start3A_604 = arith.constant 0 : i32
    %dma_start3A_605 = arith.constant 0 : i32
    %dma_start3A_606 = tpu.memref_slice %arg7[%dma_start3A_603, %dma_start3A_604, %dma_start3A_605] : memref<3x128x128xf32, #tpu.memory_space<vmem>> -> memref<1x16x128xf32, #tpu.memory_space<vmem>>
    %dma_start3A_607 = tpu.memref_squeeze %dma_start3A_606 : memref<1x16x128xf32, #tpu.memory_space<vmem>> -> memref<16x128xf32, #tpu.memory_space<vmem>>
    %dma_start3A_608 = arith.constant 0 : i32
    %dma_start3A_609 = tpu.memref_slice %arg5[%add3A_602, %dma_start3A_608] : memref<10000x128xf32, #tpu.memory_space<vmem_shared>> -> memref<16x128xf32, #tpu.memory_space<vmem_shared>>
    %dma_start3A_610 = arith.constant 0 : i32
    %dma_start3A_611 = tpu.memref_slice %arg5[%add3A_602, %dma_start3A_610] : memref<10000x128xf32, #tpu.memory_space<vmem_shared>> -> memref<16x128xf32, #tpu.memory_space<vmem_shared>>
    %dma_start3A_612 = arith.constant 0 : i32
    %dma_start3A_613 = arith.constant 0 : i32
    %dma_start3A_614 = tpu.memref_slice %arg7[%dma_start3A_603, %dma_start3A_612, %dma_start3A_613] : memref<3x128x128xf32, #tpu.memory_space<vmem>> -> memref<1x16x128xf32, #tpu.memory_space<vmem>>
    %dma_start3A_615 = tpu.memref_squeeze %dma_start3A_614 : memref<1x16x128xf32, #tpu.memory_space<vmem>> -> memref<16x128xf32, #tpu.memory_space<vmem>>
    tpu.enqueue_dma source(%dma_start3A_615 : memref<16x128xf32, #tpu.memory_space<vmem>>) target(%dma_start3A_611 : memref<16x128xf32, #tpu.memory_space<vmem_shared>>) target_semaphore(%arg11 : memref<!tpu.dma_semaphore, #tpu.memory_space<semaphore_mem>>)
    %add3A_616 = arith.constant 608 : i32
    %add3A_617 = arith.addi %mul3A_2, %add3A_616 : i32
    %dma_start3A_618 = arith.constant 2 : i32
    %dma_start3A_619 = arith.constant 0 : i32
    %dma_start3A_620 = arith.constant 0 : i32
    %dma_start3A_621 = tpu.memref_slice %arg7[%dma_start3A_618, %dma_start3A_619, %dma_start3A_620] : memref<3x128x128xf32, #tpu.memory_space<vmem>> -> memref<1x16x128xf32, #tpu.memory_space<vmem>>
    %dma_start3A_622 = tpu.memref_squeeze %dma_start3A_621 : memref<1x16x128xf32, #tpu.memory_space<vmem>> -> memref<16x128xf32, #tpu.memory_space<vmem>>
    %dma_start3A_623 = arith.constant 0 : i32
    %dma_start3A_624 = tpu.memref_slice %arg5[%add3A_617, %dma_start3A_623] : memref<10000x128xf32, #tpu.memory_space<vmem_shared>> -> memref<16x128xf32, #tpu.memory_space<vmem_shared>>
    %dma_start3A_625 = arith.constant 0 : i32
    %dma_start3A_626 = tpu.memref_slice %arg5[%add3A_617, %dma_start3A_625] : memref<10000x128xf32, #tpu.memory_space<vmem_shared>> -> memref<16x128xf32, #tpu.memory_space<vmem_shared>>
    %dma_start3A_627 = arith.constant 0 : i32
    %dma_start3A_628 = arith.constant 0 : i32
    %dma_start3A_629 = tpu.memref_slice %arg7[%dma_start3A_618, %dma_start3A_627, %dma_start3A_628] : memref<3x128x128xf32, #tpu.memory_space<vmem>> -> memref<1x16x128xf32, #tpu.memory_space<vmem>>
    %dma_start3A_630 = tpu.memref_squeeze %dma_start3A_629 : memref<1x16x128xf32, #tpu.memory_space<vmem>> -> memref<16x128xf32, #tpu.memory_space<vmem>>
    tpu.enqueue_dma source(%dma_start3A_630 : memref<16x128xf32, #tpu.memory_space<vmem>>) target(%dma_start3A_626 : memref<16x128xf32, #tpu.memory_space<vmem_shared>>) target_semaphore(%arg11 : memref<!tpu.dma_semaphore, #tpu.memory_space<semaphore_mem>>)
    %eq3A = arith.constant 15 : i32
    %eq3A_631 = arith.cmpi eq, %arg1, %eq3A : i32
    %convert_element_type3A_632 = arith.extui %eq3A_631 : i1 to i32
    %cond3A_633 = arith.constant 2 : i32
    %cond3A_634 = arith.constant 0 : i32
    %cond3A_635 = arith.cmpi ne, %convert_element_type3A_632, %cond3A_634 : i32
    scf.if %cond3A_635 {
      %dma_start3A_1219 = arith.constant 0 : i32
      %dma_start3A_1220 = arith.constant 0 : i32
      %dma_start3A_1221 = tpu.memref_slice %arg7[%cond3A_633, %dma_start3A_1219, %dma_start3A_1220] : memref<3x128x128xf32, #tpu.memory_space<vmem>> -> memref<1x16x128xf32, #tpu.memory_space<vmem>>
      %dma_start3A_1222 = tpu.memref_squeeze %dma_start3A_1221 : memref<1x16x128xf32, #tpu.memory_space<vmem>> -> memref<16x128xf32, #tpu.memory_space<vmem>>
      %dma_start3A_1223 = arith.constant 9984 : i32
      %dma_start3A_1224 = arith.constant 0 : i32
      %dma_start3A_1225 = tpu.memref_slice %arg5[%dma_start3A_1223, %dma_start3A_1224] : memref<10000x128xf32, #tpu.memory_space<vmem_shared>> -> memref<16x128xf32, #tpu.memory_space<vmem_shared>>
      %dma_start3A_1226 = arith.constant 9984 : i32
      %dma_start3A_1227 = arith.constant 0 : i32
      %dma_start3A_1228 = tpu.memref_slice %arg5[%dma_start3A_1226, %dma_start3A_1227] : memref<10000x128xf32, #tpu.memory_space<vmem_shared>> -> memref<16x128xf32, #tpu.memory_space<vmem_shared>>
      %dma_start3A_1229 = arith.constant 0 : i32
      %dma_start3A_1230 = arith.constant 0 : i32
      %dma_start3A_1231 = tpu.memref_slice %arg7[%cond3A_633, %dma_start3A_1229, %dma_start3A_1230] : memref<3x128x128xf32, #tpu.memory_space<vmem>> -> memref<1x16x128xf32, #tpu.memory_space<vmem>>
      %dma_start3A_1232 = tpu.memref_squeeze %dma_start3A_1231 : memref<1x16x128xf32, #tpu.memory_space<vmem>> -> memref<16x128xf32, #tpu.memory_space<vmem>>
      tpu.enqueue_dma source(%dma_start3A_1232 : memref<16x128xf32, #tpu.memory_space<vmem>>) target(%dma_start3A_1228 : memref<16x128xf32, #tpu.memory_space<vmem_shared>>) target_semaphore(%arg11 : memref<!tpu.dma_semaphore, #tpu.memory_space<semaphore_mem>>)
      %dma_wait3A_1233 = arith.constant 0 : i32
      %dma_wait3A_1234 = arith.constant 0 : i32
      %dma_wait3A_1235 = tpu.memref_slice %arg7[%cond3A_633, %dma_wait3A_1233, %dma_wait3A_1234] : memref<3x128x128xf32, #tpu.memory_space<vmem>> -> memref<1x16x128xf32, #tpu.memory_space<vmem>>
      %dma_wait3A_1236 = tpu.memref_squeeze %dma_wait3A_1235 : memref<1x16x128xf32, #tpu.memory_space<vmem>> -> memref<16x128xf32, #tpu.memory_space<vmem>>
      %dma_wait3A_1237 = arith.constant 9984 : i32
      %dma_wait3A_1238 = arith.constant 0 : i32
      %dma_wait3A_1239 = tpu.memref_slice %arg5[%dma_wait3A_1237, %dma_wait3A_1238] : memref<10000x128xf32, #tpu.memory_space<vmem_shared>> -> memref<16x128xf32, #tpu.memory_space<vmem_shared>>
      %dma_wait3A_1240 = arith.constant 9984 : i32
      %dma_wait3A_1241 = arith.constant 0 : i32
      %dma_wait3A_1242 = tpu.memref_slice %arg5[%dma_wait3A_1240, %dma_wait3A_1241] : memref<10000x128xf32, #tpu.memory_space<vmem_shared>> -> memref<16x128xf32, #tpu.memory_space<vmem_shared>>
      %dma_wait3A_1243 = arith.constant 0 : i32
      %dma_wait3A_1244 = arith.constant 0 : i32
      %dma_wait3A_1245 = tpu.memref_slice %arg7[%cond3A_633, %dma_wait3A_1243, %dma_wait3A_1244] : memref<3x128x128xf32, #tpu.memory_space<vmem>> -> memref<1x16x128xf32, #tpu.memory_space<vmem>>
      %dma_wait3A_1246 = tpu.memref_squeeze %dma_wait3A_1245 : memref<1x16x128xf32, #tpu.memory_space<vmem>> -> memref<16x128xf32, #tpu.memory_space<vmem>>
      tpu.wait_dma2 semaphore(%arg11 : memref<!tpu.dma_semaphore, #tpu.memory_space<semaphore_mem>>) src(%dma_wait3A_1246 : memref<16x128xf32, #tpu.memory_space<vmem>>) dst(%dma_wait3A_1242 : memref<16x128xf32, #tpu.memory_space<vmem_shared>>)
    } else {
    }
    %gt3A_636 = arith.constant 0 : i32
    %gt3A_637 = arith.cmpi sgt, %select_n3A, %gt3A_636 : i32
    %convert_element_type3A_638 = arith.extui %gt3A_637 : i1 to i32
    %cond3A_639 = arith.constant 0 : i32
    %cond3A_640 = arith.cmpi ne, %convert_element_type3A_638, %cond3A_639 : i32
    scf.if %cond3A_640 {
      %dma_wait3A_1219 = arith.constant 0 : i32
      %dma_wait3A_1220 = arith.constant 0 : i32
      %dma_wait3A_1221 = arith.constant 0 : i32
      %dma_wait3A_1222 = arith.constant 0 : i32
      %dma_wait3A_1223 = arith.constant 0 : i32
      %dma_wait3A_1224 = tpu.memref_slice %arg6[%dma_wait3A_1220, %dma_wait3A_1222, %dma_wait3A_1223] : memref<6x2x128xi32, #tpu.memory_space<vmem>> -> memref<1x2x128xi32, #tpu.memory_space<vmem>>
      %dma_wait3A_1225 = tpu.memref_squeeze %dma_wait3A_1224 : memref<1x2x128xi32, #tpu.memory_space<vmem>> -> memref<2x128xi32, #tpu.memory_space<vmem>>
      %dma_wait3A_1226 = arith.constant 0 : i32
      %dma_wait3A_1227 = arith.constant 0 : i32
      %dma_wait3A_1228 = tpu.memref_slice %arg2[%dma_wait3A_1219, %dma_wait3A_1226, %dma_wait3A_1227] : memref<2500x2x128xi32, #tpu.memory_space<hbm>> -> memref<1x2x128xi32, #tpu.memory_space<hbm>>
      %dma_wait3A_1229 = tpu.memref_squeeze %dma_wait3A_1228 : memref<1x2x128xi32, #tpu.memory_space<hbm>> -> memref<2x128xi32, #tpu.memory_space<hbm>>
      %dma_wait3A_1230 = tpu.memref_slice %arg8[%dma_wait3A_1221] : memref<6x!tpu.dma_semaphore, #tpu.memory_space<semaphore_mem>> -> memref<1x!tpu.dma_semaphore, #tpu.memory_space<semaphore_mem>>
      %dma_wait3A_1231 = tpu.memref_squeeze %dma_wait3A_1230 : memref<1x!tpu.dma_semaphore, #tpu.memory_space<semaphore_mem>> -> memref<!tpu.dma_semaphore, #tpu.memory_space<semaphore_mem>>
      %dma_wait3A_1232 = arith.constant 0 : i32
      %dma_wait3A_1233 = arith.constant 0 : i32
      %dma_wait3A_1234 = tpu.memref_slice %arg6[%dma_wait3A_1220, %dma_wait3A_1232, %dma_wait3A_1233] : memref<6x2x128xi32, #tpu.memory_space<vmem>> -> memref<1x2x128xi32, #tpu.memory_space<vmem>>
      %dma_wait3A_1235 = tpu.memref_squeeze %dma_wait3A_1234 : memref<1x2x128xi32, #tpu.memory_space<vmem>> -> memref<2x128xi32, #tpu.memory_space<vmem>>
      %dma_wait3A_1236 = arith.constant 0 : i32
      %dma_wait3A_1237 = arith.constant 0 : i32
      %dma_wait3A_1238 = tpu.memref_slice %arg2[%dma_wait3A_1219, %dma_wait3A_1236, %dma_wait3A_1237] : memref<2500x2x128xi32, #tpu.memory_space<hbm>> -> memref<1x2x128xi32, #tpu.memory_space<hbm>>
      %dma_wait3A_1239 = tpu.memref_squeeze %dma_wait3A_1238 : memref<1x2x128xi32, #tpu.memory_space<hbm>> -> memref<2x128xi32, #tpu.memory_space<hbm>>
      tpu.wait_dma2 semaphore(%dma_wait3A_1231 : memref<!tpu.dma_semaphore, #tpu.memory_space<semaphore_mem>>) src(%dma_wait3A_1239 : memref<2x128xi32, #tpu.memory_space<hbm>>) dst(%dma_wait3A_1235 : memref<2x128xi32, #tpu.memory_space<vmem>>)
      %dma_start3A_1240 = arith.constant 0 : i32
      %dma_start3A_1241 = arith.constant 0 : i32
      %dma_start3A_1242 = arith.constant 0 : i32
      %dma_start3A_1243 = arith.constant 0 : i32
      %dma_start3A_1244 = arith.constant 0 : i32
      %dma_start3A_1245 = arith.constant 0 : i32
      %dma_start3A_1246 = tpu.memref_slice %arg7[%dma_start3A_1242, %dma_start3A_1244, %dma_start3A_1245] : memref<3x128x128xf32, #tpu.memory_space<vmem>> -> memref<1x128x128xf32, #tpu.memory_space<vmem>>
      %dma_start3A_1247 = tpu.memref_squeeze %dma_start3A_1246 : memref<1x128x128xf32, #tpu.memory_space<vmem>> -> memref<128x128xf32, #tpu.memory_space<vmem>>
      %dma_start3A_1248 = arith.constant 0 : i32
      %dma_start3A_1249 = tpu.memref_slice %arg6[%dma_start3A_1240, %dma_start3A_1241, %dma_start3A_1248] : memref<6x2x128xi32, #tpu.memory_space<vmem>> -> memref<1x1x128xi32, #tpu.memory_space<vmem>>
      %dma_start3A_1250 = tpu.memref_squeeze %dma_start3A_1249 : memref<1x1x128xi32, #tpu.memory_space<vmem>> -> memref<128xi32, #tpu.memory_space<vmem>>
      %dma_start3A_1251 = arith.constant 0 : i32
      %dma_start3A_1252 = arith.constant 0 : i32
      %dma_start3A_1253 = tpu.memref_slice %arg3[%dma_start3A_1251, %dma_start3A_1252] : memref<10000x128xf32, #tpu.memory_space<hbm>> -> memref<10000x128xf32, #tpu.memory_space<hbm>>
      %dma_start3A_1254 = tpu.memref_slice %arg9[%dma_start3A_1243] : memref<3x!tpu.dma_semaphore, #tpu.memory_space<semaphore_mem>> -> memref<1x!tpu.dma_semaphore, #tpu.memory_space<semaphore_mem>>
      %dma_start3A_1255 = tpu.memref_squeeze %dma_start3A_1254 : memref<1x!tpu.dma_semaphore, #tpu.memory_space<semaphore_mem>> -> memref<!tpu.dma_semaphore, #tpu.memory_space<semaphore_mem>>
      tpu.enqueue_indirect_dma source(%dma_start3A_1253 : memref<10000x128xf32, #tpu.memory_space<hbm>>) target(%dma_start3A_1247 : memref<128x128xf32, #tpu.memory_space<vmem>>) offsets(%dma_start3A_1250 : memref<128xi32, #tpu.memory_space<vmem>>) semaphore(%dma_start3A_1255 : memref<!tpu.dma_semaphore, #tpu.memory_space<semaphore_mem>>)
    } else {
    }
    %gt3A_641 = arith.constant 1 : i32
    %gt3A_642 = arith.cmpi sgt, %select_n3A, %gt3A_641 : i32
    %convert_element_type3A_643 = arith.extui %gt3A_642 : i1 to i32
    %cond3A_644 = arith.constant 0 : i32
    %cond3A_645 = arith.cmpi ne, %convert_element_type3A_643, %cond3A_644 : i32
    scf.if %cond3A_645 {
      %dma_wait3A_1219 = arith.constant 0 : i32
      %dma_wait3A_1220 = arith.constant 1 : i32
      %dma_wait3A_1221 = arith.constant 1 : i32
      %dma_wait3A_1222 = arith.constant 0 : i32
      %dma_wait3A_1223 = arith.constant 0 : i32
      %dma_wait3A_1224 = tpu.memref_slice %arg6[%dma_wait3A_1220, %dma_wait3A_1222, %dma_wait3A_1223] : memref<6x2x128xi32, #tpu.memory_space<vmem>> -> memref<1x2x128xi32, #tpu.memory_space<vmem>>
      %dma_wait3A_1225 = tpu.memref_squeeze %dma_wait3A_1224 : memref<1x2x128xi32, #tpu.memory_space<vmem>> -> memref<2x128xi32, #tpu.memory_space<vmem>>
      %dma_wait3A_1226 = arith.constant 0 : i32
      %dma_wait3A_1227 = arith.constant 0 : i32
      %dma_wait3A_1228 = tpu.memref_slice %arg2[%dma_wait3A_1219, %dma_wait3A_1226, %dma_wait3A_1227] : memref<2500x2x128xi32, #tpu.memory_space<hbm>> -> memref<1x2x128xi32, #tpu.memory_space<hbm>>
      %dma_wait3A_1229 = tpu.memref_squeeze %dma_wait3A_1228 : memref<1x2x128xi32, #tpu.memory_space<hbm>> -> memref<2x128xi32, #tpu.memory_space<hbm>>
      %dma_wait3A_1230 = tpu.memref_slice %arg8[%dma_wait3A_1221] : memref<6x!tpu.dma_semaphore, #tpu.memory_space<semaphore_mem>> -> memref<1x!tpu.dma_semaphore, #tpu.memory_space<semaphore_mem>>
      %dma_wait3A_1231 = tpu.memref_squeeze %dma_wait3A_1230 : memref<1x!tpu.dma_semaphore, #tpu.memory_space<semaphore_mem>> -> memref<!tpu.dma_semaphore, #tpu.memory_space<semaphore_mem>>
      %dma_wait3A_1232 = arith.constant 0 : i32
      %dma_wait3A_1233 = arith.constant 0 : i32
      %dma_wait3A_1234 = tpu.memref_slice %arg6[%dma_wait3A_1220, %dma_wait3A_1232, %dma_wait3A_1233] : memref<6x2x128xi32, #tpu.memory_space<vmem>> -> memref<1x2x128xi32, #tpu.memory_space<vmem>>
      %dma_wait3A_1235 = tpu.memref_squeeze %dma_wait3A_1234 : memref<1x2x128xi32, #tpu.memory_space<vmem>> -> memref<2x128xi32, #tpu.memory_space<vmem>>
      %dma_wait3A_1236 = arith.constant 0 : i32
      %dma_wait3A_1237 = arith.constant 0 : i32
      %dma_wait3A_1238 = tpu.memref_slice %arg2[%dma_wait3A_1219, %dma_wait3A_1236, %dma_wait3A_1237] : memref<2500x2x128xi32, #tpu.memory_space<hbm>> -> memref<1x2x128xi32, #tpu.memory_space<hbm>>
      %dma_wait3A_1239 = tpu.memref_squeeze %dma_wait3A_1238 : memref<1x2x128xi32, #tpu.memory_space<hbm>> -> memref<2x128xi32, #tpu.memory_space<hbm>>
      tpu.wait_dma2 semaphore(%dma_wait3A_1231 : memref<!tpu.dma_semaphore, #tpu.memory_space<semaphore_mem>>) src(%dma_wait3A_1239 : memref<2x128xi32, #tpu.memory_space<hbm>>) dst(%dma_wait3A_1235 : memref<2x128xi32, #tpu.memory_space<vmem>>)
      %dma_start3A_1240 = arith.constant 1 : i32
      %dma_start3A_1241 = arith.constant 0 : i32
      %dma_start3A_1242 = arith.constant 1 : i32
      %dma_start3A_1243 = arith.constant 1 : i32
      %dma_start3A_1244 = arith.constant 0 : i32
      %dma_start3A_1245 = arith.constant 0 : i32
      %dma_start3A_1246 = tpu.memref_slice %arg7[%dma_start3A_1242, %dma_start3A_1244, %dma_start3A_1245] : memref<3x128x128xf32, #tpu.memory_space<vmem>> -> memref<1x128x128xf32, #tpu.memory_space<vmem>>
      %dma_start3A_1247 = tpu.memref_squeeze %dma_start3A_1246 : memref<1x128x128xf32, #tpu.memory_space<vmem>> -> memref<128x128xf32, #tpu.memory_space<vmem>>
      %dma_start3A_1248 = arith.constant 0 : i32
      %dma_start3A_1249 = tpu.memref_slice %arg6[%dma_start3A_1240, %dma_start3A_1241, %dma_start3A_1248] : memref<6x2x128xi32, #tpu.memory_space<vmem>> -> memref<1x1x128xi32, #tpu.memory_space<vmem>>
      %dma_start3A_1250 = tpu.memref_squeeze %dma_start3A_1249 : memref<1x1x128xi32, #tpu.memory_space<vmem>> -> memref<128xi32, #tpu.memory_space<vmem>>
      %dma_start3A_1251 = arith.constant 0 : i32
      %dma_start3A_1252 = arith.constant 0 : i32
      %dma_start3A_1253 = tpu.memref_slice %arg3[%dma_start3A_1251, %dma_start3A_1252] : memref<10000x128xf32, #tpu.memory_space<hbm>> -> memref<10000x128xf32, #tpu.memory_space<hbm>>
      %dma_start3A_1254 = tpu.memref_slice %arg9[%dma_start3A_1243] : memref<3x!tpu.dma_semaphore, #tpu.memory_space<semaphore_mem>> -> memref<1x!tpu.dma_semaphore, #tpu.memory_space<semaphore_mem>>
      %dma_start3A_1255 = tpu.memref_squeeze %dma_start3A_1254 : memref<1x!tpu.dma_semaphore, #tpu.memory_space<semaphore_mem>> -> memref<!tpu.dma_semaphore, #tpu.memory_space<semaphore_mem>>
      tpu.enqueue_indirect_dma source(%dma_start3A_1253 : memref<10000x128xf32, #tpu.memory_space<hbm>>) target(%dma_start3A_1247 : memref<128x128xf32, #tpu.memory_space<vmem>>) offsets(%dma_start3A_1250 : memref<128xi32, #tpu.memory_space<vmem>>) semaphore(%dma_start3A_1255 : memref<!tpu.dma_semaphore, #tpu.memory_space<semaphore_mem>>)
    } else {
    }
    %dma_wait3A = arith.constant 2 : i32
    %dma_wait3A_646 = arith.constant 0 : i32
    %dma_wait3A_647 = arith.constant 0 : i32
    %dma_wait3A_648 = tpu.memref_slice %arg7[%dma_wait3A, %dma_wait3A_646, %dma_wait3A_647] : memref<3x128x128xf32, #tpu.memory_space<vmem>> -> memref<1x16x128xf32, #tpu.memory_space<vmem>>
    %dma_wait3A_649 = tpu.memref_squeeze %dma_wait3A_648 : memref<1x16x128xf32, #tpu.memory_space<vmem>> -> memref<16x128xf32, #tpu.memory_space<vmem>>
    %dma_wait3A_650 = arith.constant 0 : i32
    %dma_wait3A_651 = tpu.memref_slice %arg5[%add3A_48, %dma_wait3A_650] : memref<10000x128xf32, #tpu.memory_space<vmem_shared>> -> memref<16x128xf32, #tpu.memory_space<vmem_shared>>
    %dma_wait3A_652 = arith.constant 0 : i32
    %dma_wait3A_653 = tpu.memref_slice %arg5[%add3A_48, %dma_wait3A_652] : memref<10000x128xf32, #tpu.memory_space<vmem_shared>> -> memref<16x128xf32, #tpu.memory_space<vmem_shared>>
    %dma_wait3A_654 = arith.constant 0 : i32
    %dma_wait3A_655 = arith.constant 0 : i32
    %dma_wait3A_656 = tpu.memref_slice %arg7[%dma_wait3A, %dma_wait3A_654, %dma_wait3A_655] : memref<3x128x128xf32, #tpu.memory_space<vmem>> -> memref<1x16x128xf32, #tpu.memory_space<vmem>>
    %dma_wait3A_657 = tpu.memref_squeeze %dma_wait3A_656 : memref<1x16x128xf32, #tpu.memory_space<vmem>> -> memref<16x128xf32, #tpu.memory_space<vmem>>
    tpu.wait_dma2 semaphore(%arg11 : memref<!tpu.dma_semaphore, #tpu.memory_space<semaphore_mem>>) src(%dma_wait3A_657 : memref<16x128xf32, #tpu.memory_space<vmem>>) dst(%dma_wait3A_653 : memref<16x128xf32, #tpu.memory_space<vmem_shared>>)
    %dma_wait3A_658 = arith.constant 2 : i32
    %dma_wait3A_659 = arith.constant 0 : i32
    %dma_wait3A_660 = arith.constant 0 : i32
    %dma_wait3A_661 = tpu.memref_slice %arg7[%dma_wait3A_658, %dma_wait3A_659, %dma_wait3A_660] : memref<3x128x128xf32, #tpu.memory_space<vmem>> -> memref<1x16x128xf32, #tpu.memory_space<vmem>>
    %dma_wait3A_662 = tpu.memref_squeeze %dma_wait3A_661 : memref<1x16x128xf32, #tpu.memory_space<vmem>> -> memref<16x128xf32, #tpu.memory_space<vmem>>
    %dma_wait3A_663 = arith.constant 0 : i32
    %dma_wait3A_664 = tpu.memref_slice %arg5[%add3A_62, %dma_wait3A_663] : memref<10000x128xf32, #tpu.memory_space<vmem_shared>> -> memref<16x128xf32, #tpu.memory_space<vmem_shared>>
    %dma_wait3A_665 = arith.constant 0 : i32
    %dma_wait3A_666 = tpu.memref_slice %arg5[%add3A_62, %dma_wait3A_665] : memref<10000x128xf32, #tpu.memory_space<vmem_shared>> -> memref<16x128xf32, #tpu.memory_space<vmem_shared>>
    %dma_wait3A_667 = arith.constant 0 : i32
    %dma_wait3A_668 = arith.constant 0 : i32
    %dma_wait3A_669 = tpu.memref_slice %arg7[%dma_wait3A_658, %dma_wait3A_667, %dma_wait3A_668] : memref<3x128x128xf32, #tpu.memory_space<vmem>> -> memref<1x16x128xf32, #tpu.memory_space<vmem>>
    %dma_wait3A_670 = tpu.memref_squeeze %dma_wait3A_669 : memref<1x16x128xf32, #tpu.memory_space<vmem>> -> memref<16x128xf32, #tpu.memory_space<vmem>>
    tpu.wait_dma2 semaphore(%arg11 : memref<!tpu.dma_semaphore, #tpu.memory_space<semaphore_mem>>) src(%dma_wait3A_670 : memref<16x128xf32, #tpu.memory_space<vmem>>) dst(%dma_wait3A_666 : memref<16x128xf32, #tpu.memory_space<vmem_shared>>)
    %dma_wait3A_671 = arith.constant 2 : i32
    %dma_wait3A_672 = arith.constant 0 : i32
    %dma_wait3A_673 = arith.constant 0 : i32
    %dma_wait3A_674 = tpu.memref_slice %arg7[%dma_wait3A_671, %dma_wait3A_672, %dma_wait3A_673] : memref<3x128x128xf32, #tpu.memory_space<vmem>> -> memref<1x16x128xf32, #tpu.memory_space<vmem>>
    %dma_wait3A_675 = tpu.memref_squeeze %dma_wait3A_674 : memref<1x16x128xf32, #tpu.memory_space<vmem>> -> memref<16x128xf32, #tpu.memory_space<vmem>>
    %dma_wait3A_676 = arith.constant 0 : i32
    %dma_wait3A_677 = tpu.memref_slice %arg5[%add3A_77, %dma_wait3A_676] : memref<10000x128xf32, #tpu.memory_space<vmem_shared>> -> memref<16x128xf32, #tpu.memory_space<vmem_shared>>
    %dma_wait3A_678 = arith.constant 0 : i32
    %dma_wait3A_679 = tpu.memref_slice %arg5[%add3A_77, %dma_wait3A_678] : memref<10000x128xf32, #tpu.memory_space<vmem_shared>> -> memref<16x128xf32, #tpu.memory_space<vmem_shared>>
    %dma_wait3A_680 = arith.constant 0 : i32
    %dma_wait3A_681 = arith.constant 0 : i32
    %dma_wait3A_682 = tpu.memref_slice %arg7[%dma_wait3A_671, %dma_wait3A_680, %dma_wait3A_681] : memref<3x128x128xf32, #tpu.memory_space<vmem>> -> memref<1x16x128xf32, #tpu.memory_space<vmem>>
    %dma_wait3A_683 = tpu.memref_squeeze %dma_wait3A_682 : memref<1x16x128xf32, #tpu.memory_space<vmem>> -> memref<16x128xf32, #tpu.memory_space<vmem>>
    tpu.wait_dma2 semaphore(%arg11 : memref<!tpu.dma_semaphore, #tpu.memory_space<semaphore_mem>>) src(%dma_wait3A_683 : memref<16x128xf32, #tpu.memory_space<vmem>>) dst(%dma_wait3A_679 : memref<16x128xf32, #tpu.memory_space<vmem_shared>>)
    %dma_wait3A_684 = arith.constant 2 : i32
    %dma_wait3A_685 = arith.constant 0 : i32
    %dma_wait3A_686 = arith.constant 0 : i32
    %dma_wait3A_687 = tpu.memref_slice %arg7[%dma_wait3A_684, %dma_wait3A_685, %dma_wait3A_686] : memref<3x128x128xf32, #tpu.memory_space<vmem>> -> memref<1x16x128xf32, #tpu.memory_space<vmem>>
    %dma_wait3A_688 = tpu.memref_squeeze %dma_wait3A_687 : memref<1x16x128xf32, #tpu.memory_space<vmem>> -> memref<16x128xf32, #tpu.memory_space<vmem>>
    %dma_wait3A_689 = arith.constant 0 : i32
    %dma_wait3A_690 = tpu.memref_slice %arg5[%add3A_92, %dma_wait3A_689] : memref<10000x128xf32, #tpu.memory_space<vmem_shared>> -> memref<16x128xf32, #tpu.memory_space<vmem_shared>>
    %dma_wait3A_691 = arith.constant 0 : i32
    %dma_wait3A_692 = tpu.memref_slice %arg5[%add3A_92, %dma_wait3A_691] : memref<10000x128xf32, #tpu.memory_space<vmem_shared>> -> memref<16x128xf32, #tpu.memory_space<vmem_shared>>
    %dma_wait3A_693 = arith.constant 0 : i32
    %dma_wait3A_694 = arith.constant 0 : i32
    %dma_wait3A_695 = tpu.memref_slice %arg7[%dma_wait3A_684, %dma_wait3A_693, %dma_wait3A_694] : memref<3x128x128xf32, #tpu.memory_space<vmem>> -> memref<1x16x128xf32, #tpu.memory_space<vmem>>
    %dma_wait3A_696 = tpu.memref_squeeze %dma_wait3A_695 : memref<1x16x128xf32, #tpu.memory_space<vmem>> -> memref<16x128xf32, #tpu.memory_space<vmem>>
    tpu.wait_dma2 semaphore(%arg11 : memref<!tpu.dma_semaphore, #tpu.memory_space<semaphore_mem>>) src(%dma_wait3A_696 : memref<16x128xf32, #tpu.memory_space<vmem>>) dst(%dma_wait3A_692 : memref<16x128xf32, #tpu.memory_space<vmem_shared>>)
    %dma_wait3A_697 = arith.constant 2 : i32
    %dma_wait3A_698 = arith.constant 0 : i32
    %dma_wait3A_699 = arith.constant 0 : i32
    %dma_wait3A_700 = tpu.memref_slice %arg7[%dma_wait3A_697, %dma_wait3A_698, %dma_wait3A_699] : memref<3x128x128xf32, #tpu.memory_space<vmem>> -> memref<1x16x128xf32, #tpu.memory_space<vmem>>
    %dma_wait3A_701 = tpu.memref_squeeze %dma_wait3A_700 : memref<1x16x128xf32, #tpu.memory_space<vmem>> -> memref<16x128xf32, #tpu.memory_space<vmem>>
    %dma_wait3A_702 = arith.constant 0 : i32
    %dma_wait3A_703 = tpu.memref_slice %arg5[%add3A_107, %dma_wait3A_702] : memref<10000x128xf32, #tpu.memory_space<vmem_shared>> -> memref<16x128xf32, #tpu.memory_space<vmem_shared>>
    %dma_wait3A_704 = arith.constant 0 : i32
    %dma_wait3A_705 = tpu.memref_slice %arg5[%add3A_107, %dma_wait3A_704] : memref<10000x128xf32, #tpu.memory_space<vmem_shared>> -> memref<16x128xf32, #tpu.memory_space<vmem_shared>>
    %dma_wait3A_706 = arith.constant 0 : i32
    %dma_wait3A_707 = arith.constant 0 : i32
    %dma_wait3A_708 = tpu.memref_slice %arg7[%dma_wait3A_697, %dma_wait3A_706, %dma_wait3A_707] : memref<3x128x128xf32, #tpu.memory_space<vmem>> -> memref<1x16x128xf32, #tpu.memory_space<vmem>>
    %dma_wait3A_709 = tpu.memref_squeeze %dma_wait3A_708 : memref<1x16x128xf32, #tpu.memory_space<vmem>> -> memref<16x128xf32, #tpu.memory_space<vmem>>
    tpu.wait_dma2 semaphore(%arg11 : memref<!tpu.dma_semaphore, #tpu.memory_space<semaphore_mem>>) src(%dma_wait3A_709 : memref<16x128xf32, #tpu.memory_space<vmem>>) dst(%dma_wait3A_705 : memref<16x128xf32, #tpu.memory_space<vmem_shared>>)
    %dma_wait3A_710 = arith.constant 2 : i32
    %dma_wait3A_711 = arith.constant 0 : i32
    %dma_wait3A_712 = arith.constant 0 : i32
    %dma_wait3A_713 = tpu.memref_slice %arg7[%dma_wait3A_710, %dma_wait3A_711, %dma_wait3A_712] : memref<3x128x128xf32, #tpu.memory_space<vmem>> -> memref<1x16x128xf32, #tpu.memory_space<vmem>>
    %dma_wait3A_714 = tpu.memref_squeeze %dma_wait3A_713 : memref<1x16x128xf32, #tpu.memory_space<vmem>> -> memref<16x128xf32, #tpu.memory_space<vmem>>
    %dma_wait3A_715 = arith.constant 0 : i32
    %dma_wait3A_716 = tpu.memref_slice %arg5[%add3A_122, %dma_wait3A_715] : memref<10000x128xf32, #tpu.memory_space<vmem_shared>> -> memref<16x128xf32, #tpu.memory_space<vmem_shared>>
    %dma_wait3A_717 = arith.constant 0 : i32
    %dma_wait3A_718 = tpu.memref_slice %arg5[%add3A_122, %dma_wait3A_717] : memref<10000x128xf32, #tpu.memory_space<vmem_shared>> -> memref<16x128xf32, #tpu.memory_space<vmem_shared>>
    %dma_wait3A_719 = arith.constant 0 : i32
    %dma_wait3A_720 = arith.constant 0 : i32
    %dma_wait3A_721 = tpu.memref_slice %arg7[%dma_wait3A_710, %dma_wait3A_719, %dma_wait3A_720] : memref<3x128x128xf32, #tpu.memory_space<vmem>> -> memref<1x16x128xf32, #tpu.memory_space<vmem>>
    %dma_wait3A_722 = tpu.memref_squeeze %dma_wait3A_721 : memref<1x16x128xf32, #tpu.memory_space<vmem>> -> memref<16x128xf32, #tpu.memory_space<vmem>>
    tpu.wait_dma2 semaphore(%arg11 : memref<!tpu.dma_semaphore, #tpu.memory_space<semaphore_mem>>) src(%dma_wait3A_722 : memref<16x128xf32, #tpu.memory_space<vmem>>) dst(%dma_wait3A_718 : memref<16x128xf32, #tpu.memory_space<vmem_shared>>)
    %dma_wait3A_723 = arith.constant 2 : i32
    %dma_wait3A_724 = arith.constant 0 : i32
    %dma_wait3A_725 = arith.constant 0 : i32
    %dma_wait3A_726 = tpu.memref_slice %arg7[%dma_wait3A_723, %dma_wait3A_724, %dma_wait3A_725] : memref<3x128x128xf32, #tpu.memory_space<vmem>> -> memref<1x16x128xf32, #tpu.memory_space<vmem>>
    %dma_wait3A_727 = tpu.memref_squeeze %dma_wait3A_726 : memref<1x16x128xf32, #tpu.memory_space<vmem>> -> memref<16x128xf32, #tpu.memory_space<vmem>>
    %dma_wait3A_728 = arith.constant 0 : i32
    %dma_wait3A_729 = tpu.memref_slice %arg5[%add3A_137, %dma_wait3A_728] : memref<10000x128xf32, #tpu.memory_space<vmem_shared>> -> memref<16x128xf32, #tpu.memory_space<vmem_shared>>
    %dma_wait3A_730 = arith.constant 0 : i32
    %dma_wait3A_731 = tpu.memref_slice %arg5[%add3A_137, %dma_wait3A_730] : memref<10000x128xf32, #tpu.memory_space<vmem_shared>> -> memref<16x128xf32, #tpu.memory_space<vmem_shared>>
    %dma_wait3A_732 = arith.constant 0 : i32
    %dma_wait3A_733 = arith.constant 0 : i32
    %dma_wait3A_734 = tpu.memref_slice %arg7[%dma_wait3A_723, %dma_wait3A_732, %dma_wait3A_733] : memref<3x128x128xf32, #tpu.memory_space<vmem>> -> memref<1x16x128xf32, #tpu.memory_space<vmem>>
    %dma_wait3A_735 = tpu.memref_squeeze %dma_wait3A_734 : memref<1x16x128xf32, #tpu.memory_space<vmem>> -> memref<16x128xf32, #tpu.memory_space<vmem>>
    tpu.wait_dma2 semaphore(%arg11 : memref<!tpu.dma_semaphore, #tpu.memory_space<semaphore_mem>>) src(%dma_wait3A_735 : memref<16x128xf32, #tpu.memory_space<vmem>>) dst(%dma_wait3A_731 : memref<16x128xf32, #tpu.memory_space<vmem_shared>>)
    %dma_wait3A_736 = arith.constant 2 : i32
    %dma_wait3A_737 = arith.constant 0 : i32
    %dma_wait3A_738 = arith.constant 0 : i32
    %dma_wait3A_739 = tpu.memref_slice %arg7[%dma_wait3A_736, %dma_wait3A_737, %dma_wait3A_738] : memref<3x128x128xf32, #tpu.memory_space<vmem>> -> memref<1x16x128xf32, #tpu.memory_space<vmem>>
    %dma_wait3A_740 = tpu.memref_squeeze %dma_wait3A_739 : memref<1x16x128xf32, #tpu.memory_space<vmem>> -> memref<16x128xf32, #tpu.memory_space<vmem>>
    %dma_wait3A_741 = arith.constant 0 : i32
    %dma_wait3A_742 = tpu.memref_slice %arg5[%add3A_152, %dma_wait3A_741] : memref<10000x128xf32, #tpu.memory_space<vmem_shared>> -> memref<16x128xf32, #tpu.memory_space<vmem_shared>>
    %dma_wait3A_743 = arith.constant 0 : i32
    %dma_wait3A_744 = tpu.memref_slice %arg5[%add3A_152, %dma_wait3A_743] : memref<10000x128xf32, #tpu.memory_space<vmem_shared>> -> memref<16x128xf32, #tpu.memory_space<vmem_shared>>
    %dma_wait3A_745 = arith.constant 0 : i32
    %dma_wait3A_746 = arith.constant 0 : i32
    %dma_wait3A_747 = tpu.memref_slice %arg7[%dma_wait3A_736, %dma_wait3A_745, %dma_wait3A_746] : memref<3x128x128xf32, #tpu.memory_space<vmem>> -> memref<1x16x128xf32, #tpu.memory_space<vmem>>
    %dma_wait3A_748 = tpu.memref_squeeze %dma_wait3A_747 : memref<1x16x128xf32, #tpu.memory_space<vmem>> -> memref<16x128xf32, #tpu.memory_space<vmem>>
    tpu.wait_dma2 semaphore(%arg11 : memref<!tpu.dma_semaphore, #tpu.memory_space<semaphore_mem>>) src(%dma_wait3A_748 : memref<16x128xf32, #tpu.memory_space<vmem>>) dst(%dma_wait3A_744 : memref<16x128xf32, #tpu.memory_space<vmem_shared>>)
    %dma_wait3A_749 = arith.constant 2 : i32
    %dma_wait3A_750 = arith.constant 0 : i32
    %dma_wait3A_751 = arith.constant 0 : i32
    %dma_wait3A_752 = tpu.memref_slice %arg7[%dma_wait3A_749, %dma_wait3A_750, %dma_wait3A_751] : memref<3x128x128xf32, #tpu.memory_space<vmem>> -> memref<1x16x128xf32, #tpu.memory_space<vmem>>
    %dma_wait3A_753 = tpu.memref_squeeze %dma_wait3A_752 : memref<1x16x128xf32, #tpu.memory_space<vmem>> -> memref<16x128xf32, #tpu.memory_space<vmem>>
    %dma_wait3A_754 = arith.constant 0 : i32
    %dma_wait3A_755 = tpu.memref_slice %arg5[%add3A_167, %dma_wait3A_754] : memref<10000x128xf32, #tpu.memory_space<vmem_shared>> -> memref<16x128xf32, #tpu.memory_space<vmem_shared>>
    %dma_wait3A_756 = arith.constant 0 : i32
    %dma_wait3A_757 = tpu.memref_slice %arg5[%add3A_167, %dma_wait3A_756] : memref<10000x128xf32, #tpu.memory_space<vmem_shared>> -> memref<16x128xf32, #tpu.memory_space<vmem_shared>>
    %dma_wait3A_758 = arith.constant 0 : i32
    %dma_wait3A_759 = arith.constant 0 : i32
    %dma_wait3A_760 = tpu.memref_slice %arg7[%dma_wait3A_749, %dma_wait3A_758, %dma_wait3A_759] : memref<3x128x128xf32, #tpu.memory_space<vmem>> -> memref<1x16x128xf32, #tpu.memory_space<vmem>>
    %dma_wait3A_761 = tpu.memref_squeeze %dma_wait3A_760 : memref<1x16x128xf32, #tpu.memory_space<vmem>> -> memref<16x128xf32, #tpu.memory_space<vmem>>
    tpu.wait_dma2 semaphore(%arg11 : memref<!tpu.dma_semaphore, #tpu.memory_space<semaphore_mem>>) src(%dma_wait3A_761 : memref<16x128xf32, #tpu.memory_space<vmem>>) dst(%dma_wait3A_757 : memref<16x128xf32, #tpu.memory_space<vmem_shared>>)
    %dma_wait3A_762 = arith.constant 2 : i32
    %dma_wait3A_763 = arith.constant 0 : i32
    %dma_wait3A_764 = arith.constant 0 : i32
    %dma_wait3A_765 = tpu.memref_slice %arg7[%dma_wait3A_762, %dma_wait3A_763, %dma_wait3A_764] : memref<3x128x128xf32, #tpu.memory_space<vmem>> -> memref<1x16x128xf32, #tpu.memory_space<vmem>>
    %dma_wait3A_766 = tpu.memref_squeeze %dma_wait3A_765 : memref<1x16x128xf32, #tpu.memory_space<vmem>> -> memref<16x128xf32, #tpu.memory_space<vmem>>
    %dma_wait3A_767 = arith.constant 0 : i32
    %dma_wait3A_768 = tpu.memref_slice %arg5[%add3A_182, %dma_wait3A_767] : memref<10000x128xf32, #tpu.memory_space<vmem_shared>> -> memref<16x128xf32, #tpu.memory_space<vmem_shared>>
    %dma_wait3A_769 = arith.constant 0 : i32
    %dma_wait3A_770 = tpu.memref_slice %arg5[%add3A_182, %dma_wait3A_769] : memref<10000x128xf32, #tpu.memory_space<vmem_shared>> -> memref<16x128xf32, #tpu.memory_space<vmem_shared>>
    %dma_wait3A_771 = arith.constant 0 : i32
    %dma_wait3A_772 = arith.constant 0 : i32
    %dma_wait3A_773 = tpu.memref_slice %arg7[%dma_wait3A_762, %dma_wait3A_771, %dma_wait3A_772] : memref<3x128x128xf32, #tpu.memory_space<vmem>> -> memref<1x16x128xf32, #tpu.memory_space<vmem>>
    %dma_wait3A_774 = tpu.memref_squeeze %dma_wait3A_773 : memref<1x16x128xf32, #tpu.memory_space<vmem>> -> memref<16x128xf32, #tpu.memory_space<vmem>>
    tpu.wait_dma2 semaphore(%arg11 : memref<!tpu.dma_semaphore, #tpu.memory_space<semaphore_mem>>) src(%dma_wait3A_774 : memref<16x128xf32, #tpu.memory_space<vmem>>) dst(%dma_wait3A_770 : memref<16x128xf32, #tpu.memory_space<vmem_shared>>)
    %dma_wait3A_775 = arith.constant 2 : i32
    %dma_wait3A_776 = arith.constant 0 : i32
    %dma_wait3A_777 = arith.constant 0 : i32
    %dma_wait3A_778 = tpu.memref_slice %arg7[%dma_wait3A_775, %dma_wait3A_776, %dma_wait3A_777] : memref<3x128x128xf32, #tpu.memory_space<vmem>> -> memref<1x16x128xf32, #tpu.memory_space<vmem>>
    %dma_wait3A_779 = tpu.memref_squeeze %dma_wait3A_778 : memref<1x16x128xf32, #tpu.memory_space<vmem>> -> memref<16x128xf32, #tpu.memory_space<vmem>>
    %dma_wait3A_780 = arith.constant 0 : i32
    %dma_wait3A_781 = tpu.memref_slice %arg5[%add3A_197, %dma_wait3A_780] : memref<10000x128xf32, #tpu.memory_space<vmem_shared>> -> memref<16x128xf32, #tpu.memory_space<vmem_shared>>
    %dma_wait3A_782 = arith.constant 0 : i32
    %dma_wait3A_783 = tpu.memref_slice %arg5[%add3A_197, %dma_wait3A_782] : memref<10000x128xf32, #tpu.memory_space<vmem_shared>> -> memref<16x128xf32, #tpu.memory_space<vmem_shared>>
    %dma_wait3A_784 = arith.constant 0 : i32
    %dma_wait3A_785 = arith.constant 0 : i32
    %dma_wait3A_786 = tpu.memref_slice %arg7[%dma_wait3A_775, %dma_wait3A_784, %dma_wait3A_785] : memref<3x128x128xf32, #tpu.memory_space<vmem>> -> memref<1x16x128xf32, #tpu.memory_space<vmem>>
    %dma_wait3A_787 = tpu.memref_squeeze %dma_wait3A_786 : memref<1x16x128xf32, #tpu.memory_space<vmem>> -> memref<16x128xf32, #tpu.memory_space<vmem>>
    tpu.wait_dma2 semaphore(%arg11 : memref<!tpu.dma_semaphore, #tpu.memory_space<semaphore_mem>>) src(%dma_wait3A_787 : memref<16x128xf32, #tpu.memory_space<vmem>>) dst(%dma_wait3A_783 : memref<16x128xf32, #tpu.memory_space<vmem_shared>>)
    %dma_wait3A_788 = arith.constant 2 : i32
    %dma_wait3A_789 = arith.constant 0 : i32
    %dma_wait3A_790 = arith.constant 0 : i32
    %dma_wait3A_791 = tpu.memref_slice %arg7[%dma_wait3A_788, %dma_wait3A_789, %dma_wait3A_790] : memref<3x128x128xf32, #tpu.memory_space<vmem>> -> memref<1x16x128xf32, #tpu.memory_space<vmem>>
    %dma_wait3A_792 = tpu.memref_squeeze %dma_wait3A_791 : memref<1x16x128xf32, #tpu.memory_space<vmem>> -> memref<16x128xf32, #tpu.memory_space<vmem>>
    %dma_wait3A_793 = arith.constant 0 : i32
    %dma_wait3A_794 = tpu.memref_slice %arg5[%add3A_212, %dma_wait3A_793] : memref<10000x128xf32, #tpu.memory_space<vmem_shared>> -> memref<16x128xf32, #tpu.memory_space<vmem_shared>>
    %dma_wait3A_795 = arith.constant 0 : i32
    %dma_wait3A_796 = tpu.memref_slice %arg5[%add3A_212, %dma_wait3A_795] : memref<10000x128xf32, #tpu.memory_space<vmem_shared>> -> memref<16x128xf32, #tpu.memory_space<vmem_shared>>
    %dma_wait3A_797 = arith.constant 0 : i32
    %dma_wait3A_798 = arith.constant 0 : i32
    %dma_wait3A_799 = tpu.memref_slice %arg7[%dma_wait3A_788, %dma_wait3A_797, %dma_wait3A_798] : memref<3x128x128xf32, #tpu.memory_space<vmem>> -> memref<1x16x128xf32, #tpu.memory_space<vmem>>
    %dma_wait3A_800 = tpu.memref_squeeze %dma_wait3A_799 : memref<1x16x128xf32, #tpu.memory_space<vmem>> -> memref<16x128xf32, #tpu.memory_space<vmem>>
    tpu.wait_dma2 semaphore(%arg11 : memref<!tpu.dma_semaphore, #tpu.memory_space<semaphore_mem>>) src(%dma_wait3A_800 : memref<16x128xf32, #tpu.memory_space<vmem>>) dst(%dma_wait3A_796 : memref<16x128xf32, #tpu.memory_space<vmem_shared>>)
    %dma_wait3A_801 = arith.constant 2 : i32
    %dma_wait3A_802 = arith.constant 0 : i32
    %dma_wait3A_803 = arith.constant 0 : i32
    %dma_wait3A_804 = tpu.memref_slice %arg7[%dma_wait3A_801, %dma_wait3A_802, %dma_wait3A_803] : memref<3x128x128xf32, #tpu.memory_space<vmem>> -> memref<1x16x128xf32, #tpu.memory_space<vmem>>
    %dma_wait3A_805 = tpu.memref_squeeze %dma_wait3A_804 : memref<1x16x128xf32, #tpu.memory_space<vmem>> -> memref<16x128xf32, #tpu.memory_space<vmem>>
    %dma_wait3A_806 = arith.constant 0 : i32
    %dma_wait3A_807 = tpu.memref_slice %arg5[%add3A_227, %dma_wait3A_806] : memref<10000x128xf32, #tpu.memory_space<vmem_shared>> -> memref<16x128xf32, #tpu.memory_space<vmem_shared>>
    %dma_wait3A_808 = arith.constant 0 : i32
    %dma_wait3A_809 = tpu.memref_slice %arg5[%add3A_227, %dma_wait3A_808] : memref<10000x128xf32, #tpu.memory_space<vmem_shared>> -> memref<16x128xf32, #tpu.memory_space<vmem_shared>>
    %dma_wait3A_810 = arith.constant 0 : i32
    %dma_wait3A_811 = arith.constant 0 : i32
    %dma_wait3A_812 = tpu.memref_slice %arg7[%dma_wait3A_801, %dma_wait3A_810, %dma_wait3A_811] : memref<3x128x128xf32, #tpu.memory_space<vmem>> -> memref<1x16x128xf32, #tpu.memory_space<vmem>>
    %dma_wait3A_813 = tpu.memref_squeeze %dma_wait3A_812 : memref<1x16x128xf32, #tpu.memory_space<vmem>> -> memref<16x128xf32, #tpu.memory_space<vmem>>
    tpu.wait_dma2 semaphore(%arg11 : memref<!tpu.dma_semaphore, #tpu.memory_space<semaphore_mem>>) src(%dma_wait3A_813 : memref<16x128xf32, #tpu.memory_space<vmem>>) dst(%dma_wait3A_809 : memref<16x128xf32, #tpu.memory_space<vmem_shared>>)
    %dma_wait3A_814 = arith.constant 2 : i32
    %dma_wait3A_815 = arith.constant 0 : i32
    %dma_wait3A_816 = arith.constant 0 : i32
    %dma_wait3A_817 = tpu.memref_slice %arg7[%dma_wait3A_814, %dma_wait3A_815, %dma_wait3A_816] : memref<3x128x128xf32, #tpu.memory_space<vmem>> -> memref<1x16x128xf32, #tpu.memory_space<vmem>>
    %dma_wait3A_818 = tpu.memref_squeeze %dma_wait3A_817 : memref<1x16x128xf32, #tpu.memory_space<vmem>> -> memref<16x128xf32, #tpu.memory_space<vmem>>
    %dma_wait3A_819 = arith.constant 0 : i32
    %dma_wait3A_820 = tpu.memref_slice %arg5[%add3A_242, %dma_wait3A_819] : memref<10000x128xf32, #tpu.memory_space<vmem_shared>> -> memref<16x128xf32, #tpu.memory_space<vmem_shared>>
    %dma_wait3A_821 = arith.constant 0 : i32
    %dma_wait3A_822 = tpu.memref_slice %arg5[%add3A_242, %dma_wait3A_821] : memref<10000x128xf32, #tpu.memory_space<vmem_shared>> -> memref<16x128xf32, #tpu.memory_space<vmem_shared>>
    %dma_wait3A_823 = arith.constant 0 : i32
    %dma_wait3A_824 = arith.constant 0 : i32
    %dma_wait3A_825 = tpu.memref_slice %arg7[%dma_wait3A_814, %dma_wait3A_823, %dma_wait3A_824] : memref<3x128x128xf32, #tpu.memory_space<vmem>> -> memref<1x16x128xf32, #tpu.memory_space<vmem>>
    %dma_wait3A_826 = tpu.memref_squeeze %dma_wait3A_825 : memref<1x16x128xf32, #tpu.memory_space<vmem>> -> memref<16x128xf32, #tpu.memory_space<vmem>>
    tpu.wait_dma2 semaphore(%arg11 : memref<!tpu.dma_semaphore, #tpu.memory_space<semaphore_mem>>) src(%dma_wait3A_826 : memref<16x128xf32, #tpu.memory_space<vmem>>) dst(%dma_wait3A_822 : memref<16x128xf32, #tpu.memory_space<vmem_shared>>)
    %dma_wait3A_827 = arith.constant 2 : i32
    %dma_wait3A_828 = arith.constant 0 : i32
    %dma_wait3A_829 = arith.constant 0 : i32
    %dma_wait3A_830 = tpu.memref_slice %arg7[%dma_wait3A_827, %dma_wait3A_828, %dma_wait3A_829] : memref<3x128x128xf32, #tpu.memory_space<vmem>> -> memref<1x16x128xf32, #tpu.memory_space<vmem>>
    %dma_wait3A_831 = tpu.memref_squeeze %dma_wait3A_830 : memref<1x16x128xf32, #tpu.memory_space<vmem>> -> memref<16x128xf32, #tpu.memory_space<vmem>>
    %dma_wait3A_832 = arith.constant 0 : i32
    %dma_wait3A_833 = tpu.memref_slice %arg5[%add3A_257, %dma_wait3A_832] : memref<10000x128xf32, #tpu.memory_space<vmem_shared>> -> memref<16x128xf32, #tpu.memory_space<vmem_shared>>
    %dma_wait3A_834 = arith.constant 0 : i32
    %dma_wait3A_835 = tpu.memref_slice %arg5[%add3A_257, %dma_wait3A_834] : memref<10000x128xf32, #tpu.memory_space<vmem_shared>> -> memref<16x128xf32, #tpu.memory_space<vmem_shared>>
    %dma_wait3A_836 = arith.constant 0 : i32
    %dma_wait3A_837 = arith.constant 0 : i32
    %dma_wait3A_838 = tpu.memref_slice %arg7[%dma_wait3A_827, %dma_wait3A_836, %dma_wait3A_837] : memref<3x128x128xf32, #tpu.memory_space<vmem>> -> memref<1x16x128xf32, #tpu.memory_space<vmem>>
    %dma_wait3A_839 = tpu.memref_squeeze %dma_wait3A_838 : memref<1x16x128xf32, #tpu.memory_space<vmem>> -> memref<16x128xf32, #tpu.memory_space<vmem>>
    tpu.wait_dma2 semaphore(%arg11 : memref<!tpu.dma_semaphore, #tpu.memory_space<semaphore_mem>>) src(%dma_wait3A_839 : memref<16x128xf32, #tpu.memory_space<vmem>>) dst(%dma_wait3A_835 : memref<16x128xf32, #tpu.memory_space<vmem_shared>>)
    %dma_wait3A_840 = arith.constant 2 : i32
    %dma_wait3A_841 = arith.constant 0 : i32
    %dma_wait3A_842 = arith.constant 0 : i32
    %dma_wait3A_843 = tpu.memref_slice %arg7[%dma_wait3A_840, %dma_wait3A_841, %dma_wait3A_842] : memref<3x128x128xf32, #tpu.memory_space<vmem>> -> memref<1x16x128xf32, #tpu.memory_space<vmem>>
    %dma_wait3A_844 = tpu.memref_squeeze %dma_wait3A_843 : memref<1x16x128xf32, #tpu.memory_space<vmem>> -> memref<16x128xf32, #tpu.memory_space<vmem>>
    %dma_wait3A_845 = arith.constant 0 : i32
    %dma_wait3A_846 = tpu.memref_slice %arg5[%add3A_272, %dma_wait3A_845] : memref<10000x128xf32, #tpu.memory_space<vmem_shared>> -> memref<16x128xf32, #tpu.memory_space<vmem_shared>>
    %dma_wait3A_847 = arith.constant 0 : i32
    %dma_wait3A_848 = tpu.memref_slice %arg5[%add3A_272, %dma_wait3A_847] : memref<10000x128xf32, #tpu.memory_space<vmem_shared>> -> memref<16x128xf32, #tpu.memory_space<vmem_shared>>
    %dma_wait3A_849 = arith.constant 0 : i32
    %dma_wait3A_850 = arith.constant 0 : i32
    %dma_wait3A_851 = tpu.memref_slice %arg7[%dma_wait3A_840, %dma_wait3A_849, %dma_wait3A_850] : memref<3x128x128xf32, #tpu.memory_space<vmem>> -> memref<1x16x128xf32, #tpu.memory_space<vmem>>
    %dma_wait3A_852 = tpu.memref_squeeze %dma_wait3A_851 : memref<1x16x128xf32, #tpu.memory_space<vmem>> -> memref<16x128xf32, #tpu.memory_space<vmem>>
    tpu.wait_dma2 semaphore(%arg11 : memref<!tpu.dma_semaphore, #tpu.memory_space<semaphore_mem>>) src(%dma_wait3A_852 : memref<16x128xf32, #tpu.memory_space<vmem>>) dst(%dma_wait3A_848 : memref<16x128xf32, #tpu.memory_space<vmem_shared>>)
    %dma_wait3A_853 = arith.constant 2 : i32
    %dma_wait3A_854 = arith.constant 0 : i32
    %dma_wait3A_855 = arith.constant 0 : i32
    %dma_wait3A_856 = tpu.memref_slice %arg7[%dma_wait3A_853, %dma_wait3A_854, %dma_wait3A_855] : memref<3x128x128xf32, #tpu.memory_space<vmem>> -> memref<1x16x128xf32, #tpu.memory_space<vmem>>
    %dma_wait3A_857 = tpu.memref_squeeze %dma_wait3A_856 : memref<1x16x128xf32, #tpu.memory_space<vmem>> -> memref<16x128xf32, #tpu.memory_space<vmem>>
    %dma_wait3A_858 = arith.constant 0 : i32
    %dma_wait3A_859 = tpu.memref_slice %arg5[%add3A_287, %dma_wait3A_858] : memref<10000x128xf32, #tpu.memory_space<vmem_shared>> -> memref<16x128xf32, #tpu.memory_space<vmem_shared>>
    %dma_wait3A_860 = arith.constant 0 : i32
    %dma_wait3A_861 = tpu.memref_slice %arg5[%add3A_287, %dma_wait3A_860] : memref<10000x128xf32, #tpu.memory_space<vmem_shared>> -> memref<16x128xf32, #tpu.memory_space<vmem_shared>>
    %dma_wait3A_862 = arith.constant 0 : i32
    %dma_wait3A_863 = arith.constant 0 : i32
    %dma_wait3A_864 = tpu.memref_slice %arg7[%dma_wait3A_853, %dma_wait3A_862, %dma_wait3A_863] : memref<3x128x128xf32, #tpu.memory_space<vmem>> -> memref<1x16x128xf32, #tpu.memory_space<vmem>>
    %dma_wait3A_865 = tpu.memref_squeeze %dma_wait3A_864 : memref<1x16x128xf32, #tpu.memory_space<vmem>> -> memref<16x128xf32, #tpu.memory_space<vmem>>
    tpu.wait_dma2 semaphore(%arg11 : memref<!tpu.dma_semaphore, #tpu.memory_space<semaphore_mem>>) src(%dma_wait3A_865 : memref<16x128xf32, #tpu.memory_space<vmem>>) dst(%dma_wait3A_861 : memref<16x128xf32, #tpu.memory_space<vmem_shared>>)
    %dma_wait3A_866 = arith.constant 2 : i32
    %dma_wait3A_867 = arith.constant 0 : i32
    %dma_wait3A_868 = arith.constant 0 : i32
    %dma_wait3A_869 = tpu.memref_slice %arg7[%dma_wait3A_866, %dma_wait3A_867, %dma_wait3A_868] : memref<3x128x128xf32, #tpu.memory_space<vmem>> -> memref<1x16x128xf32, #tpu.memory_space<vmem>>
    %dma_wait3A_870 = tpu.memref_squeeze %dma_wait3A_869 : memref<1x16x128xf32, #tpu.memory_space<vmem>> -> memref<16x128xf32, #tpu.memory_space<vmem>>
    %dma_wait3A_871 = arith.constant 0 : i32
    %dma_wait3A_872 = tpu.memref_slice %arg5[%add3A_302, %dma_wait3A_871] : memref<10000x128xf32, #tpu.memory_space<vmem_shared>> -> memref<16x128xf32, #tpu.memory_space<vmem_shared>>
    %dma_wait3A_873 = arith.constant 0 : i32
    %dma_wait3A_874 = tpu.memref_slice %arg5[%add3A_302, %dma_wait3A_873] : memref<10000x128xf32, #tpu.memory_space<vmem_shared>> -> memref<16x128xf32, #tpu.memory_space<vmem_shared>>
    %dma_wait3A_875 = arith.constant 0 : i32
    %dma_wait3A_876 = arith.constant 0 : i32
    %dma_wait3A_877 = tpu.memref_slice %arg7[%dma_wait3A_866, %dma_wait3A_875, %dma_wait3A_876] : memref<3x128x128xf32, #tpu.memory_space<vmem>> -> memref<1x16x128xf32, #tpu.memory_space<vmem>>
    %dma_wait3A_878 = tpu.memref_squeeze %dma_wait3A_877 : memref<1x16x128xf32, #tpu.memory_space<vmem>> -> memref<16x128xf32, #tpu.memory_space<vmem>>
    tpu.wait_dma2 semaphore(%arg11 : memref<!tpu.dma_semaphore, #tpu.memory_space<semaphore_mem>>) src(%dma_wait3A_878 : memref<16x128xf32, #tpu.memory_space<vmem>>) dst(%dma_wait3A_874 : memref<16x128xf32, #tpu.memory_space<vmem_shared>>)
    %dma_wait3A_879 = arith.constant 2 : i32
    %dma_wait3A_880 = arith.constant 0 : i32
    %dma_wait3A_881 = arith.constant 0 : i32
    %dma_wait3A_882 = tpu.memref_slice %arg7[%dma_wait3A_879, %dma_wait3A_880, %dma_wait3A_881] : memref<3x128x128xf32, #tpu.memory_space<vmem>> -> memref<1x16x128xf32, #tpu.memory_space<vmem>>
    %dma_wait3A_883 = tpu.memref_squeeze %dma_wait3A_882 : memref<1x16x128xf32, #tpu.memory_space<vmem>> -> memref<16x128xf32, #tpu.memory_space<vmem>>
    %dma_wait3A_884 = arith.constant 0 : i32
    %dma_wait3A_885 = tpu.memref_slice %arg5[%add3A_317, %dma_wait3A_884] : memref<10000x128xf32, #tpu.memory_space<vmem_shared>> -> memref<16x128xf32, #tpu.memory_space<vmem_shared>>
    %dma_wait3A_886 = arith.constant 0 : i32
    %dma_wait3A_887 = tpu.memref_slice %arg5[%add3A_317, %dma_wait3A_886] : memref<10000x128xf32, #tpu.memory_space<vmem_shared>> -> memref<16x128xf32, #tpu.memory_space<vmem_shared>>
    %dma_wait3A_888 = arith.constant 0 : i32
    %dma_wait3A_889 = arith.constant 0 : i32
    %dma_wait3A_890 = tpu.memref_slice %arg7[%dma_wait3A_879, %dma_wait3A_888, %dma_wait3A_889] : memref<3x128x128xf32, #tpu.memory_space<vmem>> -> memref<1x16x128xf32, #tpu.memory_space<vmem>>
    %dma_wait3A_891 = tpu.memref_squeeze %dma_wait3A_890 : memref<1x16x128xf32, #tpu.memory_space<vmem>> -> memref<16x128xf32, #tpu.memory_space<vmem>>
    tpu.wait_dma2 semaphore(%arg11 : memref<!tpu.dma_semaphore, #tpu.memory_space<semaphore_mem>>) src(%dma_wait3A_891 : memref<16x128xf32, #tpu.memory_space<vmem>>) dst(%dma_wait3A_887 : memref<16x128xf32, #tpu.memory_space<vmem_shared>>)
    %dma_wait3A_892 = arith.constant 2 : i32
    %dma_wait3A_893 = arith.constant 0 : i32
    %dma_wait3A_894 = arith.constant 0 : i32
    %dma_wait3A_895 = tpu.memref_slice %arg7[%dma_wait3A_892, %dma_wait3A_893, %dma_wait3A_894] : memref<3x128x128xf32, #tpu.memory_space<vmem>> -> memref<1x16x128xf32, #tpu.memory_space<vmem>>
    %dma_wait3A_896 = tpu.memref_squeeze %dma_wait3A_895 : memref<1x16x128xf32, #tpu.memory_space<vmem>> -> memref<16x128xf32, #tpu.memory_space<vmem>>
    %dma_wait3A_897 = arith.constant 0 : i32
    %dma_wait3A_898 = tpu.memref_slice %arg5[%add3A_332, %dma_wait3A_897] : memref<10000x128xf32, #tpu.memory_space<vmem_shared>> -> memref<16x128xf32, #tpu.memory_space<vmem_shared>>
    %dma_wait3A_899 = arith.constant 0 : i32
    %dma_wait3A_900 = tpu.memref_slice %arg5[%add3A_332, %dma_wait3A_899] : memref<10000x128xf32, #tpu.memory_space<vmem_shared>> -> memref<16x128xf32, #tpu.memory_space<vmem_shared>>
    %dma_wait3A_901 = arith.constant 0 : i32
    %dma_wait3A_902 = arith.constant 0 : i32
    %dma_wait3A_903 = tpu.memref_slice %arg7[%dma_wait3A_892, %dma_wait3A_901, %dma_wait3A_902] : memref<3x128x128xf32, #tpu.memory_space<vmem>> -> memref<1x16x128xf32, #tpu.memory_space<vmem>>
    %dma_wait3A_904 = tpu.memref_squeeze %dma_wait3A_903 : memref<1x16x128xf32, #tpu.memory_space<vmem>> -> memref<16x128xf32, #tpu.memory_space<vmem>>
    tpu.wait_dma2 semaphore(%arg11 : memref<!tpu.dma_semaphore, #tpu.memory_space<semaphore_mem>>) src(%dma_wait3A_904 : memref<16x128xf32, #tpu.memory_space<vmem>>) dst(%dma_wait3A_900 : memref<16x128xf32, #tpu.memory_space<vmem_shared>>)
    %dma_wait3A_905 = arith.constant 2 : i32
    %dma_wait3A_906 = arith.constant 0 : i32
    %dma_wait3A_907 = arith.constant 0 : i32
    %dma_wait3A_908 = tpu.memref_slice %arg7[%dma_wait3A_905, %dma_wait3A_906, %dma_wait3A_907] : memref<3x128x128xf32, #tpu.memory_space<vmem>> -> memref<1x16x128xf32, #tpu.memory_space<vmem>>
    %dma_wait3A_909 = tpu.memref_squeeze %dma_wait3A_908 : memref<1x16x128xf32, #tpu.memory_space<vmem>> -> memref<16x128xf32, #tpu.memory_space<vmem>>
    %dma_wait3A_910 = arith.constant 0 : i32
    %dma_wait3A_911 = tpu.memref_slice %arg5[%add3A_347, %dma_wait3A_910] : memref<10000x128xf32, #tpu.memory_space<vmem_shared>> -> memref<16x128xf32, #tpu.memory_space<vmem_shared>>
    %dma_wait3A_912 = arith.constant 0 : i32
    %dma_wait3A_913 = tpu.memref_slice %arg5[%add3A_347, %dma_wait3A_912] : memref<10000x128xf32, #tpu.memory_space<vmem_shared>> -> memref<16x128xf32, #tpu.memory_space<vmem_shared>>
    %dma_wait3A_914 = arith.constant 0 : i32
    %dma_wait3A_915 = arith.constant 0 : i32
    %dma_wait3A_916 = tpu.memref_slice %arg7[%dma_wait3A_905, %dma_wait3A_914, %dma_wait3A_915] : memref<3x128x128xf32, #tpu.memory_space<vmem>> -> memref<1x16x128xf32, #tpu.memory_space<vmem>>
    %dma_wait3A_917 = tpu.memref_squeeze %dma_wait3A_916 : memref<1x16x128xf32, #tpu.memory_space<vmem>> -> memref<16x128xf32, #tpu.memory_space<vmem>>
    tpu.wait_dma2 semaphore(%arg11 : memref<!tpu.dma_semaphore, #tpu.memory_space<semaphore_mem>>) src(%dma_wait3A_917 : memref<16x128xf32, #tpu.memory_space<vmem>>) dst(%dma_wait3A_913 : memref<16x128xf32, #tpu.memory_space<vmem_shared>>)
    %dma_wait3A_918 = arith.constant 2 : i32
    %dma_wait3A_919 = arith.constant 0 : i32
    %dma_wait3A_920 = arith.constant 0 : i32
    %dma_wait3A_921 = tpu.memref_slice %arg7[%dma_wait3A_918, %dma_wait3A_919, %dma_wait3A_920] : memref<3x128x128xf32, #tpu.memory_space<vmem>> -> memref<1x16x128xf32, #tpu.memory_space<vmem>>
    %dma_wait3A_922 = tpu.memref_squeeze %dma_wait3A_921 : memref<1x16x128xf32, #tpu.memory_space<vmem>> -> memref<16x128xf32, #tpu.memory_space<vmem>>
    %dma_wait3A_923 = arith.constant 0 : i32
    %dma_wait3A_924 = tpu.memref_slice %arg5[%add3A_362, %dma_wait3A_923] : memref<10000x128xf32, #tpu.memory_space<vmem_shared>> -> memref<16x128xf32, #tpu.memory_space<vmem_shared>>
    %dma_wait3A_925 = arith.constant 0 : i32
    %dma_wait3A_926 = tpu.memref_slice %arg5[%add3A_362, %dma_wait3A_925] : memref<10000x128xf32, #tpu.memory_space<vmem_shared>> -> memref<16x128xf32, #tpu.memory_space<vmem_shared>>
    %dma_wait3A_927 = arith.constant 0 : i32
    %dma_wait3A_928 = arith.constant 0 : i32
    %dma_wait3A_929 = tpu.memref_slice %arg7[%dma_wait3A_918, %dma_wait3A_927, %dma_wait3A_928] : memref<3x128x128xf32, #tpu.memory_space<vmem>> -> memref<1x16x128xf32, #tpu.memory_space<vmem>>
    %dma_wait3A_930 = tpu.memref_squeeze %dma_wait3A_929 : memref<1x16x128xf32, #tpu.memory_space<vmem>> -> memref<16x128xf32, #tpu.memory_space<vmem>>
    tpu.wait_dma2 semaphore(%arg11 : memref<!tpu.dma_semaphore, #tpu.memory_space<semaphore_mem>>) src(%dma_wait3A_930 : memref<16x128xf32, #tpu.memory_space<vmem>>) dst(%dma_wait3A_926 : memref<16x128xf32, #tpu.memory_space<vmem_shared>>)
    %dma_wait3A_931 = arith.constant 2 : i32
    %dma_wait3A_932 = arith.constant 0 : i32
    %dma_wait3A_933 = arith.constant 0 : i32
    %dma_wait3A_934 = tpu.memref_slice %arg7[%dma_wait3A_931, %dma_wait3A_932, %dma_wait3A_933] : memref<3x128x128xf32, #tpu.memory_space<vmem>> -> memref<1x16x128xf32, #tpu.memory_space<vmem>>
    %dma_wait3A_935 = tpu.memref_squeeze %dma_wait3A_934 : memref<1x16x128xf32, #tpu.memory_space<vmem>> -> memref<16x128xf32, #tpu.memory_space<vmem>>
    %dma_wait3A_936 = arith.constant 0 : i32
    %dma_wait3A_937 = tpu.memref_slice %arg5[%add3A_377, %dma_wait3A_936] : memref<10000x128xf32, #tpu.memory_space<vmem_shared>> -> memref<16x128xf32, #tpu.memory_space<vmem_shared>>
    %dma_wait3A_938 = arith.constant 0 : i32
    %dma_wait3A_939 = tpu.memref_slice %arg5[%add3A_377, %dma_wait3A_938] : memref<10000x128xf32, #tpu.memory_space<vmem_shared>> -> memref<16x128xf32, #tpu.memory_space<vmem_shared>>
    %dma_wait3A_940 = arith.constant 0 : i32
    %dma_wait3A_941 = arith.constant 0 : i32
    %dma_wait3A_942 = tpu.memref_slice %arg7[%dma_wait3A_931, %dma_wait3A_940, %dma_wait3A_941] : memref<3x128x128xf32, #tpu.memory_space<vmem>> -> memref<1x16x128xf32, #tpu.memory_space<vmem>>
    %dma_wait3A_943 = tpu.memref_squeeze %dma_wait3A_942 : memref<1x16x128xf32, #tpu.memory_space<vmem>> -> memref<16x128xf32, #tpu.memory_space<vmem>>
    tpu.wait_dma2 semaphore(%arg11 : memref<!tpu.dma_semaphore, #tpu.memory_space<semaphore_mem>>) src(%dma_wait3A_943 : memref<16x128xf32, #tpu.memory_space<vmem>>) dst(%dma_wait3A_939 : memref<16x128xf32, #tpu.memory_space<vmem_shared>>)
    %dma_wait3A_944 = arith.constant 2 : i32
    %dma_wait3A_945 = arith.constant 0 : i32
    %dma_wait3A_946 = arith.constant 0 : i32
    %dma_wait3A_947 = tpu.memref_slice %arg7[%dma_wait3A_944, %dma_wait3A_945, %dma_wait3A_946] : memref<3x128x128xf32, #tpu.memory_space<vmem>> -> memref<1x16x128xf32, #tpu.memory_space<vmem>>
    %dma_wait3A_948 = tpu.memref_squeeze %dma_wait3A_947 : memref<1x16x128xf32, #tpu.memory_space<vmem>> -> memref<16x128xf32, #tpu.memory_space<vmem>>
    %dma_wait3A_949 = arith.constant 0 : i32
    %dma_wait3A_950 = tpu.memref_slice %arg5[%add3A_392, %dma_wait3A_949] : memref<10000x128xf32, #tpu.memory_space<vmem_shared>> -> memref<16x128xf32, #tpu.memory_space<vmem_shared>>
    %dma_wait3A_951 = arith.constant 0 : i32
    %dma_wait3A_952 = tpu.memref_slice %arg5[%add3A_392, %dma_wait3A_951] : memref<10000x128xf32, #tpu.memory_space<vmem_shared>> -> memref<16x128xf32, #tpu.memory_space<vmem_shared>>
    %dma_wait3A_953 = arith.constant 0 : i32
    %dma_wait3A_954 = arith.constant 0 : i32
    %dma_wait3A_955 = tpu.memref_slice %arg7[%dma_wait3A_944, %dma_wait3A_953, %dma_wait3A_954] : memref<3x128x128xf32, #tpu.memory_space<vmem>> -> memref<1x16x128xf32, #tpu.memory_space<vmem>>
    %dma_wait3A_956 = tpu.memref_squeeze %dma_wait3A_955 : memref<1x16x128xf32, #tpu.memory_space<vmem>> -> memref<16x128xf32, #tpu.memory_space<vmem>>
    tpu.wait_dma2 semaphore(%arg11 : memref<!tpu.dma_semaphore, #tpu.memory_space<semaphore_mem>>) src(%dma_wait3A_956 : memref<16x128xf32, #tpu.memory_space<vmem>>) dst(%dma_wait3A_952 : memref<16x128xf32, #tpu.memory_space<vmem_shared>>)
    %dma_wait3A_957 = arith.constant 2 : i32
    %dma_wait3A_958 = arith.constant 0 : i32
    %dma_wait3A_959 = arith.constant 0 : i32
    %dma_wait3A_960 = tpu.memref_slice %arg7[%dma_wait3A_957, %dma_wait3A_958, %dma_wait3A_959] : memref<3x128x128xf32, #tpu.memory_space<vmem>> -> memref<1x16x128xf32, #tpu.memory_space<vmem>>
    %dma_wait3A_961 = tpu.memref_squeeze %dma_wait3A_960 : memref<1x16x128xf32, #tpu.memory_space<vmem>> -> memref<16x128xf32, #tpu.memory_space<vmem>>
    %dma_wait3A_962 = arith.constant 0 : i32
    %dma_wait3A_963 = tpu.memref_slice %arg5[%add3A_407, %dma_wait3A_962] : memref<10000x128xf32, #tpu.memory_space<vmem_shared>> -> memref<16x128xf32, #tpu.memory_space<vmem_shared>>
    %dma_wait3A_964 = arith.constant 0 : i32
    %dma_wait3A_965 = tpu.memref_slice %arg5[%add3A_407, %dma_wait3A_964] : memref<10000x128xf32, #tpu.memory_space<vmem_shared>> -> memref<16x128xf32, #tpu.memory_space<vmem_shared>>
    %dma_wait3A_966 = arith.constant 0 : i32
    %dma_wait3A_967 = arith.constant 0 : i32
    %dma_wait3A_968 = tpu.memref_slice %arg7[%dma_wait3A_957, %dma_wait3A_966, %dma_wait3A_967] : memref<3x128x128xf32, #tpu.memory_space<vmem>> -> memref<1x16x128xf32, #tpu.memory_space<vmem>>
    %dma_wait3A_969 = tpu.memref_squeeze %dma_wait3A_968 : memref<1x16x128xf32, #tpu.memory_space<vmem>> -> memref<16x128xf32, #tpu.memory_space<vmem>>
    tpu.wait_dma2 semaphore(%arg11 : memref<!tpu.dma_semaphore, #tpu.memory_space<semaphore_mem>>) src(%dma_wait3A_969 : memref<16x128xf32, #tpu.memory_space<vmem>>) dst(%dma_wait3A_965 : memref<16x128xf32, #tpu.memory_space<vmem_shared>>)
    %dma_wait3A_970 = arith.constant 2 : i32
    %dma_wait3A_971 = arith.constant 0 : i32
    %dma_wait3A_972 = arith.constant 0 : i32
    %dma_wait3A_973 = tpu.memref_slice %arg7[%dma_wait3A_970, %dma_wait3A_971, %dma_wait3A_972] : memref<3x128x128xf32, #tpu.memory_space<vmem>> -> memref<1x16x128xf32, #tpu.memory_space<vmem>>
    %dma_wait3A_974 = tpu.memref_squeeze %dma_wait3A_973 : memref<1x16x128xf32, #tpu.memory_space<vmem>> -> memref<16x128xf32, #tpu.memory_space<vmem>>
    %dma_wait3A_975 = arith.constant 0 : i32
    %dma_wait3A_976 = tpu.memref_slice %arg5[%add3A_422, %dma_wait3A_975] : memref<10000x128xf32, #tpu.memory_space<vmem_shared>> -> memref<16x128xf32, #tpu.memory_space<vmem_shared>>
    %dma_wait3A_977 = arith.constant 0 : i32
    %dma_wait3A_978 = tpu.memref_slice %arg5[%add3A_422, %dma_wait3A_977] : memref<10000x128xf32, #tpu.memory_space<vmem_shared>> -> memref<16x128xf32, #tpu.memory_space<vmem_shared>>
    %dma_wait3A_979 = arith.constant 0 : i32
    %dma_wait3A_980 = arith.constant 0 : i32
    %dma_wait3A_981 = tpu.memref_slice %arg7[%dma_wait3A_970, %dma_wait3A_979, %dma_wait3A_980] : memref<3x128x128xf32, #tpu.memory_space<vmem>> -> memref<1x16x128xf32, #tpu.memory_space<vmem>>
    %dma_wait3A_982 = tpu.memref_squeeze %dma_wait3A_981 : memref<1x16x128xf32, #tpu.memory_space<vmem>> -> memref<16x128xf32, #tpu.memory_space<vmem>>
    tpu.wait_dma2 semaphore(%arg11 : memref<!tpu.dma_semaphore, #tpu.memory_space<semaphore_mem>>) src(%dma_wait3A_982 : memref<16x128xf32, #tpu.memory_space<vmem>>) dst(%dma_wait3A_978 : memref<16x128xf32, #tpu.memory_space<vmem_shared>>)
    %dma_wait3A_983 = arith.constant 2 : i32
    %dma_wait3A_984 = arith.constant 0 : i32
    %dma_wait3A_985 = arith.constant 0 : i32
    %dma_wait3A_986 = tpu.memref_slice %arg7[%dma_wait3A_983, %dma_wait3A_984, %dma_wait3A_985] : memref<3x128x128xf32, #tpu.memory_space<vmem>> -> memref<1x16x128xf32, #tpu.memory_space<vmem>>
    %dma_wait3A_987 = tpu.memref_squeeze %dma_wait3A_986 : memref<1x16x128xf32, #tpu.memory_space<vmem>> -> memref<16x128xf32, #tpu.memory_space<vmem>>
    %dma_wait3A_988 = arith.constant 0 : i32
    %dma_wait3A_989 = tpu.memref_slice %arg5[%add3A_437, %dma_wait3A_988] : memref<10000x128xf32, #tpu.memory_space<vmem_shared>> -> memref<16x128xf32, #tpu.memory_space<vmem_shared>>
    %dma_wait3A_990 = arith.constant 0 : i32
    %dma_wait3A_991 = tpu.memref_slice %arg5[%add3A_437, %dma_wait3A_990] : memref<10000x128xf32, #tpu.memory_space<vmem_shared>> -> memref<16x128xf32, #tpu.memory_space<vmem_shared>>
    %dma_wait3A_992 = arith.constant 0 : i32
    %dma_wait3A_993 = arith.constant 0 : i32
    %dma_wait3A_994 = tpu.memref_slice %arg7[%dma_wait3A_983, %dma_wait3A_992, %dma_wait3A_993] : memref<3x128x128xf32, #tpu.memory_space<vmem>> -> memref<1x16x128xf32, #tpu.memory_space<vmem>>
    %dma_wait3A_995 = tpu.memref_squeeze %dma_wait3A_994 : memref<1x16x128xf32, #tpu.memory_space<vmem>> -> memref<16x128xf32, #tpu.memory_space<vmem>>
    tpu.wait_dma2 semaphore(%arg11 : memref<!tpu.dma_semaphore, #tpu.memory_space<semaphore_mem>>) src(%dma_wait3A_995 : memref<16x128xf32, #tpu.memory_space<vmem>>) dst(%dma_wait3A_991 : memref<16x128xf32, #tpu.memory_space<vmem_shared>>)
    %dma_wait3A_996 = arith.constant 2 : i32
    %dma_wait3A_997 = arith.constant 0 : i32
    %dma_wait3A_998 = arith.constant 0 : i32
    %dma_wait3A_999 = tpu.memref_slice %arg7[%dma_wait3A_996, %dma_wait3A_997, %dma_wait3A_998] : memref<3x128x128xf32, #tpu.memory_space<vmem>> -> memref<1x16x128xf32, #tpu.memory_space<vmem>>
    %dma_wait3A_1000 = tpu.memref_squeeze %dma_wait3A_999 : memref<1x16x128xf32, #tpu.memory_space<vmem>> -> memref<16x128xf32, #tpu.memory_space<vmem>>
    %dma_wait3A_1001 = arith.constant 0 : i32
    %dma_wait3A_1002 = tpu.memref_slice %arg5[%add3A_452, %dma_wait3A_1001] : memref<10000x128xf32, #tpu.memory_space<vmem_shared>> -> memref<16x128xf32, #tpu.memory_space<vmem_shared>>
    %dma_wait3A_1003 = arith.constant 0 : i32
    %dma_wait3A_1004 = tpu.memref_slice %arg5[%add3A_452, %dma_wait3A_1003] : memref<10000x128xf32, #tpu.memory_space<vmem_shared>> -> memref<16x128xf32, #tpu.memory_space<vmem_shared>>
    %dma_wait3A_1005 = arith.constant 0 : i32
    %dma_wait3A_1006 = arith.constant 0 : i32
    %dma_wait3A_1007 = tpu.memref_slice %arg7[%dma_wait3A_996, %dma_wait3A_1005, %dma_wait3A_1006] : memref<3x128x128xf32, #tpu.memory_space<vmem>> -> memref<1x16x128xf32, #tpu.memory_space<vmem>>
    %dma_wait3A_1008 = tpu.memref_squeeze %dma_wait3A_1007 : memref<1x16x128xf32, #tpu.memory_space<vmem>> -> memref<16x128xf32, #tpu.memory_space<vmem>>
    tpu.wait_dma2 semaphore(%arg11 : memref<!tpu.dma_semaphore, #tpu.memory_space<semaphore_mem>>) src(%dma_wait3A_1008 : memref<16x128xf32, #tpu.memory_space<vmem>>) dst(%dma_wait3A_1004 : memref<16x128xf32, #tpu.memory_space<vmem_shared>>)
    %dma_wait3A_1009 = arith.constant 2 : i32
    %dma_wait3A_1010 = arith.constant 0 : i32
    %dma_wait3A_1011 = arith.constant 0 : i32
    %dma_wait3A_1012 = tpu.memref_slice %arg7[%dma_wait3A_1009, %dma_wait3A_1010, %dma_wait3A_1011] : memref<3x128x128xf32, #tpu.memory_space<vmem>> -> memref<1x16x128xf32, #tpu.memory_space<vmem>>
    %dma_wait3A_1013 = tpu.memref_squeeze %dma_wait3A_1012 : memref<1x16x128xf32, #tpu.memory_space<vmem>> -> memref<16x128xf32, #tpu.memory_space<vmem>>
    %dma_wait3A_1014 = arith.constant 0 : i32
    %dma_wait3A_1015 = tpu.memref_slice %arg5[%add3A_467, %dma_wait3A_1014] : memref<10000x128xf32, #tpu.memory_space<vmem_shared>> -> memref<16x128xf32, #tpu.memory_space<vmem_shared>>
    %dma_wait3A_1016 = arith.constant 0 : i32
    %dma_wait3A_1017 = tpu.memref_slice %arg5[%add3A_467, %dma_wait3A_1016] : memref<10000x128xf32, #tpu.memory_space<vmem_shared>> -> memref<16x128xf32, #tpu.memory_space<vmem_shared>>
    %dma_wait3A_1018 = arith.constant 0 : i32
    %dma_wait3A_1019 = arith.constant 0 : i32
    %dma_wait3A_1020 = tpu.memref_slice %arg7[%dma_wait3A_1009, %dma_wait3A_1018, %dma_wait3A_1019] : memref<3x128x128xf32, #tpu.memory_space<vmem>> -> memref<1x16x128xf32, #tpu.memory_space<vmem>>
    %dma_wait3A_1021 = tpu.memref_squeeze %dma_wait3A_1020 : memref<1x16x128xf32, #tpu.memory_space<vmem>> -> memref<16x128xf32, #tpu.memory_space<vmem>>
    tpu.wait_dma2 semaphore(%arg11 : memref<!tpu.dma_semaphore, #tpu.memory_space<semaphore_mem>>) src(%dma_wait3A_1021 : memref<16x128xf32, #tpu.memory_space<vmem>>) dst(%dma_wait3A_1017 : memref<16x128xf32, #tpu.memory_space<vmem_shared>>)
    %dma_wait3A_1022 = arith.constant 2 : i32
    %dma_wait3A_1023 = arith.constant 0 : i32
    %dma_wait3A_1024 = arith.constant 0 : i32
    %dma_wait3A_1025 = tpu.memref_slice %arg7[%dma_wait3A_1022, %dma_wait3A_1023, %dma_wait3A_1024] : memref<3x128x128xf32, #tpu.memory_space<vmem>> -> memref<1x16x128xf32, #tpu.memory_space<vmem>>
    %dma_wait3A_1026 = tpu.memref_squeeze %dma_wait3A_1025 : memref<1x16x128xf32, #tpu.memory_space<vmem>> -> memref<16x128xf32, #tpu.memory_space<vmem>>
    %dma_wait3A_1027 = arith.constant 0 : i32
    %dma_wait3A_1028 = tpu.memref_slice %arg5[%add3A_482, %dma_wait3A_1027] : memref<10000x128xf32, #tpu.memory_space<vmem_shared>> -> memref<16x128xf32, #tpu.memory_space<vmem_shared>>
    %dma_wait3A_1029 = arith.constant 0 : i32
    %dma_wait3A_1030 = tpu.memref_slice %arg5[%add3A_482, %dma_wait3A_1029] : memref<10000x128xf32, #tpu.memory_space<vmem_shared>> -> memref<16x128xf32, #tpu.memory_space<vmem_shared>>
    %dma_wait3A_1031 = arith.constant 0 : i32
    %dma_wait3A_1032 = arith.constant 0 : i32
    %dma_wait3A_1033 = tpu.memref_slice %arg7[%dma_wait3A_1022, %dma_wait3A_1031, %dma_wait3A_1032] : memref<3x128x128xf32, #tpu.memory_space<vmem>> -> memref<1x16x128xf32, #tpu.memory_space<vmem>>
    %dma_wait3A_1034 = tpu.memref_squeeze %dma_wait3A_1033 : memref<1x16x128xf32, #tpu.memory_space<vmem>> -> memref<16x128xf32, #tpu.memory_space<vmem>>
    tpu.wait_dma2 semaphore(%arg11 : memref<!tpu.dma_semaphore, #tpu.memory_space<semaphore_mem>>) src(%dma_wait3A_1034 : memref<16x128xf32, #tpu.memory_space<vmem>>) dst(%dma_wait3A_1030 : memref<16x128xf32, #tpu.memory_space<vmem_shared>>)
    %dma_wait3A_1035 = arith.constant 2 : i32
    %dma_wait3A_1036 = arith.constant 0 : i32
    %dma_wait3A_1037 = arith.constant 0 : i32
    %dma_wait3A_1038 = tpu.memref_slice %arg7[%dma_wait3A_1035, %dma_wait3A_1036, %dma_wait3A_1037] : memref<3x128x128xf32, #tpu.memory_space<vmem>> -> memref<1x16x128xf32, #tpu.memory_space<vmem>>
    %dma_wait3A_1039 = tpu.memref_squeeze %dma_wait3A_1038 : memref<1x16x128xf32, #tpu.memory_space<vmem>> -> memref<16x128xf32, #tpu.memory_space<vmem>>
    %dma_wait3A_1040 = arith.constant 0 : i32
    %dma_wait3A_1041 = tpu.memref_slice %arg5[%add3A_497, %dma_wait3A_1040] : memref<10000x128xf32, #tpu.memory_space<vmem_shared>> -> memref<16x128xf32, #tpu.memory_space<vmem_shared>>
    %dma_wait3A_1042 = arith.constant 0 : i32
    %dma_wait3A_1043 = tpu.memref_slice %arg5[%add3A_497, %dma_wait3A_1042] : memref<10000x128xf32, #tpu.memory_space<vmem_shared>> -> memref<16x128xf32, #tpu.memory_space<vmem_shared>>
    %dma_wait3A_1044 = arith.constant 0 : i32
    %dma_wait3A_1045 = arith.constant 0 : i32
    %dma_wait3A_1046 = tpu.memref_slice %arg7[%dma_wait3A_1035, %dma_wait3A_1044, %dma_wait3A_1045] : memref<3x128x128xf32, #tpu.memory_space<vmem>> -> memref<1x16x128xf32, #tpu.memory_space<vmem>>
    %dma_wait3A_1047 = tpu.memref_squeeze %dma_wait3A_1046 : memref<1x16x128xf32, #tpu.memory_space<vmem>> -> memref<16x128xf32, #tpu.memory_space<vmem>>
    tpu.wait_dma2 semaphore(%arg11 : memref<!tpu.dma_semaphore, #tpu.memory_space<semaphore_mem>>) src(%dma_wait3A_1047 : memref<16x128xf32, #tpu.memory_space<vmem>>) dst(%dma_wait3A_1043 : memref<16x128xf32, #tpu.memory_space<vmem_shared>>)
    %dma_wait3A_1048 = arith.constant 2 : i32
    %dma_wait3A_1049 = arith.constant 0 : i32
    %dma_wait3A_1050 = arith.constant 0 : i32
    %dma_wait3A_1051 = tpu.memref_slice %arg7[%dma_wait3A_1048, %dma_wait3A_1049, %dma_wait3A_1050] : memref<3x128x128xf32, #tpu.memory_space<vmem>> -> memref<1x16x128xf32, #tpu.memory_space<vmem>>
    %dma_wait3A_1052 = tpu.memref_squeeze %dma_wait3A_1051 : memref<1x16x128xf32, #tpu.memory_space<vmem>> -> memref<16x128xf32, #tpu.memory_space<vmem>>
    %dma_wait3A_1053 = arith.constant 0 : i32
    %dma_wait3A_1054 = tpu.memref_slice %arg5[%add3A_512, %dma_wait3A_1053] : memref<10000x128xf32, #tpu.memory_space<vmem_shared>> -> memref<16x128xf32, #tpu.memory_space<vmem_shared>>
    %dma_wait3A_1055 = arith.constant 0 : i32
    %dma_wait3A_1056 = tpu.memref_slice %arg5[%add3A_512, %dma_wait3A_1055] : memref<10000x128xf32, #tpu.memory_space<vmem_shared>> -> memref<16x128xf32, #tpu.memory_space<vmem_shared>>
    %dma_wait3A_1057 = arith.constant 0 : i32
    %dma_wait3A_1058 = arith.constant 0 : i32
    %dma_wait3A_1059 = tpu.memref_slice %arg7[%dma_wait3A_1048, %dma_wait3A_1057, %dma_wait3A_1058] : memref<3x128x128xf32, #tpu.memory_space<vmem>> -> memref<1x16x128xf32, #tpu.memory_space<vmem>>
    %dma_wait3A_1060 = tpu.memref_squeeze %dma_wait3A_1059 : memref<1x16x128xf32, #tpu.memory_space<vmem>> -> memref<16x128xf32, #tpu.memory_space<vmem>>
    tpu.wait_dma2 semaphore(%arg11 : memref<!tpu.dma_semaphore, #tpu.memory_space<semaphore_mem>>) src(%dma_wait3A_1060 : memref<16x128xf32, #tpu.memory_space<vmem>>) dst(%dma_wait3A_1056 : memref<16x128xf32, #tpu.memory_space<vmem_shared>>)
    %dma_wait3A_1061 = arith.constant 2 : i32
    %dma_wait3A_1062 = arith.constant 0 : i32
    %dma_wait3A_1063 = arith.constant 0 : i32
    %dma_wait3A_1064 = tpu.memref_slice %arg7[%dma_wait3A_1061, %dma_wait3A_1062, %dma_wait3A_1063] : memref<3x128x128xf32, #tpu.memory_space<vmem>> -> memref<1x16x128xf32, #tpu.memory_space<vmem>>
    %dma_wait3A_1065 = tpu.memref_squeeze %dma_wait3A_1064 : memref<1x16x128xf32, #tpu.memory_space<vmem>> -> memref<16x128xf32, #tpu.memory_space<vmem>>
    %dma_wait3A_1066 = arith.constant 0 : i32
    %dma_wait3A_1067 = tpu.memref_slice %arg5[%add3A_527, %dma_wait3A_1066] : memref<10000x128xf32, #tpu.memory_space<vmem_shared>> -> memref<16x128xf32, #tpu.memory_space<vmem_shared>>
    %dma_wait3A_1068 = arith.constant 0 : i32
    %dma_wait3A_1069 = tpu.memref_slice %arg5[%add3A_527, %dma_wait3A_1068] : memref<10000x128xf32, #tpu.memory_space<vmem_shared>> -> memref<16x128xf32, #tpu.memory_space<vmem_shared>>
    %dma_wait3A_1070 = arith.constant 0 : i32
    %dma_wait3A_1071 = arith.constant 0 : i32
    %dma_wait3A_1072 = tpu.memref_slice %arg7[%dma_wait3A_1061, %dma_wait3A_1070, %dma_wait3A_1071] : memref<3x128x128xf32, #tpu.memory_space<vmem>> -> memref<1x16x128xf32, #tpu.memory_space<vmem>>
    %dma_wait3A_1073 = tpu.memref_squeeze %dma_wait3A_1072 : memref<1x16x128xf32, #tpu.memory_space<vmem>> -> memref<16x128xf32, #tpu.memory_space<vmem>>
    tpu.wait_dma2 semaphore(%arg11 : memref<!tpu.dma_semaphore, #tpu.memory_space<semaphore_mem>>) src(%dma_wait3A_1073 : memref<16x128xf32, #tpu.memory_space<vmem>>) dst(%dma_wait3A_1069 : memref<16x128xf32, #tpu.memory_space<vmem_shared>>)
    %dma_wait3A_1074 = arith.constant 2 : i32
    %dma_wait3A_1075 = arith.constant 0 : i32
    %dma_wait3A_1076 = arith.constant 0 : i32
    %dma_wait3A_1077 = tpu.memref_slice %arg7[%dma_wait3A_1074, %dma_wait3A_1075, %dma_wait3A_1076] : memref<3x128x128xf32, #tpu.memory_space<vmem>> -> memref<1x16x128xf32, #tpu.memory_space<vmem>>
    %dma_wait3A_1078 = tpu.memref_squeeze %dma_wait3A_1077 : memref<1x16x128xf32, #tpu.memory_space<vmem>> -> memref<16x128xf32, #tpu.memory_space<vmem>>
    %dma_wait3A_1079 = arith.constant 0 : i32
    %dma_wait3A_1080 = tpu.memref_slice %arg5[%add3A_542, %dma_wait3A_1079] : memref<10000x128xf32, #tpu.memory_space<vmem_shared>> -> memref<16x128xf32, #tpu.memory_space<vmem_shared>>
    %dma_wait3A_1081 = arith.constant 0 : i32
    %dma_wait3A_1082 = tpu.memref_slice %arg5[%add3A_542, %dma_wait3A_1081] : memref<10000x128xf32, #tpu.memory_space<vmem_shared>> -> memref<16x128xf32, #tpu.memory_space<vmem_shared>>
    %dma_wait3A_1083 = arith.constant 0 : i32
    %dma_wait3A_1084 = arith.constant 0 : i32
    %dma_wait3A_1085 = tpu.memref_slice %arg7[%dma_wait3A_1074, %dma_wait3A_1083, %dma_wait3A_1084] : memref<3x128x128xf32, #tpu.memory_space<vmem>> -> memref<1x16x128xf32, #tpu.memory_space<vmem>>
    %dma_wait3A_1086 = tpu.memref_squeeze %dma_wait3A_1085 : memref<1x16x128xf32, #tpu.memory_space<vmem>> -> memref<16x128xf32, #tpu.memory_space<vmem>>
    tpu.wait_dma2 semaphore(%arg11 : memref<!tpu.dma_semaphore, #tpu.memory_space<semaphore_mem>>) src(%dma_wait3A_1086 : memref<16x128xf32, #tpu.memory_space<vmem>>) dst(%dma_wait3A_1082 : memref<16x128xf32, #tpu.memory_space<vmem_shared>>)
    %dma_wait3A_1087 = arith.constant 2 : i32
    %dma_wait3A_1088 = arith.constant 0 : i32
    %dma_wait3A_1089 = arith.constant 0 : i32
    %dma_wait3A_1090 = tpu.memref_slice %arg7[%dma_wait3A_1087, %dma_wait3A_1088, %dma_wait3A_1089] : memref<3x128x128xf32, #tpu.memory_space<vmem>> -> memref<1x16x128xf32, #tpu.memory_space<vmem>>
    %dma_wait3A_1091 = tpu.memref_squeeze %dma_wait3A_1090 : memref<1x16x128xf32, #tpu.memory_space<vmem>> -> memref<16x128xf32, #tpu.memory_space<vmem>>
    %dma_wait3A_1092 = arith.constant 0 : i32
    %dma_wait3A_1093 = tpu.memref_slice %arg5[%add3A_557, %dma_wait3A_1092] : memref<10000x128xf32, #tpu.memory_space<vmem_shared>> -> memref<16x128xf32, #tpu.memory_space<vmem_shared>>
    %dma_wait3A_1094 = arith.constant 0 : i32
    %dma_wait3A_1095 = tpu.memref_slice %arg5[%add3A_557, %dma_wait3A_1094] : memref<10000x128xf32, #tpu.memory_space<vmem_shared>> -> memref<16x128xf32, #tpu.memory_space<vmem_shared>>
    %dma_wait3A_1096 = arith.constant 0 : i32
    %dma_wait3A_1097 = arith.constant 0 : i32
    %dma_wait3A_1098 = tpu.memref_slice %arg7[%dma_wait3A_1087, %dma_wait3A_1096, %dma_wait3A_1097] : memref<3x128x128xf32, #tpu.memory_space<vmem>> -> memref<1x16x128xf32, #tpu.memory_space<vmem>>
    %dma_wait3A_1099 = tpu.memref_squeeze %dma_wait3A_1098 : memref<1x16x128xf32, #tpu.memory_space<vmem>> -> memref<16x128xf32, #tpu.memory_space<vmem>>
    tpu.wait_dma2 semaphore(%arg11 : memref<!tpu.dma_semaphore, #tpu.memory_space<semaphore_mem>>) src(%dma_wait3A_1099 : memref<16x128xf32, #tpu.memory_space<vmem>>) dst(%dma_wait3A_1095 : memref<16x128xf32, #tpu.memory_space<vmem_shared>>)
    %dma_wait3A_1100 = arith.constant 2 : i32
    %dma_wait3A_1101 = arith.constant 0 : i32
    %dma_wait3A_1102 = arith.constant 0 : i32
    %dma_wait3A_1103 = tpu.memref_slice %arg7[%dma_wait3A_1100, %dma_wait3A_1101, %dma_wait3A_1102] : memref<3x128x128xf32, #tpu.memory_space<vmem>> -> memref<1x16x128xf32, #tpu.memory_space<vmem>>
    %dma_wait3A_1104 = tpu.memref_squeeze %dma_wait3A_1103 : memref<1x16x128xf32, #tpu.memory_space<vmem>> -> memref<16x128xf32, #tpu.memory_space<vmem>>
    %dma_wait3A_1105 = arith.constant 0 : i32
    %dma_wait3A_1106 = tpu.memref_slice %arg5[%add3A_572, %dma_wait3A_1105] : memref<10000x128xf32, #tpu.memory_space<vmem_shared>> -> memref<16x128xf32, #tpu.memory_space<vmem_shared>>
    %dma_wait3A_1107 = arith.constant 0 : i32
    %dma_wait3A_1108 = tpu.memref_slice %arg5[%add3A_572, %dma_wait3A_1107] : memref<10000x128xf32, #tpu.memory_space<vmem_shared>> -> memref<16x128xf32, #tpu.memory_space<vmem_shared>>
    %dma_wait3A_1109 = arith.constant 0 : i32
    %dma_wait3A_1110 = arith.constant 0 : i32
    %dma_wait3A_1111 = tpu.memref_slice %arg7[%dma_wait3A_1100, %dma_wait3A_1109, %dma_wait3A_1110] : memref<3x128x128xf32, #tpu.memory_space<vmem>> -> memref<1x16x128xf32, #tpu.memory_space<vmem>>
    %dma_wait3A_1112 = tpu.memref_squeeze %dma_wait3A_1111 : memref<1x16x128xf32, #tpu.memory_space<vmem>> -> memref<16x128xf32, #tpu.memory_space<vmem>>
    tpu.wait_dma2 semaphore(%arg11 : memref<!tpu.dma_semaphore, #tpu.memory_space<semaphore_mem>>) src(%dma_wait3A_1112 : memref<16x128xf32, #tpu.memory_space<vmem>>) dst(%dma_wait3A_1108 : memref<16x128xf32, #tpu.memory_space<vmem_shared>>)
    %dma_wait3A_1113 = arith.constant 2 : i32
    %dma_wait3A_1114 = arith.constant 0 : i32
    %dma_wait3A_1115 = arith.constant 0 : i32
    %dma_wait3A_1116 = tpu.memref_slice %arg7[%dma_wait3A_1113, %dma_wait3A_1114, %dma_wait3A_1115] : memref<3x128x128xf32, #tpu.memory_space<vmem>> -> memref<1x16x128xf32, #tpu.memory_space<vmem>>
    %dma_wait3A_1117 = tpu.memref_squeeze %dma_wait3A_1116 : memref<1x16x128xf32, #tpu.memory_space<vmem>> -> memref<16x128xf32, #tpu.memory_space<vmem>>
    %dma_wait3A_1118 = arith.constant 0 : i32
    %dma_wait3A_1119 = tpu.memref_slice %arg5[%add3A_587, %dma_wait3A_1118] : memref<10000x128xf32, #tpu.memory_space<vmem_shared>> -> memref<16x128xf32, #tpu.memory_space<vmem_shared>>
    %dma_wait3A_1120 = arith.constant 0 : i32
    %dma_wait3A_1121 = tpu.memref_slice %arg5[%add3A_587, %dma_wait3A_1120] : memref<10000x128xf32, #tpu.memory_space<vmem_shared>> -> memref<16x128xf32, #tpu.memory_space<vmem_shared>>
    %dma_wait3A_1122 = arith.constant 0 : i32
    %dma_wait3A_1123 = arith.constant 0 : i32
    %dma_wait3A_1124 = tpu.memref_slice %arg7[%dma_wait3A_1113, %dma_wait3A_1122, %dma_wait3A_1123] : memref<3x128x128xf32, #tpu.memory_space<vmem>> -> memref<1x16x128xf32, #tpu.memory_space<vmem>>
    %dma_wait3A_1125 = tpu.memref_squeeze %dma_wait3A_1124 : memref<1x16x128xf32, #tpu.memory_space<vmem>> -> memref<16x128xf32, #tpu.memory_space<vmem>>
    tpu.wait_dma2 semaphore(%arg11 : memref<!tpu.dma_semaphore, #tpu.memory_space<semaphore_mem>>) src(%dma_wait3A_1125 : memref<16x128xf32, #tpu.memory_space<vmem>>) dst(%dma_wait3A_1121 : memref<16x128xf32, #tpu.memory_space<vmem_shared>>)
    %dma_wait3A_1126 = arith.constant 2 : i32
    %dma_wait3A_1127 = arith.constant 0 : i32
    %dma_wait3A_1128 = arith.constant 0 : i32
    %dma_wait3A_1129 = tpu.memref_slice %arg7[%dma_wait3A_1126, %dma_wait3A_1127, %dma_wait3A_1128] : memref<3x128x128xf32, #tpu.memory_space<vmem>> -> memref<1x16x128xf32, #tpu.memory_space<vmem>>
    %dma_wait3A_1130 = tpu.memref_squeeze %dma_wait3A_1129 : memref<1x16x128xf32, #tpu.memory_space<vmem>> -> memref<16x128xf32, #tpu.memory_space<vmem>>
    %dma_wait3A_1131 = arith.constant 0 : i32
    %dma_wait3A_1132 = tpu.memref_slice %arg5[%add3A_602, %dma_wait3A_1131] : memref<10000x128xf32, #tpu.memory_space<vmem_shared>> -> memref<16x128xf32, #tpu.memory_space<vmem_shared>>
    %dma_wait3A_1133 = arith.constant 0 : i32
    %dma_wait3A_1134 = tpu.memref_slice %arg5[%add3A_602, %dma_wait3A_1133] : memref<10000x128xf32, #tpu.memory_space<vmem_shared>> -> memref<16x128xf32, #tpu.memory_space<vmem_shared>>
    %dma_wait3A_1135 = arith.constant 0 : i32
    %dma_wait3A_1136 = arith.constant 0 : i32
    %dma_wait3A_1137 = tpu.memref_slice %arg7[%dma_wait3A_1126, %dma_wait3A_1135, %dma_wait3A_1136] : memref<3x128x128xf32, #tpu.memory_space<vmem>> -> memref<1x16x128xf32, #tpu.memory_space<vmem>>
    %dma_wait3A_1138 = tpu.memref_squeeze %dma_wait3A_1137 : memref<1x16x128xf32, #tpu.memory_space<vmem>> -> memref<16x128xf32, #tpu.memory_space<vmem>>
    tpu.wait_dma2 semaphore(%arg11 : memref<!tpu.dma_semaphore, #tpu.memory_space<semaphore_mem>>) src(%dma_wait3A_1138 : memref<16x128xf32, #tpu.memory_space<vmem>>) dst(%dma_wait3A_1134 : memref<16x128xf32, #tpu.memory_space<vmem_shared>>)
    %dma_wait3A_1139 = arith.constant 2 : i32
    %dma_wait3A_1140 = arith.constant 0 : i32
    %dma_wait3A_1141 = arith.constant 0 : i32
    %dma_wait3A_1142 = tpu.memref_slice %arg7[%dma_wait3A_1139, %dma_wait3A_1140, %dma_wait3A_1141] : memref<3x128x128xf32, #tpu.memory_space<vmem>> -> memref<1x16x128xf32, #tpu.memory_space<vmem>>
    %dma_wait3A_1143 = tpu.memref_squeeze %dma_wait3A_1142 : memref<1x16x128xf32, #tpu.memory_space<vmem>> -> memref<16x128xf32, #tpu.memory_space<vmem>>
    %dma_wait3A_1144 = arith.constant 0 : i32
    %dma_wait3A_1145 = tpu.memref_slice %arg5[%add3A_617, %dma_wait3A_1144] : memref<10000x128xf32, #tpu.memory_space<vmem_shared>> -> memref<16x128xf32, #tpu.memory_space<vmem_shared>>
    %dma_wait3A_1146 = arith.constant 0 : i32
    %dma_wait3A_1147 = tpu.memref_slice %arg5[%add3A_617, %dma_wait3A_1146] : memref<10000x128xf32, #tpu.memory_space<vmem_shared>> -> memref<16x128xf32, #tpu.memory_space<vmem_shared>>
    %dma_wait3A_1148 = arith.constant 0 : i32
    %dma_wait3A_1149 = arith.constant 0 : i32
    %dma_wait3A_1150 = tpu.memref_slice %arg7[%dma_wait3A_1139, %dma_wait3A_1148, %dma_wait3A_1149] : memref<3x128x128xf32, #tpu.memory_space<vmem>> -> memref<1x16x128xf32, #tpu.memory_space<vmem>>
    %dma_wait3A_1151 = tpu.memref_squeeze %dma_wait3A_1150 : memref<1x16x128xf32, #tpu.memory_space<vmem>> -> memref<16x128xf32, #tpu.memory_space<vmem>>
    tpu.wait_dma2 semaphore(%arg11 : memref<!tpu.dma_semaphore, #tpu.memory_space<semaphore_mem>>) src(%dma_wait3A_1151 : memref<16x128xf32, #tpu.memory_space<vmem>>) dst(%dma_wait3A_1147 : memref<16x128xf32, #tpu.memory_space<vmem_shared>>)
    %barrier3A = arith.constant 0 : index
    tpu.barrier barrier_id(%barrier3A)
    %add3A_1152 = arith.constant 6 : i32
    %add3A_1153 = arith.addi %select_n3A, %add3A_1152 : i32
    %sub3A_1154 = arith.constant 1 : i32
    %sub3A_1155 = arith.subi %add3A_1153, %sub3A_1154 : i32
    %jit3A_1156 = arith.constant 6 : i32
    %div3A_1157 = arith.divsi %sub3A_1155, %jit3A_1156 : i32
    %sign3A_1158 = arith.constant 0 : i32
    %sign3A_1159 = arith.cmpi sgt, %sub3A_1155, %sign3A_1158 : i32
    %sign3A_1160 = arith.extui %sign3A_1159 : i1 to i32
    %sign3A_1161 = arith.constant 0 : i32
    %sign3A_1162 = arith.cmpi slt, %sub3A_1155, %sign3A_1161 : i32
    %sign3A_1163 = arith.extui %sign3A_1162 : i1 to i32
    %sign3A_1164 = arith.subi %sign3A_1160, %sign3A_1163 : i32
    %sign3A_1165 = arith.constant 0 : i32
    %sign3A_1166 = arith.cmpi sgt, %jit3A_1156, %sign3A_1165 : i32
    %sign3A_1167 = arith.extui %sign3A_1166 : i1 to i32
    %sign3A_1168 = arith.constant 0 : i32
    %sign3A_1169 = arith.cmpi slt, %jit3A_1156, %sign3A_1168 : i32
    %sign3A_1170 = arith.extui %sign3A_1169 : i1 to i32
    %sign3A_1171 = arith.subi %sign3A_1167, %sign3A_1170 : i32
    %ne3A_1172 = arith.cmpi ne, %sign3A_1164, %sign3A_1171 : i32
    %rem3A_1173 = arith.remsi %sub3A_1155, %jit3A_1156 : i32
    %ne3A_1174 = arith.constant 0 : i32
    %ne3A_1175 = arith.cmpi ne, %rem3A_1173, %ne3A_1174 : i32
    %and3A_1176 = arith.andi %ne3A_1172, %ne3A_1175 : i1
    %sub3A_1177 = arith.constant 1 : i32
    %sub3A_1178 = arith.subi %div3A_1157, %sub3A_1177 : i32
    %select_n3A_1179 = arith.select %and3A_1176, %sub3A_1178, %div3A_1157 : i32
    %sub3A_1180 = arith.constant 0 : i32
    %sub3A_1181 = arith.subi %select_n3A_1179, %sub3A_1180 : i32
    %sub3A_1182 = arith.constant 1 : i32
    %sub3A_1183 = arith.constant 1 : i32
    %sub3A_1184 = arith.subi %sub3A_1182, %sub3A_1183 : i32
    %add3A_1185 = arith.addi %sub3A_1181, %sub3A_1184 : i32
    %div3A_1186 = arith.constant 1 : i32
    %div3A_1187 = arith.divsi %add3A_1185, %div3A_1186 : i32
    %while3A = arith.constant 1 : i32
    %while3A_1188 = arith.constant 0 : i32
    %while3A_1189 = arith.constant 0 : i32
    %while3A_1190 = arith.subi %div3A_1187, %while3A_1189 : i32
    %while3A_1191 = arith.addi %while3A_1189, %while3A_1190 : i32
    %while3A_1192 = arith.constant 1 : i32
    %while3A_1193 = arith.divsi %while3A_1190, %while3A_1192 : i32
    %while3A_1194 = arith.muli %while3A_1193, %while3A_1192 : i32
    %while3A_1195 = arith.addi %while3A_1189, %while3A_1194 : i32
    %while3A_1196 = arith.constant 1 : i32
    scf.for %while3A_1219 = %while3A_1189 to %while3A_1195 step %while3A_1196  : i32 {
      %mul3A_1220 = arith.muli %while3A_1219, %while3A : i32
      %add3A_1221 = arith.addi %while3A_1188, %mul3A_1220 : i32
      %mul3A_1222 = arith.constant 6 : i32
      %mul3A_1223 = arith.muli %add3A_1221, %mul3A_1222 : i32
      %add3A_1224 = arith.constant 0 : i32
      %add3A_1225 = arith.addi %mul3A_1223, %add3A_1224 : i32
      %add3A_1226 = arith.constant 2 : i32
      %add3A_1227 = arith.addi %add3A_1225, %add3A_1226 : i32
      %lt3A = arith.cmpi slt, %add3A_1227, %select_n3A : i32
      %convert_element_type3A_1228 = arith.extui %lt3A : i1 to i32
      %cond3A_1229 = arith.constant 0 : i32
      %cond3A_1230 = arith.cmpi ne, %convert_element_type3A_1228, %cond3A_1229 : i32
      scf.if %cond3A_1230 {
        %ge3A = arith.constant 1 : i32
        %ge3A_1331 = arith.cmpi sge, %add3A_1225, %ge3A : i32
        %convert_element_type3A_1332 = arith.extui %ge3A_1331 : i1 to i32
        %cond3A_1333 = arith.constant 0 : i32
        %cond3A_1334 = arith.cmpi ne, %convert_element_type3A_1332, %cond3A_1333 : i32
        scf.if %cond3A_1334 {
          %dma_wait3A_1372 = arith.constant 2 : i32
          %dma_wait3A_1373 = arith.constant 2 : i32
          %dma_wait3A_1374 = arith.constant 0 : i32
          %dma_wait3A_1375 = arith.constant 0 : i32
          %dma_wait3A_1376 = tpu.memref_slice %arg7[%dma_wait3A_1372, %dma_wait3A_1374, %dma_wait3A_1375] : memref<3x128x128xf32, #tpu.memory_space<vmem>> -> memref<1x128x128xf32, #tpu.memory_space<vmem>>
          %dma_wait3A_1377 = tpu.memref_squeeze %dma_wait3A_1376 : memref<1x128x128xf32, #tpu.memory_space<vmem>> -> memref<128x128xf32, #tpu.memory_space<vmem>>
          %dma_wait3A_1378 = arith.constant 0 : i32
          %dma_wait3A_1379 = arith.constant 0 : i32
          %dma_wait3A_1380 = tpu.memref_slice %arg5[%dma_wait3A_1378, %dma_wait3A_1379] : memref<10000x128xf32, #tpu.memory_space<vmem_shared>> -> memref<128x128xf32, #tpu.memory_space<vmem_shared>>
          %dma_wait3A_1381 = tpu.memref_slice %arg10[%dma_wait3A_1373] : memref<3x!tpu.dma_semaphore, #tpu.memory_space<semaphore_mem>> -> memref<1x!tpu.dma_semaphore, #tpu.memory_space<semaphore_mem>>
          %dma_wait3A_1382 = tpu.memref_squeeze %dma_wait3A_1381 : memref<1x!tpu.dma_semaphore, #tpu.memory_space<semaphore_mem>> -> memref<!tpu.dma_semaphore, #tpu.memory_space<semaphore_mem>>
          %dma_wait3A_1383 = arith.constant 0 : i32
          %dma_wait3A_1384 = arith.constant 0 : i32
          %dma_wait3A_1385 = tpu.memref_slice %arg5[%dma_wait3A_1383, %dma_wait3A_1384] : memref<10000x128xf32, #tpu.memory_space<vmem_shared>> -> memref<128x128xf32, #tpu.memory_space<vmem_shared>>
          %dma_wait3A_1386 = arith.constant 0 : i32
          %dma_wait3A_1387 = arith.constant 0 : i32
          %dma_wait3A_1388 = tpu.memref_slice %arg7[%dma_wait3A_1372, %dma_wait3A_1386, %dma_wait3A_1387] : memref<3x128x128xf32, #tpu.memory_space<vmem>> -> memref<1x128x128xf32, #tpu.memory_space<vmem>>
          %dma_wait3A_1389 = tpu.memref_squeeze %dma_wait3A_1388 : memref<1x128x128xf32, #tpu.memory_space<vmem>> -> memref<128x128xf32, #tpu.memory_space<vmem>>
          tpu.wait_dma2 semaphore(%dma_wait3A_1382 : memref<!tpu.dma_semaphore, #tpu.memory_space<semaphore_mem>>) src(%dma_wait3A_1389 : memref<128x128xf32, #tpu.memory_space<vmem>>) dst(%dma_wait3A_1385 : memref<128x128xf32, #tpu.memory_space<vmem_shared>>)
        } else {
        }
        %dma_wait3A_1335 = arith.constant 0 : i32
        %dma_wait3A_1336 = arith.constant 2 : i32
        %dma_wait3A_1337 = arith.constant 2 : i32
        %dma_wait3A_1338 = arith.constant 0 : i32
        %dma_wait3A_1339 = arith.constant 0 : i32
        %dma_wait3A_1340 = tpu.memref_slice %arg6[%dma_wait3A_1336, %dma_wait3A_1338, %dma_wait3A_1339] : memref<6x2x128xi32, #tpu.memory_space<vmem>> -> memref<1x2x128xi32, #tpu.memory_space<vmem>>
        %dma_wait3A_1341 = tpu.memref_squeeze %dma_wait3A_1340 : memref<1x2x128xi32, #tpu.memory_space<vmem>> -> memref<2x128xi32, #tpu.memory_space<vmem>>
        %dma_wait3A_1342 = arith.constant 0 : i32
        %dma_wait3A_1343 = arith.constant 0 : i32
        %dma_wait3A_1344 = tpu.memref_slice %arg2[%dma_wait3A_1335, %dma_wait3A_1342, %dma_wait3A_1343] : memref<2500x2x128xi32, #tpu.memory_space<hbm>> -> memref<1x2x128xi32, #tpu.memory_space<hbm>>
        %dma_wait3A_1345 = tpu.memref_squeeze %dma_wait3A_1344 : memref<1x2x128xi32, #tpu.memory_space<hbm>> -> memref<2x128xi32, #tpu.memory_space<hbm>>
        %dma_wait3A_1346 = tpu.memref_slice %arg8[%dma_wait3A_1337] : memref<6x!tpu.dma_semaphore, #tpu.memory_space<semaphore_mem>> -> memref<1x!tpu.dma_semaphore, #tpu.memory_space<semaphore_mem>>
        %dma_wait3A_1347 = tpu.memref_squeeze %dma_wait3A_1346 : memref<1x!tpu.dma_semaphore, #tpu.memory_space<semaphore_mem>> -> memref<!tpu.dma_semaphore, #tpu.memory_space<semaphore_mem>>
        %dma_wait3A_1348 = arith.constant 0 : i32
        %dma_wait3A_1349 = arith.constant 0 : i32
        %dma_wait3A_1350 = tpu.memref_slice %arg6[%dma_wait3A_1336, %dma_wait3A_1348, %dma_wait3A_1349] : memref<6x2x128xi32, #tpu.memory_space<vmem>> -> memref<1x2x128xi32, #tpu.memory_space<vmem>>
        %dma_wait3A_1351 = tpu.memref_squeeze %dma_wait3A_1350 : memref<1x2x128xi32, #tpu.memory_space<vmem>> -> memref<2x128xi32, #tpu.memory_space<vmem>>
        %dma_wait3A_1352 = arith.constant 0 : i32
        %dma_wait3A_1353 = arith.constant 0 : i32
        %dma_wait3A_1354 = tpu.memref_slice %arg2[%dma_wait3A_1335, %dma_wait3A_1352, %dma_wait3A_1353] : memref<2500x2x128xi32, #tpu.memory_space<hbm>> -> memref<1x2x128xi32, #tpu.memory_space<hbm>>
        %dma_wait3A_1355 = tpu.memref_squeeze %dma_wait3A_1354 : memref<1x2x128xi32, #tpu.memory_space<hbm>> -> memref<2x128xi32, #tpu.memory_space<hbm>>
        tpu.wait_dma2 semaphore(%dma_wait3A_1347 : memref<!tpu.dma_semaphore, #tpu.memory_space<semaphore_mem>>) src(%dma_wait3A_1355 : memref<2x128xi32, #tpu.memory_space<hbm>>) dst(%dma_wait3A_1351 : memref<2x128xi32, #tpu.memory_space<vmem>>)
        %dma_start3A_1356 = arith.constant 2 : i32
        %dma_start3A_1357 = arith.constant 0 : i32
        %dma_start3A_1358 = arith.constant 2 : i32
        %dma_start3A_1359 = arith.constant 2 : i32
        %dma_start3A_1360 = arith.constant 0 : i32
        %dma_start3A_1361 = arith.constant 0 : i32
        %dma_start3A_1362 = tpu.memref_slice %arg7[%dma_start3A_1358, %dma_start3A_1360, %dma_start3A_1361] : memref<3x128x128xf32, #tpu.memory_space<vmem>> -> memref<1x128x128xf32, #tpu.memory_space<vmem>>
        %dma_start3A_1363 = tpu.memref_squeeze %dma_start3A_1362 : memref<1x128x128xf32, #tpu.memory_space<vmem>> -> memref<128x128xf32, #tpu.memory_space<vmem>>
        %dma_start3A_1364 = arith.constant 0 : i32
        %dma_start3A_1365 = tpu.memref_slice %arg6[%dma_start3A_1356, %dma_start3A_1357, %dma_start3A_1364] : memref<6x2x128xi32, #tpu.memory_space<vmem>> -> memref<1x1x128xi32, #tpu.memory_space<vmem>>
        %dma_start3A_1366 = tpu.memref_squeeze %dma_start3A_1365 : memref<1x1x128xi32, #tpu.memory_space<vmem>> -> memref<128xi32, #tpu.memory_space<vmem>>
        %dma_start3A_1367 = arith.constant 0 : i32
        %dma_start3A_1368 = arith.constant 0 : i32
        %dma_start3A_1369 = tpu.memref_slice %arg3[%dma_start3A_1367, %dma_start3A_1368] : memref<10000x128xf32, #tpu.memory_space<hbm>> -> memref<10000x128xf32, #tpu.memory_space<hbm>>
        %dma_start3A_1370 = tpu.memref_slice %arg9[%dma_start3A_1359] : memref<3x!tpu.dma_semaphore, #tpu.memory_space<semaphore_mem>> -> memref<1x!tpu.dma_semaphore, #tpu.memory_space<semaphore_mem>>
        %dma_start3A_1371 = tpu.memref_squeeze %dma_start3A_1370 : memref<1x!tpu.dma_semaphore, #tpu.memory_space<semaphore_mem>> -> memref<!tpu.dma_semaphore, #tpu.memory_space<semaphore_mem>>
        tpu.enqueue_indirect_dma source(%dma_start3A_1369 : memref<10000x128xf32, #tpu.memory_space<hbm>>) target(%dma_start3A_1363 : memref<128x128xf32, #tpu.memory_space<vmem>>) offsets(%dma_start3A_1366 : memref<128xi32, #tpu.memory_space<vmem>>) semaphore(%dma_start3A_1371 : memref<!tpu.dma_semaphore, #tpu.memory_space<semaphore_mem>>)
      } else {
      }
      %lt3A_1231 = arith.cmpi slt, %add3A_1225, %select_n3A : i32
      %convert_element_type3A_1232 = arith.extui %lt3A_1231 : i1 to i32
      %cond3A_1233 = arith.constant 0 : i32
      %cond3A_1234 = arith.cmpi ne, %convert_element_type3A_1232, %cond3A_1233 : i32
      scf.if %cond3A_1234 {
        %dma_wait3A_1331 = arith.constant 0 : i32
        %dma_wait3A_1332 = arith.constant 0 : i32
        %dma_wait3A_1333 = arith.constant 0 : i32
        %dma_wait3A_1334 = arith.constant 0 : i32
        %dma_wait3A_1335 = tpu.memref_slice %arg7[%dma_wait3A_1331, %dma_wait3A_1333, %dma_wait3A_1334] : memref<3x128x128xf32, #tpu.memory_space<vmem>> -> memref<1x128x128xf32, #tpu.memory_space<vmem>>
        %dma_wait3A_1336 = tpu.memref_squeeze %dma_wait3A_1335 : memref<1x128x128xf32, #tpu.memory_space<vmem>> -> memref<128x128xf32, #tpu.memory_space<vmem>>
        %dma_wait3A_1337 = arith.constant 0 : i32
        %dma_wait3A_1338 = arith.constant 0 : i32
        %dma_wait3A_1339 = tpu.memref_slice %arg3[%dma_wait3A_1337, %dma_wait3A_1338] : memref<10000x128xf32, #tpu.memory_space<hbm>> -> memref<128x128xf32, #tpu.memory_space<hbm>>
        %dma_wait3A_1340 = tpu.memref_slice %arg9[%dma_wait3A_1332] : memref<3x!tpu.dma_semaphore, #tpu.memory_space<semaphore_mem>> -> memref<1x!tpu.dma_semaphore, #tpu.memory_space<semaphore_mem>>
        %dma_wait3A_1341 = tpu.memref_squeeze %dma_wait3A_1340 : memref<1x!tpu.dma_semaphore, #tpu.memory_space<semaphore_mem>> -> memref<!tpu.dma_semaphore, #tpu.memory_space<semaphore_mem>>
        %dma_wait3A_1342 = arith.constant 0 : i32
        %dma_wait3A_1343 = arith.constant 0 : i32
        %dma_wait3A_1344 = tpu.memref_slice %arg7[%dma_wait3A_1331, %dma_wait3A_1342, %dma_wait3A_1343] : memref<3x128x128xf32, #tpu.memory_space<vmem>> -> memref<1x128x128xf32, #tpu.memory_space<vmem>>
        %dma_wait3A_1345 = tpu.memref_squeeze %dma_wait3A_1344 : memref<1x128x128xf32, #tpu.memory_space<vmem>> -> memref<128x128xf32, #tpu.memory_space<vmem>>
        %dma_wait3A_1346 = arith.constant 0 : i32
        %dma_wait3A_1347 = arith.constant 0 : i32
        %dma_wait3A_1348 = tpu.memref_slice %arg3[%dma_wait3A_1346, %dma_wait3A_1347] : memref<10000x128xf32, #tpu.memory_space<hbm>> -> memref<128x128xf32, #tpu.memory_space<hbm>>
        tpu.wait_dma2 semaphore(%dma_wait3A_1341 : memref<!tpu.dma_semaphore, #tpu.memory_space<semaphore_mem>>) src(%dma_wait3A_1348 : memref<128x128xf32, #tpu.memory_space<hbm>>) dst(%dma_wait3A_1345 : memref<128x128xf32, #tpu.memory_space<vmem>>)
        %dma_start3A_1349 = arith.constant 0 : i32
        %dma_start3A_1350 = arith.constant 0 : i32
        %dma_start3A_1351 = arith.constant 1 : i32
        %dma_start3A_1352 = arith.constant 0 : i32
        %dma_start3A_1353 = arith.constant 0 : i32
        %dma_start3A_1354 = arith.constant 0 : i32
        %dma_start3A_1355 = tpu.memref_slice %arg7[%dma_start3A_1349, %dma_start3A_1353, %dma_start3A_1354] : memref<3x128x128xf32, #tpu.memory_space<vmem>> -> memref<1x128x128xf32, #tpu.memory_space<vmem>>
        %dma_start3A_1356 = tpu.memref_squeeze %dma_start3A_1355 : memref<1x128x128xf32, #tpu.memory_space<vmem>> -> memref<128x128xf32, #tpu.memory_space<vmem>>
        %dma_start3A_1357 = arith.constant 0 : i32
        %dma_start3A_1358 = tpu.memref_slice %arg6[%dma_start3A_1350, %dma_start3A_1351, %dma_start3A_1357] : memref<6x2x128xi32, #tpu.memory_space<vmem>> -> memref<1x1x128xi32, #tpu.memory_space<vmem>>
        %dma_start3A_1359 = tpu.memref_squeeze %dma_start3A_1358 : memref<1x1x128xi32, #tpu.memory_space<vmem>> -> memref<128xi32, #tpu.memory_space<vmem>>
        %dma_start3A_1360 = arith.constant 0 : i32
        %dma_start3A_1361 = arith.constant 0 : i32
        %dma_start3A_1362 = tpu.memref_slice %arg5[%dma_start3A_1360, %dma_start3A_1361] : memref<10000x128xf32, #tpu.memory_space<vmem_shared>> -> memref<10000x128xf32, #tpu.memory_space<vmem_shared>>
        %dma_start3A_1363 = tpu.memref_slice %arg10[%dma_start3A_1352] : memref<3x!tpu.dma_semaphore, #tpu.memory_space<semaphore_mem>> -> memref<1x!tpu.dma_semaphore, #tpu.memory_space<semaphore_mem>>
        %dma_start3A_1364 = tpu.memref_squeeze %dma_start3A_1363 : memref<1x!tpu.dma_semaphore, #tpu.memory_space<semaphore_mem>> -> memref<!tpu.dma_semaphore, #tpu.memory_space<semaphore_mem>>
        tpu.enqueue_indirect_dma source(%dma_start3A_1356 : memref<128x128xf32, #tpu.memory_space<vmem>>) target(%dma_start3A_1362 : memref<10000x128xf32, #tpu.memory_space<vmem_shared>>) offsets(%dma_start3A_1359 : memref<128xi32, #tpu.memory_space<vmem>>) semaphore(%dma_start3A_1364 : memref<!tpu.dma_semaphore, #tpu.memory_space<semaphore_mem>>) {add = true}
      } else {
      }
      %add3A_1235 = arith.constant 4 : i32
      %add3A_1236 = arith.addi %add3A_1225, %add3A_1235 : i32
      %lt3A_1237 = arith.cmpi slt, %add3A_1236, %select_n3A : i32
      %convert_element_type3A_1238 = arith.extui %lt3A_1237 : i1 to i32
      %cond3A_1239 = arith.constant 0 : i32
      %cond3A_1240 = arith.cmpi ne, %convert_element_type3A_1238, %cond3A_1239 : i32
      scf.if %cond3A_1240 {
        %add3A_1331 = arith.constant 4 : i32
        %add3A_1332 = arith.addi %add3A_1225, %add3A_1331 : i32
        %mul3A_1333 = arith.constant 32 : i32
        %mul3A_1334 = arith.muli %add3A_1332, %mul3A_1333 : i32
        %add3A_1335 = arith.addi %add3A, %mul3A_1334 : i32
        %dma_start3A_1336 = arith.constant 4 : i32
        %dma_start3A_1337 = arith.constant 4 : i32
        %dma_start3A_1338 = arith.constant 0 : i32
        %dma_start3A_1339 = arith.constant 0 : i32
        %dma_start3A_1340 = tpu.memref_slice %arg6[%dma_start3A_1336, %dma_start3A_1338, %dma_start3A_1339] : memref<6x2x128xi32, #tpu.memory_space<vmem>> -> memref<1x2x128xi32, #tpu.memory_space<vmem>>
        %dma_start3A_1341 = tpu.memref_squeeze %dma_start3A_1340 : memref<1x2x128xi32, #tpu.memory_space<vmem>> -> memref<2x128xi32, #tpu.memory_space<vmem>>
        %dma_start3A_1342 = arith.constant 0 : i32
        %dma_start3A_1343 = arith.constant 0 : i32
        %dma_start3A_1344 = tpu.memref_slice %arg2[%add3A_1335, %dma_start3A_1342, %dma_start3A_1343] : memref<2500x2x128xi32, #tpu.memory_space<hbm>> -> memref<1x2x128xi32, #tpu.memory_space<hbm>>
        %dma_start3A_1345 = tpu.memref_squeeze %dma_start3A_1344 : memref<1x2x128xi32, #tpu.memory_space<hbm>> -> memref<2x128xi32, #tpu.memory_space<hbm>>
        %dma_start3A_1346 = tpu.memref_slice %arg8[%dma_start3A_1337] : memref<6x!tpu.dma_semaphore, #tpu.memory_space<semaphore_mem>> -> memref<1x!tpu.dma_semaphore, #tpu.memory_space<semaphore_mem>>
        %dma_start3A_1347 = tpu.memref_squeeze %dma_start3A_1346 : memref<1x!tpu.dma_semaphore, #tpu.memory_space<semaphore_mem>> -> memref<!tpu.dma_semaphore, #tpu.memory_space<semaphore_mem>>
        %dma_start3A_1348 = arith.constant 0 : i32
        %dma_start3A_1349 = arith.constant 0 : i32
        %dma_start3A_1350 = tpu.memref_slice %arg6[%dma_start3A_1336, %dma_start3A_1348, %dma_start3A_1349] : memref<6x2x128xi32, #tpu.memory_space<vmem>> -> memref<1x2x128xi32, #tpu.memory_space<vmem>>
        %dma_start3A_1351 = tpu.memref_squeeze %dma_start3A_1350 : memref<1x2x128xi32, #tpu.memory_space<vmem>> -> memref<2x128xi32, #tpu.memory_space<vmem>>
        %dma_start3A_1352 = arith.constant 0 : i32
        %dma_start3A_1353 = arith.constant 0 : i32
        %dma_start3A_1354 = tpu.memref_slice %arg2[%add3A_1335, %dma_start3A_1352, %dma_start3A_1353] : memref<2500x2x128xi32, #tpu.memory_space<hbm>> -> memref<1x2x128xi32, #tpu.memory_space<hbm>>
        %dma_start3A_1355 = tpu.memref_squeeze %dma_start3A_1354 : memref<1x2x128xi32, #tpu.memory_space<hbm>> -> memref<2x128xi32, #tpu.memory_space<hbm>>
        tpu.enqueue_dma source(%dma_start3A_1355 : memref<2x128xi32, #tpu.memory_space<hbm>>) target(%dma_start3A_1351 : memref<2x128xi32, #tpu.memory_space<vmem>>) target_semaphore(%dma_start3A_1347 : memref<!tpu.dma_semaphore, #tpu.memory_space<semaphore_mem>>)
      } else {
      }
      %add3A_1241 = arith.constant 1 : i32
      %add3A_1242 = arith.addi %mul3A_1223, %add3A_1241 : i32
      %add3A_1243 = arith.constant 2 : i32
      %add3A_1244 = arith.addi %add3A_1242, %add3A_1243 : i32
      %lt3A_1245 = arith.cmpi slt, %add3A_1244, %select_n3A : i32
      %convert_element_type3A_1246 = arith.extui %lt3A_1245 : i1 to i32
      %cond3A_1247 = arith.constant 0 : i32
      %cond3A_1248 = arith.cmpi ne, %convert_element_type3A_1246, %cond3A_1247 : i32
      scf.if %cond3A_1248 {
        %dma_wait3A_1331 = arith.constant 0 : i32
        %dma_wait3A_1332 = arith.constant 0 : i32
        %dma_wait3A_1333 = arith.constant 0 : i32
        %dma_wait3A_1334 = arith.constant 0 : i32
        %dma_wait3A_1335 = tpu.memref_slice %arg7[%dma_wait3A_1331, %dma_wait3A_1333, %dma_wait3A_1334] : memref<3x128x128xf32, #tpu.memory_space<vmem>> -> memref<1x128x128xf32, #tpu.memory_space<vmem>>
        %dma_wait3A_1336 = tpu.memref_squeeze %dma_wait3A_1335 : memref<1x128x128xf32, #tpu.memory_space<vmem>> -> memref<128x128xf32, #tpu.memory_space<vmem>>
        %dma_wait3A_1337 = arith.constant 0 : i32
        %dma_wait3A_1338 = arith.constant 0 : i32
        %dma_wait3A_1339 = tpu.memref_slice %arg5[%dma_wait3A_1337, %dma_wait3A_1338] : memref<10000x128xf32, #tpu.memory_space<vmem_shared>> -> memref<128x128xf32, #tpu.memory_space<vmem_shared>>
        %dma_wait3A_1340 = tpu.memref_slice %arg10[%dma_wait3A_1332] : memref<3x!tpu.dma_semaphore, #tpu.memory_space<semaphore_mem>> -> memref<1x!tpu.dma_semaphore, #tpu.memory_space<semaphore_mem>>
        %dma_wait3A_1341 = tpu.memref_squeeze %dma_wait3A_1340 : memref<1x!tpu.dma_semaphore, #tpu.memory_space<semaphore_mem>> -> memref<!tpu.dma_semaphore, #tpu.memory_space<semaphore_mem>>
        %dma_wait3A_1342 = arith.constant 0 : i32
        %dma_wait3A_1343 = arith.constant 0 : i32
        %dma_wait3A_1344 = tpu.memref_slice %arg5[%dma_wait3A_1342, %dma_wait3A_1343] : memref<10000x128xf32, #tpu.memory_space<vmem_shared>> -> memref<128x128xf32, #tpu.memory_space<vmem_shared>>
        %dma_wait3A_1345 = arith.constant 0 : i32
        %dma_wait3A_1346 = arith.constant 0 : i32
        %dma_wait3A_1347 = tpu.memref_slice %arg7[%dma_wait3A_1331, %dma_wait3A_1345, %dma_wait3A_1346] : memref<3x128x128xf32, #tpu.memory_space<vmem>> -> memref<1x128x128xf32, #tpu.memory_space<vmem>>
        %dma_wait3A_1348 = tpu.memref_squeeze %dma_wait3A_1347 : memref<1x128x128xf32, #tpu.memory_space<vmem>> -> memref<128x128xf32, #tpu.memory_space<vmem>>
        tpu.wait_dma2 semaphore(%dma_wait3A_1341 : memref<!tpu.dma_semaphore, #tpu.memory_space<semaphore_mem>>) src(%dma_wait3A_1348 : memref<128x128xf32, #tpu.memory_space<vmem>>) dst(%dma_wait3A_1344 : memref<128x128xf32, #tpu.memory_space<vmem_shared>>)
        %dma_wait3A_1349 = arith.constant 0 : i32
        %dma_wait3A_1350 = arith.constant 3 : i32
        %dma_wait3A_1351 = arith.constant 3 : i32
        %dma_wait3A_1352 = arith.constant 0 : i32
        %dma_wait3A_1353 = arith.constant 0 : i32
        %dma_wait3A_1354 = tpu.memref_slice %arg6[%dma_wait3A_1350, %dma_wait3A_1352, %dma_wait3A_1353] : memref<6x2x128xi32, #tpu.memory_space<vmem>> -> memref<1x2x128xi32, #tpu.memory_space<vmem>>
        %dma_wait3A_1355 = tpu.memref_squeeze %dma_wait3A_1354 : memref<1x2x128xi32, #tpu.memory_space<vmem>> -> memref<2x128xi32, #tpu.memory_space<vmem>>
        %dma_wait3A_1356 = arith.constant 0 : i32
        %dma_wait3A_1357 = arith.constant 0 : i32
        %dma_wait3A_1358 = tpu.memref_slice %arg2[%dma_wait3A_1349, %dma_wait3A_1356, %dma_wait3A_1357] : memref<2500x2x128xi32, #tpu.memory_space<hbm>> -> memref<1x2x128xi32, #tpu.memory_space<hbm>>
        %dma_wait3A_1359 = tpu.memref_squeeze %dma_wait3A_1358 : memref<1x2x128xi32, #tpu.memory_space<hbm>> -> memref<2x128xi32, #tpu.memory_space<hbm>>
        %dma_wait3A_1360 = tpu.memref_slice %arg8[%dma_wait3A_1351] : memref<6x!tpu.dma_semaphore, #tpu.memory_space<semaphore_mem>> -> memref<1x!tpu.dma_semaphore, #tpu.memory_space<semaphore_mem>>
        %dma_wait3A_1361 = tpu.memref_squeeze %dma_wait3A_1360 : memref<1x!tpu.dma_semaphore, #tpu.memory_space<semaphore_mem>> -> memref<!tpu.dma_semaphore, #tpu.memory_space<semaphore_mem>>
        %dma_wait3A_1362 = arith.constant 0 : i32
        %dma_wait3A_1363 = arith.constant 0 : i32
        %dma_wait3A_1364 = tpu.memref_slice %arg6[%dma_wait3A_1350, %dma_wait3A_1362, %dma_wait3A_1363] : memref<6x2x128xi32, #tpu.memory_space<vmem>> -> memref<1x2x128xi32, #tpu.memory_space<vmem>>
        %dma_wait3A_1365 = tpu.memref_squeeze %dma_wait3A_1364 : memref<1x2x128xi32, #tpu.memory_space<vmem>> -> memref<2x128xi32, #tpu.memory_space<vmem>>
        %dma_wait3A_1366 = arith.constant 0 : i32
        %dma_wait3A_1367 = arith.constant 0 : i32
        %dma_wait3A_1368 = tpu.memref_slice %arg2[%dma_wait3A_1349, %dma_wait3A_1366, %dma_wait3A_1367] : memref<2500x2x128xi32, #tpu.memory_space<hbm>> -> memref<1x2x128xi32, #tpu.memory_space<hbm>>
        %dma_wait3A_1369 = tpu.memref_squeeze %dma_wait3A_1368 : memref<1x2x128xi32, #tpu.memory_space<hbm>> -> memref<2x128xi32, #tpu.memory_space<hbm>>
        tpu.wait_dma2 semaphore(%dma_wait3A_1361 : memref<!tpu.dma_semaphore, #tpu.memory_space<semaphore_mem>>) src(%dma_wait3A_1369 : memref<2x128xi32, #tpu.memory_space<hbm>>) dst(%dma_wait3A_1365 : memref<2x128xi32, #tpu.memory_space<vmem>>)
        %dma_start3A_1370 = arith.constant 3 : i32
        %dma_start3A_1371 = arith.constant 0 : i32
        %dma_start3A_1372 = arith.constant 0 : i32
        %dma_start3A_1373 = arith.constant 0 : i32
        %dma_start3A_1374 = arith.constant 0 : i32
        %dma_start3A_1375 = arith.constant 0 : i32
        %dma_start3A_1376 = tpu.memref_slice %arg7[%dma_start3A_1372, %dma_start3A_1374, %dma_start3A_1375] : memref<3x128x128xf32, #tpu.memory_space<vmem>> -> memref<1x128x128xf32, #tpu.memory_space<vmem>>
        %dma_start3A_1377 = tpu.memref_squeeze %dma_start3A_1376 : memref<1x128x128xf32, #tpu.memory_space<vmem>> -> memref<128x128xf32, #tpu.memory_space<vmem>>
        %dma_start3A_1378 = arith.constant 0 : i32
        %dma_start3A_1379 = tpu.memref_slice %arg6[%dma_start3A_1370, %dma_start3A_1371, %dma_start3A_1378] : memref<6x2x128xi32, #tpu.memory_space<vmem>> -> memref<1x1x128xi32, #tpu.memory_space<vmem>>
        %dma_start3A_1380 = tpu.memref_squeeze %dma_start3A_1379 : memref<1x1x128xi32, #tpu.memory_space<vmem>> -> memref<128xi32, #tpu.memory_space<vmem>>
        %dma_start3A_1381 = arith.constant 0 : i32
        %dma_start3A_1382 = arith.constant 0 : i32
        %dma_start3A_1383 = tpu.memref_slice %arg3[%dma_start3A_1381, %dma_start3A_1382] : memref<10000x128xf32, #tpu.memory_space<hbm>> -> memref<10000x128xf32, #tpu.memory_space<hbm>>
        %dma_start3A_1384 = tpu.memref_slice %arg9[%dma_start3A_1373] : memref<3x!tpu.dma_semaphore, #tpu.memory_space<semaphore_mem>> -> memref<1x!tpu.dma_semaphore, #tpu.memory_space<semaphore_mem>>
        %dma_start3A_1385 = tpu.memref_squeeze %dma_start3A_1384 : memref<1x!tpu.dma_semaphore, #tpu.memory_space<semaphore_mem>> -> memref<!tpu.dma_semaphore, #tpu.memory_space<semaphore_mem>>
        tpu.enqueue_indirect_dma source(%dma_start3A_1383 : memref<10000x128xf32, #tpu.memory_space<hbm>>) target(%dma_start3A_1377 : memref<128x128xf32, #tpu.memory_space<vmem>>) offsets(%dma_start3A_1380 : memref<128xi32, #tpu.memory_space<vmem>>) semaphore(%dma_start3A_1385 : memref<!tpu.dma_semaphore, #tpu.memory_space<semaphore_mem>>)
      } else {
      }
      %lt3A_1249 = arith.cmpi slt, %add3A_1242, %select_n3A : i32
      %convert_element_type3A_1250 = arith.extui %lt3A_1249 : i1 to i32
      %cond3A_1251 = arith.constant 0 : i32
      %cond3A_1252 = arith.cmpi ne, %convert_element_type3A_1250, %cond3A_1251 : i32
      scf.if %cond3A_1252 {
        %dma_wait3A_1331 = arith.constant 1 : i32
        %dma_wait3A_1332 = arith.constant 1 : i32
        %dma_wait3A_1333 = arith.constant 0 : i32
        %dma_wait3A_1334 = arith.constant 0 : i32
        %dma_wait3A_1335 = tpu.memref_slice %arg7[%dma_wait3A_1331, %dma_wait3A_1333, %dma_wait3A_1334] : memref<3x128x128xf32, #tpu.memory_space<vmem>> -> memref<1x128x128xf32, #tpu.memory_space<vmem>>
        %dma_wait3A_1336 = tpu.memref_squeeze %dma_wait3A_1335 : memref<1x128x128xf32, #tpu.memory_space<vmem>> -> memref<128x128xf32, #tpu.memory_space<vmem>>
        %dma_wait3A_1337 = arith.constant 0 : i32
        %dma_wait3A_1338 = arith.constant 0 : i32
        %dma_wait3A_1339 = tpu.memref_slice %arg3[%dma_wait3A_1337, %dma_wait3A_1338] : memref<10000x128xf32, #tpu.memory_space<hbm>> -> memref<128x128xf32, #tpu.memory_space<hbm>>
        %dma_wait3A_1340 = tpu.memref_slice %arg9[%dma_wait3A_1332] : memref<3x!tpu.dma_semaphore, #tpu.memory_space<semaphore_mem>> -> memref<1x!tpu.dma_semaphore, #tpu.memory_space<semaphore_mem>>
        %dma_wait3A_1341 = tpu.memref_squeeze %dma_wait3A_1340 : memref<1x!tpu.dma_semaphore, #tpu.memory_space<semaphore_mem>> -> memref<!tpu.dma_semaphore, #tpu.memory_space<semaphore_mem>>
        %dma_wait3A_1342 = arith.constant 0 : i32
        %dma_wait3A_1343 = arith.constant 0 : i32
        %dma_wait3A_1344 = tpu.memref_slice %arg7[%dma_wait3A_1331, %dma_wait3A_1342, %dma_wait3A_1343] : memref<3x128x128xf32, #tpu.memory_space<vmem>> -> memref<1x128x128xf32, #tpu.memory_space<vmem>>
        %dma_wait3A_1345 = tpu.memref_squeeze %dma_wait3A_1344 : memref<1x128x128xf32, #tpu.memory_space<vmem>> -> memref<128x128xf32, #tpu.memory_space<vmem>>
        %dma_wait3A_1346 = arith.constant 0 : i32
        %dma_wait3A_1347 = arith.constant 0 : i32
        %dma_wait3A_1348 = tpu.memref_slice %arg3[%dma_wait3A_1346, %dma_wait3A_1347] : memref<10000x128xf32, #tpu.memory_space<hbm>> -> memref<128x128xf32, #tpu.memory_space<hbm>>
        tpu.wait_dma2 semaphore(%dma_wait3A_1341 : memref<!tpu.dma_semaphore, #tpu.memory_space<semaphore_mem>>) src(%dma_wait3A_1348 : memref<128x128xf32, #tpu.memory_space<hbm>>) dst(%dma_wait3A_1345 : memref<128x128xf32, #tpu.memory_space<vmem>>)
        %dma_start3A_1349 = arith.constant 1 : i32
        %dma_start3A_1350 = arith.constant 1 : i32
        %dma_start3A_1351 = arith.constant 1 : i32
        %dma_start3A_1352 = arith.constant 1 : i32
        %dma_start3A_1353 = arith.constant 0 : i32
        %dma_start3A_1354 = arith.constant 0 : i32
        %dma_start3A_1355 = tpu.memref_slice %arg7[%dma_start3A_1349, %dma_start3A_1353, %dma_start3A_1354] : memref<3x128x128xf32, #tpu.memory_space<vmem>> -> memref<1x128x128xf32, #tpu.memory_space<vmem>>
        %dma_start3A_1356 = tpu.memref_squeeze %dma_start3A_1355 : memref<1x128x128xf32, #tpu.memory_space<vmem>> -> memref<128x128xf32, #tpu.memory_space<vmem>>
        %dma_start3A_1357 = arith.constant 0 : i32
        %dma_start3A_1358 = tpu.memref_slice %arg6[%dma_start3A_1350, %dma_start3A_1351, %dma_start3A_1357] : memref<6x2x128xi32, #tpu.memory_space<vmem>> -> memref<1x1x128xi32, #tpu.memory_space<vmem>>
        %dma_start3A_1359 = tpu.memref_squeeze %dma_start3A_1358 : memref<1x1x128xi32, #tpu.memory_space<vmem>> -> memref<128xi32, #tpu.memory_space<vmem>>
        %dma_start3A_1360 = arith.constant 0 : i32
        %dma_start3A_1361 = arith.constant 0 : i32
        %dma_start3A_1362 = tpu.memref_slice %arg5[%dma_start3A_1360, %dma_start3A_1361] : memref<10000x128xf32, #tpu.memory_space<vmem_shared>> -> memref<10000x128xf32, #tpu.memory_space<vmem_shared>>
        %dma_start3A_1363 = tpu.memref_slice %arg10[%dma_start3A_1352] : memref<3x!tpu.dma_semaphore, #tpu.memory_space<semaphore_mem>> -> memref<1x!tpu.dma_semaphore, #tpu.memory_space<semaphore_mem>>
        %dma_start3A_1364 = tpu.memref_squeeze %dma_start3A_1363 : memref<1x!tpu.dma_semaphore, #tpu.memory_space<semaphore_mem>> -> memref<!tpu.dma_semaphore, #tpu.memory_space<semaphore_mem>>
        tpu.enqueue_indirect_dma source(%dma_start3A_1356 : memref<128x128xf32, #tpu.memory_space<vmem>>) target(%dma_start3A_1362 : memref<10000x128xf32, #tpu.memory_space<vmem_shared>>) offsets(%dma_start3A_1359 : memref<128xi32, #tpu.memory_space<vmem>>) semaphore(%dma_start3A_1364 : memref<!tpu.dma_semaphore, #tpu.memory_space<semaphore_mem>>) {add = true}
      } else {
      }
      %add3A_1253 = arith.constant 4 : i32
      %add3A_1254 = arith.addi %add3A_1242, %add3A_1253 : i32
      %lt3A_1255 = arith.cmpi slt, %add3A_1254, %select_n3A : i32
      %convert_element_type3A_1256 = arith.extui %lt3A_1255 : i1 to i32
      %cond3A_1257 = arith.constant 0 : i32
      %cond3A_1258 = arith.cmpi ne, %convert_element_type3A_1256, %cond3A_1257 : i32
      scf.if %cond3A_1258 {
        %add3A_1331 = arith.constant 4 : i32
        %add3A_1332 = arith.addi %add3A_1242, %add3A_1331 : i32
        %mul3A_1333 = arith.constant 32 : i32
        %mul3A_1334 = arith.muli %add3A_1332, %mul3A_1333 : i32
        %add3A_1335 = arith.addi %add3A, %mul3A_1334 : i32
        %dma_start3A_1336 = arith.constant 5 : i32
        %dma_start3A_1337 = arith.constant 5 : i32
        %dma_start3A_1338 = arith.constant 0 : i32
        %dma_start3A_1339 = arith.constant 0 : i32
        %dma_start3A_1340 = tpu.memref_slice %arg6[%dma_start3A_1336, %dma_start3A_1338, %dma_start3A_1339] : memref<6x2x128xi32, #tpu.memory_space<vmem>> -> memref<1x2x128xi32, #tpu.memory_space<vmem>>
        %dma_start3A_1341 = tpu.memref_squeeze %dma_start3A_1340 : memref<1x2x128xi32, #tpu.memory_space<vmem>> -> memref<2x128xi32, #tpu.memory_space<vmem>>
        %dma_start3A_1342 = arith.constant 0 : i32
        %dma_start3A_1343 = arith.constant 0 : i32
        %dma_start3A_1344 = tpu.memref_slice %arg2[%add3A_1335, %dma_start3A_1342, %dma_start3A_1343] : memref<2500x2x128xi32, #tpu.memory_space<hbm>> -> memref<1x2x128xi32, #tpu.memory_space<hbm>>
        %dma_start3A_1345 = tpu.memref_squeeze %dma_start3A_1344 : memref<1x2x128xi32, #tpu.memory_space<hbm>> -> memref<2x128xi32, #tpu.memory_space<hbm>>
        %dma_start3A_1346 = tpu.memref_slice %arg8[%dma_start3A_1337] : memref<6x!tpu.dma_semaphore, #tpu.memory_space<semaphore_mem>> -> memref<1x!tpu.dma_semaphore, #tpu.memory_space<semaphore_mem>>
        %dma_start3A_1347 = tpu.memref_squeeze %dma_start3A_1346 : memref<1x!tpu.dma_semaphore, #tpu.memory_space<semaphore_mem>> -> memref<!tpu.dma_semaphore, #tpu.memory_space<semaphore_mem>>
        %dma_start3A_1348 = arith.constant 0 : i32
        %dma_start3A_1349 = arith.constant 0 : i32
        %dma_start3A_1350 = tpu.memref_slice %arg6[%dma_start3A_1336, %dma_start3A_1348, %dma_start3A_1349] : memref<6x2x128xi32, #tpu.memory_space<vmem>> -> memref<1x2x128xi32, #tpu.memory_space<vmem>>
        %dma_start3A_1351 = tpu.memref_squeeze %dma_start3A_1350 : memref<1x2x128xi32, #tpu.memory_space<vmem>> -> memref<2x128xi32, #tpu.memory_space<vmem>>
        %dma_start3A_1352 = arith.constant 0 : i32
        %dma_start3A_1353 = arith.constant 0 : i32
        %dma_start3A_1354 = tpu.memref_slice %arg2[%add3A_1335, %dma_start3A_1352, %dma_start3A_1353] : memref<2500x2x128xi32, #tpu.memory_space<hbm>> -> memref<1x2x128xi32, #tpu.memory_space<hbm>>
        %dma_start3A_1355 = tpu.memref_squeeze %dma_start3A_1354 : memref<1x2x128xi32, #tpu.memory_space<hbm>> -> memref<2x128xi32, #tpu.memory_space<hbm>>
        tpu.enqueue_dma source(%dma_start3A_1355 : memref<2x128xi32, #tpu.memory_space<hbm>>) target(%dma_start3A_1351 : memref<2x128xi32, #tpu.memory_space<vmem>>) target_semaphore(%dma_start3A_1347 : memref<!tpu.dma_semaphore, #tpu.memory_space<semaphore_mem>>)
      } else {
      }
      %add3A_1259 = arith.constant 2 : i32
      %add3A_1260 = arith.addi %mul3A_1223, %add3A_1259 : i32
      %add3A_1261 = arith.constant 2 : i32
      %add3A_1262 = arith.addi %add3A_1260, %add3A_1261 : i32
      %lt3A_1263 = arith.cmpi slt, %add3A_1262, %select_n3A : i32
      %convert_element_type3A_1264 = arith.extui %lt3A_1263 : i1 to i32
      %cond3A_1265 = arith.constant 0 : i32
      %cond3A_1266 = arith.cmpi ne, %convert_element_type3A_1264, %cond3A_1265 : i32
      scf.if %cond3A_1266 {
        %dma_wait3A_1331 = arith.constant 1 : i32
        %dma_wait3A_1332 = arith.constant 1 : i32
        %dma_wait3A_1333 = arith.constant 0 : i32
        %dma_wait3A_1334 = arith.constant 0 : i32
        %dma_wait3A_1335 = tpu.memref_slice %arg7[%dma_wait3A_1331, %dma_wait3A_1333, %dma_wait3A_1334] : memref<3x128x128xf32, #tpu.memory_space<vmem>> -> memref<1x128x128xf32, #tpu.memory_space<vmem>>
        %dma_wait3A_1336 = tpu.memref_squeeze %dma_wait3A_1335 : memref<1x128x128xf32, #tpu.memory_space<vmem>> -> memref<128x128xf32, #tpu.memory_space<vmem>>
        %dma_wait3A_1337 = arith.constant 0 : i32
        %dma_wait3A_1338 = arith.constant 0 : i32
        %dma_wait3A_1339 = tpu.memref_slice %arg5[%dma_wait3A_1337, %dma_wait3A_1338] : memref<10000x128xf32, #tpu.memory_space<vmem_shared>> -> memref<128x128xf32, #tpu.memory_space<vmem_shared>>
        %dma_wait3A_1340 = tpu.memref_slice %arg10[%dma_wait3A_1332] : memref<3x!tpu.dma_semaphore, #tpu.memory_space<semaphore_mem>> -> memref<1x!tpu.dma_semaphore, #tpu.memory_space<semaphore_mem>>
        %dma_wait3A_1341 = tpu.memref_squeeze %dma_wait3A_1340 : memref<1x!tpu.dma_semaphore, #tpu.memory_space<semaphore_mem>> -> memref<!tpu.dma_semaphore, #tpu.memory_space<semaphore_mem>>
        %dma_wait3A_1342 = arith.constant 0 : i32
        %dma_wait3A_1343 = arith.constant 0 : i32
        %dma_wait3A_1344 = tpu.memref_slice %arg5[%dma_wait3A_1342, %dma_wait3A_1343] : memref<10000x128xf32, #tpu.memory_space<vmem_shared>> -> memref<128x128xf32, #tpu.memory_space<vmem_shared>>
        %dma_wait3A_1345 = arith.constant 0 : i32
        %dma_wait3A_1346 = arith.constant 0 : i32
        %dma_wait3A_1347 = tpu.memref_slice %arg7[%dma_wait3A_1331, %dma_wait3A_1345, %dma_wait3A_1346] : memref<3x128x128xf32, #tpu.memory_space<vmem>> -> memref<1x128x128xf32, #tpu.memory_space<vmem>>
        %dma_wait3A_1348 = tpu.memref_squeeze %dma_wait3A_1347 : memref<1x128x128xf32, #tpu.memory_space<vmem>> -> memref<128x128xf32, #tpu.memory_space<vmem>>
        tpu.wait_dma2 semaphore(%dma_wait3A_1341 : memref<!tpu.dma_semaphore, #tpu.memory_space<semaphore_mem>>) src(%dma_wait3A_1348 : memref<128x128xf32, #tpu.memory_space<vmem>>) dst(%dma_wait3A_1344 : memref<128x128xf32, #tpu.memory_space<vmem_shared>>)
        %dma_wait3A_1349 = arith.constant 0 : i32
        %dma_wait3A_1350 = arith.constant 4 : i32
        %dma_wait3A_1351 = arith.constant 4 : i32
        %dma_wait3A_1352 = arith.constant 0 : i32
        %dma_wait3A_1353 = arith.constant 0 : i32
        %dma_wait3A_1354 = tpu.memref_slice %arg6[%dma_wait3A_1350, %dma_wait3A_1352, %dma_wait3A_1353] : memref<6x2x128xi32, #tpu.memory_space<vmem>> -> memref<1x2x128xi32, #tpu.memory_space<vmem>>
        %dma_wait3A_1355 = tpu.memref_squeeze %dma_wait3A_1354 : memref<1x2x128xi32, #tpu.memory_space<vmem>> -> memref<2x128xi32, #tpu.memory_space<vmem>>
        %dma_wait3A_1356 = arith.constant 0 : i32
        %dma_wait3A_1357 = arith.constant 0 : i32
        %dma_wait3A_1358 = tpu.memref_slice %arg2[%dma_wait3A_1349, %dma_wait3A_1356, %dma_wait3A_1357] : memref<2500x2x128xi32, #tpu.memory_space<hbm>> -> memref<1x2x128xi32, #tpu.memory_space<hbm>>
        %dma_wait3A_1359 = tpu.memref_squeeze %dma_wait3A_1358 : memref<1x2x128xi32, #tpu.memory_space<hbm>> -> memref<2x128xi32, #tpu.memory_space<hbm>>
        %dma_wait3A_1360 = tpu.memref_slice %arg8[%dma_wait3A_1351] : memref<6x!tpu.dma_semaphore, #tpu.memory_space<semaphore_mem>> -> memref<1x!tpu.dma_semaphore, #tpu.memory_space<semaphore_mem>>
        %dma_wait3A_1361 = tpu.memref_squeeze %dma_wait3A_1360 : memref<1x!tpu.dma_semaphore, #tpu.memory_space<semaphore_mem>> -> memref<!tpu.dma_semaphore, #tpu.memory_space<semaphore_mem>>
        %dma_wait3A_1362 = arith.constant 0 : i32
        %dma_wait3A_1363 = arith.constant 0 : i32
        %dma_wait3A_1364 = tpu.memref_slice %arg6[%dma_wait3A_1350, %dma_wait3A_1362, %dma_wait3A_1363] : memref<6x2x128xi32, #tpu.memory_space<vmem>> -> memref<1x2x128xi32, #tpu.memory_space<vmem>>
        %dma_wait3A_1365 = tpu.memref_squeeze %dma_wait3A_1364 : memref<1x2x128xi32, #tpu.memory_space<vmem>> -> memref<2x128xi32, #tpu.memory_space<vmem>>
        %dma_wait3A_1366 = arith.constant 0 : i32
        %dma_wait3A_1367 = arith.constant 0 : i32
        %dma_wait3A_1368 = tpu.memref_slice %arg2[%dma_wait3A_1349, %dma_wait3A_1366, %dma_wait3A_1367] : memref<2500x2x128xi32, #tpu.memory_space<hbm>> -> memref<1x2x128xi32, #tpu.memory_space<hbm>>
        %dma_wait3A_1369 = tpu.memref_squeeze %dma_wait3A_1368 : memref<1x2x128xi32, #tpu.memory_space<hbm>> -> memref<2x128xi32, #tpu.memory_space<hbm>>
        tpu.wait_dma2 semaphore(%dma_wait3A_1361 : memref<!tpu.dma_semaphore, #tpu.memory_space<semaphore_mem>>) src(%dma_wait3A_1369 : memref<2x128xi32, #tpu.memory_space<hbm>>) dst(%dma_wait3A_1365 : memref<2x128xi32, #tpu.memory_space<vmem>>)
        %dma_start3A_1370 = arith.constant 4 : i32
        %dma_start3A_1371 = arith.constant 0 : i32
        %dma_start3A_1372 = arith.constant 1 : i32
        %dma_start3A_1373 = arith.constant 1 : i32
        %dma_start3A_1374 = arith.constant 0 : i32
        %dma_start3A_1375 = arith.constant 0 : i32
        %dma_start3A_1376 = tpu.memref_slice %arg7[%dma_start3A_1372, %dma_start3A_1374, %dma_start3A_1375] : memref<3x128x128xf32, #tpu.memory_space<vmem>> -> memref<1x128x128xf32, #tpu.memory_space<vmem>>
        %dma_start3A_1377 = tpu.memref_squeeze %dma_start3A_1376 : memref<1x128x128xf32, #tpu.memory_space<vmem>> -> memref<128x128xf32, #tpu.memory_space<vmem>>
        %dma_start3A_1378 = arith.constant 0 : i32
        %dma_start3A_1379 = tpu.memref_slice %arg6[%dma_start3A_1370, %dma_start3A_1371, %dma_start3A_1378] : memref<6x2x128xi32, #tpu.memory_space<vmem>> -> memref<1x1x128xi32, #tpu.memory_space<vmem>>
        %dma_start3A_1380 = tpu.memref_squeeze %dma_start3A_1379 : memref<1x1x128xi32, #tpu.memory_space<vmem>> -> memref<128xi32, #tpu.memory_space<vmem>>
        %dma_start3A_1381 = arith.constant 0 : i32
        %dma_start3A_1382 = arith.constant 0 : i32
        %dma_start3A_1383 = tpu.memref_slice %arg3[%dma_start3A_1381, %dma_start3A_1382] : memref<10000x128xf32, #tpu.memory_space<hbm>> -> memref<10000x128xf32, #tpu.memory_space<hbm>>
        %dma_start3A_1384 = tpu.memref_slice %arg9[%dma_start3A_1373] : memref<3x!tpu.dma_semaphore, #tpu.memory_space<semaphore_mem>> -> memref<1x!tpu.dma_semaphore, #tpu.memory_space<semaphore_mem>>
        %dma_start3A_1385 = tpu.memref_squeeze %dma_start3A_1384 : memref<1x!tpu.dma_semaphore, #tpu.memory_space<semaphore_mem>> -> memref<!tpu.dma_semaphore, #tpu.memory_space<semaphore_mem>>
        tpu.enqueue_indirect_dma source(%dma_start3A_1383 : memref<10000x128xf32, #tpu.memory_space<hbm>>) target(%dma_start3A_1377 : memref<128x128xf32, #tpu.memory_space<vmem>>) offsets(%dma_start3A_1380 : memref<128xi32, #tpu.memory_space<vmem>>) semaphore(%dma_start3A_1385 : memref<!tpu.dma_semaphore, #tpu.memory_space<semaphore_mem>>)
      } else {
      }
      %lt3A_1267 = arith.cmpi slt, %add3A_1260, %select_n3A : i32
      %convert_element_type3A_1268 = arith.extui %lt3A_1267 : i1 to i32
      %cond3A_1269 = arith.constant 0 : i32
      %cond3A_1270 = arith.cmpi ne, %convert_element_type3A_1268, %cond3A_1269 : i32
      scf.if %cond3A_1270 {
        %dma_wait3A_1331 = arith.constant 2 : i32
        %dma_wait3A_1332 = arith.constant 2 : i32
        %dma_wait3A_1333 = arith.constant 0 : i32
        %dma_wait3A_1334 = arith.constant 0 : i32
        %dma_wait3A_1335 = tpu.memref_slice %arg7[%dma_wait3A_1331, %dma_wait3A_1333, %dma_wait3A_1334] : memref<3x128x128xf32, #tpu.memory_space<vmem>> -> memref<1x128x128xf32, #tpu.memory_space<vmem>>
        %dma_wait3A_1336 = tpu.memref_squeeze %dma_wait3A_1335 : memref<1x128x128xf32, #tpu.memory_space<vmem>> -> memref<128x128xf32, #tpu.memory_space<vmem>>
        %dma_wait3A_1337 = arith.constant 0 : i32
        %dma_wait3A_1338 = arith.constant 0 : i32
        %dma_wait3A_1339 = tpu.memref_slice %arg3[%dma_wait3A_1337, %dma_wait3A_1338] : memref<10000x128xf32, #tpu.memory_space<hbm>> -> memref<128x128xf32, #tpu.memory_space<hbm>>
        %dma_wait3A_1340 = tpu.memref_slice %arg9[%dma_wait3A_1332] : memref<3x!tpu.dma_semaphore, #tpu.memory_space<semaphore_mem>> -> memref<1x!tpu.dma_semaphore, #tpu.memory_space<semaphore_mem>>
        %dma_wait3A_1341 = tpu.memref_squeeze %dma_wait3A_1340 : memref<1x!tpu.dma_semaphore, #tpu.memory_space<semaphore_mem>> -> memref<!tpu.dma_semaphore, #tpu.memory_space<semaphore_mem>>
        %dma_wait3A_1342 = arith.constant 0 : i32
        %dma_wait3A_1343 = arith.constant 0 : i32
        %dma_wait3A_1344 = tpu.memref_slice %arg7[%dma_wait3A_1331, %dma_wait3A_1342, %dma_wait3A_1343] : memref<3x128x128xf32, #tpu.memory_space<vmem>> -> memref<1x128x128xf32, #tpu.memory_space<vmem>>
        %dma_wait3A_1345 = tpu.memref_squeeze %dma_wait3A_1344 : memref<1x128x128xf32, #tpu.memory_space<vmem>> -> memref<128x128xf32, #tpu.memory_space<vmem>>
        %dma_wait3A_1346 = arith.constant 0 : i32
        %dma_wait3A_1347 = arith.constant 0 : i32
        %dma_wait3A_1348 = tpu.memref_slice %arg3[%dma_wait3A_1346, %dma_wait3A_1347] : memref<10000x128xf32, #tpu.memory_space<hbm>> -> memref<128x128xf32, #tpu.memory_space<hbm>>
        tpu.wait_dma2 semaphore(%dma_wait3A_1341 : memref<!tpu.dma_semaphore, #tpu.memory_space<semaphore_mem>>) src(%dma_wait3A_1348 : memref<128x128xf32, #tpu.memory_space<hbm>>) dst(%dma_wait3A_1345 : memref<128x128xf32, #tpu.memory_space<vmem>>)
        %dma_start3A_1349 = arith.constant 2 : i32
        %dma_start3A_1350 = arith.constant 2 : i32
        %dma_start3A_1351 = arith.constant 1 : i32
        %dma_start3A_1352 = arith.constant 2 : i32
        %dma_start3A_1353 = arith.constant 0 : i32
        %dma_start3A_1354 = arith.constant 0 : i32
        %dma_start3A_1355 = tpu.memref_slice %arg7[%dma_start3A_1349, %dma_start3A_1353, %dma_start3A_1354] : memref<3x128x128xf32, #tpu.memory_space<vmem>> -> memref<1x128x128xf32, #tpu.memory_space<vmem>>
        %dma_start3A_1356 = tpu.memref_squeeze %dma_start3A_1355 : memref<1x128x128xf32, #tpu.memory_space<vmem>> -> memref<128x128xf32, #tpu.memory_space<vmem>>
        %dma_start3A_1357 = arith.constant 0 : i32
        %dma_start3A_1358 = tpu.memref_slice %arg6[%dma_start3A_1350, %dma_start3A_1351, %dma_start3A_1357] : memref<6x2x128xi32, #tpu.memory_space<vmem>> -> memref<1x1x128xi32, #tpu.memory_space<vmem>>
        %dma_start3A_1359 = tpu.memref_squeeze %dma_start3A_1358 : memref<1x1x128xi32, #tpu.memory_space<vmem>> -> memref<128xi32, #tpu.memory_space<vmem>>
        %dma_start3A_1360 = arith.constant 0 : i32
        %dma_start3A_1361 = arith.constant 0 : i32
        %dma_start3A_1362 = tpu.memref_slice %arg5[%dma_start3A_1360, %dma_start3A_1361] : memref<10000x128xf32, #tpu.memory_space<vmem_shared>> -> memref<10000x128xf32, #tpu.memory_space<vmem_shared>>
        %dma_start3A_1363 = tpu.memref_slice %arg10[%dma_start3A_1352] : memref<3x!tpu.dma_semaphore, #tpu.memory_space<semaphore_mem>> -> memref<1x!tpu.dma_semaphore, #tpu.memory_space<semaphore_mem>>
        %dma_start3A_1364 = tpu.memref_squeeze %dma_start3A_1363 : memref<1x!tpu.dma_semaphore, #tpu.memory_space<semaphore_mem>> -> memref<!tpu.dma_semaphore, #tpu.memory_space<semaphore_mem>>
        tpu.enqueue_indirect_dma source(%dma_start3A_1356 : memref<128x128xf32, #tpu.memory_space<vmem>>) target(%dma_start3A_1362 : memref<10000x128xf32, #tpu.memory_space<vmem_shared>>) offsets(%dma_start3A_1359 : memref<128xi32, #tpu.memory_space<vmem>>) semaphore(%dma_start3A_1364 : memref<!tpu.dma_semaphore, #tpu.memory_space<semaphore_mem>>) {add = true}
      } else {
      }
      %add3A_1271 = arith.constant 4 : i32
      %add3A_1272 = arith.addi %add3A_1260, %add3A_1271 : i32
      %lt3A_1273 = arith.cmpi slt, %add3A_1272, %select_n3A : i32
      %convert_element_type3A_1274 = arith.extui %lt3A_1273 : i1 to i32
      %cond3A_1275 = arith.constant 0 : i32
      %cond3A_1276 = arith.cmpi ne, %convert_element_type3A_1274, %cond3A_1275 : i32
      scf.if %cond3A_1276 {
        %add3A_1331 = arith.constant 4 : i32
        %add3A_1332 = arith.addi %add3A_1260, %add3A_1331 : i32
        %mul3A_1333 = arith.constant 32 : i32
        %mul3A_1334 = arith.muli %add3A_1332, %mul3A_1333 : i32
        %add3A_1335 = arith.addi %add3A, %mul3A_1334 : i32
        %dma_start3A_1336 = arith.constant 0 : i32
        %dma_start3A_1337 = arith.constant 0 : i32
        %dma_start3A_1338 = arith.constant 0 : i32
        %dma_start3A_1339 = arith.constant 0 : i32
        %dma_start3A_1340 = tpu.memref_slice %arg6[%dma_start3A_1336, %dma_start3A_1338, %dma_start3A_1339] : memref<6x2x128xi32, #tpu.memory_space<vmem>> -> memref<1x2x128xi32, #tpu.memory_space<vmem>>
        %dma_start3A_1341 = tpu.memref_squeeze %dma_start3A_1340 : memref<1x2x128xi32, #tpu.memory_space<vmem>> -> memref<2x128xi32, #tpu.memory_space<vmem>>
        %dma_start3A_1342 = arith.constant 0 : i32
        %dma_start3A_1343 = arith.constant 0 : i32
        %dma_start3A_1344 = tpu.memref_slice %arg2[%add3A_1335, %dma_start3A_1342, %dma_start3A_1343] : memref<2500x2x128xi32, #tpu.memory_space<hbm>> -> memref<1x2x128xi32, #tpu.memory_space<hbm>>
        %dma_start3A_1345 = tpu.memref_squeeze %dma_start3A_1344 : memref<1x2x128xi32, #tpu.memory_space<hbm>> -> memref<2x128xi32, #tpu.memory_space<hbm>>
        %dma_start3A_1346 = tpu.memref_slice %arg8[%dma_start3A_1337] : memref<6x!tpu.dma_semaphore, #tpu.memory_space<semaphore_mem>> -> memref<1x!tpu.dma_semaphore, #tpu.memory_space<semaphore_mem>>
        %dma_start3A_1347 = tpu.memref_squeeze %dma_start3A_1346 : memref<1x!tpu.dma_semaphore, #tpu.memory_space<semaphore_mem>> -> memref<!tpu.dma_semaphore, #tpu.memory_space<semaphore_mem>>
        %dma_start3A_1348 = arith.constant 0 : i32
        %dma_start3A_1349 = arith.constant 0 : i32
        %dma_start3A_1350 = tpu.memref_slice %arg6[%dma_start3A_1336, %dma_start3A_1348, %dma_start3A_1349] : memref<6x2x128xi32, #tpu.memory_space<vmem>> -> memref<1x2x128xi32, #tpu.memory_space<vmem>>
        %dma_start3A_1351 = tpu.memref_squeeze %dma_start3A_1350 : memref<1x2x128xi32, #tpu.memory_space<vmem>> -> memref<2x128xi32, #tpu.memory_space<vmem>>
        %dma_start3A_1352 = arith.constant 0 : i32
        %dma_start3A_1353 = arith.constant 0 : i32
        %dma_start3A_1354 = tpu.memref_slice %arg2[%add3A_1335, %dma_start3A_1352, %dma_start3A_1353] : memref<2500x2x128xi32, #tpu.memory_space<hbm>> -> memref<1x2x128xi32, #tpu.memory_space<hbm>>
        %dma_start3A_1355 = tpu.memref_squeeze %dma_start3A_1354 : memref<1x2x128xi32, #tpu.memory_space<hbm>> -> memref<2x128xi32, #tpu.memory_space<hbm>>
        tpu.enqueue_dma source(%dma_start3A_1355 : memref<2x128xi32, #tpu.memory_space<hbm>>) target(%dma_start3A_1351 : memref<2x128xi32, #tpu.memory_space<vmem>>) target_semaphore(%dma_start3A_1347 : memref<!tpu.dma_semaphore, #tpu.memory_space<semaphore_mem>>)
      } else {
      }
      %add3A_1277 = arith.constant 3 : i32
      %add3A_1278 = arith.addi %mul3A_1223, %add3A_1277 : i32
      %add3A_1279 = arith.constant 2 : i32
      %add3A_1280 = arith.addi %add3A_1278, %add3A_1279 : i32
      %lt3A_1281 = arith.cmpi slt, %add3A_1280, %select_n3A : i32
      %convert_element_type3A_1282 = arith.extui %lt3A_1281 : i1 to i32
      %cond3A_1283 = arith.constant 0 : i32
      %cond3A_1284 = arith.cmpi ne, %convert_element_type3A_1282, %cond3A_1283 : i32
      scf.if %cond3A_1284 {
        %dma_wait3A_1331 = arith.constant 2 : i32
        %dma_wait3A_1332 = arith.constant 2 : i32
        %dma_wait3A_1333 = arith.constant 0 : i32
        %dma_wait3A_1334 = arith.constant 0 : i32
        %dma_wait3A_1335 = tpu.memref_slice %arg7[%dma_wait3A_1331, %dma_wait3A_1333, %dma_wait3A_1334] : memref<3x128x128xf32, #tpu.memory_space<vmem>> -> memref<1x128x128xf32, #tpu.memory_space<vmem>>
        %dma_wait3A_1336 = tpu.memref_squeeze %dma_wait3A_1335 : memref<1x128x128xf32, #tpu.memory_space<vmem>> -> memref<128x128xf32, #tpu.memory_space<vmem>>
        %dma_wait3A_1337 = arith.constant 0 : i32
        %dma_wait3A_1338 = arith.constant 0 : i32
        %dma_wait3A_1339 = tpu.memref_slice %arg5[%dma_wait3A_1337, %dma_wait3A_1338] : memref<10000x128xf32, #tpu.memory_space<vmem_shared>> -> memref<128x128xf32, #tpu.memory_space<vmem_shared>>
        %dma_wait3A_1340 = tpu.memref_slice %arg10[%dma_wait3A_1332] : memref<3x!tpu.dma_semaphore, #tpu.memory_space<semaphore_mem>> -> memref<1x!tpu.dma_semaphore, #tpu.memory_space<semaphore_mem>>
        %dma_wait3A_1341 = tpu.memref_squeeze %dma_wait3A_1340 : memref<1x!tpu.dma_semaphore, #tpu.memory_space<semaphore_mem>> -> memref<!tpu.dma_semaphore, #tpu.memory_space<semaphore_mem>>
        %dma_wait3A_1342 = arith.constant 0 : i32
        %dma_wait3A_1343 = arith.constant 0 : i32
        %dma_wait3A_1344 = tpu.memref_slice %arg5[%dma_wait3A_1342, %dma_wait3A_1343] : memref<10000x128xf32, #tpu.memory_space<vmem_shared>> -> memref<128x128xf32, #tpu.memory_space<vmem_shared>>
        %dma_wait3A_1345 = arith.constant 0 : i32
        %dma_wait3A_1346 = arith.constant 0 : i32
        %dma_wait3A_1347 = tpu.memref_slice %arg7[%dma_wait3A_1331, %dma_wait3A_1345, %dma_wait3A_1346] : memref<3x128x128xf32, #tpu.memory_space<vmem>> -> memref<1x128x128xf32, #tpu.memory_space<vmem>>
        %dma_wait3A_1348 = tpu.memref_squeeze %dma_wait3A_1347 : memref<1x128x128xf32, #tpu.memory_space<vmem>> -> memref<128x128xf32, #tpu.memory_space<vmem>>
        tpu.wait_dma2 semaphore(%dma_wait3A_1341 : memref<!tpu.dma_semaphore, #tpu.memory_space<semaphore_mem>>) src(%dma_wait3A_1348 : memref<128x128xf32, #tpu.memory_space<vmem>>) dst(%dma_wait3A_1344 : memref<128x128xf32, #tpu.memory_space<vmem_shared>>)
        %dma_wait3A_1349 = arith.constant 0 : i32
        %dma_wait3A_1350 = arith.constant 5 : i32
        %dma_wait3A_1351 = arith.constant 5 : i32
        %dma_wait3A_1352 = arith.constant 0 : i32
        %dma_wait3A_1353 = arith.constant 0 : i32
        %dma_wait3A_1354 = tpu.memref_slice %arg6[%dma_wait3A_1350, %dma_wait3A_1352, %dma_wait3A_1353] : memref<6x2x128xi32, #tpu.memory_space<vmem>> -> memref<1x2x128xi32, #tpu.memory_space<vmem>>
        %dma_wait3A_1355 = tpu.memref_squeeze %dma_wait3A_1354 : memref<1x2x128xi32, #tpu.memory_space<vmem>> -> memref<2x128xi32, #tpu.memory_space<vmem>>
        %dma_wait3A_1356 = arith.constant 0 : i32
        %dma_wait3A_1357 = arith.constant 0 : i32
        %dma_wait3A_1358 = tpu.memref_slice %arg2[%dma_wait3A_1349, %dma_wait3A_1356, %dma_wait3A_1357] : memref<2500x2x128xi32, #tpu.memory_space<hbm>> -> memref<1x2x128xi32, #tpu.memory_space<hbm>>
        %dma_wait3A_1359 = tpu.memref_squeeze %dma_wait3A_1358 : memref<1x2x128xi32, #tpu.memory_space<hbm>> -> memref<2x128xi32, #tpu.memory_space<hbm>>
        %dma_wait3A_1360 = tpu.memref_slice %arg8[%dma_wait3A_1351] : memref<6x!tpu.dma_semaphore, #tpu.memory_space<semaphore_mem>> -> memref<1x!tpu.dma_semaphore, #tpu.memory_space<semaphore_mem>>
        %dma_wait3A_1361 = tpu.memref_squeeze %dma_wait3A_1360 : memref<1x!tpu.dma_semaphore, #tpu.memory_space<semaphore_mem>> -> memref<!tpu.dma_semaphore, #tpu.memory_space<semaphore_mem>>
        %dma_wait3A_1362 = arith.constant 0 : i32
        %dma_wait3A_1363 = arith.constant 0 : i32
        %dma_wait3A_1364 = tpu.memref_slice %arg6[%dma_wait3A_1350, %dma_wait3A_1362, %dma_wait3A_1363] : memref<6x2x128xi32, #tpu.memory_space<vmem>> -> memref<1x2x128xi32, #tpu.memory_space<vmem>>
        %dma_wait3A_1365 = tpu.memref_squeeze %dma_wait3A_1364 : memref<1x2x128xi32, #tpu.memory_space<vmem>> -> memref<2x128xi32, #tpu.memory_space<vmem>>
        %dma_wait3A_1366 = arith.constant 0 : i32
        %dma_wait3A_1367 = arith.constant 0 : i32
        %dma_wait3A_1368 = tpu.memref_slice %arg2[%dma_wait3A_1349, %dma_wait3A_1366, %dma_wait3A_1367] : memref<2500x2x128xi32, #tpu.memory_space<hbm>> -> memref<1x2x128xi32, #tpu.memory_space<hbm>>
        %dma_wait3A_1369 = tpu.memref_squeeze %dma_wait3A_1368 : memref<1x2x128xi32, #tpu.memory_space<hbm>> -> memref<2x128xi32, #tpu.memory_space<hbm>>
        tpu.wait_dma2 semaphore(%dma_wait3A_1361 : memref<!tpu.dma_semaphore, #tpu.memory_space<semaphore_mem>>) src(%dma_wait3A_1369 : memref<2x128xi32, #tpu.memory_space<hbm>>) dst(%dma_wait3A_1365 : memref<2x128xi32, #tpu.memory_space<vmem>>)
        %dma_start3A_1370 = arith.constant 5 : i32
        %dma_start3A_1371 = arith.constant 0 : i32
        %dma_start3A_1372 = arith.constant 2 : i32
        %dma_start3A_1373 = arith.constant 2 : i32
        %dma_start3A_1374 = arith.constant 0 : i32
        %dma_start3A_1375 = arith.constant 0 : i32
        %dma_start3A_1376 = tpu.memref_slice %arg7[%dma_start3A_1372, %dma_start3A_1374, %dma_start3A_1375] : memref<3x128x128xf32, #tpu.memory_space<vmem>> -> memref<1x128x128xf32, #tpu.memory_space<vmem>>
        %dma_start3A_1377 = tpu.memref_squeeze %dma_start3A_1376 : memref<1x128x128xf32, #tpu.memory_space<vmem>> -> memref<128x128xf32, #tpu.memory_space<vmem>>
        %dma_start3A_1378 = arith.constant 0 : i32
        %dma_start3A_1379 = tpu.memref_slice %arg6[%dma_start3A_1370, %dma_start3A_1371, %dma_start3A_1378] : memref<6x2x128xi32, #tpu.memory_space<vmem>> -> memref<1x1x128xi32, #tpu.memory_space<vmem>>
        %dma_start3A_1380 = tpu.memref_squeeze %dma_start3A_1379 : memref<1x1x128xi32, #tpu.memory_space<vmem>> -> memref<128xi32, #tpu.memory_space<vmem>>
        %dma_start3A_1381 = arith.constant 0 : i32
        %dma_start3A_1382 = arith.constant 0 : i32
        %dma_start3A_1383 = tpu.memref_slice %arg3[%dma_start3A_1381, %dma_start3A_1382] : memref<10000x128xf32, #tpu.memory_space<hbm>> -> memref<10000x128xf32, #tpu.memory_space<hbm>>
        %dma_start3A_1384 = tpu.memref_slice %arg9[%dma_start3A_1373] : memref<3x!tpu.dma_semaphore, #tpu.memory_space<semaphore_mem>> -> memref<1x!tpu.dma_semaphore, #tpu.memory_space<semaphore_mem>>
        %dma_start3A_1385 = tpu.memref_squeeze %dma_start3A_1384 : memref<1x!tpu.dma_semaphore, #tpu.memory_space<semaphore_mem>> -> memref<!tpu.dma_semaphore, #tpu.memory_space<semaphore_mem>>
        tpu.enqueue_indirect_dma source(%dma_start3A_1383 : memref<10000x128xf32, #tpu.memory_space<hbm>>) target(%dma_start3A_1377 : memref<128x128xf32, #tpu.memory_space<vmem>>) offsets(%dma_start3A_1380 : memref<128xi32, #tpu.memory_space<vmem>>) semaphore(%dma_start3A_1385 : memref<!tpu.dma_semaphore, #tpu.memory_space<semaphore_mem>>)
      } else {
      }
      %lt3A_1285 = arith.cmpi slt, %add3A_1278, %select_n3A : i32
      %convert_element_type3A_1286 = arith.extui %lt3A_1285 : i1 to i32
      %cond3A_1287 = arith.constant 0 : i32
      %cond3A_1288 = arith.cmpi ne, %convert_element_type3A_1286, %cond3A_1287 : i32
      scf.if %cond3A_1288 {
        %dma_wait3A_1331 = arith.constant 0 : i32
        %dma_wait3A_1332 = arith.constant 0 : i32
        %dma_wait3A_1333 = arith.constant 0 : i32
        %dma_wait3A_1334 = arith.constant 0 : i32
        %dma_wait3A_1335 = tpu.memref_slice %arg7[%dma_wait3A_1331, %dma_wait3A_1333, %dma_wait3A_1334] : memref<3x128x128xf32, #tpu.memory_space<vmem>> -> memref<1x128x128xf32, #tpu.memory_space<vmem>>
        %dma_wait3A_1336 = tpu.memref_squeeze %dma_wait3A_1335 : memref<1x128x128xf32, #tpu.memory_space<vmem>> -> memref<128x128xf32, #tpu.memory_space<vmem>>
        %dma_wait3A_1337 = arith.constant 0 : i32
        %dma_wait3A_1338 = arith.constant 0 : i32
        %dma_wait3A_1339 = tpu.memref_slice %arg3[%dma_wait3A_1337, %dma_wait3A_1338] : memref<10000x128xf32, #tpu.memory_space<hbm>> -> memref<128x128xf32, #tpu.memory_space<hbm>>
        %dma_wait3A_1340 = tpu.memref_slice %arg9[%dma_wait3A_1332] : memref<3x!tpu.dma_semaphore, #tpu.memory_space<semaphore_mem>> -> memref<1x!tpu.dma_semaphore, #tpu.memory_space<semaphore_mem>>
        %dma_wait3A_1341 = tpu.memref_squeeze %dma_wait3A_1340 : memref<1x!tpu.dma_semaphore, #tpu.memory_space<semaphore_mem>> -> memref<!tpu.dma_semaphore, #tpu.memory_space<semaphore_mem>>
        %dma_wait3A_1342 = arith.constant 0 : i32
        %dma_wait3A_1343 = arith.constant 0 : i32
        %dma_wait3A_1344 = tpu.memref_slice %arg7[%dma_wait3A_1331, %dma_wait3A_1342, %dma_wait3A_1343] : memref<3x128x128xf32, #tpu.memory_space<vmem>> -> memref<1x128x128xf32, #tpu.memory_space<vmem>>
        %dma_wait3A_1345 = tpu.memref_squeeze %dma_wait3A_1344 : memref<1x128x128xf32, #tpu.memory_space<vmem>> -> memref<128x128xf32, #tpu.memory_space<vmem>>
        %dma_wait3A_1346 = arith.constant 0 : i32
        %dma_wait3A_1347 = arith.constant 0 : i32
        %dma_wait3A_1348 = tpu.memref_slice %arg3[%dma_wait3A_1346, %dma_wait3A_1347] : memref<10000x128xf32, #tpu.memory_space<hbm>> -> memref<128x128xf32, #tpu.memory_space<hbm>>
        tpu.wait_dma2 semaphore(%dma_wait3A_1341 : memref<!tpu.dma_semaphore, #tpu.memory_space<semaphore_mem>>) src(%dma_wait3A_1348 : memref<128x128xf32, #tpu.memory_space<hbm>>) dst(%dma_wait3A_1345 : memref<128x128xf32, #tpu.memory_space<vmem>>)
        %dma_start3A_1349 = arith.constant 0 : i32
        %dma_start3A_1350 = arith.constant 3 : i32
        %dma_start3A_1351 = arith.constant 1 : i32
        %dma_start3A_1352 = arith.constant 0 : i32
        %dma_start3A_1353 = arith.constant 0 : i32
        %dma_start3A_1354 = arith.constant 0 : i32
        %dma_start3A_1355 = tpu.memref_slice %arg7[%dma_start3A_1349, %dma_start3A_1353, %dma_start3A_1354] : memref<3x128x128xf32, #tpu.memory_space<vmem>> -> memref<1x128x128xf32, #tpu.memory_space<vmem>>
        %dma_start3A_1356 = tpu.memref_squeeze %dma_start3A_1355 : memref<1x128x128xf32, #tpu.memory_space<vmem>> -> memref<128x128xf32, #tpu.memory_space<vmem>>
        %dma_start3A_1357 = arith.constant 0 : i32
        %dma_start3A_1358 = tpu.memref_slice %arg6[%dma_start3A_1350, %dma_start3A_1351, %dma_start3A_1357] : memref<6x2x128xi32, #tpu.memory_space<vmem>> -> memref<1x1x128xi32, #tpu.memory_space<vmem>>
        %dma_start3A_1359 = tpu.memref_squeeze %dma_start3A_1358 : memref<1x1x128xi32, #tpu.memory_space<vmem>> -> memref<128xi32, #tpu.memory_space<vmem>>
        %dma_start3A_1360 = arith.constant 0 : i32
        %dma_start3A_1361 = arith.constant 0 : i32
        %dma_start3A_1362 = tpu.memref_slice %arg5[%dma_start3A_1360, %dma_start3A_1361] : memref<10000x128xf32, #tpu.memory_space<vmem_shared>> -> memref<10000x128xf32, #tpu.memory_space<vmem_shared>>
        %dma_start3A_1363 = tpu.memref_slice %arg10[%dma_start3A_1352] : memref<3x!tpu.dma_semaphore, #tpu.memory_space<semaphore_mem>> -> memref<1x!tpu.dma_semaphore, #tpu.memory_space<semaphore_mem>>
        %dma_start3A_1364 = tpu.memref_squeeze %dma_start3A_1363 : memref<1x!tpu.dma_semaphore, #tpu.memory_space<semaphore_mem>> -> memref<!tpu.dma_semaphore, #tpu.memory_space<semaphore_mem>>
        tpu.enqueue_indirect_dma source(%dma_start3A_1356 : memref<128x128xf32, #tpu.memory_space<vmem>>) target(%dma_start3A_1362 : memref<10000x128xf32, #tpu.memory_space<vmem_shared>>) offsets(%dma_start3A_1359 : memref<128xi32, #tpu.memory_space<vmem>>) semaphore(%dma_start3A_1364 : memref<!tpu.dma_semaphore, #tpu.memory_space<semaphore_mem>>) {add = true}
      } else {
      }
      %add3A_1289 = arith.constant 4 : i32
      %add3A_1290 = arith.addi %add3A_1278, %add3A_1289 : i32
      %lt3A_1291 = arith.cmpi slt, %add3A_1290, %select_n3A : i32
      %convert_element_type3A_1292 = arith.extui %lt3A_1291 : i1 to i32
      %cond3A_1293 = arith.constant 0 : i32
      %cond3A_1294 = arith.cmpi ne, %convert_element_type3A_1292, %cond3A_1293 : i32
      scf.if %cond3A_1294 {
        %add3A_1331 = arith.constant 4 : i32
        %add3A_1332 = arith.addi %add3A_1278, %add3A_1331 : i32
        %mul3A_1333 = arith.constant 32 : i32
        %mul3A_1334 = arith.muli %add3A_1332, %mul3A_1333 : i32
        %add3A_1335 = arith.addi %add3A, %mul3A_1334 : i32
        %dma_start3A_1336 = arith.constant 1 : i32
        %dma_start3A_1337 = arith.constant 1 : i32
        %dma_start3A_1338 = arith.constant 0 : i32
        %dma_start3A_1339 = arith.constant 0 : i32
        %dma_start3A_1340 = tpu.memref_slice %arg6[%dma_start3A_1336, %dma_start3A_1338, %dma_start3A_1339] : memref<6x2x128xi32, #tpu.memory_space<vmem>> -> memref<1x2x128xi32, #tpu.memory_space<vmem>>
        %dma_start3A_1341 = tpu.memref_squeeze %dma_start3A_1340 : memref<1x2x128xi32, #tpu.memory_space<vmem>> -> memref<2x128xi32, #tpu.memory_space<vmem>>
        %dma_start3A_1342 = arith.constant 0 : i32
        %dma_start3A_1343 = arith.constant 0 : i32
        %dma_start3A_1344 = tpu.memref_slice %arg2[%add3A_1335, %dma_start3A_1342, %dma_start3A_1343] : memref<2500x2x128xi32, #tpu.memory_space<hbm>> -> memref<1x2x128xi32, #tpu.memory_space<hbm>>
        %dma_start3A_1345 = tpu.memref_squeeze %dma_start3A_1344 : memref<1x2x128xi32, #tpu.memory_space<hbm>> -> memref<2x128xi32, #tpu.memory_space<hbm>>
        %dma_start3A_1346 = tpu.memref_slice %arg8[%dma_start3A_1337] : memref<6x!tpu.dma_semaphore, #tpu.memory_space<semaphore_mem>> -> memref<1x!tpu.dma_semaphore, #tpu.memory_space<semaphore_mem>>
        %dma_start3A_1347 = tpu.memref_squeeze %dma_start3A_1346 : memref<1x!tpu.dma_semaphore, #tpu.memory_space<semaphore_mem>> -> memref<!tpu.dma_semaphore, #tpu.memory_space<semaphore_mem>>
        %dma_start3A_1348 = arith.constant 0 : i32
        %dma_start3A_1349 = arith.constant 0 : i32
        %dma_start3A_1350 = tpu.memref_slice %arg6[%dma_start3A_1336, %dma_start3A_1348, %dma_start3A_1349] : memref<6x2x128xi32, #tpu.memory_space<vmem>> -> memref<1x2x128xi32, #tpu.memory_space<vmem>>
        %dma_start3A_1351 = tpu.memref_squeeze %dma_start3A_1350 : memref<1x2x128xi32, #tpu.memory_space<vmem>> -> memref<2x128xi32, #tpu.memory_space<vmem>>
        %dma_start3A_1352 = arith.constant 0 : i32
        %dma_start3A_1353 = arith.constant 0 : i32
        %dma_start3A_1354 = tpu.memref_slice %arg2[%add3A_1335, %dma_start3A_1352, %dma_start3A_1353] : memref<2500x2x128xi32, #tpu.memory_space<hbm>> -> memref<1x2x128xi32, #tpu.memory_space<hbm>>
        %dma_start3A_1355 = tpu.memref_squeeze %dma_start3A_1354 : memref<1x2x128xi32, #tpu.memory_space<hbm>> -> memref<2x128xi32, #tpu.memory_space<hbm>>
        tpu.enqueue_dma source(%dma_start3A_1355 : memref<2x128xi32, #tpu.memory_space<hbm>>) target(%dma_start3A_1351 : memref<2x128xi32, #tpu.memory_space<vmem>>) target_semaphore(%dma_start3A_1347 : memref<!tpu.dma_semaphore, #tpu.memory_space<semaphore_mem>>)
      } else {
      }
      %add3A_1295 = arith.constant 4 : i32
      %add3A_1296 = arith.addi %mul3A_1223, %add3A_1295 : i32
      %add3A_1297 = arith.constant 2 : i32
      %add3A_1298 = arith.addi %add3A_1296, %add3A_1297 : i32
      %lt3A_1299 = arith.cmpi slt, %add3A_1298, %select_n3A : i32
      %convert_element_type3A_1300 = arith.extui %lt3A_1299 : i1 to i32
      %cond3A_1301 = arith.constant 0 : i32
      %cond3A_1302 = arith.cmpi ne, %convert_element_type3A_1300, %cond3A_1301 : i32
      scf.if %cond3A_1302 {
        %dma_wait3A_1331 = arith.constant 0 : i32
        %dma_wait3A_1332 = arith.constant 0 : i32
        %dma_wait3A_1333 = arith.constant 0 : i32
        %dma_wait3A_1334 = arith.constant 0 : i32
        %dma_wait3A_1335 = tpu.memref_slice %arg7[%dma_wait3A_1331, %dma_wait3A_1333, %dma_wait3A_1334] : memref<3x128x128xf32, #tpu.memory_space<vmem>> -> memref<1x128x128xf32, #tpu.memory_space<vmem>>
        %dma_wait3A_1336 = tpu.memref_squeeze %dma_wait3A_1335 : memref<1x128x128xf32, #tpu.memory_space<vmem>> -> memref<128x128xf32, #tpu.memory_space<vmem>>
        %dma_wait3A_1337 = arith.constant 0 : i32
        %dma_wait3A_1338 = arith.constant 0 : i32
        %dma_wait3A_1339 = tpu.memref_slice %arg5[%dma_wait3A_1337, %dma_wait3A_1338] : memref<10000x128xf32, #tpu.memory_space<vmem_shared>> -> memref<128x128xf32, #tpu.memory_space<vmem_shared>>
        %dma_wait3A_1340 = tpu.memref_slice %arg10[%dma_wait3A_1332] : memref<3x!tpu.dma_semaphore, #tpu.memory_space<semaphore_mem>> -> memref<1x!tpu.dma_semaphore, #tpu.memory_space<semaphore_mem>>
        %dma_wait3A_1341 = tpu.memref_squeeze %dma_wait3A_1340 : memref<1x!tpu.dma_semaphore, #tpu.memory_space<semaphore_mem>> -> memref<!tpu.dma_semaphore, #tpu.memory_space<semaphore_mem>>
        %dma_wait3A_1342 = arith.constant 0 : i32
        %dma_wait3A_1343 = arith.constant 0 : i32
        %dma_wait3A_1344 = tpu.memref_slice %arg5[%dma_wait3A_1342, %dma_wait3A_1343] : memref<10000x128xf32, #tpu.memory_space<vmem_shared>> -> memref<128x128xf32, #tpu.memory_space<vmem_shared>>
        %dma_wait3A_1345 = arith.constant 0 : i32
        %dma_wait3A_1346 = arith.constant 0 : i32
        %dma_wait3A_1347 = tpu.memref_slice %arg7[%dma_wait3A_1331, %dma_wait3A_1345, %dma_wait3A_1346] : memref<3x128x128xf32, #tpu.memory_space<vmem>> -> memref<1x128x128xf32, #tpu.memory_space<vmem>>
        %dma_wait3A_1348 = tpu.memref_squeeze %dma_wait3A_1347 : memref<1x128x128xf32, #tpu.memory_space<vmem>> -> memref<128x128xf32, #tpu.memory_space<vmem>>
        tpu.wait_dma2 semaphore(%dma_wait3A_1341 : memref<!tpu.dma_semaphore, #tpu.memory_space<semaphore_mem>>) src(%dma_wait3A_1348 : memref<128x128xf32, #tpu.memory_space<vmem>>) dst(%dma_wait3A_1344 : memref<128x128xf32, #tpu.memory_space<vmem_shared>>)
        %dma_wait3A_1349 = arith.constant 0 : i32
        %dma_wait3A_1350 = arith.constant 0 : i32
        %dma_wait3A_1351 = arith.constant 0 : i32
        %dma_wait3A_1352 = arith.constant 0 : i32
        %dma_wait3A_1353 = arith.constant 0 : i32
        %dma_wait3A_1354 = tpu.memref_slice %arg6[%dma_wait3A_1350, %dma_wait3A_1352, %dma_wait3A_1353] : memref<6x2x128xi32, #tpu.memory_space<vmem>> -> memref<1x2x128xi32, #tpu.memory_space<vmem>>
        %dma_wait3A_1355 = tpu.memref_squeeze %dma_wait3A_1354 : memref<1x2x128xi32, #tpu.memory_space<vmem>> -> memref<2x128xi32, #tpu.memory_space<vmem>>
        %dma_wait3A_1356 = arith.constant 0 : i32
        %dma_wait3A_1357 = arith.constant 0 : i32
        %dma_wait3A_1358 = tpu.memref_slice %arg2[%dma_wait3A_1349, %dma_wait3A_1356, %dma_wait3A_1357] : memref<2500x2x128xi32, #tpu.memory_space<hbm>> -> memref<1x2x128xi32, #tpu.memory_space<hbm>>
        %dma_wait3A_1359 = tpu.memref_squeeze %dma_wait3A_1358 : memref<1x2x128xi32, #tpu.memory_space<hbm>> -> memref<2x128xi32, #tpu.memory_space<hbm>>
        %dma_wait3A_1360 = tpu.memref_slice %arg8[%dma_wait3A_1351] : memref<6x!tpu.dma_semaphore, #tpu.memory_space<semaphore_mem>> -> memref<1x!tpu.dma_semaphore, #tpu.memory_space<semaphore_mem>>
        %dma_wait3A_1361 = tpu.memref_squeeze %dma_wait3A_1360 : memref<1x!tpu.dma_semaphore, #tpu.memory_space<semaphore_mem>> -> memref<!tpu.dma_semaphore, #tpu.memory_space<semaphore_mem>>
        %dma_wait3A_1362 = arith.constant 0 : i32
        %dma_wait3A_1363 = arith.constant 0 : i32
        %dma_wait3A_1364 = tpu.memref_slice %arg6[%dma_wait3A_1350, %dma_wait3A_1362, %dma_wait3A_1363] : memref<6x2x128xi32, #tpu.memory_space<vmem>> -> memref<1x2x128xi32, #tpu.memory_space<vmem>>
        %dma_wait3A_1365 = tpu.memref_squeeze %dma_wait3A_1364 : memref<1x2x128xi32, #tpu.memory_space<vmem>> -> memref<2x128xi32, #tpu.memory_space<vmem>>
        %dma_wait3A_1366 = arith.constant 0 : i32
        %dma_wait3A_1367 = arith.constant 0 : i32
        %dma_wait3A_1368 = tpu.memref_slice %arg2[%dma_wait3A_1349, %dma_wait3A_1366, %dma_wait3A_1367] : memref<2500x2x128xi32, #tpu.memory_space<hbm>> -> memref<1x2x128xi32, #tpu.memory_space<hbm>>
        %dma_wait3A_1369 = tpu.memref_squeeze %dma_wait3A_1368 : memref<1x2x128xi32, #tpu.memory_space<hbm>> -> memref<2x128xi32, #tpu.memory_space<hbm>>
        tpu.wait_dma2 semaphore(%dma_wait3A_1361 : memref<!tpu.dma_semaphore, #tpu.memory_space<semaphore_mem>>) src(%dma_wait3A_1369 : memref<2x128xi32, #tpu.memory_space<hbm>>) dst(%dma_wait3A_1365 : memref<2x128xi32, #tpu.memory_space<vmem>>)
        %dma_start3A_1370 = arith.constant 0 : i32
        %dma_start3A_1371 = arith.constant 0 : i32
        %dma_start3A_1372 = arith.constant 0 : i32
        %dma_start3A_1373 = arith.constant 0 : i32
        %dma_start3A_1374 = arith.constant 0 : i32
        %dma_start3A_1375 = arith.constant 0 : i32
        %dma_start3A_1376 = tpu.memref_slice %arg7[%dma_start3A_1372, %dma_start3A_1374, %dma_start3A_1375] : memref<3x128x128xf32, #tpu.memory_space<vmem>> -> memref<1x128x128xf32, #tpu.memory_space<vmem>>
        %dma_start3A_1377 = tpu.memref_squeeze %dma_start3A_1376 : memref<1x128x128xf32, #tpu.memory_space<vmem>> -> memref<128x128xf32, #tpu.memory_space<vmem>>
        %dma_start3A_1378 = arith.constant 0 : i32
        %dma_start3A_1379 = tpu.memref_slice %arg6[%dma_start3A_1370, %dma_start3A_1371, %dma_start3A_1378] : memref<6x2x128xi32, #tpu.memory_space<vmem>> -> memref<1x1x128xi32, #tpu.memory_space<vmem>>
        %dma_start3A_1380 = tpu.memref_squeeze %dma_start3A_1379 : memref<1x1x128xi32, #tpu.memory_space<vmem>> -> memref<128xi32, #tpu.memory_space<vmem>>
        %dma_start3A_1381 = arith.constant 0 : i32
        %dma_start3A_1382 = arith.constant 0 : i32
        %dma_start3A_1383 = tpu.memref_slice %arg3[%dma_start3A_1381, %dma_start3A_1382] : memref<10000x128xf32, #tpu.memory_space<hbm>> -> memref<10000x128xf32, #tpu.memory_space<hbm>>
        %dma_start3A_1384 = tpu.memref_slice %arg9[%dma_start3A_1373] : memref<3x!tpu.dma_semaphore, #tpu.memory_space<semaphore_mem>> -> memref<1x!tpu.dma_semaphore, #tpu.memory_space<semaphore_mem>>
        %dma_start3A_1385 = tpu.memref_squeeze %dma_start3A_1384 : memref<1x!tpu.dma_semaphore, #tpu.memory_space<semaphore_mem>> -> memref<!tpu.dma_semaphore, #tpu.memory_space<semaphore_mem>>
        tpu.enqueue_indirect_dma source(%dma_start3A_1383 : memref<10000x128xf32, #tpu.memory_space<hbm>>) target(%dma_start3A_1377 : memref<128x128xf32, #tpu.memory_space<vmem>>) offsets(%dma_start3A_1380 : memref<128xi32, #tpu.memory_space<vmem>>) semaphore(%dma_start3A_1385 : memref<!tpu.dma_semaphore, #tpu.memory_space<semaphore_mem>>)
      } else {
      }
      %lt3A_1303 = arith.cmpi slt, %add3A_1296, %select_n3A : i32
      %convert_element_type3A_1304 = arith.extui %lt3A_1303 : i1 to i32
      %cond3A_1305 = arith.constant 0 : i32
      %cond3A_1306 = arith.cmpi ne, %convert_element_type3A_1304, %cond3A_1305 : i32
      scf.if %cond3A_1306 {
        %dma_wait3A_1331 = arith.constant 1 : i32
        %dma_wait3A_1332 = arith.constant 1 : i32
        %dma_wait3A_1333 = arith.constant 0 : i32
        %dma_wait3A_1334 = arith.constant 0 : i32
        %dma_wait3A_1335 = tpu.memref_slice %arg7[%dma_wait3A_1331, %dma_wait3A_1333, %dma_wait3A_1334] : memref<3x128x128xf32, #tpu.memory_space<vmem>> -> memref<1x128x128xf32, #tpu.memory_space<vmem>>
        %dma_wait3A_1336 = tpu.memref_squeeze %dma_wait3A_1335 : memref<1x128x128xf32, #tpu.memory_space<vmem>> -> memref<128x128xf32, #tpu.memory_space<vmem>>
        %dma_wait3A_1337 = arith.constant 0 : i32
        %dma_wait3A_1338 = arith.constant 0 : i32
        %dma_wait3A_1339 = tpu.memref_slice %arg3[%dma_wait3A_1337, %dma_wait3A_1338] : memref<10000x128xf32, #tpu.memory_space<hbm>> -> memref<128x128xf32, #tpu.memory_space<hbm>>
        %dma_wait3A_1340 = tpu.memref_slice %arg9[%dma_wait3A_1332] : memref<3x!tpu.dma_semaphore, #tpu.memory_space<semaphore_mem>> -> memref<1x!tpu.dma_semaphore, #tpu.memory_space<semaphore_mem>>
        %dma_wait3A_1341 = tpu.memref_squeeze %dma_wait3A_1340 : memref<1x!tpu.dma_semaphore, #tpu.memory_space<semaphore_mem>> -> memref<!tpu.dma_semaphore, #tpu.memory_space<semaphore_mem>>
        %dma_wait3A_1342 = arith.constant 0 : i32
        %dma_wait3A_1343 = arith.constant 0 : i32
        %dma_wait3A_1344 = tpu.memref_slice %arg7[%dma_wait3A_1331, %dma_wait3A_1342, %dma_wait3A_1343] : memref<3x128x128xf32, #tpu.memory_space<vmem>> -> memref<1x128x128xf32, #tpu.memory_space<vmem>>
        %dma_wait3A_1345 = tpu.memref_squeeze %dma_wait3A_1344 : memref<1x128x128xf32, #tpu.memory_space<vmem>> -> memref<128x128xf32, #tpu.memory_space<vmem>>
        %dma_wait3A_1346 = arith.constant 0 : i32
        %dma_wait3A_1347 = arith.constant 0 : i32
        %dma_wait3A_1348 = tpu.memref_slice %arg3[%dma_wait3A_1346, %dma_wait3A_1347] : memref<10000x128xf32, #tpu.memory_space<hbm>> -> memref<128x128xf32, #tpu.memory_space<hbm>>
        tpu.wait_dma2 semaphore(%dma_wait3A_1341 : memref<!tpu.dma_semaphore, #tpu.memory_space<semaphore_mem>>) src(%dma_wait3A_1348 : memref<128x128xf32, #tpu.memory_space<hbm>>) dst(%dma_wait3A_1345 : memref<128x128xf32, #tpu.memory_space<vmem>>)
        %dma_start3A_1349 = arith.constant 1 : i32
        %dma_start3A_1350 = arith.constant 4 : i32
        %dma_start3A_1351 = arith.constant 1 : i32
        %dma_start3A_1352 = arith.constant 1 : i32
        %dma_start3A_1353 = arith.constant 0 : i32
        %dma_start3A_1354 = arith.constant 0 : i32
        %dma_start3A_1355 = tpu.memref_slice %arg7[%dma_start3A_1349, %dma_start3A_1353, %dma_start3A_1354] : memref<3x128x128xf32, #tpu.memory_space<vmem>> -> memref<1x128x128xf32, #tpu.memory_space<vmem>>
        %dma_start3A_1356 = tpu.memref_squeeze %dma_start3A_1355 : memref<1x128x128xf32, #tpu.memory_space<vmem>> -> memref<128x128xf32, #tpu.memory_space<vmem>>
        %dma_start3A_1357 = arith.constant 0 : i32
        %dma_start3A_1358 = tpu.memref_slice %arg6[%dma_start3A_1350, %dma_start3A_1351, %dma_start3A_1357] : memref<6x2x128xi32, #tpu.memory_space<vmem>> -> memref<1x1x128xi32, #tpu.memory_space<vmem>>
        %dma_start3A_1359 = tpu.memref_squeeze %dma_start3A_1358 : memref<1x1x128xi32, #tpu.memory_space<vmem>> -> memref<128xi32, #tpu.memory_space<vmem>>
        %dma_start3A_1360 = arith.constant 0 : i32
        %dma_start3A_1361 = arith.constant 0 : i32
        %dma_start3A_1362 = tpu.memref_slice %arg5[%dma_start3A_1360, %dma_start3A_1361] : memref<10000x128xf32, #tpu.memory_space<vmem_shared>> -> memref<10000x128xf32, #tpu.memory_space<vmem_shared>>
        %dma_start3A_1363 = tpu.memref_slice %arg10[%dma_start3A_1352] : memref<3x!tpu.dma_semaphore, #tpu.memory_space<semaphore_mem>> -> memref<1x!tpu.dma_semaphore, #tpu.memory_space<semaphore_mem>>
        %dma_start3A_1364 = tpu.memref_squeeze %dma_start3A_1363 : memref<1x!tpu.dma_semaphore, #tpu.memory_space<semaphore_mem>> -> memref<!tpu.dma_semaphore, #tpu.memory_space<semaphore_mem>>
        tpu.enqueue_indirect_dma source(%dma_start3A_1356 : memref<128x128xf32, #tpu.memory_space<vmem>>) target(%dma_start3A_1362 : memref<10000x128xf32, #tpu.memory_space<vmem_shared>>) offsets(%dma_start3A_1359 : memref<128xi32, #tpu.memory_space<vmem>>) semaphore(%dma_start3A_1364 : memref<!tpu.dma_semaphore, #tpu.memory_space<semaphore_mem>>) {add = true}
      } else {
      }
      %add3A_1307 = arith.constant 4 : i32
      %add3A_1308 = arith.addi %add3A_1296, %add3A_1307 : i32
      %lt3A_1309 = arith.cmpi slt, %add3A_1308, %select_n3A : i32
      %convert_element_type3A_1310 = arith.extui %lt3A_1309 : i1 to i32
      %cond3A_1311 = arith.constant 0 : i32
      %cond3A_1312 = arith.cmpi ne, %convert_element_type3A_1310, %cond3A_1311 : i32
      scf.if %cond3A_1312 {
        %add3A_1331 = arith.constant 4 : i32
        %add3A_1332 = arith.addi %add3A_1296, %add3A_1331 : i32
        %mul3A_1333 = arith.constant 32 : i32
        %mul3A_1334 = arith.muli %add3A_1332, %mul3A_1333 : i32
        %add3A_1335 = arith.addi %add3A, %mul3A_1334 : i32
        %dma_start3A_1336 = arith.constant 2 : i32
        %dma_start3A_1337 = arith.constant 2 : i32
        %dma_start3A_1338 = arith.constant 0 : i32
        %dma_start3A_1339 = arith.constant 0 : i32
        %dma_start3A_1340 = tpu.memref_slice %arg6[%dma_start3A_1336, %dma_start3A_1338, %dma_start3A_1339] : memref<6x2x128xi32, #tpu.memory_space<vmem>> -> memref<1x2x128xi32, #tpu.memory_space<vmem>>
        %dma_start3A_1341 = tpu.memref_squeeze %dma_start3A_1340 : memref<1x2x128xi32, #tpu.memory_space<vmem>> -> memref<2x128xi32, #tpu.memory_space<vmem>>
        %dma_start3A_1342 = arith.constant 0 : i32
        %dma_start3A_1343 = arith.constant 0 : i32
        %dma_start3A_1344 = tpu.memref_slice %arg2[%add3A_1335, %dma_start3A_1342, %dma_start3A_1343] : memref<2500x2x128xi32, #tpu.memory_space<hbm>> -> memref<1x2x128xi32, #tpu.memory_space<hbm>>
        %dma_start3A_1345 = tpu.memref_squeeze %dma_start3A_1344 : memref<1x2x128xi32, #tpu.memory_space<hbm>> -> memref<2x128xi32, #tpu.memory_space<hbm>>
        %dma_start3A_1346 = tpu.memref_slice %arg8[%dma_start3A_1337] : memref<6x!tpu.dma_semaphore, #tpu.memory_space<semaphore_mem>> -> memref<1x!tpu.dma_semaphore, #tpu.memory_space<semaphore_mem>>
        %dma_start3A_1347 = tpu.memref_squeeze %dma_start3A_1346 : memref<1x!tpu.dma_semaphore, #tpu.memory_space<semaphore_mem>> -> memref<!tpu.dma_semaphore, #tpu.memory_space<semaphore_mem>>
        %dma_start3A_1348 = arith.constant 0 : i32
        %dma_start3A_1349 = arith.constant 0 : i32
        %dma_start3A_1350 = tpu.memref_slice %arg6[%dma_start3A_1336, %dma_start3A_1348, %dma_start3A_1349] : memref<6x2x128xi32, #tpu.memory_space<vmem>> -> memref<1x2x128xi32, #tpu.memory_space<vmem>>
        %dma_start3A_1351 = tpu.memref_squeeze %dma_start3A_1350 : memref<1x2x128xi32, #tpu.memory_space<vmem>> -> memref<2x128xi32, #tpu.memory_space<vmem>>
        %dma_start3A_1352 = arith.constant 0 : i32
        %dma_start3A_1353 = arith.constant 0 : i32
        %dma_start3A_1354 = tpu.memref_slice %arg2[%add3A_1335, %dma_start3A_1352, %dma_start3A_1353] : memref<2500x2x128xi32, #tpu.memory_space<hbm>> -> memref<1x2x128xi32, #tpu.memory_space<hbm>>
        %dma_start3A_1355 = tpu.memref_squeeze %dma_start3A_1354 : memref<1x2x128xi32, #tpu.memory_space<hbm>> -> memref<2x128xi32, #tpu.memory_space<hbm>>
        tpu.enqueue_dma source(%dma_start3A_1355 : memref<2x128xi32, #tpu.memory_space<hbm>>) target(%dma_start3A_1351 : memref<2x128xi32, #tpu.memory_space<vmem>>) target_semaphore(%dma_start3A_1347 : memref<!tpu.dma_semaphore, #tpu.memory_space<semaphore_mem>>)
      } else {
      }
      %add3A_1313 = arith.constant 5 : i32
      %add3A_1314 = arith.addi %mul3A_1223, %add3A_1313 : i32
      %add3A_1315 = arith.constant 2 : i32
      %add3A_1316 = arith.addi %add3A_1314, %add3A_1315 : i32
      %lt3A_1317 = arith.cmpi slt, %add3A_1316, %select_n3A : i32
      %convert_element_type3A_1318 = arith.extui %lt3A_1317 : i1 to i32
      %cond3A_1319 = arith.constant 0 : i32
      %cond3A_1320 = arith.cmpi ne, %convert_element_type3A_1318, %cond3A_1319 : i32
      scf.if %cond3A_1320 {
        %dma_wait3A_1331 = arith.constant 1 : i32
        %dma_wait3A_1332 = arith.constant 1 : i32
        %dma_wait3A_1333 = arith.constant 0 : i32
        %dma_wait3A_1334 = arith.constant 0 : i32
        %dma_wait3A_1335 = tpu.memref_slice %arg7[%dma_wait3A_1331, %dma_wait3A_1333, %dma_wait3A_1334] : memref<3x128x128xf32, #tpu.memory_space<vmem>> -> memref<1x128x128xf32, #tpu.memory_space<vmem>>
        %dma_wait3A_1336 = tpu.memref_squeeze %dma_wait3A_1335 : memref<1x128x128xf32, #tpu.memory_space<vmem>> -> memref<128x128xf32, #tpu.memory_space<vmem>>
        %dma_wait3A_1337 = arith.constant 0 : i32
        %dma_wait3A_1338 = arith.constant 0 : i32
        %dma_wait3A_1339 = tpu.memref_slice %arg5[%dma_wait3A_1337, %dma_wait3A_1338] : memref<10000x128xf32, #tpu.memory_space<vmem_shared>> -> memref<128x128xf32, #tpu.memory_space<vmem_shared>>
        %dma_wait3A_1340 = tpu.memref_slice %arg10[%dma_wait3A_1332] : memref<3x!tpu.dma_semaphore, #tpu.memory_space<semaphore_mem>> -> memref<1x!tpu.dma_semaphore, #tpu.memory_space<semaphore_mem>>
        %dma_wait3A_1341 = tpu.memref_squeeze %dma_wait3A_1340 : memref<1x!tpu.dma_semaphore, #tpu.memory_space<semaphore_mem>> -> memref<!tpu.dma_semaphore, #tpu.memory_space<semaphore_mem>>
        %dma_wait3A_1342 = arith.constant 0 : i32
        %dma_wait3A_1343 = arith.constant 0 : i32
        %dma_wait3A_1344 = tpu.memref_slice %arg5[%dma_wait3A_1342, %dma_wait3A_1343] : memref<10000x128xf32, #tpu.memory_space<vmem_shared>> -> memref<128x128xf32, #tpu.memory_space<vmem_shared>>
        %dma_wait3A_1345 = arith.constant 0 : i32
        %dma_wait3A_1346 = arith.constant 0 : i32
        %dma_wait3A_1347 = tpu.memref_slice %arg7[%dma_wait3A_1331, %dma_wait3A_1345, %dma_wait3A_1346] : memref<3x128x128xf32, #tpu.memory_space<vmem>> -> memref<1x128x128xf32, #tpu.memory_space<vmem>>
        %dma_wait3A_1348 = tpu.memref_squeeze %dma_wait3A_1347 : memref<1x128x128xf32, #tpu.memory_space<vmem>> -> memref<128x128xf32, #tpu.memory_space<vmem>>
        tpu.wait_dma2 semaphore(%dma_wait3A_1341 : memref<!tpu.dma_semaphore, #tpu.memory_space<semaphore_mem>>) src(%dma_wait3A_1348 : memref<128x128xf32, #tpu.memory_space<vmem>>) dst(%dma_wait3A_1344 : memref<128x128xf32, #tpu.memory_space<vmem_shared>>)
        %dma_wait3A_1349 = arith.constant 0 : i32
        %dma_wait3A_1350 = arith.constant 1 : i32
        %dma_wait3A_1351 = arith.constant 1 : i32
        %dma_wait3A_1352 = arith.constant 0 : i32
        %dma_wait3A_1353 = arith.constant 0 : i32
        %dma_wait3A_1354 = tpu.memref_slice %arg6[%dma_wait3A_1350, %dma_wait3A_1352, %dma_wait3A_1353] : memref<6x2x128xi32, #tpu.memory_space<vmem>> -> memref<1x2x128xi32, #tpu.memory_space<vmem>>
        %dma_wait3A_1355 = tpu.memref_squeeze %dma_wait3A_1354 : memref<1x2x128xi32, #tpu.memory_space<vmem>> -> memref<2x128xi32, #tpu.memory_space<vmem>>
        %dma_wait3A_1356 = arith.constant 0 : i32
        %dma_wait3A_1357 = arith.constant 0 : i32
        %dma_wait3A_1358 = tpu.memref_slice %arg2[%dma_wait3A_1349, %dma_wait3A_1356, %dma_wait3A_1357] : memref<2500x2x128xi32, #tpu.memory_space<hbm>> -> memref<1x2x128xi32, #tpu.memory_space<hbm>>
        %dma_wait3A_1359 = tpu.memref_squeeze %dma_wait3A_1358 : memref<1x2x128xi32, #tpu.memory_space<hbm>> -> memref<2x128xi32, #tpu.memory_space<hbm>>
        %dma_wait3A_1360 = tpu.memref_slice %arg8[%dma_wait3A_1351] : memref<6x!tpu.dma_semaphore, #tpu.memory_space<semaphore_mem>> -> memref<1x!tpu.dma_semaphore, #tpu.memory_space<semaphore_mem>>
        %dma_wait3A_1361 = tpu.memref_squeeze %dma_wait3A_1360 : memref<1x!tpu.dma_semaphore, #tpu.memory_space<semaphore_mem>> -> memref<!tpu.dma_semaphore, #tpu.memory_space<semaphore_mem>>
        %dma_wait3A_1362 = arith.constant 0 : i32
        %dma_wait3A_1363 = arith.constant 0 : i32
        %dma_wait3A_1364 = tpu.memref_slice %arg6[%dma_wait3A_1350, %dma_wait3A_1362, %dma_wait3A_1363] : memref<6x2x128xi32, #tpu.memory_space<vmem>> -> memref<1x2x128xi32, #tpu.memory_space<vmem>>
        %dma_wait3A_1365 = tpu.memref_squeeze %dma_wait3A_1364 : memref<1x2x128xi32, #tpu.memory_space<vmem>> -> memref<2x128xi32, #tpu.memory_space<vmem>>
        %dma_wait3A_1366 = arith.constant 0 : i32
        %dma_wait3A_1367 = arith.constant 0 : i32
        %dma_wait3A_1368 = tpu.memref_slice %arg2[%dma_wait3A_1349, %dma_wait3A_1366, %dma_wait3A_1367] : memref<2500x2x128xi32, #tpu.memory_space<hbm>> -> memref<1x2x128xi32, #tpu.memory_space<hbm>>
        %dma_wait3A_1369 = tpu.memref_squeeze %dma_wait3A_1368 : memref<1x2x128xi32, #tpu.memory_space<hbm>> -> memref<2x128xi32, #tpu.memory_space<hbm>>
        tpu.wait_dma2 semaphore(%dma_wait3A_1361 : memref<!tpu.dma_semaphore, #tpu.memory_space<semaphore_mem>>) src(%dma_wait3A_1369 : memref<2x128xi32, #tpu.memory_space<hbm>>) dst(%dma_wait3A_1365 : memref<2x128xi32, #tpu.memory_space<vmem>>)
        %dma_start3A_1370 = arith.constant 1 : i32
        %dma_start3A_1371 = arith.constant 0 : i32
        %dma_start3A_1372 = arith.constant 1 : i32
        %dma_start3A_1373 = arith.constant 1 : i32
        %dma_start3A_1374 = arith.constant 0 : i32
        %dma_start3A_1375 = arith.constant 0 : i32
        %dma_start3A_1376 = tpu.memref_slice %arg7[%dma_start3A_1372, %dma_start3A_1374, %dma_start3A_1375] : memref<3x128x128xf32, #tpu.memory_space<vmem>> -> memref<1x128x128xf32, #tpu.memory_space<vmem>>
        %dma_start3A_1377 = tpu.memref_squeeze %dma_start3A_1376 : memref<1x128x128xf32, #tpu.memory_space<vmem>> -> memref<128x128xf32, #tpu.memory_space<vmem>>
        %dma_start3A_1378 = arith.constant 0 : i32
        %dma_start3A_1379 = tpu.memref_slice %arg6[%dma_start3A_1370, %dma_start3A_1371, %dma_start3A_1378] : memref<6x2x128xi32, #tpu.memory_space<vmem>> -> memref<1x1x128xi32, #tpu.memory_space<vmem>>
        %dma_start3A_1380 = tpu.memref_squeeze %dma_start3A_1379 : memref<1x1x128xi32, #tpu.memory_space<vmem>> -> memref<128xi32, #tpu.memory_space<vmem>>
        %dma_start3A_1381 = arith.constant 0 : i32
        %dma_start3A_1382 = arith.constant 0 : i32
        %dma_start3A_1383 = tpu.memref_slice %arg3[%dma_start3A_1381, %dma_start3A_1382] : memref<10000x128xf32, #tpu.memory_space<hbm>> -> memref<10000x128xf32, #tpu.memory_space<hbm>>
        %dma_start3A_1384 = tpu.memref_slice %arg9[%dma_start3A_1373] : memref<3x!tpu.dma_semaphore, #tpu.memory_space<semaphore_mem>> -> memref<1x!tpu.dma_semaphore, #tpu.memory_space<semaphore_mem>>
        %dma_start3A_1385 = tpu.memref_squeeze %dma_start3A_1384 : memref<1x!tpu.dma_semaphore, #tpu.memory_space<semaphore_mem>> -> memref<!tpu.dma_semaphore, #tpu.memory_space<semaphore_mem>>
        tpu.enqueue_indirect_dma source(%dma_start3A_1383 : memref<10000x128xf32, #tpu.memory_space<hbm>>) target(%dma_start3A_1377 : memref<128x128xf32, #tpu.memory_space<vmem>>) offsets(%dma_start3A_1380 : memref<128xi32, #tpu.memory_space<vmem>>) semaphore(%dma_start3A_1385 : memref<!tpu.dma_semaphore, #tpu.memory_space<semaphore_mem>>)
      } else {
      }
      %lt3A_1321 = arith.cmpi slt, %add3A_1314, %select_n3A : i32
      %convert_element_type3A_1322 = arith.extui %lt3A_1321 : i1 to i32
      %cond3A_1323 = arith.constant 0 : i32
      %cond3A_1324 = arith.cmpi ne, %convert_element_type3A_1322, %cond3A_1323 : i32
      scf.if %cond3A_1324 {
        %dma_wait3A_1331 = arith.constant 2 : i32
        %dma_wait3A_1332 = arith.constant 2 : i32
        %dma_wait3A_1333 = arith.constant 0 : i32
        %dma_wait3A_1334 = arith.constant 0 : i32
        %dma_wait3A_1335 = tpu.memref_slice %arg7[%dma_wait3A_1331, %dma_wait3A_1333, %dma_wait3A_1334] : memref<3x128x128xf32, #tpu.memory_space<vmem>> -> memref<1x128x128xf32, #tpu.memory_space<vmem>>
        %dma_wait3A_1336 = tpu.memref_squeeze %dma_wait3A_1335 : memref<1x128x128xf32, #tpu.memory_space<vmem>> -> memref<128x128xf32, #tpu.memory_space<vmem>>
        %dma_wait3A_1337 = arith.constant 0 : i32
        %dma_wait3A_1338 = arith.constant 0 : i32
        %dma_wait3A_1339 = tpu.memref_slice %arg3[%dma_wait3A_1337, %dma_wait3A_1338] : memref<10000x128xf32, #tpu.memory_space<hbm>> -> memref<128x128xf32, #tpu.memory_space<hbm>>
        %dma_wait3A_1340 = tpu.memref_slice %arg9[%dma_wait3A_1332] : memref<3x!tpu.dma_semaphore, #tpu.memory_space<semaphore_mem>> -> memref<1x!tpu.dma_semaphore, #tpu.memory_space<semaphore_mem>>
        %dma_wait3A_1341 = tpu.memref_squeeze %dma_wait3A_1340 : memref<1x!tpu.dma_semaphore, #tpu.memory_space<semaphore_mem>> -> memref<!tpu.dma_semaphore, #tpu.memory_space<semaphore_mem>>
        %dma_wait3A_1342 = arith.constant 0 : i32
        %dma_wait3A_1343 = arith.constant 0 : i32
        %dma_wait3A_1344 = tpu.memref_slice %arg7[%dma_wait3A_1331, %dma_wait3A_1342, %dma_wait3A_1343] : memref<3x128x128xf32, #tpu.memory_space<vmem>> -> memref<1x128x128xf32, #tpu.memory_space<vmem>>
        %dma_wait3A_1345 = tpu.memref_squeeze %dma_wait3A_1344 : memref<1x128x128xf32, #tpu.memory_space<vmem>> -> memref<128x128xf32, #tpu.memory_space<vmem>>
        %dma_wait3A_1346 = arith.constant 0 : i32
        %dma_wait3A_1347 = arith.constant 0 : i32
        %dma_wait3A_1348 = tpu.memref_slice %arg3[%dma_wait3A_1346, %dma_wait3A_1347] : memref<10000x128xf32, #tpu.memory_space<hbm>> -> memref<128x128xf32, #tpu.memory_space<hbm>>
        tpu.wait_dma2 semaphore(%dma_wait3A_1341 : memref<!tpu.dma_semaphore, #tpu.memory_space<semaphore_mem>>) src(%dma_wait3A_1348 : memref<128x128xf32, #tpu.memory_space<hbm>>) dst(%dma_wait3A_1345 : memref<128x128xf32, #tpu.memory_space<vmem>>)
        %dma_start3A_1349 = arith.constant 2 : i32
        %dma_start3A_1350 = arith.constant 5 : i32
        %dma_start3A_1351 = arith.constant 1 : i32
        %dma_start3A_1352 = arith.constant 2 : i32
        %dma_start3A_1353 = arith.constant 0 : i32
        %dma_start3A_1354 = arith.constant 0 : i32
        %dma_start3A_1355 = tpu.memref_slice %arg7[%dma_start3A_1349, %dma_start3A_1353, %dma_start3A_1354] : memref<3x128x128xf32, #tpu.memory_space<vmem>> -> memref<1x128x128xf32, #tpu.memory_space<vmem>>
        %dma_start3A_1356 = tpu.memref_squeeze %dma_start3A_1355 : memref<1x128x128xf32, #tpu.memory_space<vmem>> -> memref<128x128xf32, #tpu.memory_space<vmem>>
        %dma_start3A_1357 = arith.constant 0 : i32
        %dma_start3A_1358 = tpu.memref_slice %arg6[%dma_start3A_1350, %dma_start3A_1351, %dma_start3A_1357] : memref<6x2x128xi32, #tpu.memory_space<vmem>> -> memref<1x1x128xi32, #tpu.memory_space<vmem>>
        %dma_start3A_1359 = tpu.memref_squeeze %dma_start3A_1358 : memref<1x1x128xi32, #tpu.memory_space<vmem>> -> memref<128xi32, #tpu.memory_space<vmem>>
        %dma_start3A_1360 = arith.constant 0 : i32
        %dma_start3A_1361 = arith.constant 0 : i32
        %dma_start3A_1362 = tpu.memref_slice %arg5[%dma_start3A_1360, %dma_start3A_1361] : memref<10000x128xf32, #tpu.memory_space<vmem_shared>> -> memref<10000x128xf32, #tpu.memory_space<vmem_shared>>
        %dma_start3A_1363 = tpu.memref_slice %arg10[%dma_start3A_1352] : memref<3x!tpu.dma_semaphore, #tpu.memory_space<semaphore_mem>> -> memref<1x!tpu.dma_semaphore, #tpu.memory_space<semaphore_mem>>
        %dma_start3A_1364 = tpu.memref_squeeze %dma_start3A_1363 : memref<1x!tpu.dma_semaphore, #tpu.memory_space<semaphore_mem>> -> memref<!tpu.dma_semaphore, #tpu.memory_space<semaphore_mem>>
        tpu.enqueue_indirect_dma source(%dma_start3A_1356 : memref<128x128xf32, #tpu.memory_space<vmem>>) target(%dma_start3A_1362 : memref<10000x128xf32, #tpu.memory_space<vmem_shared>>) offsets(%dma_start3A_1359 : memref<128xi32, #tpu.memory_space<vmem>>) semaphore(%dma_start3A_1364 : memref<!tpu.dma_semaphore, #tpu.memory_space<semaphore_mem>>) {add = true}
      } else {
      }
      %add3A_1325 = arith.constant 4 : i32
      %add3A_1326 = arith.addi %add3A_1314, %add3A_1325 : i32
      %lt3A_1327 = arith.cmpi slt, %add3A_1326, %select_n3A : i32
      %convert_element_type3A_1328 = arith.extui %lt3A_1327 : i1 to i32
      %cond3A_1329 = arith.constant 0 : i32
      %cond3A_1330 = arith.cmpi ne, %convert_element_type3A_1328, %cond3A_1329 : i32
      scf.if %cond3A_1330 {
        %add3A_1331 = arith.constant 4 : i32
        %add3A_1332 = arith.addi %add3A_1314, %add3A_1331 : i32
        %mul3A_1333 = arith.constant 32 : i32
        %mul3A_1334 = arith.muli %add3A_1332, %mul3A_1333 : i32
        %add3A_1335 = arith.addi %add3A, %mul3A_1334 : i32
        %dma_start3A_1336 = arith.constant 3 : i32
        %dma_start3A_1337 = arith.constant 3 : i32
        %dma_start3A_1338 = arith.constant 0 : i32
        %dma_start3A_1339 = arith.constant 0 : i32
        %dma_start3A_1340 = tpu.memref_slice %arg6[%dma_start3A_1336, %dma_start3A_1338, %dma_start3A_1339] : memref<6x2x128xi32, #tpu.memory_space<vmem>> -> memref<1x2x128xi32, #tpu.memory_space<vmem>>
        %dma_start3A_1341 = tpu.memref_squeeze %dma_start3A_1340 : memref<1x2x128xi32, #tpu.memory_space<vmem>> -> memref<2x128xi32, #tpu.memory_space<vmem>>
        %dma_start3A_1342 = arith.constant 0 : i32
        %dma_start3A_1343 = arith.constant 0 : i32
        %dma_start3A_1344 = tpu.memref_slice %arg2[%add3A_1335, %dma_start3A_1342, %dma_start3A_1343] : memref<2500x2x128xi32, #tpu.memory_space<hbm>> -> memref<1x2x128xi32, #tpu.memory_space<hbm>>
        %dma_start3A_1345 = tpu.memref_squeeze %dma_start3A_1344 : memref<1x2x128xi32, #tpu.memory_space<hbm>> -> memref<2x128xi32, #tpu.memory_space<hbm>>
        %dma_start3A_1346 = tpu.memref_slice %arg8[%dma_start3A_1337] : memref<6x!tpu.dma_semaphore, #tpu.memory_space<semaphore_mem>> -> memref<1x!tpu.dma_semaphore, #tpu.memory_space<semaphore_mem>>
        %dma_start3A_1347 = tpu.memref_squeeze %dma_start3A_1346 : memref<1x!tpu.dma_semaphore, #tpu.memory_space<semaphore_mem>> -> memref<!tpu.dma_semaphore, #tpu.memory_space<semaphore_mem>>
        %dma_start3A_1348 = arith.constant 0 : i32
        %dma_start3A_1349 = arith.constant 0 : i32
        %dma_start3A_1350 = tpu.memref_slice %arg6[%dma_start3A_1336, %dma_start3A_1348, %dma_start3A_1349] : memref<6x2x128xi32, #tpu.memory_space<vmem>> -> memref<1x2x128xi32, #tpu.memory_space<vmem>>
        %dma_start3A_1351 = tpu.memref_squeeze %dma_start3A_1350 : memref<1x2x128xi32, #tpu.memory_space<vmem>> -> memref<2x128xi32, #tpu.memory_space<vmem>>
        %dma_start3A_1352 = arith.constant 0 : i32
        %dma_start3A_1353 = arith.constant 0 : i32
        %dma_start3A_1354 = tpu.memref_slice %arg2[%add3A_1335, %dma_start3A_1352, %dma_start3A_1353] : memref<2500x2x128xi32, #tpu.memory_space<hbm>> -> memref<1x2x128xi32, #tpu.memory_space<hbm>>
        %dma_start3A_1355 = tpu.memref_squeeze %dma_start3A_1354 : memref<1x2x128xi32, #tpu.memory_space<hbm>> -> memref<2x128xi32, #tpu.memory_space<hbm>>
        tpu.enqueue_dma source(%dma_start3A_1355 : memref<2x128xi32, #tpu.memory_space<hbm>>) target(%dma_start3A_1351 : memref<2x128xi32, #tpu.memory_space<vmem>>) target_semaphore(%dma_start3A_1347 : memref<!tpu.dma_semaphore, #tpu.memory_space<semaphore_mem>>)
      } else {
      }
    }
    %while3A_1197 = arith.constant 1 : i32
    scf.for %while3A_1219 = %while3A_1195 to %while3A_1191 step %while3A_1197  : i32 {
      %mul3A_1220 = arith.muli %while3A_1219, %while3A : i32
      %add3A_1221 = arith.addi %while3A_1188, %mul3A_1220 : i32
      %mul3A_1222 = arith.constant 6 : i32
      %mul3A_1223 = arith.muli %add3A_1221, %mul3A_1222 : i32
      %add3A_1224 = arith.constant 0 : i32
      %add3A_1225 = arith.addi %mul3A_1223, %add3A_1224 : i32
      %add3A_1226 = arith.constant 2 : i32
      %add3A_1227 = arith.addi %add3A_1225, %add3A_1226 : i32
      %lt3A = arith.cmpi slt, %add3A_1227, %select_n3A : i32
      %convert_element_type3A_1228 = arith.extui %lt3A : i1 to i32
      %cond3A_1229 = arith.constant 0 : i32
      %cond3A_1230 = arith.cmpi ne, %convert_element_type3A_1228, %cond3A_1229 : i32
      scf.if %cond3A_1230 {
        %ge3A = arith.constant 1 : i32
        %ge3A_1331 = arith.cmpi sge, %add3A_1225, %ge3A : i32
        %convert_element_type3A_1332 = arith.extui %ge3A_1331 : i1 to i32
        %cond3A_1333 = arith.constant 0 : i32
        %cond3A_1334 = arith.cmpi ne, %convert_element_type3A_1332, %cond3A_1333 : i32
        scf.if %cond3A_1334 {
          %dma_wait3A_1372 = arith.constant 2 : i32
          %dma_wait3A_1373 = arith.constant 2 : i32
          %dma_wait3A_1374 = arith.constant 0 : i32
          %dma_wait3A_1375 = arith.constant 0 : i32
          %dma_wait3A_1376 = tpu.memref_slice %arg7[%dma_wait3A_1372, %dma_wait3A_1374, %dma_wait3A_1375] : memref<3x128x128xf32, #tpu.memory_space<vmem>> -> memref<1x128x128xf32, #tpu.memory_space<vmem>>
          %dma_wait3A_1377 = tpu.memref_squeeze %dma_wait3A_1376 : memref<1x128x128xf32, #tpu.memory_space<vmem>> -> memref<128x128xf32, #tpu.memory_space<vmem>>
          %dma_wait3A_1378 = arith.constant 0 : i32
          %dma_wait3A_1379 = arith.constant 0 : i32
          %dma_wait3A_1380 = tpu.memref_slice %arg5[%dma_wait3A_1378, %dma_wait3A_1379] : memref<10000x128xf32, #tpu.memory_space<vmem_shared>> -> memref<128x128xf32, #tpu.memory_space<vmem_shared>>
          %dma_wait3A_1381 = tpu.memref_slice %arg10[%dma_wait3A_1373] : memref<3x!tpu.dma_semaphore, #tpu.memory_space<semaphore_mem>> -> memref<1x!tpu.dma_semaphore, #tpu.memory_space<semaphore_mem>>
          %dma_wait3A_1382 = tpu.memref_squeeze %dma_wait3A_1381 : memref<1x!tpu.dma_semaphore, #tpu.memory_space<semaphore_mem>> -> memref<!tpu.dma_semaphore, #tpu.memory_space<semaphore_mem>>
          %dma_wait3A_1383 = arith.constant 0 : i32
          %dma_wait3A_1384 = arith.constant 0 : i32
          %dma_wait3A_1385 = tpu.memref_slice %arg5[%dma_wait3A_1383, %dma_wait3A_1384] : memref<10000x128xf32, #tpu.memory_space<vmem_shared>> -> memref<128x128xf32, #tpu.memory_space<vmem_shared>>
          %dma_wait3A_1386 = arith.constant 0 : i32
          %dma_wait3A_1387 = arith.constant 0 : i32
          %dma_wait3A_1388 = tpu.memref_slice %arg7[%dma_wait3A_1372, %dma_wait3A_1386, %dma_wait3A_1387] : memref<3x128x128xf32, #tpu.memory_space<vmem>> -> memref<1x128x128xf32, #tpu.memory_space<vmem>>
          %dma_wait3A_1389 = tpu.memref_squeeze %dma_wait3A_1388 : memref<1x128x128xf32, #tpu.memory_space<vmem>> -> memref<128x128xf32, #tpu.memory_space<vmem>>
          tpu.wait_dma2 semaphore(%dma_wait3A_1382 : memref<!tpu.dma_semaphore, #tpu.memory_space<semaphore_mem>>) src(%dma_wait3A_1389 : memref<128x128xf32, #tpu.memory_space<vmem>>) dst(%dma_wait3A_1385 : memref<128x128xf32, #tpu.memory_space<vmem_shared>>)
        } else {
        }
        %dma_wait3A_1335 = arith.constant 0 : i32
        %dma_wait3A_1336 = arith.constant 2 : i32
        %dma_wait3A_1337 = arith.constant 2 : i32
        %dma_wait3A_1338 = arith.constant 0 : i32
        %dma_wait3A_1339 = arith.constant 0 : i32
        %dma_wait3A_1340 = tpu.memref_slice %arg6[%dma_wait3A_1336, %dma_wait3A_1338, %dma_wait3A_1339] : memref<6x2x128xi32, #tpu.memory_space<vmem>> -> memref<1x2x128xi32, #tpu.memory_space<vmem>>
        %dma_wait3A_1341 = tpu.memref_squeeze %dma_wait3A_1340 : memref<1x2x128xi32, #tpu.memory_space<vmem>> -> memref<2x128xi32, #tpu.memory_space<vmem>>
        %dma_wait3A_1342 = arith.constant 0 : i32
        %dma_wait3A_1343 = arith.constant 0 : i32
        %dma_wait3A_1344 = tpu.memref_slice %arg2[%dma_wait3A_1335, %dma_wait3A_1342, %dma_wait3A_1343] : memref<2500x2x128xi32, #tpu.memory_space<hbm>> -> memref<1x2x128xi32, #tpu.memory_space<hbm>>
        %dma_wait3A_1345 = tpu.memref_squeeze %dma_wait3A_1344 : memref<1x2x128xi32, #tpu.memory_space<hbm>> -> memref<2x128xi32, #tpu.memory_space<hbm>>
        %dma_wait3A_1346 = tpu.memref_slice %arg8[%dma_wait3A_1337] : memref<6x!tpu.dma_semaphore, #tpu.memory_space<semaphore_mem>> -> memref<1x!tpu.dma_semaphore, #tpu.memory_space<semaphore_mem>>
        %dma_wait3A_1347 = tpu.memref_squeeze %dma_wait3A_1346 : memref<1x!tpu.dma_semaphore, #tpu.memory_space<semaphore_mem>> -> memref<!tpu.dma_semaphore, #tpu.memory_space<semaphore_mem>>
        %dma_wait3A_1348 = arith.constant 0 : i32
        %dma_wait3A_1349 = arith.constant 0 : i32
        %dma_wait3A_1350 = tpu.memref_slice %arg6[%dma_wait3A_1336, %dma_wait3A_1348, %dma_wait3A_1349] : memref<6x2x128xi32, #tpu.memory_space<vmem>> -> memref<1x2x128xi32, #tpu.memory_space<vmem>>
        %dma_wait3A_1351 = tpu.memref_squeeze %dma_wait3A_1350 : memref<1x2x128xi32, #tpu.memory_space<vmem>> -> memref<2x128xi32, #tpu.memory_space<vmem>>
        %dma_wait3A_1352 = arith.constant 0 : i32
        %dma_wait3A_1353 = arith.constant 0 : i32
        %dma_wait3A_1354 = tpu.memref_slice %arg2[%dma_wait3A_1335, %dma_wait3A_1352, %dma_wait3A_1353] : memref<2500x2x128xi32, #tpu.memory_space<hbm>> -> memref<1x2x128xi32, #tpu.memory_space<hbm>>
        %dma_wait3A_1355 = tpu.memref_squeeze %dma_wait3A_1354 : memref<1x2x128xi32, #tpu.memory_space<hbm>> -> memref<2x128xi32, #tpu.memory_space<hbm>>
        tpu.wait_dma2 semaphore(%dma_wait3A_1347 : memref<!tpu.dma_semaphore, #tpu.memory_space<semaphore_mem>>) src(%dma_wait3A_1355 : memref<2x128xi32, #tpu.memory_space<hbm>>) dst(%dma_wait3A_1351 : memref<2x128xi32, #tpu.memory_space<vmem>>)
        %dma_start3A_1356 = arith.constant 2 : i32
        %dma_start3A_1357 = arith.constant 0 : i32
        %dma_start3A_1358 = arith.constant 2 : i32
        %dma_start3A_1359 = arith.constant 2 : i32
        %dma_start3A_1360 = arith.constant 0 : i32
        %dma_start3A_1361 = arith.constant 0 : i32
        %dma_start3A_1362 = tpu.memref_slice %arg7[%dma_start3A_1358, %dma_start3A_1360, %dma_start3A_1361] : memref<3x128x128xf32, #tpu.memory_space<vmem>> -> memref<1x128x128xf32, #tpu.memory_space<vmem>>
        %dma_start3A_1363 = tpu.memref_squeeze %dma_start3A_1362 : memref<1x128x128xf32, #tpu.memory_space<vmem>> -> memref<128x128xf32, #tpu.memory_space<vmem>>
        %dma_start3A_1364 = arith.constant 0 : i32
        %dma_start3A_1365 = tpu.memref_slice %arg6[%dma_start3A_1356, %dma_start3A_1357, %dma_start3A_1364] : memref<6x2x128xi32, #tpu.memory_space<vmem>> -> memref<1x1x128xi32, #tpu.memory_space<vmem>>
        %dma_start3A_1366 = tpu.memref_squeeze %dma_start3A_1365 : memref<1x1x128xi32, #tpu.memory_space<vmem>> -> memref<128xi32, #tpu.memory_space<vmem>>
        %dma_start3A_1367 = arith.constant 0 : i32
        %dma_start3A_1368 = arith.constant 0 : i32
        %dma_start3A_1369 = tpu.memref_slice %arg3[%dma_start3A_1367, %dma_start3A_1368] : memref<10000x128xf32, #tpu.memory_space<hbm>> -> memref<10000x128xf32, #tpu.memory_space<hbm>>
        %dma_start3A_1370 = tpu.memref_slice %arg9[%dma_start3A_1359] : memref<3x!tpu.dma_semaphore, #tpu.memory_space<semaphore_mem>> -> memref<1x!tpu.dma_semaphore, #tpu.memory_space<semaphore_mem>>
        %dma_start3A_1371 = tpu.memref_squeeze %dma_start3A_1370 : memref<1x!tpu.dma_semaphore, #tpu.memory_space<semaphore_mem>> -> memref<!tpu.dma_semaphore, #tpu.memory_space<semaphore_mem>>
        tpu.enqueue_indirect_dma source(%dma_start3A_1369 : memref<10000x128xf32, #tpu.memory_space<hbm>>) target(%dma_start3A_1363 : memref<128x128xf32, #tpu.memory_space<vmem>>) offsets(%dma_start3A_1366 : memref<128xi32, #tpu.memory_space<vmem>>) semaphore(%dma_start3A_1371 : memref<!tpu.dma_semaphore, #tpu.memory_space<semaphore_mem>>)
      } else {
      }
      %lt3A_1231 = arith.cmpi slt, %add3A_1225, %select_n3A : i32
      %convert_element_type3A_1232 = arith.extui %lt3A_1231 : i1 to i32
      %cond3A_1233 = arith.constant 0 : i32
      %cond3A_1234 = arith.cmpi ne, %convert_element_type3A_1232, %cond3A_1233 : i32
      scf.if %cond3A_1234 {
        %dma_wait3A_1331 = arith.constant 0 : i32
        %dma_wait3A_1332 = arith.constant 0 : i32
        %dma_wait3A_1333 = arith.constant 0 : i32
        %dma_wait3A_1334 = arith.constant 0 : i32
        %dma_wait3A_1335 = tpu.memref_slice %arg7[%dma_wait3A_1331, %dma_wait3A_1333, %dma_wait3A_1334] : memref<3x128x128xf32, #tpu.memory_space<vmem>> -> memref<1x128x128xf32, #tpu.memory_space<vmem>>
        %dma_wait3A_1336 = tpu.memref_squeeze %dma_wait3A_1335 : memref<1x128x128xf32, #tpu.memory_space<vmem>> -> memref<128x128xf32, #tpu.memory_space<vmem>>
        %dma_wait3A_1337 = arith.constant 0 : i32
        %dma_wait3A_1338 = arith.constant 0 : i32
        %dma_wait3A_1339 = tpu.memref_slice %arg3[%dma_wait3A_1337, %dma_wait3A_1338] : memref<10000x128xf32, #tpu.memory_space<hbm>> -> memref<128x128xf32, #tpu.memory_space<hbm>>
        %dma_wait3A_1340 = tpu.memref_slice %arg9[%dma_wait3A_1332] : memref<3x!tpu.dma_semaphore, #tpu.memory_space<semaphore_mem>> -> memref<1x!tpu.dma_semaphore, #tpu.memory_space<semaphore_mem>>
        %dma_wait3A_1341 = tpu.memref_squeeze %dma_wait3A_1340 : memref<1x!tpu.dma_semaphore, #tpu.memory_space<semaphore_mem>> -> memref<!tpu.dma_semaphore, #tpu.memory_space<semaphore_mem>>
        %dma_wait3A_1342 = arith.constant 0 : i32
        %dma_wait3A_1343 = arith.constant 0 : i32
        %dma_wait3A_1344 = tpu.memref_slice %arg7[%dma_wait3A_1331, %dma_wait3A_1342, %dma_wait3A_1343] : memref<3x128x128xf32, #tpu.memory_space<vmem>> -> memref<1x128x128xf32, #tpu.memory_space<vmem>>
        %dma_wait3A_1345 = tpu.memref_squeeze %dma_wait3A_1344 : memref<1x128x128xf32, #tpu.memory_space<vmem>> -> memref<128x128xf32, #tpu.memory_space<vmem>>
        %dma_wait3A_1346 = arith.constant 0 : i32
        %dma_wait3A_1347 = arith.constant 0 : i32
        %dma_wait3A_1348 = tpu.memref_slice %arg3[%dma_wait3A_1346, %dma_wait3A_1347] : memref<10000x128xf32, #tpu.memory_space<hbm>> -> memref<128x128xf32, #tpu.memory_space<hbm>>
        tpu.wait_dma2 semaphore(%dma_wait3A_1341 : memref<!tpu.dma_semaphore, #tpu.memory_space<semaphore_mem>>) src(%dma_wait3A_1348 : memref<128x128xf32, #tpu.memory_space<hbm>>) dst(%dma_wait3A_1345 : memref<128x128xf32, #tpu.memory_space<vmem>>)
        %dma_start3A_1349 = arith.constant 0 : i32
        %dma_start3A_1350 = arith.constant 0 : i32
        %dma_start3A_1351 = arith.constant 1 : i32
        %dma_start3A_1352 = arith.constant 0 : i32
        %dma_start3A_1353 = arith.constant 0 : i32
        %dma_start3A_1354 = arith.constant 0 : i32
        %dma_start3A_1355 = tpu.memref_slice %arg7[%dma_start3A_1349, %dma_start3A_1353, %dma_start3A_1354] : memref<3x128x128xf32, #tpu.memory_space<vmem>> -> memref<1x128x128xf32, #tpu.memory_space<vmem>>
        %dma_start3A_1356 = tpu.memref_squeeze %dma_start3A_1355 : memref<1x128x128xf32, #tpu.memory_space<vmem>> -> memref<128x128xf32, #tpu.memory_space<vmem>>
        %dma_start3A_1357 = arith.constant 0 : i32
        %dma_start3A_1358 = tpu.memref_slice %arg6[%dma_start3A_1350, %dma_start3A_1351, %dma_start3A_1357] : memref<6x2x128xi32, #tpu.memory_space<vmem>> -> memref<1x1x128xi32, #tpu.memory_space<vmem>>
        %dma_start3A_1359 = tpu.memref_squeeze %dma_start3A_1358 : memref<1x1x128xi32, #tpu.memory_space<vmem>> -> memref<128xi32, #tpu.memory_space<vmem>>
        %dma_start3A_1360 = arith.constant 0 : i32
        %dma_start3A_1361 = arith.constant 0 : i32
        %dma_start3A_1362 = tpu.memref_slice %arg5[%dma_start3A_1360, %dma_start3A_1361] : memref<10000x128xf32, #tpu.memory_space<vmem_shared>> -> memref<10000x128xf32, #tpu.memory_space<vmem_shared>>
        %dma_start3A_1363 = tpu.memref_slice %arg10[%dma_start3A_1352] : memref<3x!tpu.dma_semaphore, #tpu.memory_space<semaphore_mem>> -> memref<1x!tpu.dma_semaphore, #tpu.memory_space<semaphore_mem>>
        %dma_start3A_1364 = tpu.memref_squeeze %dma_start3A_1363 : memref<1x!tpu.dma_semaphore, #tpu.memory_space<semaphore_mem>> -> memref<!tpu.dma_semaphore, #tpu.memory_space<semaphore_mem>>
        tpu.enqueue_indirect_dma source(%dma_start3A_1356 : memref<128x128xf32, #tpu.memory_space<vmem>>) target(%dma_start3A_1362 : memref<10000x128xf32, #tpu.memory_space<vmem_shared>>) offsets(%dma_start3A_1359 : memref<128xi32, #tpu.memory_space<vmem>>) semaphore(%dma_start3A_1364 : memref<!tpu.dma_semaphore, #tpu.memory_space<semaphore_mem>>) {add = true}
      } else {
      }
      %add3A_1235 = arith.constant 4 : i32
      %add3A_1236 = arith.addi %add3A_1225, %add3A_1235 : i32
      %lt3A_1237 = arith.cmpi slt, %add3A_1236, %select_n3A : i32
      %convert_element_type3A_1238 = arith.extui %lt3A_1237 : i1 to i32
      %cond3A_1239 = arith.constant 0 : i32
      %cond3A_1240 = arith.cmpi ne, %convert_element_type3A_1238, %cond3A_1239 : i32
      scf.if %cond3A_1240 {
        %add3A_1331 = arith.constant 4 : i32
        %add3A_1332 = arith.addi %add3A_1225, %add3A_1331 : i32
        %mul3A_1333 = arith.constant 32 : i32
        %mul3A_1334 = arith.muli %add3A_1332, %mul3A_1333 : i32
        %add3A_1335 = arith.addi %add3A, %mul3A_1334 : i32
        %dma_start3A_1336 = arith.constant 4 : i32
        %dma_start3A_1337 = arith.constant 4 : i32
        %dma_start3A_1338 = arith.constant 0 : i32
        %dma_start3A_1339 = arith.constant 0 : i32
        %dma_start3A_1340 = tpu.memref_slice %arg6[%dma_start3A_1336, %dma_start3A_1338, %dma_start3A_1339] : memref<6x2x128xi32, #tpu.memory_space<vmem>> -> memref<1x2x128xi32, #tpu.memory_space<vmem>>
        %dma_start3A_1341 = tpu.memref_squeeze %dma_start3A_1340 : memref<1x2x128xi32, #tpu.memory_space<vmem>> -> memref<2x128xi32, #tpu.memory_space<vmem>>
        %dma_start3A_1342 = arith.constant 0 : i32
        %dma_start3A_1343 = arith.constant 0 : i32
        %dma_start3A_1344 = tpu.memref_slice %arg2[%add3A_1335, %dma_start3A_1342, %dma_start3A_1343] : memref<2500x2x128xi32, #tpu.memory_space<hbm>> -> memref<1x2x128xi32, #tpu.memory_space<hbm>>
        %dma_start3A_1345 = tpu.memref_squeeze %dma_start3A_1344 : memref<1x2x128xi32, #tpu.memory_space<hbm>> -> memref<2x128xi32, #tpu.memory_space<hbm>>
        %dma_start3A_1346 = tpu.memref_slice %arg8[%dma_start3A_1337] : memref<6x!tpu.dma_semaphore, #tpu.memory_space<semaphore_mem>> -> memref<1x!tpu.dma_semaphore, #tpu.memory_space<semaphore_mem>>
        %dma_start3A_1347 = tpu.memref_squeeze %dma_start3A_1346 : memref<1x!tpu.dma_semaphore, #tpu.memory_space<semaphore_mem>> -> memref<!tpu.dma_semaphore, #tpu.memory_space<semaphore_mem>>
        %dma_start3A_1348 = arith.constant 0 : i32
        %dma_start3A_1349 = arith.constant 0 : i32
        %dma_start3A_1350 = tpu.memref_slice %arg6[%dma_start3A_1336, %dma_start3A_1348, %dma_start3A_1349] : memref<6x2x128xi32, #tpu.memory_space<vmem>> -> memref<1x2x128xi32, #tpu.memory_space<vmem>>
        %dma_start3A_1351 = tpu.memref_squeeze %dma_start3A_1350 : memref<1x2x128xi32, #tpu.memory_space<vmem>> -> memref<2x128xi32, #tpu.memory_space<vmem>>
        %dma_start3A_1352 = arith.constant 0 : i32
        %dma_start3A_1353 = arith.constant 0 : i32
        %dma_start3A_1354 = tpu.memref_slice %arg2[%add3A_1335, %dma_start3A_1352, %dma_start3A_1353] : memref<2500x2x128xi32, #tpu.memory_space<hbm>> -> memref<1x2x128xi32, #tpu.memory_space<hbm>>
        %dma_start3A_1355 = tpu.memref_squeeze %dma_start3A_1354 : memref<1x2x128xi32, #tpu.memory_space<hbm>> -> memref<2x128xi32, #tpu.memory_space<hbm>>
        tpu.enqueue_dma source(%dma_start3A_1355 : memref<2x128xi32, #tpu.memory_space<hbm>>) target(%dma_start3A_1351 : memref<2x128xi32, #tpu.memory_space<vmem>>) target_semaphore(%dma_start3A_1347 : memref<!tpu.dma_semaphore, #tpu.memory_space<semaphore_mem>>)
      } else {
      }
      %add3A_1241 = arith.constant 1 : i32
      %add3A_1242 = arith.addi %mul3A_1223, %add3A_1241 : i32
      %add3A_1243 = arith.constant 2 : i32
      %add3A_1244 = arith.addi %add3A_1242, %add3A_1243 : i32
      %lt3A_1245 = arith.cmpi slt, %add3A_1244, %select_n3A : i32
      %convert_element_type3A_1246 = arith.extui %lt3A_1245 : i1 to i32
      %cond3A_1247 = arith.constant 0 : i32
      %cond3A_1248 = arith.cmpi ne, %convert_element_type3A_1246, %cond3A_1247 : i32
      scf.if %cond3A_1248 {
        %dma_wait3A_1331 = arith.constant 0 : i32
        %dma_wait3A_1332 = arith.constant 0 : i32
        %dma_wait3A_1333 = arith.constant 0 : i32
        %dma_wait3A_1334 = arith.constant 0 : i32
        %dma_wait3A_1335 = tpu.memref_slice %arg7[%dma_wait3A_1331, %dma_wait3A_1333, %dma_wait3A_1334] : memref<3x128x128xf32, #tpu.memory_space<vmem>> -> memref<1x128x128xf32, #tpu.memory_space<vmem>>
        %dma_wait3A_1336 = tpu.memref_squeeze %dma_wait3A_1335 : memref<1x128x128xf32, #tpu.memory_space<vmem>> -> memref<128x128xf32, #tpu.memory_space<vmem>>
        %dma_wait3A_1337 = arith.constant 0 : i32
        %dma_wait3A_1338 = arith.constant 0 : i32
        %dma_wait3A_1339 = tpu.memref_slice %arg5[%dma_wait3A_1337, %dma_wait3A_1338] : memref<10000x128xf32, #tpu.memory_space<vmem_shared>> -> memref<128x128xf32, #tpu.memory_space<vmem_shared>>
        %dma_wait3A_1340 = tpu.memref_slice %arg10[%dma_wait3A_1332] : memref<3x!tpu.dma_semaphore, #tpu.memory_space<semaphore_mem>> -> memref<1x!tpu.dma_semaphore, #tpu.memory_space<semaphore_mem>>
        %dma_wait3A_1341 = tpu.memref_squeeze %dma_wait3A_1340 : memref<1x!tpu.dma_semaphore, #tpu.memory_space<semaphore_mem>> -> memref<!tpu.dma_semaphore, #tpu.memory_space<semaphore_mem>>
        %dma_wait3A_1342 = arith.constant 0 : i32
        %dma_wait3A_1343 = arith.constant 0 : i32
        %dma_wait3A_1344 = tpu.memref_slice %arg5[%dma_wait3A_1342, %dma_wait3A_1343] : memref<10000x128xf32, #tpu.memory_space<vmem_shared>> -> memref<128x128xf32, #tpu.memory_space<vmem_shared>>
        %dma_wait3A_1345 = arith.constant 0 : i32
        %dma_wait3A_1346 = arith.constant 0 : i32
        %dma_wait3A_1347 = tpu.memref_slice %arg7[%dma_wait3A_1331, %dma_wait3A_1345, %dma_wait3A_1346] : memref<3x128x128xf32, #tpu.memory_space<vmem>> -> memref<1x128x128xf32, #tpu.memory_space<vmem>>
        %dma_wait3A_1348 = tpu.memref_squeeze %dma_wait3A_1347 : memref<1x128x128xf32, #tpu.memory_space<vmem>> -> memref<128x128xf32, #tpu.memory_space<vmem>>
        tpu.wait_dma2 semaphore(%dma_wait3A_1341 : memref<!tpu.dma_semaphore, #tpu.memory_space<semaphore_mem>>) src(%dma_wait3A_1348 : memref<128x128xf32, #tpu.memory_space<vmem>>) dst(%dma_wait3A_1344 : memref<128x128xf32, #tpu.memory_space<vmem_shared>>)
        %dma_wait3A_1349 = arith.constant 0 : i32
        %dma_wait3A_1350 = arith.constant 3 : i32
        %dma_wait3A_1351 = arith.constant 3 : i32
        %dma_wait3A_1352 = arith.constant 0 : i32
        %dma_wait3A_1353 = arith.constant 0 : i32
        %dma_wait3A_1354 = tpu.memref_slice %arg6[%dma_wait3A_1350, %dma_wait3A_1352, %dma_wait3A_1353] : memref<6x2x128xi32, #tpu.memory_space<vmem>> -> memref<1x2x128xi32, #tpu.memory_space<vmem>>
        %dma_wait3A_1355 = tpu.memref_squeeze %dma_wait3A_1354 : memref<1x2x128xi32, #tpu.memory_space<vmem>> -> memref<2x128xi32, #tpu.memory_space<vmem>>
        %dma_wait3A_1356 = arith.constant 0 : i32
        %dma_wait3A_1357 = arith.constant 0 : i32
        %dma_wait3A_1358 = tpu.memref_slice %arg2[%dma_wait3A_1349, %dma_wait3A_1356, %dma_wait3A_1357] : memref<2500x2x128xi32, #tpu.memory_space<hbm>> -> memref<1x2x128xi32, #tpu.memory_space<hbm>>
        %dma_wait3A_1359 = tpu.memref_squeeze %dma_wait3A_1358 : memref<1x2x128xi32, #tpu.memory_space<hbm>> -> memref<2x128xi32, #tpu.memory_space<hbm>>
        %dma_wait3A_1360 = tpu.memref_slice %arg8[%dma_wait3A_1351] : memref<6x!tpu.dma_semaphore, #tpu.memory_space<semaphore_mem>> -> memref<1x!tpu.dma_semaphore, #tpu.memory_space<semaphore_mem>>
        %dma_wait3A_1361 = tpu.memref_squeeze %dma_wait3A_1360 : memref<1x!tpu.dma_semaphore, #tpu.memory_space<semaphore_mem>> -> memref<!tpu.dma_semaphore, #tpu.memory_space<semaphore_mem>>
        %dma_wait3A_1362 = arith.constant 0 : i32
        %dma_wait3A_1363 = arith.constant 0 : i32
        %dma_wait3A_1364 = tpu.memref_slice %arg6[%dma_wait3A_1350, %dma_wait3A_1362, %dma_wait3A_1363] : memref<6x2x128xi32, #tpu.memory_space<vmem>> -> memref<1x2x128xi32, #tpu.memory_space<vmem>>
        %dma_wait3A_1365 = tpu.memref_squeeze %dma_wait3A_1364 : memref<1x2x128xi32, #tpu.memory_space<vmem>> -> memref<2x128xi32, #tpu.memory_space<vmem>>
        %dma_wait3A_1366 = arith.constant 0 : i32
        %dma_wait3A_1367 = arith.constant 0 : i32
        %dma_wait3A_1368 = tpu.memref_slice %arg2[%dma_wait3A_1349, %dma_wait3A_1366, %dma_wait3A_1367] : memref<2500x2x128xi32, #tpu.memory_space<hbm>> -> memref<1x2x128xi32, #tpu.memory_space<hbm>>
        %dma_wait3A_1369 = tpu.memref_squeeze %dma_wait3A_1368 : memref<1x2x128xi32, #tpu.memory_space<hbm>> -> memref<2x128xi32, #tpu.memory_space<hbm>>
        tpu.wait_dma2 semaphore(%dma_wait3A_1361 : memref<!tpu.dma_semaphore, #tpu.memory_space<semaphore_mem>>) src(%dma_wait3A_1369 : memref<2x128xi32, #tpu.memory_space<hbm>>) dst(%dma_wait3A_1365 : memref<2x128xi32, #tpu.memory_space<vmem>>)
        %dma_start3A_1370 = arith.constant 3 : i32
        %dma_start3A_1371 = arith.constant 0 : i32
        %dma_start3A_1372 = arith.constant 0 : i32
        %dma_start3A_1373 = arith.constant 0 : i32
        %dma_start3A_1374 = arith.constant 0 : i32
        %dma_start3A_1375 = arith.constant 0 : i32
        %dma_start3A_1376 = tpu.memref_slice %arg7[%dma_start3A_1372, %dma_start3A_1374, %dma_start3A_1375] : memref<3x128x128xf32, #tpu.memory_space<vmem>> -> memref<1x128x128xf32, #tpu.memory_space<vmem>>
        %dma_start3A_1377 = tpu.memref_squeeze %dma_start3A_1376 : memref<1x128x128xf32, #tpu.memory_space<vmem>> -> memref<128x128xf32, #tpu.memory_space<vmem>>
        %dma_start3A_1378 = arith.constant 0 : i32
        %dma_start3A_1379 = tpu.memref_slice %arg6[%dma_start3A_1370, %dma_start3A_1371, %dma_start3A_1378] : memref<6x2x128xi32, #tpu.memory_space<vmem>> -> memref<1x1x128xi32, #tpu.memory_space<vmem>>
        %dma_start3A_1380 = tpu.memref_squeeze %dma_start3A_1379 : memref<1x1x128xi32, #tpu.memory_space<vmem>> -> memref<128xi32, #tpu.memory_space<vmem>>
        %dma_start3A_1381 = arith.constant 0 : i32
        %dma_start3A_1382 = arith.constant 0 : i32
        %dma_start3A_1383 = tpu.memref_slice %arg3[%dma_start3A_1381, %dma_start3A_1382] : memref<10000x128xf32, #tpu.memory_space<hbm>> -> memref<10000x128xf32, #tpu.memory_space<hbm>>
        %dma_start3A_1384 = tpu.memref_slice %arg9[%dma_start3A_1373] : memref<3x!tpu.dma_semaphore, #tpu.memory_space<semaphore_mem>> -> memref<1x!tpu.dma_semaphore, #tpu.memory_space<semaphore_mem>>
        %dma_start3A_1385 = tpu.memref_squeeze %dma_start3A_1384 : memref<1x!tpu.dma_semaphore, #tpu.memory_space<semaphore_mem>> -> memref<!tpu.dma_semaphore, #tpu.memory_space<semaphore_mem>>
        tpu.enqueue_indirect_dma source(%dma_start3A_1383 : memref<10000x128xf32, #tpu.memory_space<hbm>>) target(%dma_start3A_1377 : memref<128x128xf32, #tpu.memory_space<vmem>>) offsets(%dma_start3A_1380 : memref<128xi32, #tpu.memory_space<vmem>>) semaphore(%dma_start3A_1385 : memref<!tpu.dma_semaphore, #tpu.memory_space<semaphore_mem>>)
      } else {
      }
      %lt3A_1249 = arith.cmpi slt, %add3A_1242, %select_n3A : i32
      %convert_element_type3A_1250 = arith.extui %lt3A_1249 : i1 to i32
      %cond3A_1251 = arith.constant 0 : i32
      %cond3A_1252 = arith.cmpi ne, %convert_element_type3A_1250, %cond3A_1251 : i32
      scf.if %cond3A_1252 {
        %dma_wait3A_1331 = arith.constant 1 : i32
        %dma_wait3A_1332 = arith.constant 1 : i32
        %dma_wait3A_1333 = arith.constant 0 : i32
        %dma_wait3A_1334 = arith.constant 0 : i32
        %dma_wait3A_1335 = tpu.memref_slice %arg7[%dma_wait3A_1331, %dma_wait3A_1333, %dma_wait3A_1334] : memref<3x128x128xf32, #tpu.memory_space<vmem>> -> memref<1x128x128xf32, #tpu.memory_space<vmem>>
        %dma_wait3A_1336 = tpu.memref_squeeze %dma_wait3A_1335 : memref<1x128x128xf32, #tpu.memory_space<vmem>> -> memref<128x128xf32, #tpu.memory_space<vmem>>
        %dma_wait3A_1337 = arith.constant 0 : i32
        %dma_wait3A_1338 = arith.constant 0 : i32
        %dma_wait3A_1339 = tpu.memref_slice %arg3[%dma_wait3A_1337, %dma_wait3A_1338] : memref<10000x128xf32, #tpu.memory_space<hbm>> -> memref<128x128xf32, #tpu.memory_space<hbm>>
        %dma_wait3A_1340 = tpu.memref_slice %arg9[%dma_wait3A_1332] : memref<3x!tpu.dma_semaphore, #tpu.memory_space<semaphore_mem>> -> memref<1x!tpu.dma_semaphore, #tpu.memory_space<semaphore_mem>>
        %dma_wait3A_1341 = tpu.memref_squeeze %dma_wait3A_1340 : memref<1x!tpu.dma_semaphore, #tpu.memory_space<semaphore_mem>> -> memref<!tpu.dma_semaphore, #tpu.memory_space<semaphore_mem>>
        %dma_wait3A_1342 = arith.constant 0 : i32
        %dma_wait3A_1343 = arith.constant 0 : i32
        %dma_wait3A_1344 = tpu.memref_slice %arg7[%dma_wait3A_1331, %dma_wait3A_1342, %dma_wait3A_1343] : memref<3x128x128xf32, #tpu.memory_space<vmem>> -> memref<1x128x128xf32, #tpu.memory_space<vmem>>
        %dma_wait3A_1345 = tpu.memref_squeeze %dma_wait3A_1344 : memref<1x128x128xf32, #tpu.memory_space<vmem>> -> memref<128x128xf32, #tpu.memory_space<vmem>>
        %dma_wait3A_1346 = arith.constant 0 : i32
        %dma_wait3A_1347 = arith.constant 0 : i32
        %dma_wait3A_1348 = tpu.memref_slice %arg3[%dma_wait3A_1346, %dma_wait3A_1347] : memref<10000x128xf32, #tpu.memory_space<hbm>> -> memref<128x128xf32, #tpu.memory_space<hbm>>
        tpu.wait_dma2 semaphore(%dma_wait3A_1341 : memref<!tpu.dma_semaphore, #tpu.memory_space<semaphore_mem>>) src(%dma_wait3A_1348 : memref<128x128xf32, #tpu.memory_space<hbm>>) dst(%dma_wait3A_1345 : memref<128x128xf32, #tpu.memory_space<vmem>>)
        %dma_start3A_1349 = arith.constant 1 : i32
        %dma_start3A_1350 = arith.constant 1 : i32
        %dma_start3A_1351 = arith.constant 1 : i32
        %dma_start3A_1352 = arith.constant 1 : i32
        %dma_start3A_1353 = arith.constant 0 : i32
        %dma_start3A_1354 = arith.constant 0 : i32
        %dma_start3A_1355 = tpu.memref_slice %arg7[%dma_start3A_1349, %dma_start3A_1353, %dma_start3A_1354] : memref<3x128x128xf32, #tpu.memory_space<vmem>> -> memref<1x128x128xf32, #tpu.memory_space<vmem>>
        %dma_start3A_1356 = tpu.memref_squeeze %dma_start3A_1355 : memref<1x128x128xf32, #tpu.memory_space<vmem>> -> memref<128x128xf32, #tpu.memory_space<vmem>>
        %dma_start3A_1357 = arith.constant 0 : i32
        %dma_start3A_1358 = tpu.memref_slice %arg6[%dma_start3A_1350, %dma_start3A_1351, %dma_start3A_1357] : memref<6x2x128xi32, #tpu.memory_space<vmem>> -> memref<1x1x128xi32, #tpu.memory_space<vmem>>
        %dma_start3A_1359 = tpu.memref_squeeze %dma_start3A_1358 : memref<1x1x128xi32, #tpu.memory_space<vmem>> -> memref<128xi32, #tpu.memory_space<vmem>>
        %dma_start3A_1360 = arith.constant 0 : i32
        %dma_start3A_1361 = arith.constant 0 : i32
        %dma_start3A_1362 = tpu.memref_slice %arg5[%dma_start3A_1360, %dma_start3A_1361] : memref<10000x128xf32, #tpu.memory_space<vmem_shared>> -> memref<10000x128xf32, #tpu.memory_space<vmem_shared>>
        %dma_start3A_1363 = tpu.memref_slice %arg10[%dma_start3A_1352] : memref<3x!tpu.dma_semaphore, #tpu.memory_space<semaphore_mem>> -> memref<1x!tpu.dma_semaphore, #tpu.memory_space<semaphore_mem>>
        %dma_start3A_1364 = tpu.memref_squeeze %dma_start3A_1363 : memref<1x!tpu.dma_semaphore, #tpu.memory_space<semaphore_mem>> -> memref<!tpu.dma_semaphore, #tpu.memory_space<semaphore_mem>>
        tpu.enqueue_indirect_dma source(%dma_start3A_1356 : memref<128x128xf32, #tpu.memory_space<vmem>>) target(%dma_start3A_1362 : memref<10000x128xf32, #tpu.memory_space<vmem_shared>>) offsets(%dma_start3A_1359 : memref<128xi32, #tpu.memory_space<vmem>>) semaphore(%dma_start3A_1364 : memref<!tpu.dma_semaphore, #tpu.memory_space<semaphore_mem>>) {add = true}
      } else {
      }
      %add3A_1253 = arith.constant 4 : i32
      %add3A_1254 = arith.addi %add3A_1242, %add3A_1253 : i32
      %lt3A_1255 = arith.cmpi slt, %add3A_1254, %select_n3A : i32
      %convert_element_type3A_1256 = arith.extui %lt3A_1255 : i1 to i32
      %cond3A_1257 = arith.constant 0 : i32
      %cond3A_1258 = arith.cmpi ne, %convert_element_type3A_1256, %cond3A_1257 : i32
      scf.if %cond3A_1258 {
        %add3A_1331 = arith.constant 4 : i32
        %add3A_1332 = arith.addi %add3A_1242, %add3A_1331 : i32
        %mul3A_1333 = arith.constant 32 : i32
        %mul3A_1334 = arith.muli %add3A_1332, %mul3A_1333 : i32
        %add3A_1335 = arith.addi %add3A, %mul3A_1334 : i32
        %dma_start3A_1336 = arith.constant 5 : i32
        %dma_start3A_1337 = arith.constant 5 : i32
        %dma_start3A_1338 = arith.constant 0 : i32
        %dma_start3A_1339 = arith.constant 0 : i32
        %dma_start3A_1340 = tpu.memref_slice %arg6[%dma_start3A_1336, %dma_start3A_1338, %dma_start3A_1339] : memref<6x2x128xi32, #tpu.memory_space<vmem>> -> memref<1x2x128xi32, #tpu.memory_space<vmem>>
        %dma_start3A_1341 = tpu.memref_squeeze %dma_start3A_1340 : memref<1x2x128xi32, #tpu.memory_space<vmem>> -> memref<2x128xi32, #tpu.memory_space<vmem>>
        %dma_start3A_1342 = arith.constant 0 : i32
        %dma_start3A_1343 = arith.constant 0 : i32
        %dma_start3A_1344 = tpu.memref_slice %arg2[%add3A_1335, %dma_start3A_1342, %dma_start3A_1343] : memref<2500x2x128xi32, #tpu.memory_space<hbm>> -> memref<1x2x128xi32, #tpu.memory_space<hbm>>
        %dma_start3A_1345 = tpu.memref_squeeze %dma_start3A_1344 : memref<1x2x128xi32, #tpu.memory_space<hbm>> -> memref<2x128xi32, #tpu.memory_space<hbm>>
        %dma_start3A_1346 = tpu.memref_slice %arg8[%dma_start3A_1337] : memref<6x!tpu.dma_semaphore, #tpu.memory_space<semaphore_mem>> -> memref<1x!tpu.dma_semaphore, #tpu.memory_space<semaphore_mem>>
        %dma_start3A_1347 = tpu.memref_squeeze %dma_start3A_1346 : memref<1x!tpu.dma_semaphore, #tpu.memory_space<semaphore_mem>> -> memref<!tpu.dma_semaphore, #tpu.memory_space<semaphore_mem>>
        %dma_start3A_1348 = arith.constant 0 : i32
        %dma_start3A_1349 = arith.constant 0 : i32
        %dma_start3A_1350 = tpu.memref_slice %arg6[%dma_start3A_1336, %dma_start3A_1348, %dma_start3A_1349] : memref<6x2x128xi32, #tpu.memory_space<vmem>> -> memref<1x2x128xi32, #tpu.memory_space<vmem>>
        %dma_start3A_1351 = tpu.memref_squeeze %dma_start3A_1350 : memref<1x2x128xi32, #tpu.memory_space<vmem>> -> memref<2x128xi32, #tpu.memory_space<vmem>>
        %dma_start3A_1352 = arith.constant 0 : i32
        %dma_start3A_1353 = arith.constant 0 : i32
        %dma_start3A_1354 = tpu.memref_slice %arg2[%add3A_1335, %dma_start3A_1352, %dma_start3A_1353] : memref<2500x2x128xi32, #tpu.memory_space<hbm>> -> memref<1x2x128xi32, #tpu.memory_space<hbm>>
        %dma_start3A_1355 = tpu.memref_squeeze %dma_start3A_1354 : memref<1x2x128xi32, #tpu.memory_space<hbm>> -> memref<2x128xi32, #tpu.memory_space<hbm>>
        tpu.enqueue_dma source(%dma_start3A_1355 : memref<2x128xi32, #tpu.memory_space<hbm>>) target(%dma_start3A_1351 : memref<2x128xi32, #tpu.memory_space<vmem>>) target_semaphore(%dma_start3A_1347 : memref<!tpu.dma_semaphore, #tpu.memory_space<semaphore_mem>>)
      } else {
      }
      %add3A_1259 = arith.constant 2 : i32
      %add3A_1260 = arith.addi %mul3A_1223, %add3A_1259 : i32
      %add3A_1261 = arith.constant 2 : i32
      %add3A_1262 = arith.addi %add3A_1260, %add3A_1261 : i32
      %lt3A_1263 = arith.cmpi slt, %add3A_1262, %select_n3A : i32
      %convert_element_type3A_1264 = arith.extui %lt3A_1263 : i1 to i32
      %cond3A_1265 = arith.constant 0 : i32
      %cond3A_1266 = arith.cmpi ne, %convert_element_type3A_1264, %cond3A_1265 : i32
      scf.if %cond3A_1266 {
        %dma_wait3A_1331 = arith.constant 1 : i32
        %dma_wait3A_1332 = arith.constant 1 : i32
        %dma_wait3A_1333 = arith.constant 0 : i32
        %dma_wait3A_1334 = arith.constant 0 : i32
        %dma_wait3A_1335 = tpu.memref_slice %arg7[%dma_wait3A_1331, %dma_wait3A_1333, %dma_wait3A_1334] : memref<3x128x128xf32, #tpu.memory_space<vmem>> -> memref<1x128x128xf32, #tpu.memory_space<vmem>>
        %dma_wait3A_1336 = tpu.memref_squeeze %dma_wait3A_1335 : memref<1x128x128xf32, #tpu.memory_space<vmem>> -> memref<128x128xf32, #tpu.memory_space<vmem>>
        %dma_wait3A_1337 = arith.constant 0 : i32
        %dma_wait3A_1338 = arith.constant 0 : i32
        %dma_wait3A_1339 = tpu.memref_slice %arg5[%dma_wait3A_1337, %dma_wait3A_1338] : memref<10000x128xf32, #tpu.memory_space<vmem_shared>> -> memref<128x128xf32, #tpu.memory_space<vmem_shared>>
        %dma_wait3A_1340 = tpu.memref_slice %arg10[%dma_wait3A_1332] : memref<3x!tpu.dma_semaphore, #tpu.memory_space<semaphore_mem>> -> memref<1x!tpu.dma_semaphore, #tpu.memory_space<semaphore_mem>>
        %dma_wait3A_1341 = tpu.memref_squeeze %dma_wait3A_1340 : memref<1x!tpu.dma_semaphore, #tpu.memory_space<semaphore_mem>> -> memref<!tpu.dma_semaphore, #tpu.memory_space<semaphore_mem>>
        %dma_wait3A_1342 = arith.constant 0 : i32
        %dma_wait3A_1343 = arith.constant 0 : i32
        %dma_wait3A_1344 = tpu.memref_slice %arg5[%dma_wait3A_1342, %dma_wait3A_1343] : memref<10000x128xf32, #tpu.memory_space<vmem_shared>> -> memref<128x128xf32, #tpu.memory_space<vmem_shared>>
        %dma_wait3A_1345 = arith.constant 0 : i32
        %dma_wait3A_1346 = arith.constant 0 : i32
        %dma_wait3A_1347 = tpu.memref_slice %arg7[%dma_wait3A_1331, %dma_wait3A_1345, %dma_wait3A_1346] : memref<3x128x128xf32, #tpu.memory_space<vmem>> -> memref<1x128x128xf32, #tpu.memory_space<vmem>>
        %dma_wait3A_1348 = tpu.memref_squeeze %dma_wait3A_1347 : memref<1x128x128xf32, #tpu.memory_space<vmem>> -> memref<128x128xf32, #tpu.memory_space<vmem>>
        tpu.wait_dma2 semaphore(%dma_wait3A_1341 : memref<!tpu.dma_semaphore, #tpu.memory_space<semaphore_mem>>) src(%dma_wait3A_1348 : memref<128x128xf32, #tpu.memory_space<vmem>>) dst(%dma_wait3A_1344 : memref<128x128xf32, #tpu.memory_space<vmem_shared>>)
        %dma_wait3A_1349 = arith.constant 0 : i32
        %dma_wait3A_1350 = arith.constant 4 : i32
        %dma_wait3A_1351 = arith.constant 4 : i32
        %dma_wait3A_1352 = arith.constant 0 : i32
        %dma_wait3A_1353 = arith.constant 0 : i32
        %dma_wait3A_1354 = tpu.memref_slice %arg6[%dma_wait3A_1350, %dma_wait3A_1352, %dma_wait3A_1353] : memref<6x2x128xi32, #tpu.memory_space<vmem>> -> memref<1x2x128xi32, #tpu.memory_space<vmem>>
        %dma_wait3A_1355 = tpu.memref_squeeze %dma_wait3A_1354 : memref<1x2x128xi32, #tpu.memory_space<vmem>> -> memref<2x128xi32, #tpu.memory_space<vmem>>
        %dma_wait3A_1356 = arith.constant 0 : i32
        %dma_wait3A_1357 = arith.constant 0 : i32
        %dma_wait3A_1358 = tpu.memref_slice %arg2[%dma_wait3A_1349, %dma_wait3A_1356, %dma_wait3A_1357] : memref<2500x2x128xi32, #tpu.memory_space<hbm>> -> memref<1x2x128xi32, #tpu.memory_space<hbm>>
        %dma_wait3A_1359 = tpu.memref_squeeze %dma_wait3A_1358 : memref<1x2x128xi32, #tpu.memory_space<hbm>> -> memref<2x128xi32, #tpu.memory_space<hbm>>
        %dma_wait3A_1360 = tpu.memref_slice %arg8[%dma_wait3A_1351] : memref<6x!tpu.dma_semaphore, #tpu.memory_space<semaphore_mem>> -> memref<1x!tpu.dma_semaphore, #tpu.memory_space<semaphore_mem>>
        %dma_wait3A_1361 = tpu.memref_squeeze %dma_wait3A_1360 : memref<1x!tpu.dma_semaphore, #tpu.memory_space<semaphore_mem>> -> memref<!tpu.dma_semaphore, #tpu.memory_space<semaphore_mem>>
        %dma_wait3A_1362 = arith.constant 0 : i32
        %dma_wait3A_1363 = arith.constant 0 : i32
        %dma_wait3A_1364 = tpu.memref_slice %arg6[%dma_wait3A_1350, %dma_wait3A_1362, %dma_wait3A_1363] : memref<6x2x128xi32, #tpu.memory_space<vmem>> -> memref<1x2x128xi32, #tpu.memory_space<vmem>>
        %dma_wait3A_1365 = tpu.memref_squeeze %dma_wait3A_1364 : memref<1x2x128xi32, #tpu.memory_space<vmem>> -> memref<2x128xi32, #tpu.memory_space<vmem>>
        %dma_wait3A_1366 = arith.constant 0 : i32
        %dma_wait3A_1367 = arith.constant 0 : i32
        %dma_wait3A_1368 = tpu.memref_slice %arg2[%dma_wait3A_1349, %dma_wait3A_1366, %dma_wait3A_1367] : memref<2500x2x128xi32, #tpu.memory_space<hbm>> -> memref<1x2x128xi32, #tpu.memory_space<hbm>>
        %dma_wait3A_1369 = tpu.memref_squeeze %dma_wait3A_1368 : memref<1x2x128xi32, #tpu.memory_space<hbm>> -> memref<2x128xi32, #tpu.memory_space<hbm>>
        tpu.wait_dma2 semaphore(%dma_wait3A_1361 : memref<!tpu.dma_semaphore, #tpu.memory_space<semaphore_mem>>) src(%dma_wait3A_1369 : memref<2x128xi32, #tpu.memory_space<hbm>>) dst(%dma_wait3A_1365 : memref<2x128xi32, #tpu.memory_space<vmem>>)
        %dma_start3A_1370 = arith.constant 4 : i32
        %dma_start3A_1371 = arith.constant 0 : i32
        %dma_start3A_1372 = arith.constant 1 : i32
        %dma_start3A_1373 = arith.constant 1 : i32
        %dma_start3A_1374 = arith.constant 0 : i32
        %dma_start3A_1375 = arith.constant 0 : i32
        %dma_start3A_1376 = tpu.memref_slice %arg7[%dma_start3A_1372, %dma_start3A_1374, %dma_start3A_1375] : memref<3x128x128xf32, #tpu.memory_space<vmem>> -> memref<1x128x128xf32, #tpu.memory_space<vmem>>
        %dma_start3A_1377 = tpu.memref_squeeze %dma_start3A_1376 : memref<1x128x128xf32, #tpu.memory_space<vmem>> -> memref<128x128xf32, #tpu.memory_space<vmem>>
        %dma_start3A_1378 = arith.constant 0 : i32
        %dma_start3A_1379 = tpu.memref_slice %arg6[%dma_start3A_1370, %dma_start3A_1371, %dma_start3A_1378] : memref<6x2x128xi32, #tpu.memory_space<vmem>> -> memref<1x1x128xi32, #tpu.memory_space<vmem>>
        %dma_start3A_1380 = tpu.memref_squeeze %dma_start3A_1379 : memref<1x1x128xi32, #tpu.memory_space<vmem>> -> memref<128xi32, #tpu.memory_space<vmem>>
        %dma_start3A_1381 = arith.constant 0 : i32
        %dma_start3A_1382 = arith.constant 0 : i32
        %dma_start3A_1383 = tpu.memref_slice %arg3[%dma_start3A_1381, %dma_start3A_1382] : memref<10000x128xf32, #tpu.memory_space<hbm>> -> memref<10000x128xf32, #tpu.memory_space<hbm>>
        %dma_start3A_1384 = tpu.memref_slice %arg9[%dma_start3A_1373] : memref<3x!tpu.dma_semaphore, #tpu.memory_space<semaphore_mem>> -> memref<1x!tpu.dma_semaphore, #tpu.memory_space<semaphore_mem>>
        %dma_start3A_1385 = tpu.memref_squeeze %dma_start3A_1384 : memref<1x!tpu.dma_semaphore, #tpu.memory_space<semaphore_mem>> -> memref<!tpu.dma_semaphore, #tpu.memory_space<semaphore_mem>>
        tpu.enqueue_indirect_dma source(%dma_start3A_1383 : memref<10000x128xf32, #tpu.memory_space<hbm>>) target(%dma_start3A_1377 : memref<128x128xf32, #tpu.memory_space<vmem>>) offsets(%dma_start3A_1380 : memref<128xi32, #tpu.memory_space<vmem>>) semaphore(%dma_start3A_1385 : memref<!tpu.dma_semaphore, #tpu.memory_space<semaphore_mem>>)
      } else {
      }
      %lt3A_1267 = arith.cmpi slt, %add3A_1260, %select_n3A : i32
      %convert_element_type3A_1268 = arith.extui %lt3A_1267 : i1 to i32
      %cond3A_1269 = arith.constant 0 : i32
      %cond3A_1270 = arith.cmpi ne, %convert_element_type3A_1268, %cond3A_1269 : i32
      scf.if %cond3A_1270 {
        %dma_wait3A_1331 = arith.constant 2 : i32
        %dma_wait3A_1332 = arith.constant 2 : i32
        %dma_wait3A_1333 = arith.constant 0 : i32
        %dma_wait3A_1334 = arith.constant 0 : i32
        %dma_wait3A_1335 = tpu.memref_slice %arg7[%dma_wait3A_1331, %dma_wait3A_1333, %dma_wait3A_1334] : memref<3x128x128xf32, #tpu.memory_space<vmem>> -> memref<1x128x128xf32, #tpu.memory_space<vmem>>
        %dma_wait3A_1336 = tpu.memref_squeeze %dma_wait3A_1335 : memref<1x128x128xf32, #tpu.memory_space<vmem>> -> memref<128x128xf32, #tpu.memory_space<vmem>>
        %dma_wait3A_1337 = arith.constant 0 : i32
        %dma_wait3A_1338 = arith.constant 0 : i32
        %dma_wait3A_1339 = tpu.memref_slice %arg3[%dma_wait3A_1337, %dma_wait3A_1338] : memref<10000x128xf32, #tpu.memory_space<hbm>> -> memref<128x128xf32, #tpu.memory_space<hbm>>
        %dma_wait3A_1340 = tpu.memref_slice %arg9[%dma_wait3A_1332] : memref<3x!tpu.dma_semaphore, #tpu.memory_space<semaphore_mem>> -> memref<1x!tpu.dma_semaphore, #tpu.memory_space<semaphore_mem>>
        %dma_wait3A_1341 = tpu.memref_squeeze %dma_wait3A_1340 : memref<1x!tpu.dma_semaphore, #tpu.memory_space<semaphore_mem>> -> memref<!tpu.dma_semaphore, #tpu.memory_space<semaphore_mem>>
        %dma_wait3A_1342 = arith.constant 0 : i32
        %dma_wait3A_1343 = arith.constant 0 : i32
        %dma_wait3A_1344 = tpu.memref_slice %arg7[%dma_wait3A_1331, %dma_wait3A_1342, %dma_wait3A_1343] : memref<3x128x128xf32, #tpu.memory_space<vmem>> -> memref<1x128x128xf32, #tpu.memory_space<vmem>>
        %dma_wait3A_1345 = tpu.memref_squeeze %dma_wait3A_1344 : memref<1x128x128xf32, #tpu.memory_space<vmem>> -> memref<128x128xf32, #tpu.memory_space<vmem>>
        %dma_wait3A_1346 = arith.constant 0 : i32
        %dma_wait3A_1347 = arith.constant 0 : i32
        %dma_wait3A_1348 = tpu.memref_slice %arg3[%dma_wait3A_1346, %dma_wait3A_1347] : memref<10000x128xf32, #tpu.memory_space<hbm>> -> memref<128x128xf32, #tpu.memory_space<hbm>>
        tpu.wait_dma2 semaphore(%dma_wait3A_1341 : memref<!tpu.dma_semaphore, #tpu.memory_space<semaphore_mem>>) src(%dma_wait3A_1348 : memref<128x128xf32, #tpu.memory_space<hbm>>) dst(%dma_wait3A_1345 : memref<128x128xf32, #tpu.memory_space<vmem>>)
        %dma_start3A_1349 = arith.constant 2 : i32
        %dma_start3A_1350 = arith.constant 2 : i32
        %dma_start3A_1351 = arith.constant 1 : i32
        %dma_start3A_1352 = arith.constant 2 : i32
        %dma_start3A_1353 = arith.constant 0 : i32
        %dma_start3A_1354 = arith.constant 0 : i32
        %dma_start3A_1355 = tpu.memref_slice %arg7[%dma_start3A_1349, %dma_start3A_1353, %dma_start3A_1354] : memref<3x128x128xf32, #tpu.memory_space<vmem>> -> memref<1x128x128xf32, #tpu.memory_space<vmem>>
        %dma_start3A_1356 = tpu.memref_squeeze %dma_start3A_1355 : memref<1x128x128xf32, #tpu.memory_space<vmem>> -> memref<128x128xf32, #tpu.memory_space<vmem>>
        %dma_start3A_1357 = arith.constant 0 : i32
        %dma_start3A_1358 = tpu.memref_slice %arg6[%dma_start3A_1350, %dma_start3A_1351, %dma_start3A_1357] : memref<6x2x128xi32, #tpu.memory_space<vmem>> -> memref<1x1x128xi32, #tpu.memory_space<vmem>>
        %dma_start3A_1359 = tpu.memref_squeeze %dma_start3A_1358 : memref<1x1x128xi32, #tpu.memory_space<vmem>> -> memref<128xi32, #tpu.memory_space<vmem>>
        %dma_start3A_1360 = arith.constant 0 : i32
        %dma_start3A_1361 = arith.constant 0 : i32
        %dma_start3A_1362 = tpu.memref_slice %arg5[%dma_start3A_1360, %dma_start3A_1361] : memref<10000x128xf32, #tpu.memory_space<vmem_shared>> -> memref<10000x128xf32, #tpu.memory_space<vmem_shared>>
        %dma_start3A_1363 = tpu.memref_slice %arg10[%dma_start3A_1352] : memref<3x!tpu.dma_semaphore, #tpu.memory_space<semaphore_mem>> -> memref<1x!tpu.dma_semaphore, #tpu.memory_space<semaphore_mem>>
        %dma_start3A_1364 = tpu.memref_squeeze %dma_start3A_1363 : memref<1x!tpu.dma_semaphore, #tpu.memory_space<semaphore_mem>> -> memref<!tpu.dma_semaphore, #tpu.memory_space<semaphore_mem>>
        tpu.enqueue_indirect_dma source(%dma_start3A_1356 : memref<128x128xf32, #tpu.memory_space<vmem>>) target(%dma_start3A_1362 : memref<10000x128xf32, #tpu.memory_space<vmem_shared>>) offsets(%dma_start3A_1359 : memref<128xi32, #tpu.memory_space<vmem>>) semaphore(%dma_start3A_1364 : memref<!tpu.dma_semaphore, #tpu.memory_space<semaphore_mem>>) {add = true}
      } else {
      }
      %add3A_1271 = arith.constant 4 : i32
      %add3A_1272 = arith.addi %add3A_1260, %add3A_1271 : i32
      %lt3A_1273 = arith.cmpi slt, %add3A_1272, %select_n3A : i32
      %convert_element_type3A_1274 = arith.extui %lt3A_1273 : i1 to i32
      %cond3A_1275 = arith.constant 0 : i32
      %cond3A_1276 = arith.cmpi ne, %convert_element_type3A_1274, %cond3A_1275 : i32
      scf.if %cond3A_1276 {
        %add3A_1331 = arith.constant 4 : i32
        %add3A_1332 = arith.addi %add3A_1260, %add3A_1331 : i32
        %mul3A_1333 = arith.constant 32 : i32
        %mul3A_1334 = arith.muli %add3A_1332, %mul3A_1333 : i32
        %add3A_1335 = arith.addi %add3A, %mul3A_1334 : i32
        %dma_start3A_1336 = arith.constant 0 : i32
        %dma_start3A_1337 = arith.constant 0 : i32
        %dma_start3A_1338 = arith.constant 0 : i32
        %dma_start3A_1339 = arith.constant 0 : i32
        %dma_start3A_1340 = tpu.memref_slice %arg6[%dma_start3A_1336, %dma_start3A_1338, %dma_start3A_1339] : memref<6x2x128xi32, #tpu.memory_space<vmem>> -> memref<1x2x128xi32, #tpu.memory_space<vmem>>
        %dma_start3A_1341 = tpu.memref_squeeze %dma_start3A_1340 : memref<1x2x128xi32, #tpu.memory_space<vmem>> -> memref<2x128xi32, #tpu.memory_space<vmem>>
        %dma_start3A_1342 = arith.constant 0 : i32
        %dma_start3A_1343 = arith.constant 0 : i32
        %dma_start3A_1344 = tpu.memref_slice %arg2[%add3A_1335, %dma_start3A_1342, %dma_start3A_1343] : memref<2500x2x128xi32, #tpu.memory_space<hbm>> -> memref<1x2x128xi32, #tpu.memory_space<hbm>>
        %dma_start3A_1345 = tpu.memref_squeeze %dma_start3A_1344 : memref<1x2x128xi32, #tpu.memory_space<hbm>> -> memref<2x128xi32, #tpu.memory_space<hbm>>
        %dma_start3A_1346 = tpu.memref_slice %arg8[%dma_start3A_1337] : memref<6x!tpu.dma_semaphore, #tpu.memory_space<semaphore_mem>> -> memref<1x!tpu.dma_semaphore, #tpu.memory_space<semaphore_mem>>
        %dma_start3A_1347 = tpu.memref_squeeze %dma_start3A_1346 : memref<1x!tpu.dma_semaphore, #tpu.memory_space<semaphore_mem>> -> memref<!tpu.dma_semaphore, #tpu.memory_space<semaphore_mem>>
        %dma_start3A_1348 = arith.constant 0 : i32
        %dma_start3A_1349 = arith.constant 0 : i32
        %dma_start3A_1350 = tpu.memref_slice %arg6[%dma_start3A_1336, %dma_start3A_1348, %dma_start3A_1349] : memref<6x2x128xi32, #tpu.memory_space<vmem>> -> memref<1x2x128xi32, #tpu.memory_space<vmem>>
        %dma_start3A_1351 = tpu.memref_squeeze %dma_start3A_1350 : memref<1x2x128xi32, #tpu.memory_space<vmem>> -> memref<2x128xi32, #tpu.memory_space<vmem>>
        %dma_start3A_1352 = arith.constant 0 : i32
        %dma_start3A_1353 = arith.constant 0 : i32
        %dma_start3A_1354 = tpu.memref_slice %arg2[%add3A_1335, %dma_start3A_1352, %dma_start3A_1353] : memref<2500x2x128xi32, #tpu.memory_space<hbm>> -> memref<1x2x128xi32, #tpu.memory_space<hbm>>
        %dma_start3A_1355 = tpu.memref_squeeze %dma_start3A_1354 : memref<1x2x128xi32, #tpu.memory_space<hbm>> -> memref<2x128xi32, #tpu.memory_space<hbm>>
        tpu.enqueue_dma source(%dma_start3A_1355 : memref<2x128xi32, #tpu.memory_space<hbm>>) target(%dma_start3A_1351 : memref<2x128xi32, #tpu.memory_space<vmem>>) target_semaphore(%dma_start3A_1347 : memref<!tpu.dma_semaphore, #tpu.memory_space<semaphore_mem>>)
      } else {
      }
      %add3A_1277 = arith.constant 3 : i32
      %add3A_1278 = arith.addi %mul3A_1223, %add3A_1277 : i32
      %add3A_1279 = arith.constant 2 : i32
      %add3A_1280 = arith.addi %add3A_1278, %add3A_1279 : i32
      %lt3A_1281 = arith.cmpi slt, %add3A_1280, %select_n3A : i32
      %convert_element_type3A_1282 = arith.extui %lt3A_1281 : i1 to i32
      %cond3A_1283 = arith.constant 0 : i32
      %cond3A_1284 = arith.cmpi ne, %convert_element_type3A_1282, %cond3A_1283 : i32
      scf.if %cond3A_1284 {
        %dma_wait3A_1331 = arith.constant 2 : i32
        %dma_wait3A_1332 = arith.constant 2 : i32
        %dma_wait3A_1333 = arith.constant 0 : i32
        %dma_wait3A_1334 = arith.constant 0 : i32
        %dma_wait3A_1335 = tpu.memref_slice %arg7[%dma_wait3A_1331, %dma_wait3A_1333, %dma_wait3A_1334] : memref<3x128x128xf32, #tpu.memory_space<vmem>> -> memref<1x128x128xf32, #tpu.memory_space<vmem>>
        %dma_wait3A_1336 = tpu.memref_squeeze %dma_wait3A_1335 : memref<1x128x128xf32, #tpu.memory_space<vmem>> -> memref<128x128xf32, #tpu.memory_space<vmem>>
        %dma_wait3A_1337 = arith.constant 0 : i32
        %dma_wait3A_1338 = arith.constant 0 : i32
        %dma_wait3A_1339 = tpu.memref_slice %arg5[%dma_wait3A_1337, %dma_wait3A_1338] : memref<10000x128xf32, #tpu.memory_space<vmem_shared>> -> memref<128x128xf32, #tpu.memory_space<vmem_shared>>
        %dma_wait3A_1340 = tpu.memref_slice %arg10[%dma_wait3A_1332] : memref<3x!tpu.dma_semaphore, #tpu.memory_space<semaphore_mem>> -> memref<1x!tpu.dma_semaphore, #tpu.memory_space<semaphore_mem>>
        %dma_wait3A_1341 = tpu.memref_squeeze %dma_wait3A_1340 : memref<1x!tpu.dma_semaphore, #tpu.memory_space<semaphore_mem>> -> memref<!tpu.dma_semaphore, #tpu.memory_space<semaphore_mem>>
        %dma_wait3A_1342 = arith.constant 0 : i32
        %dma_wait3A_1343 = arith.constant 0 : i32
        %dma_wait3A_1344 = tpu.memref_slice %arg5[%dma_wait3A_1342, %dma_wait3A_1343] : memref<10000x128xf32, #tpu.memory_space<vmem_shared>> -> memref<128x128xf32, #tpu.memory_space<vmem_shared>>
        %dma_wait3A_1345 = arith.constant 0 : i32
        %dma_wait3A_1346 = arith.constant 0 : i32
        %dma_wait3A_1347 = tpu.memref_slice %arg7[%dma_wait3A_1331, %dma_wait3A_1345, %dma_wait3A_1346] : memref<3x128x128xf32, #tpu.memory_space<vmem>> -> memref<1x128x128xf32, #tpu.memory_space<vmem>>
        %dma_wait3A_1348 = tpu.memref_squeeze %dma_wait3A_1347 : memref<1x128x128xf32, #tpu.memory_space<vmem>> -> memref<128x128xf32, #tpu.memory_space<vmem>>
        tpu.wait_dma2 semaphore(%dma_wait3A_1341 : memref<!tpu.dma_semaphore, #tpu.memory_space<semaphore_mem>>) src(%dma_wait3A_1348 : memref<128x128xf32, #tpu.memory_space<vmem>>) dst(%dma_wait3A_1344 : memref<128x128xf32, #tpu.memory_space<vmem_shared>>)
        %dma_wait3A_1349 = arith.constant 0 : i32
        %dma_wait3A_1350 = arith.constant 5 : i32
        %dma_wait3A_1351 = arith.constant 5 : i32
        %dma_wait3A_1352 = arith.constant 0 : i32
        %dma_wait3A_1353 = arith.constant 0 : i32
        %dma_wait3A_1354 = tpu.memref_slice %arg6[%dma_wait3A_1350, %dma_wait3A_1352, %dma_wait3A_1353] : memref<6x2x128xi32, #tpu.memory_space<vmem>> -> memref<1x2x128xi32, #tpu.memory_space<vmem>>
        %dma_wait3A_1355 = tpu.memref_squeeze %dma_wait3A_1354 : memref<1x2x128xi32, #tpu.memory_space<vmem>> -> memref<2x128xi32, #tpu.memory_space<vmem>>
        %dma_wait3A_1356 = arith.constant 0 : i32
        %dma_wait3A_1357 = arith.constant 0 : i32
        %dma_wait3A_1358 = tpu.memref_slice %arg2[%dma_wait3A_1349, %dma_wait3A_1356, %dma_wait3A_1357] : memref<2500x2x128xi32, #tpu.memory_space<hbm>> -> memref<1x2x128xi32, #tpu.memory_space<hbm>>
        %dma_wait3A_1359 = tpu.memref_squeeze %dma_wait3A_1358 : memref<1x2x128xi32, #tpu.memory_space<hbm>> -> memref<2x128xi32, #tpu.memory_space<hbm>>
        %dma_wait3A_1360 = tpu.memref_slice %arg8[%dma_wait3A_1351] : memref<6x!tpu.dma_semaphore, #tpu.memory_space<semaphore_mem>> -> memref<1x!tpu.dma_semaphore, #tpu.memory_space<semaphore_mem>>
        %dma_wait3A_1361 = tpu.memref_squeeze %dma_wait3A_1360 : memref<1x!tpu.dma_semaphore, #tpu.memory_space<semaphore_mem>> -> memref<!tpu.dma_semaphore, #tpu.memory_space<semaphore_mem>>
        %dma_wait3A_1362 = arith.constant 0 : i32
        %dma_wait3A_1363 = arith.constant 0 : i32
        %dma_wait3A_1364 = tpu.memref_slice %arg6[%dma_wait3A_1350, %dma_wait3A_1362, %dma_wait3A_1363] : memref<6x2x128xi32, #tpu.memory_space<vmem>> -> memref<1x2x128xi32, #tpu.memory_space<vmem>>
        %dma_wait3A_1365 = tpu.memref_squeeze %dma_wait3A_1364 : memref<1x2x128xi32, #tpu.memory_space<vmem>> -> memref<2x128xi32, #tpu.memory_space<vmem>>
        %dma_wait3A_1366 = arith.constant 0 : i32
        %dma_wait3A_1367 = arith.constant 0 : i32
        %dma_wait3A_1368 = tpu.memref_slice %arg2[%dma_wait3A_1349, %dma_wait3A_1366, %dma_wait3A_1367] : memref<2500x2x128xi32, #tpu.memory_space<hbm>> -> memref<1x2x128xi32, #tpu.memory_space<hbm>>
        %dma_wait3A_1369 = tpu.memref_squeeze %dma_wait3A_1368 : memref<1x2x128xi32, #tpu.memory_space<hbm>> -> memref<2x128xi32, #tpu.memory_space<hbm>>
        tpu.wait_dma2 semaphore(%dma_wait3A_1361 : memref<!tpu.dma_semaphore, #tpu.memory_space<semaphore_mem>>) src(%dma_wait3A_1369 : memref<2x128xi32, #tpu.memory_space<hbm>>) dst(%dma_wait3A_1365 : memref<2x128xi32, #tpu.memory_space<vmem>>)
        %dma_start3A_1370 = arith.constant 5 : i32
        %dma_start3A_1371 = arith.constant 0 : i32
        %dma_start3A_1372 = arith.constant 2 : i32
        %dma_start3A_1373 = arith.constant 2 : i32
        %dma_start3A_1374 = arith.constant 0 : i32
        %dma_start3A_1375 = arith.constant 0 : i32
        %dma_start3A_1376 = tpu.memref_slice %arg7[%dma_start3A_1372, %dma_start3A_1374, %dma_start3A_1375] : memref<3x128x128xf32, #tpu.memory_space<vmem>> -> memref<1x128x128xf32, #tpu.memory_space<vmem>>
        %dma_start3A_1377 = tpu.memref_squeeze %dma_start3A_1376 : memref<1x128x128xf32, #tpu.memory_space<vmem>> -> memref<128x128xf32, #tpu.memory_space<vmem>>
        %dma_start3A_1378 = arith.constant 0 : i32
        %dma_start3A_1379 = tpu.memref_slice %arg6[%dma_start3A_1370, %dma_start3A_1371, %dma_start3A_1378] : memref<6x2x128xi32, #tpu.memory_space<vmem>> -> memref<1x1x128xi32, #tpu.memory_space<vmem>>
        %dma_start3A_1380 = tpu.memref_squeeze %dma_start3A_1379 : memref<1x1x128xi32, #tpu.memory_space<vmem>> -> memref<128xi32, #tpu.memory_space<vmem>>
        %dma_start3A_1381 = arith.constant 0 : i32
        %dma_start3A_1382 = arith.constant 0 : i32
        %dma_start3A_1383 = tpu.memref_slice %arg3[%dma_start3A_1381, %dma_start3A_1382] : memref<10000x128xf32, #tpu.memory_space<hbm>> -> memref<10000x128xf32, #tpu.memory_space<hbm>>
        %dma_start3A_1384 = tpu.memref_slice %arg9[%dma_start3A_1373] : memref<3x!tpu.dma_semaphore, #tpu.memory_space<semaphore_mem>> -> memref<1x!tpu.dma_semaphore, #tpu.memory_space<semaphore_mem>>
        %dma_start3A_1385 = tpu.memref_squeeze %dma_start3A_1384 : memref<1x!tpu.dma_semaphore, #tpu.memory_space<semaphore_mem>> -> memref<!tpu.dma_semaphore, #tpu.memory_space<semaphore_mem>>
        tpu.enqueue_indirect_dma source(%dma_start3A_1383 : memref<10000x128xf32, #tpu.memory_space<hbm>>) target(%dma_start3A_1377 : memref<128x128xf32, #tpu.memory_space<vmem>>) offsets(%dma_start3A_1380 : memref<128xi32, #tpu.memory_space<vmem>>) semaphore(%dma_start3A_1385 : memref<!tpu.dma_semaphore, #tpu.memory_space<semaphore_mem>>)
      } else {
      }
      %lt3A_1285 = arith.cmpi slt, %add3A_1278, %select_n3A : i32
      %convert_element_type3A_1286 = arith.extui %lt3A_1285 : i1 to i32
      %cond3A_1287 = arith.constant 0 : i32
      %cond3A_1288 = arith.cmpi ne, %convert_element_type3A_1286, %cond3A_1287 : i32
      scf.if %cond3A_1288 {
        %dma_wait3A_1331 = arith.constant 0 : i32
        %dma_wait3A_1332 = arith.constant 0 : i32
        %dma_wait3A_1333 = arith.constant 0 : i32
        %dma_wait3A_1334 = arith.constant 0 : i32
        %dma_wait3A_1335 = tpu.memref_slice %arg7[%dma_wait3A_1331, %dma_wait3A_1333, %dma_wait3A_1334] : memref<3x128x128xf32, #tpu.memory_space<vmem>> -> memref<1x128x128xf32, #tpu.memory_space<vmem>>
        %dma_wait3A_1336 = tpu.memref_squeeze %dma_wait3A_1335 : memref<1x128x128xf32, #tpu.memory_space<vmem>> -> memref<128x128xf32, #tpu.memory_space<vmem>>
        %dma_wait3A_1337 = arith.constant 0 : i32
        %dma_wait3A_1338 = arith.constant 0 : i32
        %dma_wait3A_1339 = tpu.memref_slice %arg3[%dma_wait3A_1337, %dma_wait3A_1338] : memref<10000x128xf32, #tpu.memory_space<hbm>> -> memref<128x128xf32, #tpu.memory_space<hbm>>
        %dma_wait3A_1340 = tpu.memref_slice %arg9[%dma_wait3A_1332] : memref<3x!tpu.dma_semaphore, #tpu.memory_space<semaphore_mem>> -> memref<1x!tpu.dma_semaphore, #tpu.memory_space<semaphore_mem>>
        %dma_wait3A_1341 = tpu.memref_squeeze %dma_wait3A_1340 : memref<1x!tpu.dma_semaphore, #tpu.memory_space<semaphore_mem>> -> memref<!tpu.dma_semaphore, #tpu.memory_space<semaphore_mem>>
        %dma_wait3A_1342 = arith.constant 0 : i32
        %dma_wait3A_1343 = arith.constant 0 : i32
        %dma_wait3A_1344 = tpu.memref_slice %arg7[%dma_wait3A_1331, %dma_wait3A_1342, %dma_wait3A_1343] : memref<3x128x128xf32, #tpu.memory_space<vmem>> -> memref<1x128x128xf32, #tpu.memory_space<vmem>>
        %dma_wait3A_1345 = tpu.memref_squeeze %dma_wait3A_1344 : memref<1x128x128xf32, #tpu.memory_space<vmem>> -> memref<128x128xf32, #tpu.memory_space<vmem>>
        %dma_wait3A_1346 = arith.constant 0 : i32
        %dma_wait3A_1347 = arith.constant 0 : i32
        %dma_wait3A_1348 = tpu.memref_slice %arg3[%dma_wait3A_1346, %dma_wait3A_1347] : memref<10000x128xf32, #tpu.memory_space<hbm>> -> memref<128x128xf32, #tpu.memory_space<hbm>>
        tpu.wait_dma2 semaphore(%dma_wait3A_1341 : memref<!tpu.dma_semaphore, #tpu.memory_space<semaphore_mem>>) src(%dma_wait3A_1348 : memref<128x128xf32, #tpu.memory_space<hbm>>) dst(%dma_wait3A_1345 : memref<128x128xf32, #tpu.memory_space<vmem>>)
        %dma_start3A_1349 = arith.constant 0 : i32
        %dma_start3A_1350 = arith.constant 3 : i32
        %dma_start3A_1351 = arith.constant 1 : i32
        %dma_start3A_1352 = arith.constant 0 : i32
        %dma_start3A_1353 = arith.constant 0 : i32
        %dma_start3A_1354 = arith.constant 0 : i32
        %dma_start3A_1355 = tpu.memref_slice %arg7[%dma_start3A_1349, %dma_start3A_1353, %dma_start3A_1354] : memref<3x128x128xf32, #tpu.memory_space<vmem>> -> memref<1x128x128xf32, #tpu.memory_space<vmem>>
        %dma_start3A_1356 = tpu.memref_squeeze %dma_start3A_1355 : memref<1x128x128xf32, #tpu.memory_space<vmem>> -> memref<128x128xf32, #tpu.memory_space<vmem>>
        %dma_start3A_1357 = arith.constant 0 : i32
        %dma_start3A_1358 = tpu.memref_slice %arg6[%dma_start3A_1350, %dma_start3A_1351, %dma_start3A_1357] : memref<6x2x128xi32, #tpu.memory_space<vmem>> -> memref<1x1x128xi32, #tpu.memory_space<vmem>>
        %dma_start3A_1359 = tpu.memref_squeeze %dma_start3A_1358 : memref<1x1x128xi32, #tpu.memory_space<vmem>> -> memref<128xi32, #tpu.memory_space<vmem>>
        %dma_start3A_1360 = arith.constant 0 : i32
        %dma_start3A_1361 = arith.constant 0 : i32
        %dma_start3A_1362 = tpu.memref_slice %arg5[%dma_start3A_1360, %dma_start3A_1361] : memref<10000x128xf32, #tpu.memory_space<vmem_shared>> -> memref<10000x128xf32, #tpu.memory_space<vmem_shared>>
        %dma_start3A_1363 = tpu.memref_slice %arg10[%dma_start3A_1352] : memref<3x!tpu.dma_semaphore, #tpu.memory_space<semaphore_mem>> -> memref<1x!tpu.dma_semaphore, #tpu.memory_space<semaphore_mem>>
        %dma_start3A_1364 = tpu.memref_squeeze %dma_start3A_1363 : memref<1x!tpu.dma_semaphore, #tpu.memory_space<semaphore_mem>> -> memref<!tpu.dma_semaphore, #tpu.memory_space<semaphore_mem>>
        tpu.enqueue_indirect_dma source(%dma_start3A_1356 : memref<128x128xf32, #tpu.memory_space<vmem>>) target(%dma_start3A_1362 : memref<10000x128xf32, #tpu.memory_space<vmem_shared>>) offsets(%dma_start3A_1359 : memref<128xi32, #tpu.memory_space<vmem>>) semaphore(%dma_start3A_1364 : memref<!tpu.dma_semaphore, #tpu.memory_space<semaphore_mem>>) {add = true}
      } else {
      }
      %add3A_1289 = arith.constant 4 : i32
      %add3A_1290 = arith.addi %add3A_1278, %add3A_1289 : i32
      %lt3A_1291 = arith.cmpi slt, %add3A_1290, %select_n3A : i32
      %convert_element_type3A_1292 = arith.extui %lt3A_1291 : i1 to i32
      %cond3A_1293 = arith.constant 0 : i32
      %cond3A_1294 = arith.cmpi ne, %convert_element_type3A_1292, %cond3A_1293 : i32
      scf.if %cond3A_1294 {
        %add3A_1331 = arith.constant 4 : i32
        %add3A_1332 = arith.addi %add3A_1278, %add3A_1331 : i32
        %mul3A_1333 = arith.constant 32 : i32
        %mul3A_1334 = arith.muli %add3A_1332, %mul3A_1333 : i32
        %add3A_1335 = arith.addi %add3A, %mul3A_1334 : i32
        %dma_start3A_1336 = arith.constant 1 : i32
        %dma_start3A_1337 = arith.constant 1 : i32
        %dma_start3A_1338 = arith.constant 0 : i32
        %dma_start3A_1339 = arith.constant 0 : i32
        %dma_start3A_1340 = tpu.memref_slice %arg6[%dma_start3A_1336, %dma_start3A_1338, %dma_start3A_1339] : memref<6x2x128xi32, #tpu.memory_space<vmem>> -> memref<1x2x128xi32, #tpu.memory_space<vmem>>
        %dma_start3A_1341 = tpu.memref_squeeze %dma_start3A_1340 : memref<1x2x128xi32, #tpu.memory_space<vmem>> -> memref<2x128xi32, #tpu.memory_space<vmem>>
        %dma_start3A_1342 = arith.constant 0 : i32
        %dma_start3A_1343 = arith.constant 0 : i32
        %dma_start3A_1344 = tpu.memref_slice %arg2[%add3A_1335, %dma_start3A_1342, %dma_start3A_1343] : memref<2500x2x128xi32, #tpu.memory_space<hbm>> -> memref<1x2x128xi32, #tpu.memory_space<hbm>>
        %dma_start3A_1345 = tpu.memref_squeeze %dma_start3A_1344 : memref<1x2x128xi32, #tpu.memory_space<hbm>> -> memref<2x128xi32, #tpu.memory_space<hbm>>
        %dma_start3A_1346 = tpu.memref_slice %arg8[%dma_start3A_1337] : memref<6x!tpu.dma_semaphore, #tpu.memory_space<semaphore_mem>> -> memref<1x!tpu.dma_semaphore, #tpu.memory_space<semaphore_mem>>
        %dma_start3A_1347 = tpu.memref_squeeze %dma_start3A_1346 : memref<1x!tpu.dma_semaphore, #tpu.memory_space<semaphore_mem>> -> memref<!tpu.dma_semaphore, #tpu.memory_space<semaphore_mem>>
        %dma_start3A_1348 = arith.constant 0 : i32
        %dma_start3A_1349 = arith.constant 0 : i32
        %dma_start3A_1350 = tpu.memref_slice %arg6[%dma_start3A_1336, %dma_start3A_1348, %dma_start3A_1349] : memref<6x2x128xi32, #tpu.memory_space<vmem>> -> memref<1x2x128xi32, #tpu.memory_space<vmem>>
        %dma_start3A_1351 = tpu.memref_squeeze %dma_start3A_1350 : memref<1x2x128xi32, #tpu.memory_space<vmem>> -> memref<2x128xi32, #tpu.memory_space<vmem>>
        %dma_start3A_1352 = arith.constant 0 : i32
        %dma_start3A_1353 = arith.constant 0 : i32
        %dma_start3A_1354 = tpu.memref_slice %arg2[%add3A_1335, %dma_start3A_1352, %dma_start3A_1353] : memref<2500x2x128xi32, #tpu.memory_space<hbm>> -> memref<1x2x128xi32, #tpu.memory_space<hbm>>
        %dma_start3A_1355 = tpu.memref_squeeze %dma_start3A_1354 : memref<1x2x128xi32, #tpu.memory_space<hbm>> -> memref<2x128xi32, #tpu.memory_space<hbm>>
        tpu.enqueue_dma source(%dma_start3A_1355 : memref<2x128xi32, #tpu.memory_space<hbm>>) target(%dma_start3A_1351 : memref<2x128xi32, #tpu.memory_space<vmem>>) target_semaphore(%dma_start3A_1347 : memref<!tpu.dma_semaphore, #tpu.memory_space<semaphore_mem>>)
      } else {
      }
      %add3A_1295 = arith.constant 4 : i32
      %add3A_1296 = arith.addi %mul3A_1223, %add3A_1295 : i32
      %add3A_1297 = arith.constant 2 : i32
      %add3A_1298 = arith.addi %add3A_1296, %add3A_1297 : i32
      %lt3A_1299 = arith.cmpi slt, %add3A_1298, %select_n3A : i32
      %convert_element_type3A_1300 = arith.extui %lt3A_1299 : i1 to i32
      %cond3A_1301 = arith.constant 0 : i32
      %cond3A_1302 = arith.cmpi ne, %convert_element_type3A_1300, %cond3A_1301 : i32
      scf.if %cond3A_1302 {
        %dma_wait3A_1331 = arith.constant 0 : i32
        %dma_wait3A_1332 = arith.constant 0 : i32
        %dma_wait3A_1333 = arith.constant 0 : i32
        %dma_wait3A_1334 = arith.constant 0 : i32
        %dma_wait3A_1335 = tpu.memref_slice %arg7[%dma_wait3A_1331, %dma_wait3A_1333, %dma_wait3A_1334] : memref<3x128x128xf32, #tpu.memory_space<vmem>> -> memref<1x128x128xf32, #tpu.memory_space<vmem>>
        %dma_wait3A_1336 = tpu.memref_squeeze %dma_wait3A_1335 : memref<1x128x128xf32, #tpu.memory_space<vmem>> -> memref<128x128xf32, #tpu.memory_space<vmem>>
        %dma_wait3A_1337 = arith.constant 0 : i32
        %dma_wait3A_1338 = arith.constant 0 : i32
        %dma_wait3A_1339 = tpu.memref_slice %arg5[%dma_wait3A_1337, %dma_wait3A_1338] : memref<10000x128xf32, #tpu.memory_space<vmem_shared>> -> memref<128x128xf32, #tpu.memory_space<vmem_shared>>
        %dma_wait3A_1340 = tpu.memref_slice %arg10[%dma_wait3A_1332] : memref<3x!tpu.dma_semaphore, #tpu.memory_space<semaphore_mem>> -> memref<1x!tpu.dma_semaphore, #tpu.memory_space<semaphore_mem>>
        %dma_wait3A_1341 = tpu.memref_squeeze %dma_wait3A_1340 : memref<1x!tpu.dma_semaphore, #tpu.memory_space<semaphore_mem>> -> memref<!tpu.dma_semaphore, #tpu.memory_space<semaphore_mem>>
        %dma_wait3A_1342 = arith.constant 0 : i32
        %dma_wait3A_1343 = arith.constant 0 : i32
        %dma_wait3A_1344 = tpu.memref_slice %arg5[%dma_wait3A_1342, %dma_wait3A_1343] : memref<10000x128xf32, #tpu.memory_space<vmem_shared>> -> memref<128x128xf32, #tpu.memory_space<vmem_shared>>
        %dma_wait3A_1345 = arith.constant 0 : i32
        %dma_wait3A_1346 = arith.constant 0 : i32
        %dma_wait3A_1347 = tpu.memref_slice %arg7[%dma_wait3A_1331, %dma_wait3A_1345, %dma_wait3A_1346] : memref<3x128x128xf32, #tpu.memory_space<vmem>> -> memref<1x128x128xf32, #tpu.memory_space<vmem>>
        %dma_wait3A_1348 = tpu.memref_squeeze %dma_wait3A_1347 : memref<1x128x128xf32, #tpu.memory_space<vmem>> -> memref<128x128xf32, #tpu.memory_space<vmem>>
        tpu.wait_dma2 semaphore(%dma_wait3A_1341 : memref<!tpu.dma_semaphore, #tpu.memory_space<semaphore_mem>>) src(%dma_wait3A_1348 : memref<128x128xf32, #tpu.memory_space<vmem>>) dst(%dma_wait3A_1344 : memref<128x128xf32, #tpu.memory_space<vmem_shared>>)
        %dma_wait3A_1349 = arith.constant 0 : i32
        %dma_wait3A_1350 = arith.constant 0 : i32
        %dma_wait3A_1351 = arith.constant 0 : i32
        %dma_wait3A_1352 = arith.constant 0 : i32
        %dma_wait3A_1353 = arith.constant 0 : i32
        %dma_wait3A_1354 = tpu.memref_slice %arg6[%dma_wait3A_1350, %dma_wait3A_1352, %dma_wait3A_1353] : memref<6x2x128xi32, #tpu.memory_space<vmem>> -> memref<1x2x128xi32, #tpu.memory_space<vmem>>
        %dma_wait3A_1355 = tpu.memref_squeeze %dma_wait3A_1354 : memref<1x2x128xi32, #tpu.memory_space<vmem>> -> memref<2x128xi32, #tpu.memory_space<vmem>>
        %dma_wait3A_1356 = arith.constant 0 : i32
        %dma_wait3A_1357 = arith.constant 0 : i32
        %dma_wait3A_1358 = tpu.memref_slice %arg2[%dma_wait3A_1349, %dma_wait3A_1356, %dma_wait3A_1357] : memref<2500x2x128xi32, #tpu.memory_space<hbm>> -> memref<1x2x128xi32, #tpu.memory_space<hbm>>
        %dma_wait3A_1359 = tpu.memref_squeeze %dma_wait3A_1358 : memref<1x2x128xi32, #tpu.memory_space<hbm>> -> memref<2x128xi32, #tpu.memory_space<hbm>>
        %dma_wait3A_1360 = tpu.memref_slice %arg8[%dma_wait3A_1351] : memref<6x!tpu.dma_semaphore, #tpu.memory_space<semaphore_mem>> -> memref<1x!tpu.dma_semaphore, #tpu.memory_space<semaphore_mem>>
        %dma_wait3A_1361 = tpu.memref_squeeze %dma_wait3A_1360 : memref<1x!tpu.dma_semaphore, #tpu.memory_space<semaphore_mem>> -> memref<!tpu.dma_semaphore, #tpu.memory_space<semaphore_mem>>
        %dma_wait3A_1362 = arith.constant 0 : i32
        %dma_wait3A_1363 = arith.constant 0 : i32
        %dma_wait3A_1364 = tpu.memref_slice %arg6[%dma_wait3A_1350, %dma_wait3A_1362, %dma_wait3A_1363] : memref<6x2x128xi32, #tpu.memory_space<vmem>> -> memref<1x2x128xi32, #tpu.memory_space<vmem>>
        %dma_wait3A_1365 = tpu.memref_squeeze %dma_wait3A_1364 : memref<1x2x128xi32, #tpu.memory_space<vmem>> -> memref<2x128xi32, #tpu.memory_space<vmem>>
        %dma_wait3A_1366 = arith.constant 0 : i32
        %dma_wait3A_1367 = arith.constant 0 : i32
        %dma_wait3A_1368 = tpu.memref_slice %arg2[%dma_wait3A_1349, %dma_wait3A_1366, %dma_wait3A_1367] : memref<2500x2x128xi32, #tpu.memory_space<hbm>> -> memref<1x2x128xi32, #tpu.memory_space<hbm>>
        %dma_wait3A_1369 = tpu.memref_squeeze %dma_wait3A_1368 : memref<1x2x128xi32, #tpu.memory_space<hbm>> -> memref<2x128xi32, #tpu.memory_space<hbm>>
        tpu.wait_dma2 semaphore(%dma_wait3A_1361 : memref<!tpu.dma_semaphore, #tpu.memory_space<semaphore_mem>>) src(%dma_wait3A_1369 : memref<2x128xi32, #tpu.memory_space<hbm>>) dst(%dma_wait3A_1365 : memref<2x128xi32, #tpu.memory_space<vmem>>)
        %dma_start3A_1370 = arith.constant 0 : i32
        %dma_start3A_1371 = arith.constant 0 : i32
        %dma_start3A_1372 = arith.constant 0 : i32
        %dma_start3A_1373 = arith.constant 0 : i32
        %dma_start3A_1374 = arith.constant 0 : i32
        %dma_start3A_1375 = arith.constant 0 : i32
        %dma_start3A_1376 = tpu.memref_slice %arg7[%dma_start3A_1372, %dma_start3A_1374, %dma_start3A_1375] : memref<3x128x128xf32, #tpu.memory_space<vmem>> -> memref<1x128x128xf32, #tpu.memory_space<vmem>>
        %dma_start3A_1377 = tpu.memref_squeeze %dma_start3A_1376 : memref<1x128x128xf32, #tpu.memory_space<vmem>> -> memref<128x128xf32, #tpu.memory_space<vmem>>
        %dma_start3A_1378 = arith.constant 0 : i32
        %dma_start3A_1379 = tpu.memref_slice %arg6[%dma_start3A_1370, %dma_start3A_1371, %dma_start3A_1378] : memref<6x2x128xi32, #tpu.memory_space<vmem>> -> memref<1x1x128xi32, #tpu.memory_space<vmem>>
        %dma_start3A_1380 = tpu.memref_squeeze %dma_start3A_1379 : memref<1x1x128xi32, #tpu.memory_space<vmem>> -> memref<128xi32, #tpu.memory_space<vmem>>
        %dma_start3A_1381 = arith.constant 0 : i32
        %dma_start3A_1382 = arith.constant 0 : i32
        %dma_start3A_1383 = tpu.memref_slice %arg3[%dma_start3A_1381, %dma_start3A_1382] : memref<10000x128xf32, #tpu.memory_space<hbm>> -> memref<10000x128xf32, #tpu.memory_space<hbm>>
        %dma_start3A_1384 = tpu.memref_slice %arg9[%dma_start3A_1373] : memref<3x!tpu.dma_semaphore, #tpu.memory_space<semaphore_mem>> -> memref<1x!tpu.dma_semaphore, #tpu.memory_space<semaphore_mem>>
        %dma_start3A_1385 = tpu.memref_squeeze %dma_start3A_1384 : memref<1x!tpu.dma_semaphore, #tpu.memory_space<semaphore_mem>> -> memref<!tpu.dma_semaphore, #tpu.memory_space<semaphore_mem>>
        tpu.enqueue_indirect_dma source(%dma_start3A_1383 : memref<10000x128xf32, #tpu.memory_space<hbm>>) target(%dma_start3A_1377 : memref<128x128xf32, #tpu.memory_space<vmem>>) offsets(%dma_start3A_1380 : memref<128xi32, #tpu.memory_space<vmem>>) semaphore(%dma_start3A_1385 : memref<!tpu.dma_semaphore, #tpu.memory_space<semaphore_mem>>)
      } else {
      }
      %lt3A_1303 = arith.cmpi slt, %add3A_1296, %select_n3A : i32
      %convert_element_type3A_1304 = arith.extui %lt3A_1303 : i1 to i32
      %cond3A_1305 = arith.constant 0 : i32
      %cond3A_1306 = arith.cmpi ne, %convert_element_type3A_1304, %cond3A_1305 : i32
      scf.if %cond3A_1306 {
        %dma_wait3A_1331 = arith.constant 1 : i32
        %dma_wait3A_1332 = arith.constant 1 : i32
        %dma_wait3A_1333 = arith.constant 0 : i32
        %dma_wait3A_1334 = arith.constant 0 : i32
        %dma_wait3A_1335 = tpu.memref_slice %arg7[%dma_wait3A_1331, %dma_wait3A_1333, %dma_wait3A_1334] : memref<3x128x128xf32, #tpu.memory_space<vmem>> -> memref<1x128x128xf32, #tpu.memory_space<vmem>>
        %dma_wait3A_1336 = tpu.memref_squeeze %dma_wait3A_1335 : memref<1x128x128xf32, #tpu.memory_space<vmem>> -> memref<128x128xf32, #tpu.memory_space<vmem>>
        %dma_wait3A_1337 = arith.constant 0 : i32
        %dma_wait3A_1338 = arith.constant 0 : i32
        %dma_wait3A_1339 = tpu.memref_slice %arg3[%dma_wait3A_1337, %dma_wait3A_1338] : memref<10000x128xf32, #tpu.memory_space<hbm>> -> memref<128x128xf32, #tpu.memory_space<hbm>>
        %dma_wait3A_1340 = tpu.memref_slice %arg9[%dma_wait3A_1332] : memref<3x!tpu.dma_semaphore, #tpu.memory_space<semaphore_mem>> -> memref<1x!tpu.dma_semaphore, #tpu.memory_space<semaphore_mem>>
        %dma_wait3A_1341 = tpu.memref_squeeze %dma_wait3A_1340 : memref<1x!tpu.dma_semaphore, #tpu.memory_space<semaphore_mem>> -> memref<!tpu.dma_semaphore, #tpu.memory_space<semaphore_mem>>
        %dma_wait3A_1342 = arith.constant 0 : i32
        %dma_wait3A_1343 = arith.constant 0 : i32
        %dma_wait3A_1344 = tpu.memref_slice %arg7[%dma_wait3A_1331, %dma_wait3A_1342, %dma_wait3A_1343] : memref<3x128x128xf32, #tpu.memory_space<vmem>> -> memref<1x128x128xf32, #tpu.memory_space<vmem>>
        %dma_wait3A_1345 = tpu.memref_squeeze %dma_wait3A_1344 : memref<1x128x128xf32, #tpu.memory_space<vmem>> -> memref<128x128xf32, #tpu.memory_space<vmem>>
        %dma_wait3A_1346 = arith.constant 0 : i32
        %dma_wait3A_1347 = arith.constant 0 : i32
        %dma_wait3A_1348 = tpu.memref_slice %arg3[%dma_wait3A_1346, %dma_wait3A_1347] : memref<10000x128xf32, #tpu.memory_space<hbm>> -> memref<128x128xf32, #tpu.memory_space<hbm>>
        tpu.wait_dma2 semaphore(%dma_wait3A_1341 : memref<!tpu.dma_semaphore, #tpu.memory_space<semaphore_mem>>) src(%dma_wait3A_1348 : memref<128x128xf32, #tpu.memory_space<hbm>>) dst(%dma_wait3A_1345 : memref<128x128xf32, #tpu.memory_space<vmem>>)
        %dma_start3A_1349 = arith.constant 1 : i32
        %dma_start3A_1350 = arith.constant 4 : i32
        %dma_start3A_1351 = arith.constant 1 : i32
        %dma_start3A_1352 = arith.constant 1 : i32
        %dma_start3A_1353 = arith.constant 0 : i32
        %dma_start3A_1354 = arith.constant 0 : i32
        %dma_start3A_1355 = tpu.memref_slice %arg7[%dma_start3A_1349, %dma_start3A_1353, %dma_start3A_1354] : memref<3x128x128xf32, #tpu.memory_space<vmem>> -> memref<1x128x128xf32, #tpu.memory_space<vmem>>
        %dma_start3A_1356 = tpu.memref_squeeze %dma_start3A_1355 : memref<1x128x128xf32, #tpu.memory_space<vmem>> -> memref<128x128xf32, #tpu.memory_space<vmem>>
        %dma_start3A_1357 = arith.constant 0 : i32
        %dma_start3A_1358 = tpu.memref_slice %arg6[%dma_start3A_1350, %dma_start3A_1351, %dma_start3A_1357] : memref<6x2x128xi32, #tpu.memory_space<vmem>> -> memref<1x1x128xi32, #tpu.memory_space<vmem>>
        %dma_start3A_1359 = tpu.memref_squeeze %dma_start3A_1358 : memref<1x1x128xi32, #tpu.memory_space<vmem>> -> memref<128xi32, #tpu.memory_space<vmem>>
        %dma_start3A_1360 = arith.constant 0 : i32
        %dma_start3A_1361 = arith.constant 0 : i32
        %dma_start3A_1362 = tpu.memref_slice %arg5[%dma_start3A_1360, %dma_start3A_1361] : memref<10000x128xf32, #tpu.memory_space<vmem_shared>> -> memref<10000x128xf32, #tpu.memory_space<vmem_shared>>
        %dma_start3A_1363 = tpu.memref_slice %arg10[%dma_start3A_1352] : memref<3x!tpu.dma_semaphore, #tpu.memory_space<semaphore_mem>> -> memref<1x!tpu.dma_semaphore, #tpu.memory_space<semaphore_mem>>
        %dma_start3A_1364 = tpu.memref_squeeze %dma_start3A_1363 : memref<1x!tpu.dma_semaphore, #tpu.memory_space<semaphore_mem>> -> memref<!tpu.dma_semaphore, #tpu.memory_space<semaphore_mem>>
        tpu.enqueue_indirect_dma source(%dma_start3A_1356 : memref<128x128xf32, #tpu.memory_space<vmem>>) target(%dma_start3A_1362 : memref<10000x128xf32, #tpu.memory_space<vmem_shared>>) offsets(%dma_start3A_1359 : memref<128xi32, #tpu.memory_space<vmem>>) semaphore(%dma_start3A_1364 : memref<!tpu.dma_semaphore, #tpu.memory_space<semaphore_mem>>) {add = true}
      } else {
      }
      %add3A_1307 = arith.constant 4 : i32
      %add3A_1308 = arith.addi %add3A_1296, %add3A_1307 : i32
      %lt3A_1309 = arith.cmpi slt, %add3A_1308, %select_n3A : i32
      %convert_element_type3A_1310 = arith.extui %lt3A_1309 : i1 to i32
      %cond3A_1311 = arith.constant 0 : i32
      %cond3A_1312 = arith.cmpi ne, %convert_element_type3A_1310, %cond3A_1311 : i32
      scf.if %cond3A_1312 {
        %add3A_1331 = arith.constant 4 : i32
        %add3A_1332 = arith.addi %add3A_1296, %add3A_1331 : i32
        %mul3A_1333 = arith.constant 32 : i32
        %mul3A_1334 = arith.muli %add3A_1332, %mul3A_1333 : i32
        %add3A_1335 = arith.addi %add3A, %mul3A_1334 : i32
        %dma_start3A_1336 = arith.constant 2 : i32
        %dma_start3A_1337 = arith.constant 2 : i32
        %dma_start3A_1338 = arith.constant 0 : i32
        %dma_start3A_1339 = arith.constant 0 : i32
        %dma_start3A_1340 = tpu.memref_slice %arg6[%dma_start3A_1336, %dma_start3A_1338, %dma_start3A_1339] : memref<6x2x128xi32, #tpu.memory_space<vmem>> -> memref<1x2x128xi32, #tpu.memory_space<vmem>>
        %dma_start3A_1341 = tpu.memref_squeeze %dma_start3A_1340 : memref<1x2x128xi32, #tpu.memory_space<vmem>> -> memref<2x128xi32, #tpu.memory_space<vmem>>
        %dma_start3A_1342 = arith.constant 0 : i32
        %dma_start3A_1343 = arith.constant 0 : i32
        %dma_start3A_1344 = tpu.memref_slice %arg2[%add3A_1335, %dma_start3A_1342, %dma_start3A_1343] : memref<2500x2x128xi32, #tpu.memory_space<hbm>> -> memref<1x2x128xi32, #tpu.memory_space<hbm>>
        %dma_start3A_1345 = tpu.memref_squeeze %dma_start3A_1344 : memref<1x2x128xi32, #tpu.memory_space<hbm>> -> memref<2x128xi32, #tpu.memory_space<hbm>>
        %dma_start3A_1346 = tpu.memref_slice %arg8[%dma_start3A_1337] : memref<6x!tpu.dma_semaphore, #tpu.memory_space<semaphore_mem>> -> memref<1x!tpu.dma_semaphore, #tpu.memory_space<semaphore_mem>>
        %dma_start3A_1347 = tpu.memref_squeeze %dma_start3A_1346 : memref<1x!tpu.dma_semaphore, #tpu.memory_space<semaphore_mem>> -> memref<!tpu.dma_semaphore, #tpu.memory_space<semaphore_mem>>
        %dma_start3A_1348 = arith.constant 0 : i32
        %dma_start3A_1349 = arith.constant 0 : i32
        %dma_start3A_1350 = tpu.memref_slice %arg6[%dma_start3A_1336, %dma_start3A_1348, %dma_start3A_1349] : memref<6x2x128xi32, #tpu.memory_space<vmem>> -> memref<1x2x128xi32, #tpu.memory_space<vmem>>
        %dma_start3A_1351 = tpu.memref_squeeze %dma_start3A_1350 : memref<1x2x128xi32, #tpu.memory_space<vmem>> -> memref<2x128xi32, #tpu.memory_space<vmem>>
        %dma_start3A_1352 = arith.constant 0 : i32
        %dma_start3A_1353 = arith.constant 0 : i32
        %dma_start3A_1354 = tpu.memref_slice %arg2[%add3A_1335, %dma_start3A_1352, %dma_start3A_1353] : memref<2500x2x128xi32, #tpu.memory_space<hbm>> -> memref<1x2x128xi32, #tpu.memory_space<hbm>>
        %dma_start3A_1355 = tpu.memref_squeeze %dma_start3A_1354 : memref<1x2x128xi32, #tpu.memory_space<hbm>> -> memref<2x128xi32, #tpu.memory_space<hbm>>
        tpu.enqueue_dma source(%dma_start3A_1355 : memref<2x128xi32, #tpu.memory_space<hbm>>) target(%dma_start3A_1351 : memref<2x128xi32, #tpu.memory_space<vmem>>) target_semaphore(%dma_start3A_1347 : memref<!tpu.dma_semaphore, #tpu.memory_space<semaphore_mem>>)
      } else {
      }
      %add3A_1313 = arith.constant 5 : i32
      %add3A_1314 = arith.addi %mul3A_1223, %add3A_1313 : i32
      %add3A_1315 = arith.constant 2 : i32
      %add3A_1316 = arith.addi %add3A_1314, %add3A_1315 : i32
      %lt3A_1317 = arith.cmpi slt, %add3A_1316, %select_n3A : i32
      %convert_element_type3A_1318 = arith.extui %lt3A_1317 : i1 to i32
      %cond3A_1319 = arith.constant 0 : i32
      %cond3A_1320 = arith.cmpi ne, %convert_element_type3A_1318, %cond3A_1319 : i32
      scf.if %cond3A_1320 {
        %dma_wait3A_1331 = arith.constant 1 : i32
        %dma_wait3A_1332 = arith.constant 1 : i32
        %dma_wait3A_1333 = arith.constant 0 : i32
        %dma_wait3A_1334 = arith.constant 0 : i32
        %dma_wait3A_1335 = tpu.memref_slice %arg7[%dma_wait3A_1331, %dma_wait3A_1333, %dma_wait3A_1334] : memref<3x128x128xf32, #tpu.memory_space<vmem>> -> memref<1x128x128xf32, #tpu.memory_space<vmem>>
        %dma_wait3A_1336 = tpu.memref_squeeze %dma_wait3A_1335 : memref<1x128x128xf32, #tpu.memory_space<vmem>> -> memref<128x128xf32, #tpu.memory_space<vmem>>
        %dma_wait3A_1337 = arith.constant 0 : i32
        %dma_wait3A_1338 = arith.constant 0 : i32
        %dma_wait3A_1339 = tpu.memref_slice %arg5[%dma_wait3A_1337, %dma_wait3A_1338] : memref<10000x128xf32, #tpu.memory_space<vmem_shared>> -> memref<128x128xf32, #tpu.memory_space<vmem_shared>>
        %dma_wait3A_1340 = tpu.memref_slice %arg10[%dma_wait3A_1332] : memref<3x!tpu.dma_semaphore, #tpu.memory_space<semaphore_mem>> -> memref<1x!tpu.dma_semaphore, #tpu.memory_space<semaphore_mem>>
        %dma_wait3A_1341 = tpu.memref_squeeze %dma_wait3A_1340 : memref<1x!tpu.dma_semaphore, #tpu.memory_space<semaphore_mem>> -> memref<!tpu.dma_semaphore, #tpu.memory_space<semaphore_mem>>
        %dma_wait3A_1342 = arith.constant 0 : i32
        %dma_wait3A_1343 = arith.constant 0 : i32
        %dma_wait3A_1344 = tpu.memref_slice %arg5[%dma_wait3A_1342, %dma_wait3A_1343] : memref<10000x128xf32, #tpu.memory_space<vmem_shared>> -> memref<128x128xf32, #tpu.memory_space<vmem_shared>>
        %dma_wait3A_1345 = arith.constant 0 : i32
        %dma_wait3A_1346 = arith.constant 0 : i32
        %dma_wait3A_1347 = tpu.memref_slice %arg7[%dma_wait3A_1331, %dma_wait3A_1345, %dma_wait3A_1346] : memref<3x128x128xf32, #tpu.memory_space<vmem>> -> memref<1x128x128xf32, #tpu.memory_space<vmem>>
        %dma_wait3A_1348 = tpu.memref_squeeze %dma_wait3A_1347 : memref<1x128x128xf32, #tpu.memory_space<vmem>> -> memref<128x128xf32, #tpu.memory_space<vmem>>
        tpu.wait_dma2 semaphore(%dma_wait3A_1341 : memref<!tpu.dma_semaphore, #tpu.memory_space<semaphore_mem>>) src(%dma_wait3A_1348 : memref<128x128xf32, #tpu.memory_space<vmem>>) dst(%dma_wait3A_1344 : memref<128x128xf32, #tpu.memory_space<vmem_shared>>)
        %dma_wait3A_1349 = arith.constant 0 : i32
        %dma_wait3A_1350 = arith.constant 1 : i32
        %dma_wait3A_1351 = arith.constant 1 : i32
        %dma_wait3A_1352 = arith.constant 0 : i32
        %dma_wait3A_1353 = arith.constant 0 : i32
        %dma_wait3A_1354 = tpu.memref_slice %arg6[%dma_wait3A_1350, %dma_wait3A_1352, %dma_wait3A_1353] : memref<6x2x128xi32, #tpu.memory_space<vmem>> -> memref<1x2x128xi32, #tpu.memory_space<vmem>>
        %dma_wait3A_1355 = tpu.memref_squeeze %dma_wait3A_1354 : memref<1x2x128xi32, #tpu.memory_space<vmem>> -> memref<2x128xi32, #tpu.memory_space<vmem>>
        %dma_wait3A_1356 = arith.constant 0 : i32
        %dma_wait3A_1357 = arith.constant 0 : i32
        %dma_wait3A_1358 = tpu.memref_slice %arg2[%dma_wait3A_1349, %dma_wait3A_1356, %dma_wait3A_1357] : memref<2500x2x128xi32, #tpu.memory_space<hbm>> -> memref<1x2x128xi32, #tpu.memory_space<hbm>>
        %dma_wait3A_1359 = tpu.memref_squeeze %dma_wait3A_1358 : memref<1x2x128xi32, #tpu.memory_space<hbm>> -> memref<2x128xi32, #tpu.memory_space<hbm>>
        %dma_wait3A_1360 = tpu.memref_slice %arg8[%dma_wait3A_1351] : memref<6x!tpu.dma_semaphore, #tpu.memory_space<semaphore_mem>> -> memref<1x!tpu.dma_semaphore, #tpu.memory_space<semaphore_mem>>
        %dma_wait3A_1361 = tpu.memref_squeeze %dma_wait3A_1360 : memref<1x!tpu.dma_semaphore, #tpu.memory_space<semaphore_mem>> -> memref<!tpu.dma_semaphore, #tpu.memory_space<semaphore_mem>>
        %dma_wait3A_1362 = arith.constant 0 : i32
        %dma_wait3A_1363 = arith.constant 0 : i32
        %dma_wait3A_1364 = tpu.memref_slice %arg6[%dma_wait3A_1350, %dma_wait3A_1362, %dma_wait3A_1363] : memref<6x2x128xi32, #tpu.memory_space<vmem>> -> memref<1x2x128xi32, #tpu.memory_space<vmem>>
        %dma_wait3A_1365 = tpu.memref_squeeze %dma_wait3A_1364 : memref<1x2x128xi32, #tpu.memory_space<vmem>> -> memref<2x128xi32, #tpu.memory_space<vmem>>
        %dma_wait3A_1366 = arith.constant 0 : i32
        %dma_wait3A_1367 = arith.constant 0 : i32
        %dma_wait3A_1368 = tpu.memref_slice %arg2[%dma_wait3A_1349, %dma_wait3A_1366, %dma_wait3A_1367] : memref<2500x2x128xi32, #tpu.memory_space<hbm>> -> memref<1x2x128xi32, #tpu.memory_space<hbm>>
        %dma_wait3A_1369 = tpu.memref_squeeze %dma_wait3A_1368 : memref<1x2x128xi32, #tpu.memory_space<hbm>> -> memref<2x128xi32, #tpu.memory_space<hbm>>
        tpu.wait_dma2 semaphore(%dma_wait3A_1361 : memref<!tpu.dma_semaphore, #tpu.memory_space<semaphore_mem>>) src(%dma_wait3A_1369 : memref<2x128xi32, #tpu.memory_space<hbm>>) dst(%dma_wait3A_1365 : memref<2x128xi32, #tpu.memory_space<vmem>>)
        %dma_start3A_1370 = arith.constant 1 : i32
        %dma_start3A_1371 = arith.constant 0 : i32
        %dma_start3A_1372 = arith.constant 1 : i32
        %dma_start3A_1373 = arith.constant 1 : i32
        %dma_start3A_1374 = arith.constant 0 : i32
        %dma_start3A_1375 = arith.constant 0 : i32
        %dma_start3A_1376 = tpu.memref_slice %arg7[%dma_start3A_1372, %dma_start3A_1374, %dma_start3A_1375] : memref<3x128x128xf32, #tpu.memory_space<vmem>> -> memref<1x128x128xf32, #tpu.memory_space<vmem>>
        %dma_start3A_1377 = tpu.memref_squeeze %dma_start3A_1376 : memref<1x128x128xf32, #tpu.memory_space<vmem>> -> memref<128x128xf32, #tpu.memory_space<vmem>>
        %dma_start3A_1378 = arith.constant 0 : i32
        %dma_start3A_1379 = tpu.memref_slice %arg6[%dma_start3A_1370, %dma_start3A_1371, %dma_start3A_1378] : memref<6x2x128xi32, #tpu.memory_space<vmem>> -> memref<1x1x128xi32, #tpu.memory_space<vmem>>
        %dma_start3A_1380 = tpu.memref_squeeze %dma_start3A_1379 : memref<1x1x128xi32, #tpu.memory_space<vmem>> -> memref<128xi32, #tpu.memory_space<vmem>>
        %dma_start3A_1381 = arith.constant 0 : i32
        %dma_start3A_1382 = arith.constant 0 : i32
        %dma_start3A_1383 = tpu.memref_slice %arg3[%dma_start3A_1381, %dma_start3A_1382] : memref<10000x128xf32, #tpu.memory_space<hbm>> -> memref<10000x128xf32, #tpu.memory_space<hbm>>
        %dma_start3A_1384 = tpu.memref_slice %arg9[%dma_start3A_1373] : memref<3x!tpu.dma_semaphore, #tpu.memory_space<semaphore_mem>> -> memref<1x!tpu.dma_semaphore, #tpu.memory_space<semaphore_mem>>
        %dma_start3A_1385 = tpu.memref_squeeze %dma_start3A_1384 : memref<1x!tpu.dma_semaphore, #tpu.memory_space<semaphore_mem>> -> memref<!tpu.dma_semaphore, #tpu.memory_space<semaphore_mem>>
        tpu.enqueue_indirect_dma source(%dma_start3A_1383 : memref<10000x128xf32, #tpu.memory_space<hbm>>) target(%dma_start3A_1377 : memref<128x128xf32, #tpu.memory_space<vmem>>) offsets(%dma_start3A_1380 : memref<128xi32, #tpu.memory_space<vmem>>) semaphore(%dma_start3A_1385 : memref<!tpu.dma_semaphore, #tpu.memory_space<semaphore_mem>>)
      } else {
      }
      %lt3A_1321 = arith.cmpi slt, %add3A_1314, %select_n3A : i32
      %convert_element_type3A_1322 = arith.extui %lt3A_1321 : i1 to i32
      %cond3A_1323 = arith.constant 0 : i32
      %cond3A_1324 = arith.cmpi ne, %convert_element_type3A_1322, %cond3A_1323 : i32
      scf.if %cond3A_1324 {
        %dma_wait3A_1331 = arith.constant 2 : i32
        %dma_wait3A_1332 = arith.constant 2 : i32
        %dma_wait3A_1333 = arith.constant 0 : i32
        %dma_wait3A_1334 = arith.constant 0 : i32
        %dma_wait3A_1335 = tpu.memref_slice %arg7[%dma_wait3A_1331, %dma_wait3A_1333, %dma_wait3A_1334] : memref<3x128x128xf32, #tpu.memory_space<vmem>> -> memref<1x128x128xf32, #tpu.memory_space<vmem>>
        %dma_wait3A_1336 = tpu.memref_squeeze %dma_wait3A_1335 : memref<1x128x128xf32, #tpu.memory_space<vmem>> -> memref<128x128xf32, #tpu.memory_space<vmem>>
        %dma_wait3A_1337 = arith.constant 0 : i32
        %dma_wait3A_1338 = arith.constant 0 : i32
        %dma_wait3A_1339 = tpu.memref_slice %arg3[%dma_wait3A_1337, %dma_wait3A_1338] : memref<10000x128xf32, #tpu.memory_space<hbm>> -> memref<128x128xf32, #tpu.memory_space<hbm>>
        %dma_wait3A_1340 = tpu.memref_slice %arg9[%dma_wait3A_1332] : memref<3x!tpu.dma_semaphore, #tpu.memory_space<semaphore_mem>> -> memref<1x!tpu.dma_semaphore, #tpu.memory_space<semaphore_mem>>
        %dma_wait3A_1341 = tpu.memref_squeeze %dma_wait3A_1340 : memref<1x!tpu.dma_semaphore, #tpu.memory_space<semaphore_mem>> -> memref<!tpu.dma_semaphore, #tpu.memory_space<semaphore_mem>>
        %dma_wait3A_1342 = arith.constant 0 : i32
        %dma_wait3A_1343 = arith.constant 0 : i32
        %dma_wait3A_1344 = tpu.memref_slice %arg7[%dma_wait3A_1331, %dma_wait3A_1342, %dma_wait3A_1343] : memref<3x128x128xf32, #tpu.memory_space<vmem>> -> memref<1x128x128xf32, #tpu.memory_space<vmem>>
        %dma_wait3A_1345 = tpu.memref_squeeze %dma_wait3A_1344 : memref<1x128x128xf32, #tpu.memory_space<vmem>> -> memref<128x128xf32, #tpu.memory_space<vmem>>
        %dma_wait3A_1346 = arith.constant 0 : i32
        %dma_wait3A_1347 = arith.constant 0 : i32
        %dma_wait3A_1348 = tpu.memref_slice %arg3[%dma_wait3A_1346, %dma_wait3A_1347] : memref<10000x128xf32, #tpu.memory_space<hbm>> -> memref<128x128xf32, #tpu.memory_space<hbm>>
        tpu.wait_dma2 semaphore(%dma_wait3A_1341 : memref<!tpu.dma_semaphore, #tpu.memory_space<semaphore_mem>>) src(%dma_wait3A_1348 : memref<128x128xf32, #tpu.memory_space<hbm>>) dst(%dma_wait3A_1345 : memref<128x128xf32, #tpu.memory_space<vmem>>)
        %dma_start3A_1349 = arith.constant 2 : i32
        %dma_start3A_1350 = arith.constant 5 : i32
        %dma_start3A_1351 = arith.constant 1 : i32
        %dma_start3A_1352 = arith.constant 2 : i32
        %dma_start3A_1353 = arith.constant 0 : i32
        %dma_start3A_1354 = arith.constant 0 : i32
        %dma_start3A_1355 = tpu.memref_slice %arg7[%dma_start3A_1349, %dma_start3A_1353, %dma_start3A_1354] : memref<3x128x128xf32, #tpu.memory_space<vmem>> -> memref<1x128x128xf32, #tpu.memory_space<vmem>>
        %dma_start3A_1356 = tpu.memref_squeeze %dma_start3A_1355 : memref<1x128x128xf32, #tpu.memory_space<vmem>> -> memref<128x128xf32, #tpu.memory_space<vmem>>
        %dma_start3A_1357 = arith.constant 0 : i32
        %dma_start3A_1358 = tpu.memref_slice %arg6[%dma_start3A_1350, %dma_start3A_1351, %dma_start3A_1357] : memref<6x2x128xi32, #tpu.memory_space<vmem>> -> memref<1x1x128xi32, #tpu.memory_space<vmem>>
        %dma_start3A_1359 = tpu.memref_squeeze %dma_start3A_1358 : memref<1x1x128xi32, #tpu.memory_space<vmem>> -> memref<128xi32, #tpu.memory_space<vmem>>
        %dma_start3A_1360 = arith.constant 0 : i32
        %dma_start3A_1361 = arith.constant 0 : i32
        %dma_start3A_1362 = tpu.memref_slice %arg5[%dma_start3A_1360, %dma_start3A_1361] : memref<10000x128xf32, #tpu.memory_space<vmem_shared>> -> memref<10000x128xf32, #tpu.memory_space<vmem_shared>>
        %dma_start3A_1363 = tpu.memref_slice %arg10[%dma_start3A_1352] : memref<3x!tpu.dma_semaphore, #tpu.memory_space<semaphore_mem>> -> memref<1x!tpu.dma_semaphore, #tpu.memory_space<semaphore_mem>>
        %dma_start3A_1364 = tpu.memref_squeeze %dma_start3A_1363 : memref<1x!tpu.dma_semaphore, #tpu.memory_space<semaphore_mem>> -> memref<!tpu.dma_semaphore, #tpu.memory_space<semaphore_mem>>
        tpu.enqueue_indirect_dma source(%dma_start3A_1356 : memref<128x128xf32, #tpu.memory_space<vmem>>) target(%dma_start3A_1362 : memref<10000x128xf32, #tpu.memory_space<vmem_shared>>) offsets(%dma_start3A_1359 : memref<128xi32, #tpu.memory_space<vmem>>) semaphore(%dma_start3A_1364 : memref<!tpu.dma_semaphore, #tpu.memory_space<semaphore_mem>>) {add = true}
      } else {
      }
      %add3A_1325 = arith.constant 4 : i32
      %add3A_1326 = arith.addi %add3A_1314, %add3A_1325 : i32
      %lt3A_1327 = arith.cmpi slt, %add3A_1326, %select_n3A : i32
      %convert_element_type3A_1328 = arith.extui %lt3A_1327 : i1 to i32
      %cond3A_1329 = arith.constant 0 : i32
      %cond3A_1330 = arith.cmpi ne, %convert_element_type3A_1328, %cond3A_1329 : i32
      scf.if %cond3A_1330 {
        %add3A_1331 = arith.constant 4 : i32
        %add3A_1332 = arith.addi %add3A_1314, %add3A_1331 : i32
        %mul3A_1333 = arith.constant 32 : i32
        %mul3A_1334 = arith.muli %add3A_1332, %mul3A_1333 : i32
        %add3A_1335 = arith.addi %add3A, %mul3A_1334 : i32
        %dma_start3A_1336 = arith.constant 3 : i32
        %dma_start3A_1337 = arith.constant 3 : i32
        %dma_start3A_1338 = arith.constant 0 : i32
        %dma_start3A_1339 = arith.constant 0 : i32
        %dma_start3A_1340 = tpu.memref_slice %arg6[%dma_start3A_1336, %dma_start3A_1338, %dma_start3A_1339] : memref<6x2x128xi32, #tpu.memory_space<vmem>> -> memref<1x2x128xi32, #tpu.memory_space<vmem>>
        %dma_start3A_1341 = tpu.memref_squeeze %dma_start3A_1340 : memref<1x2x128xi32, #tpu.memory_space<vmem>> -> memref<2x128xi32, #tpu.memory_space<vmem>>
        %dma_start3A_1342 = arith.constant 0 : i32
        %dma_start3A_1343 = arith.constant 0 : i32
        %dma_start3A_1344 = tpu.memref_slice %arg2[%add3A_1335, %dma_start3A_1342, %dma_start3A_1343] : memref<2500x2x128xi32, #tpu.memory_space<hbm>> -> memref<1x2x128xi32, #tpu.memory_space<hbm>>
        %dma_start3A_1345 = tpu.memref_squeeze %dma_start3A_1344 : memref<1x2x128xi32, #tpu.memory_space<hbm>> -> memref<2x128xi32, #tpu.memory_space<hbm>>
        %dma_start3A_1346 = tpu.memref_slice %arg8[%dma_start3A_1337] : memref<6x!tpu.dma_semaphore, #tpu.memory_space<semaphore_mem>> -> memref<1x!tpu.dma_semaphore, #tpu.memory_space<semaphore_mem>>
        %dma_start3A_1347 = tpu.memref_squeeze %dma_start3A_1346 : memref<1x!tpu.dma_semaphore, #tpu.memory_space<semaphore_mem>> -> memref<!tpu.dma_semaphore, #tpu.memory_space<semaphore_mem>>
        %dma_start3A_1348 = arith.constant 0 : i32
        %dma_start3A_1349 = arith.constant 0 : i32
        %dma_start3A_1350 = tpu.memref_slice %arg6[%dma_start3A_1336, %dma_start3A_1348, %dma_start3A_1349] : memref<6x2x128xi32, #tpu.memory_space<vmem>> -> memref<1x2x128xi32, #tpu.memory_space<vmem>>
        %dma_start3A_1351 = tpu.memref_squeeze %dma_start3A_1350 : memref<1x2x128xi32, #tpu.memory_space<vmem>> -> memref<2x128xi32, #tpu.memory_space<vmem>>
        %dma_start3A_1352 = arith.constant 0 : i32
        %dma_start3A_1353 = arith.constant 0 : i32
        %dma_start3A_1354 = tpu.memref_slice %arg2[%add3A_1335, %dma_start3A_1352, %dma_start3A_1353] : memref<2500x2x128xi32, #tpu.memory_space<hbm>> -> memref<1x2x128xi32, #tpu.memory_space<hbm>>
        %dma_start3A_1355 = tpu.memref_squeeze %dma_start3A_1354 : memref<1x2x128xi32, #tpu.memory_space<hbm>> -> memref<2x128xi32, #tpu.memory_space<hbm>>
        tpu.enqueue_dma source(%dma_start3A_1355 : memref<2x128xi32, #tpu.memory_space<hbm>>) target(%dma_start3A_1351 : memref<2x128xi32, #tpu.memory_space<vmem>>) target_semaphore(%dma_start3A_1347 : memref<!tpu.dma_semaphore, #tpu.memory_space<semaphore_mem>>)
      } else {
      }
    }
    %gt3A_1198 = arith.constant 0 : i32
    %gt3A_1199 = arith.cmpi sgt, %select_n3A, %gt3A_1198 : i32
    %convert_element_type3A_1200 = arith.extui %gt3A_1199 : i1 to i32
    %cond3A_1201 = arith.constant 0 : i32
    %cond3A_1202 = arith.cmpi ne, %convert_element_type3A_1200, %cond3A_1201 : i32
    scf.if %cond3A_1202 {
      %dma_wait3A_1219 = arith.constant 0 : i32
      %dma_wait3A_1220 = arith.constant 0 : i32
      %dma_wait3A_1221 = arith.constant 0 : i32
      %dma_wait3A_1222 = arith.constant 0 : i32
      %dma_wait3A_1223 = tpu.memref_slice %arg7[%dma_wait3A_1219, %dma_wait3A_1221, %dma_wait3A_1222] : memref<3x128x128xf32, #tpu.memory_space<vmem>> -> memref<1x128x128xf32, #tpu.memory_space<vmem>>
      %dma_wait3A_1224 = tpu.memref_squeeze %dma_wait3A_1223 : memref<1x128x128xf32, #tpu.memory_space<vmem>> -> memref<128x128xf32, #tpu.memory_space<vmem>>
      %dma_wait3A_1225 = arith.constant 0 : i32
      %dma_wait3A_1226 = arith.constant 0 : i32
      %dma_wait3A_1227 = tpu.memref_slice %arg5[%dma_wait3A_1225, %dma_wait3A_1226] : memref<10000x128xf32, #tpu.memory_space<vmem_shared>> -> memref<128x128xf32, #tpu.memory_space<vmem_shared>>
      %dma_wait3A_1228 = tpu.memref_slice %arg10[%dma_wait3A_1220] : memref<3x!tpu.dma_semaphore, #tpu.memory_space<semaphore_mem>> -> memref<1x!tpu.dma_semaphore, #tpu.memory_space<semaphore_mem>>
      %dma_wait3A_1229 = tpu.memref_squeeze %dma_wait3A_1228 : memref<1x!tpu.dma_semaphore, #tpu.memory_space<semaphore_mem>> -> memref<!tpu.dma_semaphore, #tpu.memory_space<semaphore_mem>>
      %dma_wait3A_1230 = arith.constant 0 : i32
      %dma_wait3A_1231 = arith.constant 0 : i32
      %dma_wait3A_1232 = tpu.memref_slice %arg5[%dma_wait3A_1230, %dma_wait3A_1231] : memref<10000x128xf32, #tpu.memory_space<vmem_shared>> -> memref<128x128xf32, #tpu.memory_space<vmem_shared>>
      %dma_wait3A_1233 = arith.constant 0 : i32
      %dma_wait3A_1234 = arith.constant 0 : i32
      %dma_wait3A_1235 = tpu.memref_slice %arg7[%dma_wait3A_1219, %dma_wait3A_1233, %dma_wait3A_1234] : memref<3x128x128xf32, #tpu.memory_space<vmem>> -> memref<1x128x128xf32, #tpu.memory_space<vmem>>
      %dma_wait3A_1236 = tpu.memref_squeeze %dma_wait3A_1235 : memref<1x128x128xf32, #tpu.memory_space<vmem>> -> memref<128x128xf32, #tpu.memory_space<vmem>>
      tpu.wait_dma2 semaphore(%dma_wait3A_1229 : memref<!tpu.dma_semaphore, #tpu.memory_space<semaphore_mem>>) src(%dma_wait3A_1236 : memref<128x128xf32, #tpu.memory_space<vmem>>) dst(%dma_wait3A_1232 : memref<128x128xf32, #tpu.memory_space<vmem_shared>>)
    } else {
    }
    %gt3A_1203 = arith.constant 1 : i32
    %gt3A_1204 = arith.cmpi sgt, %select_n3A, %gt3A_1203 : i32
    %convert_element_type3A_1205 = arith.extui %gt3A_1204 : i1 to i32
    %cond3A_1206 = arith.constant 0 : i32
    %cond3A_1207 = arith.cmpi ne, %convert_element_type3A_1205, %cond3A_1206 : i32
    scf.if %cond3A_1207 {
      %dma_wait3A_1219 = arith.constant 1 : i32
      %dma_wait3A_1220 = arith.constant 1 : i32
      %dma_wait3A_1221 = arith.constant 0 : i32
      %dma_wait3A_1222 = arith.constant 0 : i32
      %dma_wait3A_1223 = tpu.memref_slice %arg7[%dma_wait3A_1219, %dma_wait3A_1221, %dma_wait3A_1222] : memref<3x128x128xf32, #tpu.memory_space<vmem>> -> memref<1x128x128xf32, #tpu.memory_space<vmem>>
      %dma_wait3A_1224 = tpu.memref_squeeze %dma_wait3A_1223 : memref<1x128x128xf32, #tpu.memory_space<vmem>> -> memref<128x128xf32, #tpu.memory_space<vmem>>
      %dma_wait3A_1225 = arith.constant 0 : i32
      %dma_wait3A_1226 = arith.constant 0 : i32
      %dma_wait3A_1227 = tpu.memref_slice %arg5[%dma_wait3A_1225, %dma_wait3A_1226] : memref<10000x128xf32, #tpu.memory_space<vmem_shared>> -> memref<128x128xf32, #tpu.memory_space<vmem_shared>>
      %dma_wait3A_1228 = tpu.memref_slice %arg10[%dma_wait3A_1220] : memref<3x!tpu.dma_semaphore, #tpu.memory_space<semaphore_mem>> -> memref<1x!tpu.dma_semaphore, #tpu.memory_space<semaphore_mem>>
      %dma_wait3A_1229 = tpu.memref_squeeze %dma_wait3A_1228 : memref<1x!tpu.dma_semaphore, #tpu.memory_space<semaphore_mem>> -> memref<!tpu.dma_semaphore, #tpu.memory_space<semaphore_mem>>
      %dma_wait3A_1230 = arith.constant 0 : i32
      %dma_wait3A_1231 = arith.constant 0 : i32
      %dma_wait3A_1232 = tpu.memref_slice %arg5[%dma_wait3A_1230, %dma_wait3A_1231] : memref<10000x128xf32, #tpu.memory_space<vmem_shared>> -> memref<128x128xf32, #tpu.memory_space<vmem_shared>>
      %dma_wait3A_1233 = arith.constant 0 : i32
      %dma_wait3A_1234 = arith.constant 0 : i32
      %dma_wait3A_1235 = tpu.memref_slice %arg7[%dma_wait3A_1219, %dma_wait3A_1233, %dma_wait3A_1234] : memref<3x128x128xf32, #tpu.memory_space<vmem>> -> memref<1x128x128xf32, #tpu.memory_space<vmem>>
      %dma_wait3A_1236 = tpu.memref_squeeze %dma_wait3A_1235 : memref<1x128x128xf32, #tpu.memory_space<vmem>> -> memref<128x128xf32, #tpu.memory_space<vmem>>
      tpu.wait_dma2 semaphore(%dma_wait3A_1229 : memref<!tpu.dma_semaphore, #tpu.memory_space<semaphore_mem>>) src(%dma_wait3A_1236 : memref<128x128xf32, #tpu.memory_space<vmem>>) dst(%dma_wait3A_1232 : memref<128x128xf32, #tpu.memory_space<vmem_shared>>)
    } else {
    }
    %gt3A_1208 = arith.constant 2 : i32
    %gt3A_1209 = arith.cmpi sgt, %select_n3A, %gt3A_1208 : i32
    %convert_element_type3A_1210 = arith.extui %gt3A_1209 : i1 to i32
    %cond3A_1211 = arith.constant 0 : i32
    %cond3A_1212 = arith.cmpi ne, %convert_element_type3A_1210, %cond3A_1211 : i32
    scf.if %cond3A_1212 {
      %dma_wait3A_1219 = arith.constant 2 : i32
      %dma_wait3A_1220 = arith.constant 2 : i32
      %dma_wait3A_1221 = arith.constant 0 : i32
      %dma_wait3A_1222 = arith.constant 0 : i32
      %dma_wait3A_1223 = tpu.memref_slice %arg7[%dma_wait3A_1219, %dma_wait3A_1221, %dma_wait3A_1222] : memref<3x128x128xf32, #tpu.memory_space<vmem>> -> memref<1x128x128xf32, #tpu.memory_space<vmem>>
      %dma_wait3A_1224 = tpu.memref_squeeze %dma_wait3A_1223 : memref<1x128x128xf32, #tpu.memory_space<vmem>> -> memref<128x128xf32, #tpu.memory_space<vmem>>
      %dma_wait3A_1225 = arith.constant 0 : i32
      %dma_wait3A_1226 = arith.constant 0 : i32
      %dma_wait3A_1227 = tpu.memref_slice %arg5[%dma_wait3A_1225, %dma_wait3A_1226] : memref<10000x128xf32, #tpu.memory_space<vmem_shared>> -> memref<128x128xf32, #tpu.memory_space<vmem_shared>>
      %dma_wait3A_1228 = tpu.memref_slice %arg10[%dma_wait3A_1220] : memref<3x!tpu.dma_semaphore, #tpu.memory_space<semaphore_mem>> -> memref<1x!tpu.dma_semaphore, #tpu.memory_space<semaphore_mem>>
      %dma_wait3A_1229 = tpu.memref_squeeze %dma_wait3A_1228 : memref<1x!tpu.dma_semaphore, #tpu.memory_space<semaphore_mem>> -> memref<!tpu.dma_semaphore, #tpu.memory_space<semaphore_mem>>
      %dma_wait3A_1230 = arith.constant 0 : i32
      %dma_wait3A_1231 = arith.constant 0 : i32
      %dma_wait3A_1232 = tpu.memref_slice %arg5[%dma_wait3A_1230, %dma_wait3A_1231] : memref<10000x128xf32, #tpu.memory_space<vmem_shared>> -> memref<128x128xf32, #tpu.memory_space<vmem_shared>>
      %dma_wait3A_1233 = arith.constant 0 : i32
      %dma_wait3A_1234 = arith.constant 0 : i32
      %dma_wait3A_1235 = tpu.memref_slice %arg7[%dma_wait3A_1219, %dma_wait3A_1233, %dma_wait3A_1234] : memref<3x128x128xf32, #tpu.memory_space<vmem>> -> memref<1x128x128xf32, #tpu.memory_space<vmem>>
      %dma_wait3A_1236 = tpu.memref_squeeze %dma_wait3A_1235 : memref<1x128x128xf32, #tpu.memory_space<vmem>> -> memref<128x128xf32, #tpu.memory_space<vmem>>
      tpu.wait_dma2 semaphore(%dma_wait3A_1229 : memref<!tpu.dma_semaphore, #tpu.memory_space<semaphore_mem>>) src(%dma_wait3A_1236 : memref<128x128xf32, #tpu.memory_space<vmem>>) dst(%dma_wait3A_1232 : memref<128x128xf32, #tpu.memory_space<vmem_shared>>)
    } else {
    }
    %barrier3A_1213 = arith.constant 0 : index
    tpu.barrier barrier_id(%barrier3A_1213)
    "tpu.region"() ({
      %run_scoped3A = tpu.sem_alloc : memref<!tpu.dma_semaphore, #tpu.memory_space<semaphore_mem>>
      %dma_start3A_1219 = arith.constant 0 : i32
      %dma_start3A_1220 = tpu.memref_slice %arg4[%arg0, %mul3A_2, %dma_start3A_1219] : memref<2x10000x128xf32, #tpu.memory_space<hbm>> -> memref<1x624x128xf32, #tpu.memory_space<hbm>>
      %dma_start3A_1221 = tpu.memref_squeeze %dma_start3A_1220 : memref<1x624x128xf32, #tpu.memory_space<hbm>> -> memref<624x128xf32, #tpu.memory_space<hbm>>
      %dma_start3A_1222 = arith.constant 0 : i32
      %dma_start3A_1223 = tpu.memref_slice %arg5[%mul3A_2, %dma_start3A_1222] : memref<10000x128xf32, #tpu.memory_space<vmem_shared>> -> memref<624x128xf32, #tpu.memory_space<vmem_shared>>
      tpu.enqueue_dma source(%dma_start3A_1223 : memref<624x128xf32, #tpu.memory_space<vmem_shared>>) target(%dma_start3A_1221 : memref<624x128xf32, #tpu.memory_space<hbm>>) target_semaphore(%run_scoped3A : memref<!tpu.dma_semaphore, #tpu.memory_space<semaphore_mem>>)
      %dma_wait3A_1224 = arith.constant 0 : i32
      %dma_wait3A_1225 = tpu.memref_slice %arg4[%arg0, %mul3A_2, %dma_wait3A_1224] : memref<2x10000x128xf32, #tpu.memory_space<hbm>> -> memref<1x624x128xf32, #tpu.memory_space<hbm>>
      %dma_wait3A_1226 = tpu.memref_squeeze %dma_wait3A_1225 : memref<1x624x128xf32, #tpu.memory_space<hbm>> -> memref<624x128xf32, #tpu.memory_space<hbm>>
      %dma_wait3A_1227 = arith.constant 0 : i32
      %dma_wait3A_1228 = tpu.memref_slice %arg5[%mul3A_2, %dma_wait3A_1227] : memref<10000x128xf32, #tpu.memory_space<vmem_shared>> -> memref<624x128xf32, #tpu.memory_space<vmem_shared>>
      tpu.wait_dma2 semaphore(%run_scoped3A : memref<!tpu.dma_semaphore, #tpu.memory_space<semaphore_mem>>) src(%dma_wait3A_1228 : memref<624x128xf32, #tpu.memory_space<vmem_shared>>) dst(%dma_wait3A_1226 : memref<624x128xf32, #tpu.memory_space<hbm>>)
      tpu.yield
    }) : () -> ()
    %eq3A_1214 = arith.constant 15 : i32
    %eq3A_1215 = arith.cmpi eq, %arg1, %eq3A_1214 : i32
    %convert_element_type3A_1216 = arith.extui %eq3A_1215 : i1 to i32
    %cond3A_1217 = arith.constant 0 : i32
    %cond3A_1218 = arith.cmpi ne, %convert_element_type3A_1216, %cond3A_1217 : i32
    scf.if %cond3A_1218 {
      "tpu.region"() ({
        %run_scoped3A = tpu.sem_alloc : memref<!tpu.dma_semaphore, #tpu.memory_space<semaphore_mem>>
        %dma_start3A_1219 = arith.constant 9984 : i32
        %dma_start3A_1220 = arith.constant 0 : i32
        %dma_start3A_1221 = tpu.memref_slice %arg4[%arg0, %dma_start3A_1219, %dma_start3A_1220] : memref<2x10000x128xf32, #tpu.memory_space<hbm>> -> memref<1x16x128xf32, #tpu.memory_space<hbm>>
        %dma_start3A_1222 = tpu.memref_squeeze %dma_start3A_1221 : memref<1x16x128xf32, #tpu.memory_space<hbm>> -> memref<16x128xf32, #tpu.memory_space<hbm>>
        %dma_start3A_1223 = arith.constant 9984 : i32
        %dma_start3A_1224 = arith.constant 0 : i32
        %dma_start3A_1225 = tpu.memref_slice %arg5[%dma_start3A_1223, %dma_start3A_1224] : memref<10000x128xf32, #tpu.memory_space<vmem_shared>> -> memref<16x128xf32, #tpu.memory_space<vmem_shared>>
        tpu.enqueue_dma source(%dma_start3A_1225 : memref<16x128xf32, #tpu.memory_space<vmem_shared>>) target(%dma_start3A_1222 : memref<16x128xf32, #tpu.memory_space<hbm>>) target_semaphore(%run_scoped3A : memref<!tpu.dma_semaphore, #tpu.memory_space<semaphore_mem>>)
        %dma_wait3A_1226 = arith.constant 9984 : i32
        %dma_wait3A_1227 = arith.constant 0 : i32
        %dma_wait3A_1228 = tpu.memref_slice %arg4[%arg0, %dma_wait3A_1226, %dma_wait3A_1227] : memref<2x10000x128xf32, #tpu.memory_space<hbm>> -> memref<1x16x128xf32, #tpu.memory_space<hbm>>
        %dma_wait3A_1229 = tpu.memref_squeeze %dma_wait3A_1228 : memref<1x16x128xf32, #tpu.memory_space<hbm>> -> memref<16x128xf32, #tpu.memory_space<hbm>>
        %dma_wait3A_1230 = arith.constant 9984 : i32
        %dma_wait3A_1231 = arith.constant 0 : i32
        %dma_wait3A_1232 = tpu.memref_slice %arg5[%dma_wait3A_1230, %dma_wait3A_1231] : memref<10000x128xf32, #tpu.memory_space<vmem_shared>> -> memref<16x128xf32, #tpu.memory_space<vmem_shared>>
        tpu.wait_dma2 semaphore(%run_scoped3A : memref<!tpu.dma_semaphore, #tpu.memory_space<semaphore_mem>>) src(%dma_wait3A_1232 : memref<16x128xf32, #tpu.memory_space<vmem_shared>>) dst(%dma_wait3A_1229 : memref<16x128xf32, #tpu.memory_space<hbm>>)
        tpu.yield
      }) : () -> ()
    } else {
    }
    return
  }
}

module attributes {stable_mosaic.version = 14 : i64} {
  func.func @body(%arg0: i32, %arg1: memref<2x1000x128xf32, #tpu.memory_space<vmem>>, %arg2: memref<1000x128xf32, #tpu.memory_space<vmem>>, %arg3: memref<128x128xf32, #tpu.memory_space<vmem>>, %arg4: memref<128x128xf32, #tpu.memory_space<vmem>>, %arg5: memref<1x128xf32, #tpu.memory_space<vmem>>, %arg6: memref<1000x128xf32, #tpu.memory_space<vmem>>) attributes {dimension_semantics = [#tpu.dimension_semantics<arbitrary>], iteration_bounds = array<i64: 10>, scalar_prefetch = 0 : i64, scratch_operands = 0 : i64, tpu.core_type = #tpu.core_type<tc>, window_params = [{transform_indices = @transform_0, window_bounds = array<i64: 2, 1000, 128>}, {transform_indices = @transform_1, window_bounds = array<i64: 1000, 128>}, {pipeline_mode = #tpu.pipeline_mode<synchronous>, transform_indices = @transform_2, window_bounds = array<i64: 128, 128>}, {pipeline_mode = #tpu.pipeline_mode<synchronous>, transform_indices = @transform_3, window_bounds = array<i64: 128, 128>}, {pipeline_mode = #tpu.pipeline_mode<synchronous>, transform_indices = @transform_4, window_bounds = array<i64: 1, 128>}, {transform_indices = @transform_5, window_bounds = array<i64: 1000, 128>}]} {
    %get3A = arith.constant 0 : index
    %get3A_0 = arith.constant 0 : index
    %get3A_1 = arith.constant 0 : index
    %get3A_2 = vector.load %arg1[%get3A, %get3A_0, %get3A_1] : memref<2x1000x128xf32, #tpu.memory_space<vmem>>, vector<1x1000x128xf32>
    %get3A_3 = vector.shape_cast %get3A_2 : vector<1x1000x128xf32> to vector<1000x128xf32>
    %get3A_4 = arith.constant 1 : index
    %get3A_5 = arith.constant 0 : index
    %get3A_6 = arith.constant 0 : index
    %get3A_7 = vector.load %arg1[%get3A_4, %get3A_5, %get3A_6] : memref<2x1000x128xf32, #tpu.memory_space<vmem>>, vector<1x1000x128xf32>
    %get3A_8 = vector.shape_cast %get3A_7 : vector<1x1000x128xf32> to vector<1000x128xf32>
    %add3A = arith.addf %get3A_3, %get3A_8 : vector<1000x128xf32>
    %get3A_9 = arith.constant 0 : index
    %get3A_10 = arith.constant 0 : index
    %get3A_11 = vector.load %arg3[%get3A_9, %get3A_10] : memref<128x128xf32, #tpu.memory_space<vmem>>, vector<128x128xf32>
    %dot_general3A = arith.constant dense<0.000000e+00> : vector<1000x128xf32>
    %dot_general3A_12 = tpu.matmul %add3A, %get3A_11, %dot_general3A {dimension_numbers = #tpu.dot_dimension_numbers<[1], [1], [0], [0], [0, 0, 1, 0], [], []>, transpose_lhs_hint = false} : vector<1000x128xf32>, vector<128x128xf32>, vector<1000x128xf32> -> vector<1000x128xf32>
    %get3A_13 = arith.constant 0 : index
    %get3A_14 = arith.constant 0 : index
    %get3A_15 = vector.load %arg2[%get3A_13, %get3A_14] : memref<1000x128xf32, #tpu.memory_space<vmem>>, vector<1000x128xf32>
    %get3A_16 = arith.constant 0 : index
    %get3A_17 = arith.constant 0 : index
    %get3A_18 = vector.load %arg4[%get3A_16, %get3A_17] : memref<128x128xf32, #tpu.memory_space<vmem>>, vector<128x128xf32>
    %dot_general3A_19 = arith.constant dense<0.000000e+00> : vector<1000x128xf32>
    %dot_general3A_20 = tpu.matmul %get3A_15, %get3A_18, %dot_general3A_19 {dimension_numbers = #tpu.dot_dimension_numbers<[1], [1], [0], [0], [0, 0, 1, 0], [], []>, transpose_lhs_hint = false} : vector<1000x128xf32>, vector<128x128xf32>, vector<1000x128xf32> -> vector<1000x128xf32>
    %add3A_21 = arith.addf %dot_general3A_12, %dot_general3A_20 : vector<1000x128xf32>
    %get3A_22 = arith.constant 0 : index
    %get3A_23 = arith.constant 0 : index
    %get3A_24 = vector.load %arg5[%get3A_22, %get3A_23] : memref<1x128xf32, #tpu.memory_space<vmem>>, vector<1x128xf32>
    %add3A_25 = vector.broadcast %get3A_24 : vector<1x128xf32> to vector<1000x128xf32>
    %add3A_26 = arith.addf %add3A_21, %add3A_25 : vector<1000x128xf32>
    %swap3A = arith.constant 0 : index
    %swap3A_27 = arith.constant 0 : index
    %swap3A_28 = vector.load %arg6[%swap3A, %swap3A_27] : memref<1000x128xf32, #tpu.memory_space<vmem>>, vector<1000x128xf32>
    tpu.vector_store %arg6[%swap3A, %swap3A_27], %add3A_26 {strides = array<i32>} : memref<1000x128xf32, #tpu.memory_space<vmem>>, vector<1000x128xf32>,
    return
  }
  func.func @transform_0(%arg0: i32) -> (i32, i32, i32) {
    %c0_i32 = arith.constant 0 : i32
    %c0_i32_0 = arith.constant 0 : i32
    %c0_i32_1 = arith.constant 0 : i32
    return %c0_i32, %arg0, %c0_i32_0 : i32, i32, i32
  }
  func.func @transform_1(%arg0: i32) -> (i32, i32) {
    %c0_i32 = arith.constant 0 : i32
    %c0_i32_0 = arith.constant 0 : i32
    return %arg0, %c0_i32 : i32, i32
  }
  func.func @transform_2(%arg0: i32) -> (i32, i32) {
    %c0_i32 = arith.constant 0 : i32
    %c0_i32_0 = arith.constant 0 : i32
    %c0_i32_1 = arith.constant 0 : i32
    return %c0_i32, %c0_i32_0 : i32, i32
  }
  func.func @transform_3(%arg0: i32) -> (i32, i32) {
    %c0_i32 = arith.constant 0 : i32
    %c0_i32_0 = arith.constant 0 : i32
    %c0_i32_1 = arith.constant 0 : i32
    return %c0_i32, %c0_i32_0 : i32, i32
  }
  func.func @transform_4(%arg0: i32) -> (i32, i32) {
    %c0_i32 = arith.constant 0 : i32
    %c0_i32_0 = arith.constant 0 : i32
    %c0_i32_1 = arith.constant 0 : i32
    return %c0_i32, %c0_i32_0 : i32, i32
  }
  func.func @transform_5(%arg0: i32) -> (i32, i32) {
    %c0_i32 = arith.constant 0 : i32
    %c0_i32_0 = arith.constant 0 : i32
    return %arg0, %c0_i32 : i32, i32
  }
}

</mosaic_0001>

<sc_bundles>
// kernel: kernel.4.cloned.1.call-start
scs
__scs_entry_jumppad:
0x0: {  	(pc) =	sbr.rel $0x88, $3  }
0x1: {  	(tag) =	ssettag $0x0;
	lr =	simm.s32 $0x1  }
0x2: {  	[smem:$0x3F9B] =	sst lr;
	_ =	strace $0xD0000000  }
0x3: {  	_ = 	snop  }
0x4: {  	_ = 	snop  }
0x5: {  	_ = 	snop  }
0x6: {  	_ = 	snop  }
0x7: {  	_ = 	snop  }
__scs_overlays_trampoline_lowered:
0x8: {  	[smem:$0x3FAA] =	sst s0  }
0x9: {  	[smem:$0x3FAB] =	sst s1  }
0xa: {  	[smem:$0x3FAC] =	sst s2  }
0xb: {  	[smem:$0x3FAD] =	sst s3  }
0xc: {  	[smem:$0x3FAE] =	sst s4  }
0xd: {  	[smem:$0x3FAF] =	sst s5  }
0xe: {  	[smem:$0x3FB0] =	sst s6  }
0xf: {  	[smem:$0x3FB1] =	sst s7  }
0x10: {  	[smem:$0x3FB2] =	sst s8  }
0x11: {  	[smem:$0x3FB3] =	sst s9;
	s0 =	simm.s32 @!p0 $0x0  }
0x12: {  	s1 =	sld [smem:$0x3F99];
	s0 =	simm.s32 @p0 $0x1  }
0x13: {  	[smem:$0x3FB4] =	sst s0;
	s0 =	simm.s32 @!p1 $0x0  }
0x14: {  	s2 =	sld [smem:$0x3F98];
	s0 =	simm.s32 @p1 $0x1  }
0x15: {  	[smem:$0x3FB5] =	sst s0;
	s0 =	simm.s32 @!p2 $0x0  }
0x16: {  	s3 =	sld [smem:$0x3FDB];
	s0 =	simm.s32 @p2 $0x1  }
0x17: {  	s4 =	simm.s32 $0x1BF5;
	[smem:$0x3FB7] =	sst s0  }
0x18: {  	s0 =	sld [smem:$0x3F9A];
	_ =	swait.ge [sflag:s4], $0x0  }
0x19: {  	s7 =	sld [smem:$0x3F9B]  }
0x1a: {  	s8 =	sadd.s32 $0xFFFFE003, lr  }
0x1b: {  	s9 =	sadd.s32 $0xFFFFFEF7, lr;
	s5 =	simm.s32 $0xFFFFFFFF;
	p2 =	slt.u32 s8, $0xFFFFF086  }
0x1c: {  	p1 =	slt.u32 s9, $0xF7A;
	s5 =	simm.s32 @!p2 $0x0  }
0x1d: {  	s5 =	simm.s32 @p1 $0x1;
	p0 =	seq.s32 s7, s2  }
0x1e: {  	s7 =	smul.u32 @!p0 $0xF7A, s2;
	p2 =	seq.s32 @!p0 s5, $0x0  }
0x1f: {  	s9 =	smul.u32 $0xF7A, s1;
	s8 =	simm.s32 @!p0 $0x1BF5;
	p2 =	por !p2, p0  }
0x20: {  	[sflag:s8] =	ssyncset.s32 @!p0 $0xFFFFF086;
	s6 =	sadd.s32 @!p0 s3, s7;
	s7 =	simm.s32 @!p0 $0x108  }
0x21: {  	s3 =	sadd.s32 s3, s9;
	s6 =	sadd.s32 @!p0 $0x88, s6;
	s7 =	simm.s32 @p2 $0x1082  }
0x22: {  	[simem:s7], [sflag:s8] =	dma.local @!p0 [hbm:s6], $0xF7A  }
0x23: {  	s9 =	sor.u32 $0xD0000000, s2;
	s6 =	simm.s32 $0x108;
	_ =	swait.ge @!p0 [sflag:s8], $0x0  }
0x24: {  	s3 =	sadd.s32 $0x88, s3;
	s6 =	simm.s32 @!p1 $0x1082;
	[sflag:s4] =	ssyncset.s32 $0xFFFFF086  }
0x25: {  	[simem:s6], [sflag:s4] =	dma.local [hbm:s3], $0xF7A  }
0x26: {  	[smem:$0x3F9B] =	sst s1;
	(tag) =	ssettag s2;
	_ =	strace s9  }
0x27: {  	s1 =	sld [smem:$0x3FAB]  }
0x28: {  	s2 =	sld [smem:$0x3FAC]  }
0x29: {  	s4 =	sld [smem:$0x3FAE]  }
0x2a: {  	p0 =	seq.s32 s5, $0x0;
	s5 =	sld [smem:$0x3FAF]  }
0x2b: {  	s6 =	sld [smem:$0x3FB0]  }
0x2c: {  	s7 =	sld [smem:$0x3FB1]  }
0x2d: {  	s3 =	simm.s32 $0x108;
	s8 =	sld [smem:$0x3FB2]  }
0x2e: {  	s3 =	simm.s32 @!p0 $0x1082;
	s9 =	sld [smem:$0x3FB3]  }
0x2f: {  	lr =	sadd.s32 s0, s3;
	s0 =	sld [smem:$0x3FAA]  }
0x30: {  	s3 =	sld [smem:$0x3FAD]  }
0x31: {  	[smem:$0x3FB6] =	sst s10  }
0x32: {  	s10 =	sld [smem:$0x3FB4];
	_ =	sdelay $0x3  }
0x33: {  	p0 =	seq.s32 s10, $0x1;
	s10 =	sld [smem:$0x3FB6];
	_ =	sdelay $0x3  }
0x34: {  	[smem:$0x3FB6] =	sst s10  }
0x35: {  	s10 =	sld [smem:$0x3FB5];
	_ =	sdelay $0x3  }
0x36: {  	p1 =	seq.s32 s10, $0x1;
	s10 =	sld [smem:$0x3FB6];
	_ =	sdelay $0x3  }
0x37: {  	[smem:$0x3FB6] =	sst s10  }
0x38: {  	s10 =	sld [smem:$0x3FB7]  }
0x39: {  	_ = 	snop;
	(pc) =	sbr.ind lr, $3  }
0x3a: {  	_ = 	snop  }
0x3b: {  	_ = 	snop  }
0x3c: {  	p2 =	seq.s32 s10, $0x1;
	s10 =	sld [smem:$0x3FB6]  }
0x3d: {  	_ =	shalt  }
0x3e: {  	_ =	shalt  }
0x3f: {  	_ =	shalt  }
0x40: {  	_ =	shalt  }
0x41: {  	_ =	shalt  }
0x42: {  	_ =	shalt  }
0x43: {  	_ =	shalt  }
0x44: {  	_ =	shalt  }
0x45: {  	_ =	shalt  }
0x46: {  	_ =	shalt  }
0x47: {  	_ =	shalt  }
0x48: {  	_ =	shalt  }
0x49: {  	_ =	shalt  }
0x4a: {  	_ =	shalt  }
0x4b: {  	_ =	shalt  }
0x4c: {  	_ =	shalt  }
0x4d: {  	_ =	shalt  }
0x4e: {  	_ =	shalt  }
0x4f: {  	_ =	shalt  }
0x50: {  	_ =	shalt  }
0x51: {  	_ =	shalt  }
0x52: {  	_ =	shalt  }
0x53: {  	_ =	shalt  }
0x54: {  	_ =	shalt  }
0x55: {  	_ =	shalt  }
0x56: {  	_ =	shalt  }
0x57: {  	_ =	shalt  }
0x58: {  	_ =	shalt  }
0x59: {  	_ =	shalt  }
0x5a: {  	_ =	shalt  }
0x5b: {  	_ =	shalt  }
0x5c: {  	_ =	shalt  }
0x5d: {  	_ =	shalt  }
0x5e: {  	_ =	shalt  }
0x5f: {  	_ =	shalt  }
0x60: {  	_ =	shalt  }
0x61: {  	_ =	shalt  }
0x62: {  	_ =	shalt  }
0x63: {  	_ =	shalt  }
0x64: {  	_ =	shalt  }
0x65: {  	_ =	shalt  }
0x66: {  	_ =	shalt  }
0x67: {  	_ =	shalt  }
0x68: {  	_ =	shalt  }
0x69: {  	_ =	shalt  }
0x6a: {  	_ =	shalt  }
0x6b: {  	_ =	shalt  }
0x6c: {  	_ =	shalt  }
0x6d: {  	_ =	shalt  }
0x6e: {  	_ =	shalt  }
0x6f: {  	_ =	shalt  }
0x70: {  	_ =	shalt  }
0x71: {  	_ =	shalt  }
0x72: {  	_ =	shalt  }
0x73: {  	_ =	shalt  }
0x74: {  	_ =	shalt  }
0x75: {  	_ =	shalt  }
0x76: {  	_ =	shalt  }
0x77: {  	_ =	shalt  }
0x78: {  	_ =	shalt  }
0x79: {  	_ =	shalt  }
0x7a: {  	_ =	shalt  }
0x7b: {  	_ =	shalt  }
0x7c: {  	_ =	shalt  }
0x7d: {  	_ =	shalt  }
0x7e: {  	_ =	shalt  }
0x7f: {  	_ =	shalt  }
0x80: {  	_ =	shalt  }
0x81: {  	_ =	shalt  }
0x82: {  	_ =	shalt  }
0x83: {  	_ =	shalt  }
0x84: {  	_ =	shalt  }
0x85: {  	_ =	shalt  }
0x86: {  	_ =	shalt  }
0x87: {  	_ =	shalt  }
.Lfunc_end0:
.L_simem_size_0:
called_computation_lowered:
.L_overlay_start_0:
0x88: {  	s2 =	sld [smem:$0x3FD9]  }
0x89: {  	s3 =	sld [smem:$0x3FFE];
	_ =	sdelay $0x1  }
0x8a: {  	s1 =	srdreg.scid  }
0x8b: {  	s0 =	sand.u32 $0x1, s1  }
0x8c: {  	s17 =	sshll.u32 s0, $0xA;
	s2 =	sadd.s32 s3, s2  }
0x8d: {  	s2 =	sadd.s32 s2, s17  }
0x8e: {  	[smem:$0x3FC2] =	sst s2  }
0x8f: {  	_ = 	snop  }
0x90: {  	s2 =	sld [smem:$0x3FC9]  }
0x91: {  	s18 =	sld [smem:$0x3FC8];
	(tm) =	ssettm $0x1  }
0x92: {  	s4 =	sld [smem:$0x3FFB];
	_ =	sdelay $0x3  }
0x93: {  	_ =	strace s4  }
0x94: {  	s4 =	sld [smem:$0x3FFC];
	_ =	sdelay $0x3  }
0x95: {  	_ =	strace s4  }
0x96: {  	s4 =	sld [smem:$0x3FFD];
	_ =	sdelay $0x3  }
0x97: {  	_ =	strace s4  }
0x98: {  	_ =	strace $0x8FFFFFFF  }
0x99: {  	s19 =	sld [smem:$0x3FDB];
	_ =	sdelay $0x1  }
0x9a: {  	s5 =	simm.s32 $_scs_section_size  }
0x9b: {  	s6 =	simm.s32 $_size__tile_overlayer_lowered;
	s7 =	simm.s32 $_tile_overlayer_lowered  }
0x9c: {  	s22 =	simm.s32 $0x1BFF;
	s21 =	sshll.u32 s7, $0x1;
	s4 =	sadd.s32 s5, s19  }
0x9d: {  	s8 =	simm.s32 $0x0;
	s20 =	sshll.u32 s6, $0x1;
	s6 =	sadd.s32 s21, s4  }
0x9e: {  	[timem:s8], [sflag:s22] =	dma.local [hbm:s6], s20  }
0x9f: {  	_ =	swait.ge [sflag:s22], s20  }
0xa0: {  	s5 =	ssub.s32 $0x0, s20;
	[sflag:s22] =	ssyncset.done $0x0  }
0xa1: {  	[sflag:s22] =	ssyncadd.s32 s5;
	_ =	sdelay $0x1  }
0xa2: {  	s23 =	simm.s32 $0x1B8B  }
0xa3: {  	_ =	swait.ge [sflag:s23], $0x1  }
0xa4: {  	[sflag:s23] =	ssyncset.done $0x0  }
0xa5: {  	s25 =	simm.s32 $0x1B8E;
	s24 =	sld [smem:$0x3FFE];
	[sflag:s23] =	ssyncadd.s32 $0xFFFFFFFF  }
0xa6: {  	s26 =	simm.s32 $execute0_lowered;
	[smem:$0x3FD2] =	sst s25  }
0xa7: {  	s6 =	sshll.u32 s26, $0x1;
	_ =	strace $0x80000046;
	[dreg:$0x1] =	wrdreg $0xFFFFFFFF  }
0xa8: {  	s28 =	simm.s32 $_size_execute0_lowered;
	s4 =	sadd.s32 s4, s6;
	[dreg:$0x0] =	wrdreg $0x0  }
0xa9: {  	s6 =	sshll.u32 s28, $0x1;
	[dreg:$0x2] =	wrdreg s4  }
0xaa: {  	[dreg:$0x3] =	wrdreg s6  }
0xab: {  	[dreg:$0x4] =	wrdreg $0xC0  }
0xac: {  	_ =	task [dreg:s8], $0x5FFFF  }
0xad: {  	[dreg:$0x1] =	wrdreg $0xFFFFFFFF  }
0xae: {  	[dreg:$0x0] =	wrdreg $0x60  }
0xaf: {  	[dreg:$0x2] =	wrdreg s18  }
0xb0: {  	[dreg:$0x3] =	wrdreg s2  }
0xb1: {  	[dreg:$0x4] =	wrdreg s24  }
0xb2: {  	[dreg:$0x5] =	wrdreg $0x0  }
0xb3: {  	[dreg:$0x6] =	wrdreg $0x9  }
0xb4: {  	_ =	task.clear_ibuf [dreg:s8], $0x7FFFF;
	_ =	strace $0x90000046  }
0xb5: {  	s29 =	simm.s32 $0x9;
	_ =	strace $0x80000048  }
0xb6: {  	_ =	swait.ge [sflag:s29], $0x1  }
0xb7: {  	[sflag:s29] =	ssyncadd.s32 $0xFFFFFFFF  }
0xb8: {  	_ =	strace $0x90000048  }
0xb9: {  	_ =	sfence  }
0xba: {  	s30 =	sld [smem:$0x0];
	_ =	sdelay $0x2  }
0xbb: {  	s31 =	sshll.u32 s1, $0xD;
	s1 =	sshrl.u32 s1, $0x2  }
0xbc: {  	s3 =	sand.u32 $0x4000, s31;
	s1 =	sadd.s32 s1, s30  }
0xbd: {  	s0 =	sor.u32 s3, s0;
	s1 =	sshll.u32 s1, $0x11  }
0xbe: {  	s0 =	sor.u32 s1, s0  }
0xbf: {  	s0 =	sadd.s32 $0x8F2B, s0  }
0xc0: {  	[sflag:s0] =	ssyncadd.remote.s32 $0x1  }
0xc1: {  	_ =	sfence.sel $0xFFFF  }
0xc2: {  	[dreg:$0x0] =	wrdreg $0xFFFFFFFF;
	(pc) =	sbr.abs _section_cstart, $3  }
0xc3: {  	[dreg:$0x1] =	wrdreg $0xFFFFFFFF  }
0xc4: {  	_ =	task.clear_ibuf [dreg:s8], $0x2FFFF;
	_ =	strace $0x9FFFFFFF  }
0xc5: {  	(tm) =	ssettm $0x7FFFFFFF  }
tec
execute0_lowered:
.L_overlay_start_1:
0x0: {  	(tag) =	ssettag $0x1  }
0x1: {  	s1 =	rddreg [dreg:$0x0]  }
0x2: {  	s2 =	rddreg [dreg:$0x1]  }
0x3: {  	s0 =	rddreg [dreg:$0x2]  }
0x4: {  	s3 =	rddreg [dreg:$0x3]  }
0x5: {  	s5 =	simm.s32 $0x0;
	s4 =	srdreg.scid;
	s12 =	stileid.u32  }
0x6: {  	[smem:$0x7FF] =	sst s5;
	s4 =	sand.u32 $0x1, s4;
	s7 =	sshll.u32 s12, $0x1  }
0x7: {  	s10 =	smul.u32 $0x4E000, s12;
	_ =	strace $0x80000047;
	s7 =	sor.u32 s4, s7  }
0x8: {  	s6 =	ssub.s32 $0x2, s4;
	s9 =	ssub.s32 $0x9E3, s7;
	s7 =	sshll.u32 s7, $0x5  }
0x9: {  	s8 =	sshrl.u32 s6, $0x1;
	s18 =	sshrl.u32 s10, $0x2;
	s16 =	sadd.s32 s1, s7  }
0xa: {  	s8 =	ssub.s32 s6, s8;
	s7 =	sadd.s32 $0x400, s16;
	[dreg:$0x9] =	wrdreg s16  }
0xb: {  	s6 =	sshrl.u32 s9, $0x5;
	s17 =	sadd.s32 $0x800, s16;
	[dreg:$0xa] =	wrdreg s7  }
0xc: {  	s11 =	sadd.s32 s18, s3;
	s9 =	sadd.s32 $0xC00, s16;
	[dreg:$0xb] =	wrdreg s17  }
0xd: {  	s20 =	sadd.s32 $0x800, s11;
	[dreg:$0xc] =	wrdreg s9  }
0xe: {  	s21 =	sadd.s32 $0x1000, s11;
	[dreg:$0xd] =	wrdreg s20  }
0xf: {  	s23 =	sadd.s32 $0x1800, s11;
	[dreg:$0xe] =	wrdreg s21  }
0x10: {  	s24 =	sadd.s32 $0x2000, s11;
	[dreg:$0xf] =	wrdreg s23  }
0x11: {  	s25 =	sadd.s32 $0x2800, s11;
	[dreg:$0x10] =	wrdreg s24  }
0x12: {  	s22 =	smul.u32 $0x13800, s12;
	s26 =	sadd.s32 $0xFFFFFFFF, s6;
	[dreg:$0x11] =	wrdreg s25  }
0x13: {  	p0 =	sne.s32 s12, $0xF;
	s30 =	smax.u32 s8, $0x1;
	[dreg:$0x7] =	wrdreg s26  }
0x14: {  	s19 =	smul.u32 $0x138800, s4;
	s31 =	sadd.s32 $0xFFFFFFFE, s6;
	[dreg:$0x14] =	wrdreg s30  }
0x15: {  	s8 =	sshll.u32 s12, $0x9;
	s12 =	sadd.s32 $0xA000, s11;
	[dreg:$0x5] =	wrdreg s31  }
0x16: {  	s9 =	sadd.s32 s22, s19;
	s22 =	sadd.s32 $0x3000, s11;
	[smem:$0x7EB] =	sst s12  }
0x17: {  	s23 =	sadd.s32 $0x3800, s11;
	[dreg:$0x1b] =	wrdreg s22  }
0x18: {  	s24 =	sadd.s32 $0x4000, s11;
	[dreg:$0x1c] =	wrdreg s23  }
0x19: {  	s25 =	sadd.s32 $0x4800, s11;
	[dreg:$0x1d] =	wrdreg s24  }
0x1a: {  	s26 =	sadd.s32 $0x5000, s11;
	[dreg:$0x1e] =	wrdreg s25  }
0x1b: {  	s30 =	sadd.s32 $0x6800, s11;
	[dreg:$0x1f] =	wrdreg s26  }
0x1c: {  	s4 =	sshll.u32 s4, $0x8;
	s31 =	sadd.s32 $0x7000, s11;
	[smem:$0x7E4] =	sst s30  }
0x1d: {  	s4 =	sor.u32 s4, s8;
	s8 =	sadd.s32 $0x8800, s11;
	[smem:$0x7E5] =	sst s31  }
0x1e: {  	[smem:$0x7E8] =	sst s8;
	s22 =	sadd.s32 $0xF000, s11  }
0x1f: {  	s23 =	sadd.s32 $0xF800, s11;
	[smem:$0x7F5] =	sst s22  }
0x20: {  	s0 =	sadd.s32 $0x1000, s0;
	s24 =	sadd.s32 $0x10000, s11;
	[smem:$0x7F6] =	sst s23  }
0x21: {  	s7 =	sshrl.u32 s19, $0x3;
	s25 =	sadd.s32 $0x10800, s11;
	[smem:$0x7F7] =	sst s24  }
0x22: {  	s9 =	sshrl.u32 s9, $0x3;
	s26 =	sadd.s32 $0x11000, s11;
	[smem:$0x7F8] =	sst s25  }
0x23: {  	s7 =	sadd.s32 s0, s7;
	s30 =	sadd.s32 $0x12800, s11;
	[smem:$0x7F9] =	sst s26  }
0x24: {  	s10 =	sor.u32 $0x10000, s4;
	s31 =	sadd.s32 $0x13000, s11;
	[smem:$0x7FC] =	sst s30  }
0x25: {  	s16 =	sor.u32 $0xE000, s4;
	s0 =	sadd.s32 s0, s9;
	[smem:$0x7FD] =	sst s31  }
0x26: {  	s17 =	sor.u32 $0xA000, s4;
	s28 =	sadd.s32 $0x27000, s7;
	[dreg:$0x12] =	wrdreg s0  }
0x27: {  	s18 =	sor.u32 $0x8000, s4;
	s9 =	sadd.s32 $0xFFFFFFFD, s6;
	[dreg:$0x13] =	wrdreg s28  }
0x28: {  	s7 =	sor.u32 $0x12000, s4;
	s4 =	sor.u32 $0xC000, s4;
	[dreg:$0x6] =	wrdreg s9  }
0x29: {  	s14 =	sshrl.u32 s10, $0x3;
	s10 =	sadd.s32 $0x9800, s11;
	[dreg:$0x18] =	wrdreg s4  }
0x2a: {  	s19 =	sshrl.u32 s17, $0x3;
	s17 =	sadd.s32 $0xC800, s11;
	[smem:$0x7EA] =	sst s10  }
0x2b: {  	s20 =	sshrl.u32 s18, $0x3;
	s18 =	sadd.s32 $0xD000, s11;
	[smem:$0x7F0] =	sst s17  }
0x2c: {  	s15 =	sadd.s32 s14, s1;
	[smem:$0x7F1] =	sst s18  }
0x2d: {  	s21 =	sadd.s32 s20, s1;
	[dreg:$0x16] =	wrdreg s15  }
0x2e: {  	s29 =	sadd.s32 $0x5, s6;
	s28 =	sadd.s32 $0x5800, s11;
	[dreg:$0x1a] =	wrdreg s21  }
0x2f: {  	s0 =	smulhi.u32 $0x2AAAAAAB, s29;
	s29 =	sadd.s32 $0x6000, s11;
	[smem:$0x7E2] =	sst s28  }
0x30: {  	s4 =	sadd.s32 $0x7800, s11;
	[smem:$0x7E3] =	sst s29  }
0x31: {  	s13 =	sshrl.u32 s7, $0x3;
	s7 =	sadd.s32 $0x8000, s11;
	[smem:$0x7E6] =	sst s4  }
0x32: {  	s9 =	sadd.s32 $0x9000, s11;
	[smem:$0x7E7] =	sst s7  }
0x33: {  	s14 =	sadd.s32 $0xB000, s11;
	[smem:$0x7E9] =	sst s9  }
0x34: {  	s20 =	sadd.s32 $0xE000, s11;
	[smem:$0x7ED] =	sst s14  }
0x35: {  	s15 =	sadd.s32 $0xB800, s11;
	[smem:$0x7F3] =	sst s20  }
0x36: {  	s8 =	simm.s32 $0x13980;
	s21 =	sadd.s32 $0xE800, s11;
	[smem:$0x7EE] =	sst s15  }
0x37: {  	s17 =	simm.s32 $0xD;
	s28 =	sadd.s32 $0x11800, s11;
	[smem:$0x7F4] =	sst s21  }
0x38: {  	s29 =	sadd.s32 $0x12000, s11;
	s0 =	smul.u32 $0x6, s0;
	[smem:$0x7FA] =	sst s28  }
0x39: {  	s18 =	simm.s32 $0xA;
	s9 =	sadd.s32 $0x138000, s3;
	[smem:$0x7FB] =	sst s29  }
0x3a: {  	s4 =	simm.s32 $0x13880;
	[dreg:$0x8] =	wrdreg s0;
	s0 =	sadd.s32 s13, s1  }
0x3b: {  	s20 =	simm.s32 $0xC;
	s13 =	sadd.s32 $0xA800, s11;
	[dreg:$0x15] =	wrdreg s0  }
0x3c: {  	s0 =	sshrl.u32 s16, $0x3;
	[smem:$0x7EC] =	sst s13;
	s16 =	sadd.s32 $0xC000, s11  }
0x3d: {  	s7 =	simm.s32 $0x0;
	s0 =	sadd.s32 s0, s1;
	[smem:$0x7EF] =	sst s16  }
0x3e: {  	s21 =	simm.s32 $0xE;
	[dreg:$0x17] =	wrdreg s0;
	s0 =	sadd.s32 s19, s1  }
0x3f: {  	s13 =	simm.s32 $0x1BE80;
	s19 =	sadd.s32 $0xD800, s11;
	[dreg:$0x19] =	wrdreg s0  }
0x40: {  	v0 =	vimm.f32 $0.0e+00;
	s16 =	simm.s32 $0x2;
	[smem:$0x7F2] =	sst s19;
	s19 =	simm.s32 $0xB  }
.LBB2_1:
0x41: {  	s0 =	rddreg [dreg:$0x9]  }
0x42: {  	s28 =	rddreg [dreg:$0xa]  }
0x43: {  	[tilespmem:s4], [sflag:$0x1] =	stream.linear.gather [hbm4b:s0+s5], $0x100, $0x38;
	[tilespmem:$0x1FE80] =	vst v63  }
0x44: {  	s29 =	rddreg [dreg:$0xb]  }
0x45: {  	[tilespmem:s8], [sflag:$0x2] =	stream.linear.gather [hbm4b:s28+s5], $0x100, $0x38;
	[tilespmem:$0x1FE80] =	vst v63  }
0x46: {  	s10 =	simm.s32 $0x13A80;
	s30 =	rddreg [dreg:$0xc]  }
0x47: {  	[tilespmem:s10], [sflag:$0x3] =	stream.linear.gather [hbm4b:s29+s5], $0x100, $0x38;
	[tilespmem:$0x1FE80] =	vst v63  }
0x48: {  	s31 =	simm.s32 $0x13B80;
	s22 =	simm.s32 $0x200;
	s10 =	simm.s32 $0x0  }
0x49: {  	[tilespmem:s31], [sflag:$0x4] =	stream.linear.gather [hbm4b:s30+s5], $0x100, $0x38;
	[tilespmem:$0x1FE80] =	vst v63  }
.LBB2_2:
0x4a: {  	p1 =	sne.s32 s22, $0x1E00;
	[tilespmem:s10+$0x1BEF0] =	vst v0  }
0x4b: {  	[tilespmem:s10+$0x1BE80] =	vst v0  }
0x4c: {  	[tilespmem:s10+$0x1BE90] =	vst v0  }
.Ltmp0:
0x4d: {  	[tilespmem:s10+$0x1BEA0] =	vst v0;
	(pc) =	sbr.rel @p1 .LBB2_2-.Ltmp0, $4  }
0x4e: {  	[tilespmem:s10+$0x1BEB0] =	vst v0  }
0x4f: {  	[tilespmem:s10+$0x1BEC0] =	vst v0  }
0x50: {  	[tilespmem:s10+$0x1BED0] =	vst v0  }
0x51: {  	[tilespmem:s10+$0x1BEE0] =	vst v0;
	s10 =	sshra.s32 s22, $0x2;
	s22 =	sadd.s32 $0x200, s22  }
0x52: {  	[tilespmem:s10+$0x1BEF0] =	vst v0  }
0x53: {  	[tilespmem:s10+$0x1BE80] =	vst v0  }
0x54: {  	[tilespmem:s10+$0x1BE90] =	vst v0  }
0x55: {  	[tilespmem:s10+$0x1BEA0] =	vst v0  }
0x56: {  	[tilespmem:s10+$0x1BEB0] =	vst v0  }
0x57: {  	[tilespmem:s10+$0x1BEC0] =	vst v0  }
0x58: {  	[tilespmem:s10+$0x1BED0] =	vst v0  }
0x59: {  	[tilespmem:s10+$0x1BEE0] =	vst v0;
	s0 =	rddreg [dreg:$0xd]  }
0x5a: {  	[spmem:s11] =	stream.linear.scatter [tilespmem:s13], [sflag:$0xD], $0x800, $0x38;
	[tilespmem:$0x1FE80] =	vst v63  }
0x5b: {  	s15 =	rddreg [dreg:$0xe]  }
0x5c: {  	[spmem:s0] =	stream.linear.scatter [tilespmem:s13], [sflag:$0xD], $0x800, $0x38;
	[tilespmem:$0x1FE80] =	vst v63  }
0x5d: {  	s22 =	rddreg [dreg:$0xf]  }
0x5e: {  	[spmem:s15] =	stream.linear.scatter [tilespmem:s13], [sflag:$0xD], $0x800, $0x38;
	[tilespmem:$0x1FE80] =	vst v63  }
0x5f: {  	s23 =	rddreg [dreg:$0x10]  }
0x60: {  	[spmem:s22] =	stream.linear.scatter [tilespmem:s13], [sflag:$0xD], $0x800, $0x38;
	[tilespmem:$0x1FE80] =	vst v63  }
0x61: {  	s24 =	rddreg [dreg:$0x11]  }
0x62: {  	[spmem:s23] =	stream.linear.scatter [tilespmem:s13], [sflag:$0xD], $0x800, $0x38;
	[tilespmem:$0x1FE80] =	vst v63  }
0x63: {  	s25 =	rddreg [dreg:$0x1b]  }
0x64: {  	[spmem:s24] =	stream.linear.scatter [tilespmem:s13], [sflag:$0xD], $0x800, $0x38;
	[tilespmem:$0x1FE80] =	vst v63  }
0x65: {  	s26 =	rddreg [dreg:$0x1c]  }
0x66: {  	[spmem:s25] =	stream.linear.scatter [tilespmem:s13], [sflag:$0xD], $0x800, $0x38;
	[tilespmem:$0x1FE80] =	vst v63  }
0x67: {  	s30 =	rddreg [dreg:$0x1d]  }
0x68: {  	[spmem:s26] =	stream.linear.scatter [tilespmem:s13], [sflag:$0xD], $0x800, $0x38;
	[tilespmem:$0x1FE80] =	vst v63  }
0x69: {  	s31 =	rddreg [dreg:$0x1e]  }
0x6a: {  	[spmem:s30] =	stream.linear.scatter [tilespmem:s13], [sflag:$0xD], $0x800, $0x38;
	[tilespmem:$0x1FE80] =	vst v63  }
0x6b: {  	s10 =	rddreg [dreg:$0x1f]  }
0x6c: {  	[spmem:s31] =	stream.linear.scatter [tilespmem:s13], [sflag:$0xD], $0x800, $0x38;
	[tilespmem:$0x1FE80] =	vst v63  }
0x6d: {  	s12 =	sld [smem:$0x7E2]  }
0x6e: {  	[spmem:s10] =	stream.linear.scatter [tilespmem:s13], [sflag:$0xD], $0x800, $0x38;
	[tilespmem:$0x1FE80] =	vst v63  }
0x6f: {  	s14 =	sld [smem:$0x7E3]  }
0x70: {  	[spmem:s12] =	stream.linear.scatter [tilespmem:s13], [sflag:$0xD], $0x800, $0x38;
	[tilespmem:$0x1FE80] =	vst v63  }
0x71: {  	s15 =	sld [smem:$0x7E4]  }
0x72: {  	[spmem:s14] =	stream.linear.scatter [tilespmem:s13], [sflag:$0xD], $0x800, $0x38;
	[tilespmem:$0x1FE80] =	vst v63  }
0x73: {  	s22 =	sld [smem:$0x7E5]  }
0x74: {  	[spmem:s15] =	stream.linear.scatter [tilespmem:s13], [sflag:$0xD], $0x800, $0x38;
	[tilespmem:$0x1FE80] =	vst v63  }
0x75: {  	s23 =	sld [smem:$0x7E6]  }
0x76: {  	[spmem:s22] =	stream.linear.scatter [tilespmem:s13], [sflag:$0xD], $0x800, $0x38;
	[tilespmem:$0x1FE80] =	vst v63  }
0x77: {  	s24 =	sld [smem:$0x7E7]  }
0x78: {  	[spmem:s23] =	stream.linear.scatter [tilespmem:s13], [sflag:$0xD], $0x800, $0x38;
	[tilespmem:$0x1FE80] =	vst v63  }
0x79: {  	s25 =	sld [smem:$0x7E8]  }
0x7a: {  	[spmem:s24] =	stream.linear.scatter [tilespmem:s13], [sflag:$0xD], $0x800, $0x38;
	[tilespmem:$0x1FE80] =	vst v63  }
0x7b: {  	s26 =	sld [smem:$0x7E9]  }
0x7c: {  	[spmem:s25] =	stream.linear.scatter [tilespmem:s13], [sflag:$0xD], $0x800, $0x38;
	[tilespmem:$0x1FE80] =	vst v63  }
0x7d: {  	s30 =	sld [smem:$0x7EA]  }
0x7e: {  	[spmem:s26] =	stream.linear.scatter [tilespmem:s13], [sflag:$0xD], $0x800, $0x38;
	[tilespmem:$0x1FE80] =	vst v63  }
0x7f: {  	s31 =	sld [smem:$0x7EB]  }
0x80: {  	[spmem:s30] =	stream.linear.scatter [tilespmem:s13], [sflag:$0xD], $0x800, $0x38;
	[tilespmem:$0x1FE80] =	vst v63  }
0x81: {  	s10 =	sld [smem:$0x7EC]  }
0x82: {  	[spmem:s31] =	stream.linear.scatter [tilespmem:s13], [sflag:$0xD], $0x800, $0x38;
	[tilespmem:$0x1FE80] =	vst v63  }
0x83: {  	s12 =	sld [smem:$0x7ED]  }
0x84: {  	[spmem:s10] =	stream.linear.scatter [tilespmem:s13], [sflag:$0xD], $0x800, $0x38;
	[tilespmem:$0x1FE80] =	vst v63  }
0x85: {  	s14 =	sld [smem:$0x7EE]  }
0x86: {  	[spmem:s12] =	stream.linear.scatter [tilespmem:s13], [sflag:$0xD], $0x800, $0x38;
	[tilespmem:$0x1FE80] =	vst v63  }
0x87: {  	s15 =	sld [smem:$0x7EF]  }
0x88: {  	[spmem:s14] =	stream.linear.scatter [tilespmem:s13], [sflag:$0xD], $0x800, $0x38;
	[tilespmem:$0x1FE80] =	vst v63  }
0x89: {  	s22 =	sld [smem:$0x7F0]  }
0x8a: {  	[spmem:s15] =	stream.linear.scatter [tilespmem:s13], [sflag:$0xD], $0x800, $0x38;
	[tilespmem:$0x1FE80] =	vst v63  }
0x8b: {  	s23 =	sld [smem:$0x7F1]  }
0x8c: {  	[spmem:s22] =	stream.linear.scatter [tilespmem:s13], [sflag:$0xD], $0x800, $0x38;
	[tilespmem:$0x1FE80] =	vst v63  }
0x8d: {  	s24 =	sld [smem:$0x7F2]  }
0x8e: {  	[spmem:s23] =	stream.linear.scatter [tilespmem:s13], [sflag:$0xD], $0x800, $0x38;
	[tilespmem:$0x1FE80] =	vst v63  }
0x8f: {  	s25 =	sld [smem:$0x7F3]  }
0x90: {  	[spmem:s24] =	stream.linear.scatter [tilespmem:s13], [sflag:$0xD], $0x800, $0x38;
	[tilespmem:$0x1FE80] =	vst v63  }
0x91: {  	s26 =	sld [smem:$0x7F4]  }
0x92: {  	[spmem:s25] =	stream.linear.scatter [tilespmem:s13], [sflag:$0xD], $0x800, $0x38;
	[tilespmem:$0x1FE80] =	vst v63  }
0x93: {  	s30 =	sld [smem:$0x7F5]  }
0x94: {  	[spmem:s26] =	stream.linear.scatter [tilespmem:s13], [sflag:$0xD], $0x800, $0x38;
	[tilespmem:$0x1FE80] =	vst v63  }
0x95: {  	s31 =	sld [smem:$0x7F6]  }
0x96: {  	[spmem:s30] =	stream.linear.scatter [tilespmem:s13], [sflag:$0xD], $0x800, $0x38;
	[tilespmem:$0x1FE80] =	vst v63  }
0x97: {  	s10 =	sld [smem:$0x7F7]  }
0x98: {  	[spmem:s31] =	stream.linear.scatter [tilespmem:s13], [sflag:$0xD], $0x800, $0x38;
	[tilespmem:$0x1FE80] =	vst v63  }
0x99: {  	s12 =	sld [smem:$0x7F8]  }
0x9a: {  	[spmem:s10] =	stream.linear.scatter [tilespmem:s13], [sflag:$0xD], $0x800, $0x38;
	[tilespmem:$0x1FE80] =	vst v63  }
0x9b: {  	s14 =	sld [smem:$0x7F9]  }
0x9c: {  	[spmem:s12] =	stream.linear.scatter [tilespmem:s13], [sflag:$0xD], $0x800, $0x38;
	[tilespmem:$0x1FE80] =	vst v63  }
0x9d: {  	s15 =	sld [smem:$0x7FA]  }
0x9e: {  	[spmem:s14] =	stream.linear.scatter [tilespmem:s13], [sflag:$0xD], $0x800, $0x38;
	[tilespmem:$0x1FE80] =	vst v63  }
0x9f: {  	s22 =	sld [smem:$0x7FB]  }
0xa0: {  	[spmem:s15] =	stream.linear.scatter [tilespmem:s13], [sflag:$0xD], $0x800, $0x38;
	[tilespmem:$0x1FE80] =	vst v63  }
0xa1: {  	s23 =	sld [smem:$0x7FC]  }
0xa2: {  	[spmem:s22] =	stream.linear.scatter [tilespmem:s13], [sflag:$0xD], $0x800, $0x38;
	[tilespmem:$0x1FE80] =	vst v63  }
0xa3: {  	s24 =	sld [smem:$0x7FD]  }
0xa4: {  	[spmem:s23] =	stream.linear.scatter [tilespmem:s13], [sflag:$0xD], $0x800, $0x38;
	[tilespmem:$0x1FE80] =	vst v63  }
0xa5: {  	_ = 	snop  }
0xa6: {  	[spmem:s24] =	stream.linear.scatter [tilespmem:s13], [sflag:$0xD], $0x800, $0x38;
	[tilespmem:$0x1FE80] =	vst v63  }
0xa7: {  	s10 =	simm.s32 @!p0 $0x1BE80  }
0xa8: {  	[spmem:s9] =	stream.linear.scatter @!p0 [tilespmem:s10], [sflag:$0xD], $0x800, $0x38;
	[tilespmem:$0x1FE80] =	vst v63  }
0xa9: {  	s10 =	simm.s32 @!p0 $0xD  }
0xaa: {  	_ =	swait.ge @!p0 [sflag:s10], $0x800  }
0xab: {  	[sflag:s10] =	ssyncset.done @!p0 $0x0  }
0xac: {  	s25 =	simm.s32 $0x1;
	[sflag:s10] =	ssyncadd.s32 @!p0 $0xFFFFF800  }
0xad: {  	_ =	swait.ge [sflag:s25], $0x100  }
0xae: {  	[sflag:s25] =	ssyncset.done $0x0  }
0xaf: {  	s26 =	simm.s32 $0x80;
	s30 =	simm.s32 $0x13E80;
	[sflag:s25] =	ssyncadd.s32 $0xFFFFFF00  }
0xb0: {  	[tilespmem:s30], [sflag:$0x7] =	stream.indirect.gather [hbm4b:s2+s26], $0x80, s4, s26, $0xb8;
	[tilespmem:$0x1FE80] =	vst v63  }
0xb1: {  	_ =	swait.ge [sflag:s16], $0x100  }
0xb2: {  	[sflag:s16] =	ssyncset.done $0x0  }
0xb3: {  	s31 =	simm.s32 $0x17E80;
	[sflag:s16] =	ssyncadd.s32 $0xFFFFFF00  }
0xb4: {  	[tilespmem:s31], [sflag:$0x8] =	stream.indirect.gather [hbm4b:s2+s26], $0x80, s8, s26, $0xb8;
	[tilespmem:$0x1FE80] =	vst v63  }
0xb5: {  	_ =	swait.ge [sflag:s17], $0x800  }
0xb6: {  	[sflag:s17] =	ssyncset.done $0x0  }
0xb7: {  	[sflag:s17] =	ssyncadd.s32 $0xFFFFF800  }
0xb8: {  	_ =	swait.ge [sflag:s17], $0x800  }
0xb9: {  	[sflag:s17] =	ssyncset.done $0x0  }
0xba: {  	[sflag:s17] =	ssyncadd.s32 $0xFFFFF800  }
0xbb: {  	_ =	swait.ge [sflag:s17], $0x800  }
0xbc: {  	[sflag:s17] =	ssyncset.done $0x0  }
0xbd: {  	[sflag:s17] =	ssyncadd.s32 $0xFFFFF800  }
0xbe: {  	_ =	swait.ge [sflag:s17], $0x800  }
0xbf: {  	[sflag:s17] =	ssyncset.done $0x0  }
0xc0: {  	[sflag:s17] =	ssyncadd.s32 $0xFFFFF800  }
0xc1: {  	_ =	swait.ge [sflag:s17], $0x800  }
0xc2: {  	[sflag:s17] =	ssyncset.done $0x0  }
0xc3: {  	[sflag:s17] =	ssyncadd.s32 $0xFFFFF800  }
0xc4: {  	_ =	swait.ge [sflag:s17], $0x800  }
0xc5: {  	[sflag:s17] =	ssyncset.done $0x0  }
0xc6: {  	[sflag:s17] =	ssyncadd.s32 $0xFFFFF800  }
0xc7: {  	_ =	swait.ge [sflag:s17], $0x800  }
0xc8: {  	[sflag:s17] =	ssyncset.done $0x0  }
0xc9: {  	[sflag:s17] =	ssyncadd.s32 $0xFFFFF800  }
0xca: {  	_ =	swait.ge [sflag:s17], $0x800  }
0xcb: {  	[sflag:s17] =	ssyncset.done $0x0  }
0xcc: {  	[sflag:s17] =	ssyncadd.s32 $0xFFFFF800  }
0xcd: {  	_ =	swait.ge [sflag:s17], $0x800  }
0xce: {  	[sflag:s17] =	ssyncset.done $0x0  }
0xcf: {  	[sflag:s17] =	ssyncadd.s32 $0xFFFFF800  }
0xd0: {  	_ =	swait.ge [sflag:s17], $0x800  }
0xd1: {  	[sflag:s17] =	ssyncset.done $0x0  }
0xd2: {  	[sflag:s17] =	ssyncadd.s32 $0xFFFFF800  }
0xd3: {  	_ =	swait.ge [sflag:s17], $0x800  }
0xd4: {  	[sflag:s17] =	ssyncset.done $0x0  }
0xd5: {  	[sflag:s17] =	ssyncadd.s32 $0xFFFFF800  }
0xd6: {  	_ =	swait.ge [sflag:s17], $0x800  }
0xd7: {  	[sflag:s17] =	ssyncset.done $0x0  }
0xd8: {  	[sflag:s17] =	ssyncadd.s32 $0xFFFFF800  }
0xd9: {  	_ =	swait.ge [sflag:s17], $0x800  }
0xda: {  	[sflag:s17] =	ssyncset.done $0x0  }
0xdb: {  	[sflag:s17] =	ssyncadd.s32 $0xFFFFF800  }
0xdc: {  	_ =	swait.ge [sflag:s17], $0x800  }
0xdd: {  	[sflag:s17] =	ssyncset.done $0x0  }
0xde: {  	[sflag:s17] =	ssyncadd.s32 $0xFFFFF800  }
0xdf: {  	_ =	swait.ge [sflag:s17], $0x800  }
0xe0: {  	[sflag:s17] =	ssyncset.done $0x0  }
0xe1: {  	[sflag:s17] =	ssyncadd.s32 $0xFFFFF800  }
0xe2: {  	_ =	swait.ge [sflag:s17], $0x800  }
0xe3: {  	[sflag:s17] =	ssyncset.done $0x0  }
0xe4: {  	[sflag:s17] =	ssyncadd.s32 $0xFFFFF800  }
0xe5: {  	_ =	swait.ge [sflag:s17], $0x800  }
0xe6: {  	[sflag:s17] =	ssyncset.done $0x0  }
0xe7: {  	[sflag:s17] =	ssyncadd.s32 $0xFFFFF800  }
0xe8: {  	_ =	swait.ge [sflag:s17], $0x800  }
0xe9: {  	[sflag:s17] =	ssyncset.done $0x0  }
0xea: {  	[sflag:s17] =	ssyncadd.s32 $0xFFFFF800  }
0xeb: {  	_ =	swait.ge [sflag:s17], $0x800  }
0xec: {  	[sflag:s17] =	ssyncset.done $0x0  }
0xed: {  	[sflag:s17] =	ssyncadd.s32 $0xFFFFF800  }
0xee: {  	_ =	swait.ge [sflag:s17], $0x800  }
0xef: {  	[sflag:s17] =	ssyncset.done $0x0  }
0xf0: {  	[sflag:s17] =	ssyncadd.s32 $0xFFFFF800  }
0xf1: {  	_ =	swait.ge [sflag:s17], $0x800  }
0xf2: {  	[sflag:s17] =	ssyncset.done $0x0  }
0xf3: {  	[sflag:s17] =	ssyncadd.s32 $0xFFFFF800  }
0xf4: {  	_ =	swait.ge [sflag:s17], $0x800  }
0xf5: {  	[sflag:s17] =	ssyncset.done $0x0  }
0xf6: {  	[sflag:s17] =	ssyncadd.s32 $0xFFFFF800  }
0xf7: {  	_ =	swait.ge [sflag:s17], $0x800  }
0xf8: {  	[sflag:s17] =	ssyncset.done $0x0  }
0xf9: {  	[sflag:s17] =	ssyncadd.s32 $0xFFFFF800  }
0xfa: {  	_ =	swait.ge [sflag:s17], $0x800  }
0xfb: {  	[sflag:s17] =	ssyncset.done $0x0  }
0xfc: {  	[sflag:s17] =	ssyncadd.s32 $0xFFFFF800  }
0xfd: {  	_ =	swait.ge [sflag:s17], $0x800  }
0xfe: {  	[sflag:s17] =	ssyncset.done $0x0  }
0xff: {  	[sflag:s17] =	ssyncadd.s32 $0xFFFFF800  }
0x100: {  	_ =	swait.ge [sflag:s17], $0x800  }
0x101: {  	[sflag:s17] =	ssyncset.done $0x0  }
0x102: {  	[sflag:s17] =	ssyncadd.s32 $0xFFFFF800  }
0x103: {  	_ =	swait.ge [sflag:s17], $0x800  }
0x104: {  	[sflag:s17] =	ssyncset.done $0x0  }
0x105: {  	[sflag:s17] =	ssyncadd.s32 $0xFFFFF800  }
0x106: {  	_ =	swait.ge [sflag:s17], $0x800  }
0x107: {  	[sflag:s17] =	ssyncset.done $0x0  }
0x108: {  	[sflag:s17] =	ssyncadd.s32 $0xFFFFF800  }
0x109: {  	_ =	swait.ge [sflag:s17], $0x800  }
0x10a: {  	[sflag:s17] =	ssyncset.done $0x0  }
0x10b: {  	[sflag:s17] =	ssyncadd.s32 $0xFFFFF800  }
0x10c: {  	_ =	swait.ge [sflag:s17], $0x800  }
0x10d: {  	[sflag:s17] =	ssyncset.done $0x0  }
0x10e: {  	[sflag:s17] =	ssyncadd.s32 $0xFFFFF800  }
0x10f: {  	_ =	swait.ge [sflag:s17], $0x800  }
0x110: {  	[sflag:s17] =	ssyncset.done $0x0  }
0x111: {  	[sflag:s17] =	ssyncadd.s32 $0xFFFFF800  }
0x112: {  	_ =	swait.ge [sflag:s17], $0x800  }
0x113: {  	[sflag:s17] =	ssyncset.done $0x0  }
0x114: {  	[sflag:s17] =	ssyncadd.s32 $0xFFFFF800  }
0x115: {  	_ =	swait.ge [sflag:s17], $0x800  }
0x116: {  	[sflag:s17] =	ssyncset.done $0x0  }
0x117: {  	[sflag:s17] =	ssyncadd.s32 $0xFFFFF800  }
0x118: {  	_ =	swait.ge [sflag:s17], $0x800  }
0x119: {  	[sflag:s17] =	ssyncset.done $0x0  }
0x11a: {  	[sflag:s17] =	ssyncadd.s32 $0xFFFFF800  }
0x11b: {  	_ =	swait.ge [sflag:s17], $0x800  }
0x11c: {  	[sflag:s17] =	ssyncset.done $0x0  }
0x11d: {  	[sflag:s17] =	ssyncadd.s32 $0xFFFFF800  }
0x11e: {  	_ =	swait.ge [sflag:s17], $0x800  }
0x11f: {  	[sflag:s17] =	ssyncset.done $0x0  }
0x120: {  	[sflag:s17] =	ssyncadd.s32 $0xFFFFF800  }
0x121: {  	_ =	swait.ge [sflag:s17], $0x800  }
0x122: {  	[sflag:s17] =	ssyncset.done $0x0  }
0x123: {  	[sflag:s17] =	ssyncadd.s32 $0xFFFFF800  }
0x124: {  	_ =	swait.ge [sflag:s17], $0x800  }
0x125: {  	[sflag:s17] =	ssyncset.done $0x0  }
0x126: {  	[sflag:s17] =	ssyncadd.s32 $0xFFFFF800  }
0x127: {  	_ =	swait.ge [sflag:s17], $0x800  }
0x128: {  	[sflag:s17] =	ssyncset.done $0x0  }
0x129: {  	[sflag:s17] =	ssyncadd.s32 $0xFFFFF800  }
0x12a: {  	[bflag:$0x0] =	sbarrier.arrive $0xFFFF  }
0x12b: {  	s22 =	rddreg [dreg:$0x1a]  }
0x12c: {  	s26 =	rddreg [dreg:$0x19]  }
0x12d: {  	s23 =	rddreg [dreg:$0x18]  }
0x12e: {  	s28 =	rddreg [dreg:$0x17]  }
0x12f: {  	s24 =	rddreg [dreg:$0x16]  }
0x130: {  	s25 =	simm.s32 $0x0;
	s29 =	rddreg [dreg:$0x15]  }
.LBB2_4:
0x131: {  	s10 =	rddreg [dreg:$0x5]  }
0x132: {  	p3 =	sge.u32 s25, s10  }
0x133: {  	p1 =	seq.s32 @!p3 s25, $0x0  }
0x134: {  	p1 =	por p1, p3  }
0x135: {  	s10 =	simm.s32 @!p1 $0xC  }
0x136: {  	_ =	swait.ge @!p1 [sflag:s10], $0x4000  }
0x137: {  	[sflag:s10] =	ssyncset.done @!p1 $0x0  }
0x138: {  	[sflag:s10] =	ssyncadd.s32 @!p1 $0xFFFFC000;
	s10 =	simm.s32 @!p3 $0x3  }
0x139: {  	_ =	swait.ge @!p3 [sflag:s10], $0x100  }
0x13a: {  	s30 =	simm.s32 @!p3 $0x13A80;
	s12 =	simm.s32 @!p3 $0x1BE80;
	[sflag:s10] =	ssyncset.done @!p3 $0x0  }
0x13b: {  	p1 =	sge.u32 s25, s6;
	[sflag:s10] =	ssyncadd.s32 @!p3 $0xFFFFFF00;
	s10 =	simm.s32 @!p3 $0x80  }
0x13c: {  	[tilespmem:s12], [sflag:$0x9] =	stream.indirect.gather @!p3 [hbm4b:s2+s10], $0x80, s30, s10, $0xb8;
	[tilespmem:$0x1FE80] =	vst v63  }
0x13d: {  	s30 =	simm.s32 @!p1 $0x7  }
0x13e: {  	s8 =	sadd.s32 $0x4, s25;
	_ =	swait.ge @!p1 [sflag:s30], $0x4000  }
0x13f: {  	s31 =	simm.s32 @!p1 $0x13900;
	s0 =	simm.s32 @!p1 $0x13E80;
	[sflag:s30] =	ssyncset.done @!p1 $0x0  }
0x140: {  	s14 =	rddreg [dreg:$0x6];
	[sflag:s30] =	ssyncadd.s32 @!p1 $0xFFFFC000;
	s30 =	simm.s32 @!p1 $0x80  }
0x141: {  	[spmem:s3] =	stream.indirect.scatter.add.f32 @!p1 [tilespmem:s0], [sflag:$0xA], $0x80, s31, s30, $0xb8;
	[tilespmem:$0x1FE80] =	vst v63  }
0x142: {  	p4 =	sge.u32 s25, s14;
	p1 =	sge.u32 s8, s6  }
0x143: {  	s0 =	simm.s32 @!p4 $0xA;
	s30 =	simm.s32 @!p1 $0x0;
	s31 =	simm.s32 @!p1 $0x13C80  }
0x144: {  	[tilespmem:s31], [sflag:$0x5] =	stream.linear.gather @!p1 [hbm4b:s22+s30], $0x100, $0x38;
	[tilespmem:$0x1FE80] =	vst v63  }
0x145: {  	_ =	swait.ge @!p4 [sflag:s0], $0x4000  }
0x146: {  	[sflag:s0] =	ssyncset.done @!p4 $0x0  }
0x147: {  	[sflag:s0] =	ssyncadd.s32 @!p4 $0xFFFFC000;
	s0 =	simm.s32 @!p4 $0x4  }
0x148: {  	s4 =	simm.s32 @!p4 $0x13B80;
	_ =	swait.ge @!p4 [sflag:s0], $0x100  }
0x149: {  	s8 =	simm.s32 @!p4 $0x13E80;
	[sflag:s0] =	ssyncset.done @!p4 $0x0;
	s15 =	rddreg [dreg:$0x7]  }
0x14a: {  	s30 =	simm.s32 @!p4 $0x80;
	[sflag:s0] =	ssyncadd.s32 @!p4 $0xFFFFFF00;
	p2 =	sge.u32 s25, s15  }
0x14b: {  	[tilespmem:s8], [sflag:$0x7] =	stream.indirect.gather @!p4 [hbm4b:s2+s30], $0x80, s4, s30, $0xb8;
	[tilespmem:$0x1FE80] =	vst v63  }
0x14c: {  	s0 =	simm.s32 @!p2 $0x8  }
0x14d: {  	_ =	swait.ge @!p2 [sflag:s0], $0x4000  }
0x14e: {  	s4 =	simm.s32 @!p2 $0x13A00;
	[sflag:s0] =	ssyncset.done @!p2 $0x0  }
0x14f: {  	s15 =	simm.s32 @!p2 $0x17E80;
	[sflag:s0] =	ssyncadd.s32 @!p2 $0xFFFFC000;
	s0 =	simm.s32 @!p2 $0x80  }
0x150: {  	[spmem:s3] =	stream.indirect.scatter.add.f32 @!p2 [tilespmem:s15], [sflag:$0xB], $0x80, s4, s0, $0xb8;
	[tilespmem:$0x1FE80] =	vst v63  }
0x151: {  	s4 =	sadd.s32 $0x5, s25  }
0x152: {  	p2 =	sge.u32 s4, s6  }
0x153: {  	s0 =	simm.s32 @!p2 $0x0;
	s4 =	simm.s32 @!p2 $0x13D80  }
0x154: {  	[tilespmem:s4], [sflag:$0x6] =	stream.linear.gather @!p2 [hbm4b:s26+s0], $0x100, $0x38;
	[tilespmem:$0x1FE80] =	vst v63  }
0x155: {  	s0 =	simm.s32 @!p1 $0xB  }
0x156: {  	_ =	swait.ge @!p1 [sflag:s0], $0x4000  }
0x157: {  	[sflag:s0] =	ssyncset.done @!p1 $0x0  }
0x158: {  	[sflag:s0] =	ssyncadd.s32 @!p1 $0xFFFFC000;
	s0 =	simm.s32 @!p1 $0x5  }
0x159: {  	_ =	swait.ge @!p1 [sflag:s0], $0x100  }
0x15a: {  	[sflag:s0] =	ssyncset.done @!p1 $0x0  }
0x15b: {  	s15 =	simm.s32 @!p1 $0x17E80;
	[sflag:s0] =	ssyncadd.s32 @!p1 $0xFFFFFF00;
	s0 =	simm.s32 @!p1 $0x80  }
0x15c: {  	[tilespmem:s15], [sflag:$0x8] =	stream.indirect.gather @!p1 [hbm4b:s2+s0], $0x80, s31, s0, $0xb8;
	[tilespmem:$0x1FE80] =	vst v63  }
0x15d: {  	s31 =	simm.s32 @!p3 $0x9  }
0x15e: {  	_ =	swait.ge @!p3 [sflag:s31], $0x4000  }
0x15f: {  	[sflag:s31] =	ssyncset.done @!p3 $0x0  }
0x160: {  	[sflag:s31] =	ssyncadd.s32 @!p3 $0xFFFFC000;
	s31 =	simm.s32 @!p3 $0x13B00  }
0x161: {  	[spmem:s3] =	stream.indirect.scatter.add.f32 @!p3 [tilespmem:s12], [sflag:$0xC], $0x80, s31, s10, $0xb8;
	[tilespmem:$0x1FE80] =	vst v63  }
0x162: {  	s10 =	sadd.s32 $0x6, s25  }
0x163: {  	p3 =	sge.u32 s10, s6  }
0x164: {  	s12 =	sshrl.u32 @!p3 s23, $0x3  }
0x165: {  	s31 =	simm.s32 @!p3 $0x0;
	s14 =	simm.s32 @!p3 $0x13880;
	s12 =	sadd.s32 @!p3 s1, s12  }
0x166: {  	[tilespmem:s14], [sflag:$0x1] =	stream.linear.gather @!p3 [hbm4b:s12+s31], $0x100, $0x38;
	[tilespmem:$0x1FE80] =	vst v63  }
0x167: {  	s12 =	simm.s32 @!p2 $0xC  }
0x168: {  	_ =	swait.ge @!p2 [sflag:s12], $0x4000  }
0x169: {  	[sflag:s12] =	ssyncset.done @!p2 $0x0  }
0x16a: {  	[sflag:s12] =	ssyncadd.s32 @!p2 $0xFFFFC000;
	s12 =	simm.s32 @!p2 $0x6  }
0x16b: {  	_ =	swait.ge @!p2 [sflag:s12], $0x100  }
0x16c: {  	[sflag:s12] =	ssyncset.done @!p2 $0x0  }
0x16d: {  	s31 =	simm.s32 @!p2 $0x1BE80;
	[sflag:s12] =	ssyncadd.s32 @!p2 $0xFFFFFF00;
	s12 =	simm.s32 @!p2 $0x80  }
0x16e: {  	[tilespmem:s31], [sflag:$0x9] =	stream.indirect.gather @!p2 [hbm4b:s2+s12], $0x80, s4, s12, $0xb8;
	[tilespmem:$0x1FE80] =	vst v63  }
0x16f: {  	s4 =	simm.s32 @!p4 $0x7  }
0x170: {  	_ =	swait.ge @!p4 [sflag:s4], $0x4000  }
0x171: {  	[sflag:s4] =	ssyncset.done @!p4 $0x0  }
0x172: {  	[sflag:s4] =	ssyncadd.s32 @!p4 $0xFFFFC000;
	s4 =	simm.s32 @!p4 $0x13C00  }
0x173: {  	[spmem:s3] =	stream.indirect.scatter.add.f32 @!p4 [tilespmem:s8], [sflag:$0xA], $0x80, s4, s30, $0xb8;
	[tilespmem:$0x1FE80] =	vst v63  }
0x174: {  	s8 =	sadd.s32 $0x7, s25  }
0x175: {  	p4 =	sge.u32 s8, s6  }
0x176: {  	s4 =	simm.s32 @!p4 $0x0;
	s8 =	simm.s32 @!p4 $0x13980  }
0x177: {  	[tilespmem:s8], [sflag:$0x2] =	stream.linear.gather @!p4 [hbm4b:s28+s4], $0x100, $0x38;
	[tilespmem:$0x1FE80] =	vst v63  }
0x178: {  	s4 =	simm.s32 @!p3 $0xA  }
0x179: {  	_ =	swait.ge @!p3 [sflag:s4], $0x4000  }
0x17a: {  	[sflag:s4] =	ssyncset.done @!p3 $0x0  }
0x17b: {  	[sflag:s4] =	ssyncadd.s32 @!p3 $0xFFFFC000;
	s4 =	simm.s32 @!p3 $0x1  }
0x17c: {  	_ =	swait.ge @!p3 [sflag:s4], $0x100  }
0x17d: {  	[sflag:s4] =	ssyncset.done @!p3 $0x0  }
0x17e: {  	s30 =	simm.s32 @!p3 $0x13E80;
	[sflag:s4] =	ssyncadd.s32 @!p3 $0xFFFFFF00;
	s4 =	simm.s32 @!p3 $0x80  }
0x17f: {  	[tilespmem:s30], [sflag:$0x7] =	stream.indirect.gather @!p3 [hbm4b:s2+s4], $0x80, s14, s4, $0xb8;
	[tilespmem:$0x1FE80] =	vst v63  }
0x180: {  	s4 =	simm.s32 @!p1 $0x8  }
0x181: {  	_ =	swait.ge @!p1 [sflag:s4], $0x4000  }
0x182: {  	[sflag:s4] =	ssyncset.done @!p1 $0x0  }
0x183: {  	[sflag:s4] =	ssyncadd.s32 @!p1 $0xFFFFC000;
	s4 =	simm.s32 @!p1 $0x13D00  }
0x184: {  	[spmem:s3] =	stream.indirect.scatter.add.f32 @!p1 [tilespmem:s15], [sflag:$0xB], $0x80, s4, s0, $0xb8;
	[tilespmem:$0x1FE80] =	vst v63  }
0x185: {  	s15 =	sadd.s32 $0x8, s25  }
0x186: {  	p1 =	sge.u32 s15, s6  }
0x187: {  	s0 =	simm.s32 @!p1 $0x0;
	s4 =	simm.s32 @!p1 $0x13A80  }
0x188: {  	[tilespmem:s4], [sflag:$0x3] =	stream.linear.gather @!p1 [hbm4b:s24+s0], $0x100, $0x38;
	[tilespmem:$0x1FE80] =	vst v63  }
0x189: {  	s0 =	simm.s32 @!p4 $0xB  }
0x18a: {  	_ =	swait.ge @!p4 [sflag:s0], $0x4000  }
0x18b: {  	[sflag:s0] =	ssyncset.done @!p4 $0x0  }
0x18c: {  	[sflag:s0] =	ssyncadd.s32 @!p4 $0xFFFFC000;
	s0 =	simm.s32 @!p4 $0x2  }
0x18d: {  	_ =	swait.ge @!p4 [sflag:s0], $0x100  }
0x18e: {  	[sflag:s0] =	ssyncset.done @!p4 $0x0  }
0x18f: {  	s4 =	simm.s32 @!p4 $0x17E80;
	[sflag:s0] =	ssyncadd.s32 @!p4 $0xFFFFFF00;
	s0 =	simm.s32 @!p4 $0x80  }
0x190: {  	[tilespmem:s4], [sflag:$0x8] =	stream.indirect.gather @!p4 [hbm4b:s2+s0], $0x80, s8, s0, $0xb8;
	[tilespmem:$0x1FE80] =	vst v63  }
0x191: {  	s0 =	simm.s32 @!p2 $0x9  }
0x192: {  	_ =	swait.ge @!p2 [sflag:s0], $0x4000  }
0x193: {  	s30 =	sadd.s32 $0x9, s25;
	[sflag:s0] =	ssyncset.done @!p2 $0x0  }
0x194: {  	p1 =	sge.u32 s30, s6;
	[sflag:s0] =	ssyncadd.s32 @!p2 $0xFFFFC000;
	s0 =	simm.s32 @!p2 $0x13E00  }
0x195: {  	[spmem:s3] =	stream.indirect.scatter.add.f32 @!p2 [tilespmem:s31], [sflag:$0xC], $0x80, s0, s12, $0xb8;
	[tilespmem:$0x1FE80] =	vst v63  }
0x196: {  	s4 =	simm.s32 @!p1 $0x13B80;
	s0 =	simm.s32 @!p1 $0x0;
	s31 =	rddreg [dreg:$0x8]  }
0x197: {  	[tilespmem:s4], [sflag:$0x4] =	stream.linear.gather @!p1 [hbm4b:s29+s0], $0x100, $0x38;
	[tilespmem:$0x1FE80] =	vst v63  }
0x198: {  	p1 =	sne.s32 s31, s10  }
.Ltmp1:
0x199: {  	_ = 	snop;
	(pc) =	sbr.rel @p1 .LBB2_4-.Ltmp1, $4  }
0x19a: {  	_ = 	snop  }
0x19b: {  	s22 =	sadd.s32 $0x1800, s22  }
0x19c: {  	s26 =	sadd.s32 $0x1800, s26;
	s23 =	sadd.s32 $0xC000, s23;
	s28 =	sadd.s32 $0x1800, s28  }
0x19d: {  	s25 =	smov.u32 s10;
	s24 =	sadd.s32 $0x1800, s24;
	s29 =	sadd.s32 $0x1800, s29  }
0x19e: {  	_ =	swait.ge [sflag:s18], $0x4000  }
0x19f: {  	[sflag:s18] =	ssyncset.done $0x0  }
0x1a0: {  	[sflag:s18] =	ssyncadd.s32 $0xFFFFC000  }
0x1a1: {  	_ =	swait.ge [sflag:s19], $0x4000  }
0x1a2: {  	[sflag:s19] =	ssyncset.done $0x0  }
0x1a3: {  	[sflag:s19] =	ssyncadd.s32 $0xFFFFC000  }
0x1a4: {  	_ =	swait.ge [sflag:s20], $0x4000  }
0x1a5: {  	[sflag:s20] =	ssyncset.done $0x0  }
0x1a6: {  	s0 =	stileid.u32;
	[sflag:s20] =	ssyncadd.s32 $0xFFFFC000  }
0x1a7: {  	s0 =	sshll.u32 s0, $0x6;
	[bflag:$0x0] =	sbarrier.arrive $0xFFFF  }
0x1a8: {  	s4 =	sshrl.u32 s11, $0x3;
	s0 =	sor.u32 $0x1C0E, s0;
	s8 =	rddreg [dreg:$0x12]  }
0x1a9: {  	[hbm:s8], [sflag:s0] =	dma.local [spmem:s4], $0x2700  }
0x1aa: {  	_ =	swait.ge [sflag:s21], $0x2700  }
0x1ab: {  	[sflag:s21] =	ssyncset.done $0x0  }
0x1ac: {  	s4 =	sshrl.u32 @!p0 s9, $0x3;
	s8 =	rddreg [dreg:$0x13];
	[sflag:s21] =	ssyncadd.s32 $0xFFFFD900  }
0x1ad: {  	[hbm:s8], [sflag:s0] =	dma.local @!p0 [spmem:s4], $0x100  }
0x1ae: {  	s0 =	simm.s32 @!p0 $0xE  }
0x1af: {  	_ =	swait.ge @!p0 [sflag:s0], $0x100  }
0x1b0: {  	s7 =	sadd.s32 $0x1, s7;
	s31 =	rddreg [dreg:$0x14]  }
0x1b1: {  	p1 =	sne.s32 s7, s31  }
.Ltmp2:
0x1b2: {  	_ = 	snop;
	(pc) =	sbr.rel @p1 .LBB2_1-.Ltmp2, $3  }
0x1b3: {  	_ =	sdelay $0x1  }
0x1b4: {  	[sflag:s0] =	ssyncset.done @!p0 $0x0  }
0x1b5: {  	s4 =	simm.s32 $0x13880;
	s8 =	simm.s32 $0x13980;
	[sflag:s0] =	ssyncadd.s32 @!p0 $0xFFFFFF00  }
0x1b6: {  	_ =	sfence.sel $0x180000  }
0x1b7: {  	[bflag:$0x0] =	sbarrier.arrive $0xFFFF  }
0x1b8: {  	_ =	strace $0x90000047  }
0x1b9: {  	s0 =	stileid.u32;
	[bflag:$0x2] =	sbarrier.arrive $0xFFFF  }
0x1ba: {  	p0 =	sne.s32 s0, $0x0;
	s0 =	rddreg [dreg:$0x4]  }
0x1bb: {  	s0 =	sadd.s32 @!p0 $0x100000, s0  }
0x1bc: {  	[sflag:s0] =	ssyncadd.tile.s32 @!p0 $0x1;
	_ =	shalt  }
.Lfunc_end2:
_tile_overlayer_lowered:
.L_overlay_start_2:
0x1bd: {  	(tag) =	ssettag $0x2  }
0x1be: {  	s0 =	rddreg [dreg:$0x0];
	s2 =	stileid.u32  }
0x1bf: {  	s1 =	rddreg [dreg:$0x1];
	p0 =	sne.s32 s2, $0x0  }
0x1c0: {  	s3 =	rddreg [dreg:$0x2];
	[bflag:$0x3] =	sbarrier.arrive $0xFFFF;
	s2 =	simm.s32 @!p0 $0x1C0E  }
0x1c1: {  	[timem:s3], [sflag:s2] =	dma.local @!p0 [hbm:s0], s1  }
0x1c2: {  	s0 =	simm.s32 @!p0 $0xE  }
0x1c3: {  	_ =	swait.ge @!p0 [sflag:s0], s1  }
0x1c4: {  	s1 =	ssub.s32 @!p0 $0x0, s1;
	[sflag:s0] =	ssyncset.done @!p0 $0x0  }
0x1c5: {  	[sflag:s0] =	ssyncadd.s32 @!p0 s1  }
0x1c6: {  	[bflag:$0x3] =	sbarrier.arrive $0xFFFF  }
0x1c7: {  	_ =	shalt  }

</sc_bundles>
